<compile_context>
chip_gen: v7x
topology: tpu7x:2x2x1
jax: 0.10.2.dev20260603
libtpu: 0.0.44.dev20260713+nightly
codegen_flags: <defaults>
</compile_context>

<pallas_src>
import jax
import jax.numpy as jnp
from jax import lax
from jax.experimental import pallas as pl
from jax.experimental.pallas import tpu as pltpu
from jax.experimental.pallas import tpu_sc as plsc

_HU = (-1000.0, -900.0, -400.0, -100.0, -50.0, -10.0,
       20.0, 40.0, 60.0, 100.0, 800.0, 1000.0)

_NROW = 512
_NQ = 4096
_NGROUP = 256
_QROW = 128


def _sc_body(x_hbm, tab_hbm, out_hbm, xq, xq2, binsQ, obufA, obufB, tabv,
             semA, semB, semX):
    cid = lax.axis_index("c")
    sid = lax.axis_index("s")
    wid = sid * 2 + cid

    pltpu.sync_copy(tab_hbm, tabv)
    lanes = lax.iota(jnp.int32, 16)
    scat_g = lanes * _QROW
    row_pat = lanes // 8
    c_pat = lanes % 8
    zero16 = lanes * 0

    xbufs = (xq, xq2)
    xcopy = pltpu.async_copy(x_hbm.at[pl.ds(0, _QROW), wid, :], xq, semX)
    for qt in range(4):
        xcopy.wait()
        xcur = xbufs[qt % 2]
        if qt < 3:
            xcopy = pltpu.async_copy(
                x_hbm.at[pl.ds((qt + 1) * _QROW, _QROW), wid, :],
                xbufs[(qt + 1) % 2], semX)

        def blk(gsub, carry, qt=qt, xcur=xcur):

            @plsc.parallel_loop(0, _QROW, unroll=4)
            def p1(i):
                xr = xcur[i, pl.ds(gsub * 16, 16)]
                b = zero16 + 1
                for hu in _HU[1:]:
                    b = b + (xr >= hu).astype(jnp.int32)
                plsc.store_scatter(binsQ, [scat_g + i], b * 128)

            grp = wid * 8 + gsub
            dst = out_hbm.at[pl.ds(qt * 16, 16), grp]

            for par, obuf, sem in ((0, obufA, semA), (1, obufB, semB)):

                @pl.when(lax.bitwise_and(gsub, 1) == par)
                def _(obuf=obuf, sem=sem):
                    cp = pltpu.make_async_copy(obuf.at[:, :, pl.ds(0, 128)], dst, sem)
                    if qt == 0:
                        @pl.when(gsub >= 2)
                        def _():
                            cp.wait()
                    else:
                        cp.wait()

                    @plsc.parallel_loop(0, 128, unroll=4)
                    def p2(u):
                        g = lax.shift_right_logical(u, 3)
                        j8 = lax.bitwise_and(u, 7)
                        b = binsQ[pl.ds(g * _QROW + j8 * 16, 16)]
                        base = b + lanes
                        rows = row_pat + 2 * j8
                        flv = zero16 + g * 8
                        for vd in range(8):
                            t = plsc.load_gather(tabv, [base + vd * 16])
                            plsc.store_scatter(obuf, [rows, c_pat, flv + vd],
                                               t)

                    cp.start()
            return carry

        lax.fori_loop(0, 8, blk, 0)

    for obuf, sem in ((obufA, semA), (obufB, semB)):
        pltpu.make_async_copy(obuf.at[:, :, pl.ds(0, 128)],
                              out_hbm.at[pl.ds(0, 16), 0], sem).wait()


@jax.jit
def _run(x3, tab):
    mesh = plsc.VectorSubcoreMesh(core_axis_name="c", subcore_axis_name="s",
                                  num_cores=2, num_subcores=16)
    return pl.kernel(
        _sc_body,
        out_type=jax.ShapeDtypeStruct((64, _NGROUP, 8, 128), jnp.float32),
        mesh=mesh,
        compiler_params=pltpu.CompilerParams(needs_layout_passes=False),
        scratch_types=[
            pltpu.VMEM((_QROW, 128), jnp.float32),
            pltpu.VMEM((_QROW, 128), jnp.float32),
            pltpu.VMEM((16 * _QROW,), jnp.int32),
            pltpu.VMEM((16, 8, 137), jnp.float32),
            pltpu.VMEM((16, 8, 137), jnp.float32),
            pltpu.VMEM((1664,), jnp.float32),
            pltpu.SemaphoreType.DMA,
            pltpu.SemaphoreType.DMA,
            pltpu.SemaphoreType.DMA,
        ],
    )(x3, tab)


def kernel(x, vectors):
    x3 = x.reshape(_NROW, 32, 128)
    tab = jnp.broadcast_to(
        vectors.astype(jnp.float32).reshape(104, 1), (104, 16)).reshape(-1)
    tab = jnp.concatenate([tab, jnp.zeros((1664 - tab.size,), jnp.float32)])
    out4 = _run(x3, tab)
    out6 = out4.reshape(1, 8, 8, _NGROUP, 8, 128)
    outT = jnp.transpose(out6, (0, 3, 5, 1, 2, 4))
    return outT.reshape(1, 32768, 8, 8, 8)

# --- scband reference (transcript-rebuilt; emitter-appended) ---
"""Pipeline reference for scband-learned-class-vectors-51170240365258 (READ-ONLY COPY).

The authoritative reference and input builder live on the scoring server;
editing this copy changes nothing except your own understanding.
"""

import jax, jax.numpy as jnp
import numpy as np

HU = np.array([-1000, -900, -400, -100, -50, -10, 20, 40, 60, 100, 800, 1000], dtype=np.float32)
VECTOR_DIM = 8
N_INTERVALS = 13  # len(HU) + 1
TMP = -1000.0
PATCH = 16


def setup_inputs(seed: int = 0) -> dict:
    key = jax.random.key(seed)
    k1, k2 = jax.random.split(key)
    # HU-like intensities spread across the interval bins
    x = jax.random.normal(k1, (1, 1, 128, 128, 128), dtype=jnp.float32) * 400.0
    # learnable class vectors (ParameterList of 13 randn vectors)
    vectors = jax.random.normal(k2, (N_INTERVALS, VECTOR_DIM), dtype=jnp.float32)
    return {"x": x, "vectors": vectors}


def _create_voxel_vectors(x, vectors):
    iv = jnp.asarray(HU)
    x = x.reshape(-1, 1)
    # mark below-lowest with cls marker 0 -> value 1*TMP
    cls0 = jnp.full((VECTOR_DIM,), 1.0 * TMP, dtype=jnp.float32)
    x = jnp.where(x < iv[0], cls0, x)
    # interior bins -> markers (i+2)*TMP  (vectors_cls[i+1])
    for i in range(N_INTERVALS - 2):
        mark = jnp.full((VECTOR_DIM,), (i + 2) * TMP, dtype=jnp.float32)
        x = jnp.where((x >= iv[i]) & (x < iv[i + 1]), mark, x)
    # above-highest -> marker n_intervals*TMP  (vectors_cls[-1])
    last = jnp.full((VECTOR_DIM,), N_INTERVALS * TMP, dtype=jnp.float32)
    x = jnp.where(x >= iv[-1], last, x)
    # replace markers with learned vectors
    for i in range(N_INTERVALS):
        x = jnp.where(x == (i + 1) * TMP, vectors[i], x)
    return x


def reference(x, vectors):
    B, C, D, H, W = x.shape
    Pd = Ph = Pw = PATCH
    vv = _create_voxel_vectors(x, vectors)
    vv = vv.reshape(B, C, D, H, W, VECTOR_DIM)
    vv = jnp.squeeze(vv, axis=1)  # C == 1
    vv = jnp.transpose(vv, (0, 4, 1, 2, 3))  # (B, vd, D, H, W)
    patches = vv.reshape(B, VECTOR_DIM, D // Pd, H // Ph, W // Pw, Pd, Ph, Pw)
    patches = jnp.transpose(patches, (0, 2, 3, 4, 5, 6, 7, 1))
    pv = patches.reshape(B, D // Pd, H // Ph, W // Pw, Pd * Ph * Pw * VECTOR_DIM)
    pv = jnp.transpose(pv, (0, 4, 1, 2, 3))  # (B, out_dim, D/Pd, H/Ph, W/Pw)
    return pv

if __name__ == "__main__":
    import jax
    _d = setup_inputs()
    print(jax.jit(kernel)(*tuple(_d.values())))

</pallas_src>

<mosaic_0001>
#map = affine_map<(d0, d1) -> (0, 0, 0)>
#map1 = affine_map<(d0, d1) -> (0)>
#map2 = affine_map<(d0, d1) -> (0, 0, 0, 0)>
module attributes {stable_mosaic.version = 14 : i64} {
  func.func @_sc_body(%arg0: i32, %arg1: i32, %arg2: memref<512x32x128xf32, #tpu.memory_space<hbm>>, %arg3: memref<1664xf32, #tpu.memory_space<hbm>>, %arg4: memref<64x256x8x128xf32, #tpu.memory_space<hbm>>, %arg5: memref<128x128xf32, #tpu.memory_space<vmem>>, %arg6: memref<128x128xf32, #tpu.memory_space<vmem>>, %arg7: memref<2048xi32, #tpu.memory_space<vmem>>, %arg8: memref<16x8x137xf32, #tpu.memory_space<vmem>>, %arg9: memref<16x8x137xf32, #tpu.memory_space<vmem>>, %arg10: memref<1664xf32, #tpu.memory_space<vmem>>, %arg11: memref<!tpu.dma_semaphore, #tpu.memory_space<semaphore_mem>>, %arg12: memref<!tpu.dma_semaphore, #tpu.memory_space<semaphore_mem>>, %arg13: memref<!tpu.dma_semaphore, #tpu.memory_space<semaphore_mem>>) attributes {dimension_semantics = [#tpu.dimension_semantics<core_parallel>, #tpu.dimension_semantics<subcore_parallel>], iteration_bounds = array<i64: 2, 16>, scalar_prefetch = 0 : i64, scratch_operands = 9 : i64, tpu.core_type = #tpu.core_type<sc_vector_subcore>, window_params = [{transform_indices = #map}, {transform_indices = #map1}, {transform_indices = #map2}]} {
    %mul3A = arith.constant 2 : i32
    %mul3A_0 = arith.muli %arg1, %mul3A : i32
    %add3A = arith.addi %mul3A_0, %arg0 : i32
    "tpu.region"() ({
      %run_scoped3A = tpu.sem_alloc : memref<!tpu.dma_semaphore, #tpu.memory_space<semaphore_mem>>
      tpu.enqueue_dma source(%arg3 : memref<1664xf32, #tpu.memory_space<hbm>>) target(%arg10 : memref<1664xf32, #tpu.memory_space<vmem>>) target_semaphore(%run_scoped3A : memref<!tpu.dma_semaphore, #tpu.memory_space<semaphore_mem>>)
      tpu.wait_dma2 semaphore(%run_scoped3A : memref<!tpu.dma_semaphore, #tpu.memory_space<semaphore_mem>>) src(%arg3 : memref<1664xf32, #tpu.memory_space<hbm>>) dst(%arg10 : memref<1664xf32, #tpu.memory_space<vmem>>)
      tpu.yield
    }) : () -> ()
    %iota3A = tpu.iota {dimensions = array<i32: 0>} : vector<16xi32>
    %mul3A_1 = arith.constant 128 : i32
    %mul3A_2 = vector.broadcast %mul3A_1 : i32 to vector<16xi32>
    %mul3A_3 = arith.muli %iota3A, %mul3A_2 : vector<16xi32>
    %jit3A = arith.constant 8 : i32
    %div3A = vector.broadcast %jit3A : i32 to vector<16xi32>
    %div3A_4 = arith.divsi %iota3A, %div3A : vector<16xi32>
    %sign3A = arith.constant 0 : i32
    %sign3A_5 = vector.broadcast %sign3A : i32 to vector<16xi32>
    %sign3A_6 = arith.cmpi sgt, %iota3A, %sign3A_5 : vector<16xi32>
    %sign3A_7 = arith.extui %sign3A_6 : vector<16xi1> to vector<16xi32>
    %sign3A_8 = arith.constant 0 : i32
    %sign3A_9 = vector.broadcast %sign3A_8 : i32 to vector<16xi32>
    %sign3A_10 = arith.cmpi slt, %iota3A, %sign3A_9 : vector<16xi32>
    %sign3A_11 = arith.extui %sign3A_10 : vector<16xi1> to vector<16xi32>
    %sign3A_12 = arith.subi %sign3A_7, %sign3A_11 : vector<16xi32>
    %sign3A_13 = arith.constant 0 : i32
    %sign3A_14 = arith.cmpi sgt, %jit3A, %sign3A_13 : i32
    %sign3A_15 = arith.extui %sign3A_14 : i1 to i32
    %sign3A_16 = arith.constant 0 : i32
    %sign3A_17 = arith.cmpi slt, %jit3A, %sign3A_16 : i32
    %sign3A_18 = arith.extui %sign3A_17 : i1 to i32
    %sign3A_19 = arith.subi %sign3A_15, %sign3A_18 : i32
    %ne3A = vector.broadcast %sign3A_19 : i32 to vector<16xi32>
    %ne3A_20 = arith.cmpi ne, %sign3A_12, %ne3A : vector<16xi32>
    %rem3A = vector.broadcast %jit3A : i32 to vector<16xi32>
    %rem3A_21 = arith.remsi %iota3A, %rem3A : vector<16xi32>
    %ne3A_22 = arith.constant 0 : i32
    %ne3A_23 = vector.broadcast %ne3A_22 : i32 to vector<16xi32>
    %ne3A_24 = arith.cmpi ne, %rem3A_21, %ne3A_23 : vector<16xi32>
    %and3A = arith.andi %ne3A_20, %ne3A_24 : vector<16xi1>
    %sub3A = arith.constant 1 : i32
    %sub3A_25 = vector.broadcast %sub3A : i32 to vector<16xi32>
    %sub3A_26 = arith.subi %div3A_4, %sub3A_25 : vector<16xi32>
    %select_n3A = arith.select %and3A, %sub3A_26, %div3A_4 : vector<16xi1>, vector<16xi32>
    %jit3A_27 = arith.constant 8 : i32
    %eq3A = arith.constant 0 : i32
    %eq3A_28 = arith.cmpi eq, %jit3A_27, %eq3A : i32
    %jit3A_29 = arith.constant 1 : i32
    %select_n3A_30 = arith.select %eq3A_28, %jit3A_29, %jit3A_27 : i32
    %rem3A_31 = vector.broadcast %select_n3A_30 : i32 to vector<16xi32>
    %rem3A_32 = arith.remsi %iota3A, %rem3A_31 : vector<16xi32>
    %ne3A_33 = arith.constant 0 : i32
    %ne3A_34 = vector.broadcast %ne3A_33 : i32 to vector<16xi32>
    %ne3A_35 = arith.cmpi ne, %rem3A_32, %ne3A_34 : vector<16xi32>
    %lt3A = arith.constant 0 : i32
    %lt3A_36 = vector.broadcast %lt3A : i32 to vector<16xi32>
    %lt3A_37 = arith.cmpi slt, %rem3A_32, %lt3A_36 : vector<16xi32>
    %lt3A_38 = arith.constant 0 : i32
    %lt3A_39 = arith.cmpi slt, %select_n3A_30, %lt3A_38 : i32
    %ne3A_40 = vector.broadcast %lt3A_39 : i1 to vector<16xi1>
    %ne3A_41 = vector.broadcast %ne3A_40 : vector<16xi1> to vector<16xi1>
    %ne3A_42 = arith.xori %lt3A_37, %ne3A_41 : vector<16xi1>
    %and3A_43 = arith.andi %ne3A_42, %ne3A_35 : vector<16xi1>
    %add3A_44 = vector.broadcast %select_n3A_30 : i32 to vector<16xi32>
    %add3A_45 = arith.addi %rem3A_32, %add3A_44 : vector<16xi32>
    %select_n3A_46 = arith.select %and3A_43, %add3A_45, %rem3A_32 : vector<16xi1>, vector<16xi32>
    %mul3A_47 = arith.constant 0 : i32
    %mul3A_48 = vector.broadcast %mul3A_47 : i32 to vector<16xi32>
    %mul3A_49 = arith.muli %iota3A, %mul3A_48 : vector<16xi32>
    %dma_start3A = arith.constant 0 : i32
    %dma_start3A_50 = arith.constant 0 : i32
    %dma_start3A_51 = tpu.memref_slice %arg2[%dma_start3A, %add3A, %dma_start3A_50] : memref<512x32x128xf32, #tpu.memory_space<hbm>> -> memref<128x1x128xf32, #tpu.memory_space<hbm>>
    %dma_start3A_52 = tpu.memref_squeeze %dma_start3A_51 : memref<128x1x128xf32, #tpu.memory_space<hbm>> -> memref<128x128xf32, #tpu.memory_space<hbm>>
    %dma_start3A_53 = arith.constant 0 : i32
    %dma_start3A_54 = arith.constant 0 : i32
    %dma_start3A_55 = tpu.memref_slice %arg2[%dma_start3A_53, %add3A, %dma_start3A_54] : memref<512x32x128xf32, #tpu.memory_space<hbm>> -> memref<128x1x128xf32, #tpu.memory_space<hbm>>
    %dma_start3A_56 = tpu.memref_squeeze %dma_start3A_55 : memref<128x1x128xf32, #tpu.memory_space<hbm>> -> memref<128x128xf32, #tpu.memory_space<hbm>>
    tpu.enqueue_dma source(%dma_start3A_56 : memref<128x128xf32, #tpu.memory_space<hbm>>) target(%arg5 : memref<128x128xf32, #tpu.memory_space<vmem>>) target_semaphore(%arg13 : memref<!tpu.dma_semaphore, #tpu.memory_space<semaphore_mem>>)
    %dma_wait3A = arith.constant 0 : i32
    %dma_wait3A_57 = arith.constant 0 : i32
    %dma_wait3A_58 = tpu.memref_slice %arg2[%dma_wait3A, %add3A, %dma_wait3A_57] : memref<512x32x128xf32, #tpu.memory_space<hbm>> -> memref<128x1x128xf32, #tpu.memory_space<hbm>>
    %dma_wait3A_59 = tpu.memref_squeeze %dma_wait3A_58 : memref<128x1x128xf32, #tpu.memory_space<hbm>> -> memref<128x128xf32, #tpu.memory_space<hbm>>
    %dma_wait3A_60 = arith.constant 0 : i32
    %dma_wait3A_61 = arith.constant 0 : i32
    %dma_wait3A_62 = tpu.memref_slice %arg2[%dma_wait3A_60, %add3A, %dma_wait3A_61] : memref<512x32x128xf32, #tpu.memory_space<hbm>> -> memref<128x1x128xf32, #tpu.memory_space<hbm>>
    %dma_wait3A_63 = tpu.memref_squeeze %dma_wait3A_62 : memref<128x1x128xf32, #tpu.memory_space<hbm>> -> memref<128x128xf32, #tpu.memory_space<hbm>>
    tpu.wait_dma2 semaphore(%arg13 : memref<!tpu.dma_semaphore, #tpu.memory_space<semaphore_mem>>) src(%dma_wait3A_63 : memref<128x128xf32, #tpu.memory_space<hbm>>) dst(%arg5 : memref<128x128xf32, #tpu.memory_space<vmem>>)
    %dma_start3A_64 = arith.constant 128 : i32
    %dma_start3A_65 = arith.constant 0 : i32
    %dma_start3A_66 = tpu.memref_slice %arg2[%dma_start3A_64, %add3A, %dma_start3A_65] : memref<512x32x128xf32, #tpu.memory_space<hbm>> -> memref<128x1x128xf32, #tpu.memory_space<hbm>>
    %dma_start3A_67 = tpu.memref_squeeze %dma_start3A_66 : memref<128x1x128xf32, #tpu.memory_space<hbm>> -> memref<128x128xf32, #tpu.memory_space<hbm>>
    %dma_start3A_68 = arith.constant 128 : i32
    %dma_start3A_69 = arith.constant 0 : i32
    %dma_start3A_70 = tpu.memref_slice %arg2[%dma_start3A_68, %add3A, %dma_start3A_69] : memref<512x32x128xf32, #tpu.memory_space<hbm>> -> memref<128x1x128xf32, #tpu.memory_space<hbm>>
    %dma_start3A_71 = tpu.memref_squeeze %dma_start3A_70 : memref<128x1x128xf32, #tpu.memory_space<hbm>> -> memref<128x128xf32, #tpu.memory_space<hbm>>
    tpu.enqueue_dma source(%dma_start3A_71 : memref<128x128xf32, #tpu.memory_space<hbm>>) target(%arg6 : memref<128x128xf32, #tpu.memory_space<vmem>>) target_semaphore(%arg13 : memref<!tpu.dma_semaphore, #tpu.memory_space<semaphore_mem>>)
    %scan3A = arith.constant 0 : i32
    %scan3A_72 = arith.constant 0 : i32
    %scan3A_73 = arith.constant 8 : i32
    %scan3A_74 = arith.addi %scan3A_72, %scan3A_73 : i32
    %scan3A_75 = arith.constant 1 : i32
    scf.for %scan3A_173 = %scan3A_72 to %scan3A_74 step %scan3A_75  : i32 {
      %parallel_loop3A = arith.constant 0 : i32
      %parallel_loop3A_174 = arith.constant 128 : i32
      %parallel_loop3A_175 = arith.constant 1 : i32
      scf.for %parallel_loop3A_191 = %parallel_loop3A to %parallel_loop3A_174 step %parallel_loop3A_175  : i32 {
        %parallel_loop3A_192 = arith.constant 16 : i32
        %parallel_loop3A_193 = arith.muli %scan3A_173, %parallel_loop3A_192 : i32
        %parallel_loop3A_194 = arith.index_cast %parallel_loop3A_191 : i32 to index
        %parallel_loop3A_195 = arith.index_cast %parallel_loop3A_193 : i32 to index
        %parallel_loop3A_196 = tpu.vector_load %arg5[%parallel_loop3A_194, %parallel_loop3A_195] {strides = array<i32>} : memref<128x128xf32, #tpu.memory_space<vmem>>, vector<16xf32>,
        %parallel_loop3A_197 = arith.constant 1 : i32
        %parallel_loop3A_198 = vector.broadcast %parallel_loop3A_197 : i32 to vector<16xi32>
        %parallel_loop3A_199 = arith.addi %mul3A_49, %parallel_loop3A_198 : vector<16xi32>
        %parallel_loop3A_200 = arith.constant -9.000000e+02 : f32
        %parallel_loop3A_201 = vector.broadcast %parallel_loop3A_200 : f32 to vector<16xf32>
        %parallel_loop3A_202 = arith.cmpf oge, %parallel_loop3A_196, %parallel_loop3A_201 : vector<16xf32>
        %parallel_loop3A_203 = arith.extui %parallel_loop3A_202 : vector<16xi1> to vector<16xi32>
        %parallel_loop3A_204 = arith.addi %parallel_loop3A_199, %parallel_loop3A_203 : vector<16xi32>
        %parallel_loop3A_205 = arith.constant -4.000000e+02 : f32
        %parallel_loop3A_206 = vector.broadcast %parallel_loop3A_205 : f32 to vector<16xf32>
        %parallel_loop3A_207 = arith.cmpf oge, %parallel_loop3A_196, %parallel_loop3A_206 : vector<16xf32>
        %parallel_loop3A_208 = arith.extui %parallel_loop3A_207 : vector<16xi1> to vector<16xi32>
        %parallel_loop3A_209 = arith.addi %parallel_loop3A_204, %parallel_loop3A_208 : vector<16xi32>
        %parallel_loop3A_210 = arith.constant -1.000000e+02 : f32
        %parallel_loop3A_211 = vector.broadcast %parallel_loop3A_210 : f32 to vector<16xf32>
        %parallel_loop3A_212 = arith.cmpf oge, %parallel_loop3A_196, %parallel_loop3A_211 : vector<16xf32>
        %parallel_loop3A_213 = arith.extui %parallel_loop3A_212 : vector<16xi1> to vector<16xi32>
        %parallel_loop3A_214 = arith.addi %parallel_loop3A_209, %parallel_loop3A_213 : vector<16xi32>
        %parallel_loop3A_215 = arith.constant -5.000000e+01 : f32
        %parallel_loop3A_216 = vector.broadcast %parallel_loop3A_215 : f32 to vector<16xf32>
        %parallel_loop3A_217 = arith.cmpf oge, %parallel_loop3A_196, %parallel_loop3A_216 : vector<16xf32>
        %parallel_loop3A_218 = arith.extui %parallel_loop3A_217 : vector<16xi1> to vector<16xi32>
        %parallel_loop3A_219 = arith.addi %parallel_loop3A_214, %parallel_loop3A_218 : vector<16xi32>
        %parallel_loop3A_220 = arith.constant -1.000000e+01 : f32
        %parallel_loop3A_221 = vector.broadcast %parallel_loop3A_220 : f32 to vector<16xf32>
        %parallel_loop3A_222 = arith.cmpf oge, %parallel_loop3A_196, %parallel_loop3A_221 : vector<16xf32>
        %parallel_loop3A_223 = arith.extui %parallel_loop3A_222 : vector<16xi1> to vector<16xi32>
        %parallel_loop3A_224 = arith.addi %parallel_loop3A_219, %parallel_loop3A_223 : vector<16xi32>
        %parallel_loop3A_225 = arith.constant 2.000000e+01 : f32
        %parallel_loop3A_226 = vector.broadcast %parallel_loop3A_225 : f32 to vector<16xf32>
        %parallel_loop3A_227 = arith.cmpf oge, %parallel_loop3A_196, %parallel_loop3A_226 : vector<16xf32>
        %parallel_loop3A_228 = arith.extui %parallel_loop3A_227 : vector<16xi1> to vector<16xi32>
        %parallel_loop3A_229 = arith.addi %parallel_loop3A_224, %parallel_loop3A_228 : vector<16xi32>
        %parallel_loop3A_230 = arith.constant 4.000000e+01 : f32
        %parallel_loop3A_231 = vector.broadcast %parallel_loop3A_230 : f32 to vector<16xf32>
        %parallel_loop3A_232 = arith.cmpf oge, %parallel_loop3A_196, %parallel_loop3A_231 : vector<16xf32>
        %parallel_loop3A_233 = arith.extui %parallel_loop3A_232 : vector<16xi1> to vector<16xi32>
        %parallel_loop3A_234 = arith.addi %parallel_loop3A_229, %parallel_loop3A_233 : vector<16xi32>
        %parallel_loop3A_235 = arith.constant 6.000000e+01 : f32
        %parallel_loop3A_236 = vector.broadcast %parallel_loop3A_235 : f32 to vector<16xf32>
        %parallel_loop3A_237 = arith.cmpf oge, %parallel_loop3A_196, %parallel_loop3A_236 : vector<16xf32>
        %parallel_loop3A_238 = arith.extui %parallel_loop3A_237 : vector<16xi1> to vector<16xi32>
        %parallel_loop3A_239 = arith.addi %parallel_loop3A_234, %parallel_loop3A_238 : vector<16xi32>
        %parallel_loop3A_240 = arith.constant 1.000000e+02 : f32
        %parallel_loop3A_241 = vector.broadcast %parallel_loop3A_240 : f32 to vector<16xf32>
        %parallel_loop3A_242 = arith.cmpf oge, %parallel_loop3A_196, %parallel_loop3A_241 : vector<16xf32>
        %parallel_loop3A_243 = arith.extui %parallel_loop3A_242 : vector<16xi1> to vector<16xi32>
        %parallel_loop3A_244 = arith.addi %parallel_loop3A_239, %parallel_loop3A_243 : vector<16xi32>
        %parallel_loop3A_245 = arith.constant 8.000000e+02 : f32
        %parallel_loop3A_246 = vector.broadcast %parallel_loop3A_245 : f32 to vector<16xf32>
        %parallel_loop3A_247 = arith.cmpf oge, %parallel_loop3A_196, %parallel_loop3A_246 : vector<16xf32>
        %parallel_loop3A_248 = arith.extui %parallel_loop3A_247 : vector<16xi1> to vector<16xi32>
        %parallel_loop3A_249 = arith.addi %parallel_loop3A_244, %parallel_loop3A_248 : vector<16xi32>
        %parallel_loop3A_250 = arith.constant 1.000000e+03 : f32
        %parallel_loop3A_251 = vector.broadcast %parallel_loop3A_250 : f32 to vector<16xf32>
        %parallel_loop3A_252 = arith.cmpf oge, %parallel_loop3A_196, %parallel_loop3A_251 : vector<16xf32>
        %parallel_loop3A_253 = arith.extui %parallel_loop3A_252 : vector<16xi1> to vector<16xi32>
        %parallel_loop3A_254 = arith.addi %parallel_loop3A_249, %parallel_loop3A_253 : vector<16xi32>
        %parallel_loop3A_255 = vector.broadcast %parallel_loop3A_191 : i32 to vector<16xi32>
        %parallel_loop3A_256 = arith.addi %mul3A_3, %parallel_loop3A_255 : vector<16xi32>
        %parallel_loop3A_257 = arith.constant 128 : i32
        %parallel_loop3A_258 = vector.broadcast %parallel_loop3A_257 : i32 to vector<16xi32>
        %parallel_loop3A_259 = arith.muli %parallel_loop3A_254, %parallel_loop3A_258 : vector<16xi32>
        tpu.vector_store_idx %arg7[%parallel_loop3A_256], %parallel_loop3A_259 : memref<2048xi32, #tpu.memory_space<vmem>>[vector<16xi32>], vector<16xi32>,
      } {sc.loop_unroll_factor = 4 : i64, sc.parallel_access}
      %mul3A_176 = arith.constant 8 : i32
      %mul3A_177 = arith.muli %add3A, %mul3A_176 : i32
      %add3A_178 = arith.addi %mul3A_177, %scan3A_173 : i32
      %and3A_179 = arith.constant 1 : i32
      %and3A_180 = arith.andi %scan3A_173, %and3A_179 : i32
      %eq3A_181 = arith.constant 0 : i32
      %eq3A_182 = arith.cmpi eq, %and3A_180, %eq3A_181 : i32
      %convert_element_type3A = arith.extui %eq3A_182 : i1 to i32
      %cond3A = arith.constant 0 : i32
      %cond3A_183 = arith.cmpi ne, %convert_element_type3A, %cond3A : i32
      scf.if %cond3A_183 {
        %ge3A = arith.constant 2 : i32
        %ge3A_191 = arith.cmpi sge, %scan3A_173, %ge3A : i32
        %convert_element_type3A_192 = arith.extui %ge3A_191 : i1 to i32
        %cond3A_193 = arith.constant 0 : i32
        %cond3A_194 = arith.cmpi ne, %convert_element_type3A_192, %cond3A_193 : i32
        scf.if %cond3A_194 {
          %dma_wait3A_216 = arith.constant 0 : i32
          %dma_wait3A_217 = arith.constant 0 : i32
          %dma_wait3A_218 = arith.constant 0 : i32
          %dma_wait3A_219 = tpu.memref_slice %arg8[%dma_wait3A_216, %dma_wait3A_217, %dma_wait3A_218] : memref<16x8x137xf32, #tpu.memory_space<vmem>> -> memref<16x8x128xf32, #tpu.memory_space<vmem>>
          %dma_wait3A_220 = arith.constant 0 : i32
          %dma_wait3A_221 = arith.constant 0 : i32
          %dma_wait3A_222 = arith.constant 0 : i32
          %dma_wait3A_223 = tpu.memref_slice %arg4[%dma_wait3A_220, %add3A_178, %dma_wait3A_221, %dma_wait3A_222] : memref<64x256x8x128xf32, #tpu.memory_space<hbm>> -> memref<16x1x8x128xf32, #tpu.memory_space<hbm>>
          %dma_wait3A_224 = tpu.memref_squeeze %dma_wait3A_223 : memref<16x1x8x128xf32, #tpu.memory_space<hbm>> -> memref<16x8x128xf32, #tpu.memory_space<hbm>>
          %dma_wait3A_225 = arith.constant 0 : i32
          %dma_wait3A_226 = arith.constant 0 : i32
          %dma_wait3A_227 = arith.constant 0 : i32
          %dma_wait3A_228 = tpu.memref_slice %arg4[%dma_wait3A_225, %add3A_178, %dma_wait3A_226, %dma_wait3A_227] : memref<64x256x8x128xf32, #tpu.memory_space<hbm>> -> memref<16x1x8x128xf32, #tpu.memory_space<hbm>>
          %dma_wait3A_229 = tpu.memref_squeeze %dma_wait3A_228 : memref<16x1x8x128xf32, #tpu.memory_space<hbm>> -> memref<16x8x128xf32, #tpu.memory_space<hbm>>
          %dma_wait3A_230 = arith.constant 0 : i32
          %dma_wait3A_231 = arith.constant 0 : i32
          %dma_wait3A_232 = arith.constant 0 : i32
          %dma_wait3A_233 = tpu.memref_slice %arg8[%dma_wait3A_230, %dma_wait3A_231, %dma_wait3A_232] : memref<16x8x137xf32, #tpu.memory_space<vmem>> -> memref<16x8x128xf32, #tpu.memory_space<vmem>>
          tpu.wait_dma2 semaphore(%arg11 : memref<!tpu.dma_semaphore, #tpu.memory_space<semaphore_mem>>) src(%dma_wait3A_233 : memref<16x8x128xf32, #tpu.memory_space<vmem>>) dst(%dma_wait3A_229 : memref<16x8x128xf32, #tpu.memory_space<hbm>>)
        } else {
        }
        %parallel_loop3A_195 = arith.constant 0 : i32
        %parallel_loop3A_196 = arith.constant 128 : i32
        %parallel_loop3A_197 = arith.constant 1 : i32
        scf.for %parallel_loop3A_216 = %parallel_loop3A_195 to %parallel_loop3A_196 step %parallel_loop3A_197  : i32 {
          %parallel_loop3A_217 = arith.constant 3 : i32
          %parallel_loop3A_218 = arith.shrui %parallel_loop3A_216, %parallel_loop3A_217 : i32
          %parallel_loop3A_219 = arith.constant 7 : i32
          %parallel_loop3A_220 = arith.andi %parallel_loop3A_216, %parallel_loop3A_219 : i32
          %parallel_loop3A_221 = arith.constant 128 : i32
          %parallel_loop3A_222 = arith.muli %parallel_loop3A_218, %parallel_loop3A_221 : i32
          %parallel_loop3A_223 = arith.constant 16 : i32
          %parallel_loop3A_224 = arith.muli %parallel_loop3A_220, %parallel_loop3A_223 : i32
          %parallel_loop3A_225 = arith.addi %parallel_loop3A_222, %parallel_loop3A_224 : i32
          %parallel_loop3A_226 = arith.index_cast %parallel_loop3A_225 : i32 to index
          %parallel_loop3A_227 = tpu.vector_load %arg7[%parallel_loop3A_226] {strides = array<i32>} : memref<2048xi32, #tpu.memory_space<vmem>>, vector<16xi32>,
          %parallel_loop3A_228 = arith.addi %parallel_loop3A_227, %iota3A : vector<16xi32>
          %parallel_loop3A_229 = arith.constant 2 : i32
          %parallel_loop3A_230 = arith.muli %parallel_loop3A_229, %parallel_loop3A_220 : i32
          %parallel_loop3A_231 = vector.broadcast %parallel_loop3A_230 : i32 to vector<16xi32>
          %parallel_loop3A_232 = arith.addi %select_n3A, %parallel_loop3A_231 : vector<16xi32>
          %parallel_loop3A_233 = arith.constant 8 : i32
          %parallel_loop3A_234 = arith.muli %parallel_loop3A_218, %parallel_loop3A_233 : i32
          %parallel_loop3A_235 = vector.broadcast %parallel_loop3A_234 : i32 to vector<16xi32>
          %parallel_loop3A_236 = arith.addi %mul3A_49, %parallel_loop3A_235 : vector<16xi32>
          %parallel_loop3A_237 = arith.constant 0 : i32
          %parallel_loop3A_238 = vector.broadcast %parallel_loop3A_237 : i32 to vector<16xi32>
          %parallel_loop3A_239 = arith.addi %parallel_loop3A_228, %parallel_loop3A_238 : vector<16xi32>
          %parallel_loop3A_240 = tpu.vector_load_idx %arg10[%parallel_loop3A_239] : memref<1664xf32, #tpu.memory_space<vmem>>[vector<16xi32>], vector<16xf32>,
          %parallel_loop3A_241 = arith.constant 0 : i32
          %parallel_loop3A_242 = vector.broadcast %parallel_loop3A_241 : i32 to vector<16xi32>
          %parallel_loop3A_243 = arith.addi %parallel_loop3A_236, %parallel_loop3A_242 : vector<16xi32>
          tpu.vector_store_idx %arg8[%parallel_loop3A_232, %select_n3A_46, %parallel_loop3A_243], %parallel_loop3A_240 : memref<16x8x137xf32, #tpu.memory_space<vmem>>[vector<16xi32>, vector<16xi32>, vector<16xi32>], vector<16xf32>,
          %parallel_loop3A_244 = arith.constant 16 : i32
          %parallel_loop3A_245 = vector.broadcast %parallel_loop3A_244 : i32 to vector<16xi32>
          %parallel_loop3A_246 = arith.addi %parallel_loop3A_228, %parallel_loop3A_245 : vector<16xi32>
          %parallel_loop3A_247 = tpu.vector_load_idx %arg10[%parallel_loop3A_246] : memref<1664xf32, #tpu.memory_space<vmem>>[vector<16xi32>], vector<16xf32>,
          %parallel_loop3A_248 = arith.constant 1 : i32
          %parallel_loop3A_249 = vector.broadcast %parallel_loop3A_248 : i32 to vector<16xi32>
          %parallel_loop3A_250 = arith.addi %parallel_loop3A_236, %parallel_loop3A_249 : vector<16xi32>
          tpu.vector_store_idx %arg8[%parallel_loop3A_232, %select_n3A_46, %parallel_loop3A_250], %parallel_loop3A_247 : memref<16x8x137xf32, #tpu.memory_space<vmem>>[vector<16xi32>, vector<16xi32>, vector<16xi32>], vector<16xf32>,
          %parallel_loop3A_251 = arith.constant 32 : i32
          %parallel_loop3A_252 = vector.broadcast %parallel_loop3A_251 : i32 to vector<16xi32>
          %parallel_loop3A_253 = arith.addi %parallel_loop3A_228, %parallel_loop3A_252 : vector<16xi32>
          %parallel_loop3A_254 = tpu.vector_load_idx %arg10[%parallel_loop3A_253] : memref<1664xf32, #tpu.memory_space<vmem>>[vector<16xi32>], vector<16xf32>,
          %parallel_loop3A_255 = arith.constant 2 : i32
          %parallel_loop3A_256 = vector.broadcast %parallel_loop3A_255 : i32 to vector<16xi32>
          %parallel_loop3A_257 = arith.addi %parallel_loop3A_236, %parallel_loop3A_256 : vector<16xi32>
          tpu.vector_store_idx %arg8[%parallel_loop3A_232, %select_n3A_46, %parallel_loop3A_257], %parallel_loop3A_254 : memref<16x8x137xf32, #tpu.memory_space<vmem>>[vector<16xi32>, vector<16xi32>, vector<16xi32>], vector<16xf32>,
          %parallel_loop3A_258 = arith.constant 48 : i32
          %parallel_loop3A_259 = vector.broadcast %parallel_loop3A_258 : i32 to vector<16xi32>
          %parallel_loop3A_260 = arith.addi %parallel_loop3A_228, %parallel_loop3A_259 : vector<16xi32>
          %parallel_loop3A_261 = tpu.vector_load_idx %arg10[%parallel_loop3A_260] : memref<1664xf32, #tpu.memory_space<vmem>>[vector<16xi32>], vector<16xf32>,
          %parallel_loop3A_262 = arith.constant 3 : i32
          %parallel_loop3A_263 = vector.broadcast %parallel_loop3A_262 : i32 to vector<16xi32>
          %parallel_loop3A_264 = arith.addi %parallel_loop3A_236, %parallel_loop3A_263 : vector<16xi32>
          tpu.vector_store_idx %arg8[%parallel_loop3A_232, %select_n3A_46, %parallel_loop3A_264], %parallel_loop3A_261 : memref<16x8x137xf32, #tpu.memory_space<vmem>>[vector<16xi32>, vector<16xi32>, vector<16xi32>], vector<16xf32>,
          %parallel_loop3A_265 = arith.constant 64 : i32
          %parallel_loop3A_266 = vector.broadcast %parallel_loop3A_265 : i32 to vector<16xi32>
          %parallel_loop3A_267 = arith.addi %parallel_loop3A_228, %parallel_loop3A_266 : vector<16xi32>
          %parallel_loop3A_268 = tpu.vector_load_idx %arg10[%parallel_loop3A_267] : memref<1664xf32, #tpu.memory_space<vmem>>[vector<16xi32>], vector<16xf32>,
          %parallel_loop3A_269 = arith.constant 4 : i32
          %parallel_loop3A_270 = vector.broadcast %parallel_loop3A_269 : i32 to vector<16xi32>
          %parallel_loop3A_271 = arith.addi %parallel_loop3A_236, %parallel_loop3A_270 : vector<16xi32>
          tpu.vector_store_idx %arg8[%parallel_loop3A_232, %select_n3A_46, %parallel_loop3A_271], %parallel_loop3A_268 : memref<16x8x137xf32, #tpu.memory_space<vmem>>[vector<16xi32>, vector<16xi32>, vector<16xi32>], vector<16xf32>,
          %parallel_loop3A_272 = arith.constant 80 : i32
          %parallel_loop3A_273 = vector.broadcast %parallel_loop3A_272 : i32 to vector<16xi32>
          %parallel_loop3A_274 = arith.addi %parallel_loop3A_228, %parallel_loop3A_273 : vector<16xi32>
          %parallel_loop3A_275 = tpu.vector_load_idx %arg10[%parallel_loop3A_274] : memref<1664xf32, #tpu.memory_space<vmem>>[vector<16xi32>], vector<16xf32>,
          %parallel_loop3A_276 = arith.constant 5 : i32
          %parallel_loop3A_277 = vector.broadcast %parallel_loop3A_276 : i32 to vector<16xi32>
          %parallel_loop3A_278 = arith.addi %parallel_loop3A_236, %parallel_loop3A_277 : vector<16xi32>
          tpu.vector_store_idx %arg8[%parallel_loop3A_232, %select_n3A_46, %parallel_loop3A_278], %parallel_loop3A_275 : memref<16x8x137xf32, #tpu.memory_space<vmem>>[vector<16xi32>, vector<16xi32>, vector<16xi32>], vector<16xf32>,
          %parallel_loop3A_279 = arith.constant 96 : i32
          %parallel_loop3A_280 = vector.broadcast %parallel_loop3A_279 : i32 to vector<16xi32>
          %parallel_loop3A_281 = arith.addi %parallel_loop3A_228, %parallel_loop3A_280 : vector<16xi32>
          %parallel_loop3A_282 = tpu.vector_load_idx %arg10[%parallel_loop3A_281] : memref<1664xf32, #tpu.memory_space<vmem>>[vector<16xi32>], vector<16xf32>,
          %parallel_loop3A_283 = arith.constant 6 : i32
          %parallel_loop3A_284 = vector.broadcast %parallel_loop3A_283 : i32 to vector<16xi32>
          %parallel_loop3A_285 = arith.addi %parallel_loop3A_236, %parallel_loop3A_284 : vector<16xi32>
          tpu.vector_store_idx %arg8[%parallel_loop3A_232, %select_n3A_46, %parallel_loop3A_285], %parallel_loop3A_282 : memref<16x8x137xf32, #tpu.memory_space<vmem>>[vector<16xi32>, vector<16xi32>, vector<16xi32>], vector<16xf32>,
          %parallel_loop3A_286 = arith.constant 112 : i32
          %parallel_loop3A_287 = vector.broadcast %parallel_loop3A_286 : i32 to vector<16xi32>
          %parallel_loop3A_288 = arith.addi %parallel_loop3A_228, %parallel_loop3A_287 : vector<16xi32>
          %parallel_loop3A_289 = tpu.vector_load_idx %arg10[%parallel_loop3A_288] : memref<1664xf32, #tpu.memory_space<vmem>>[vector<16xi32>], vector<16xf32>,
          %parallel_loop3A_290 = arith.constant 7 : i32
          %parallel_loop3A_291 = vector.broadcast %parallel_loop3A_290 : i32 to vector<16xi32>
          %parallel_loop3A_292 = arith.addi %parallel_loop3A_236, %parallel_loop3A_291 : vector<16xi32>
          tpu.vector_store_idx %arg8[%parallel_loop3A_232, %select_n3A_46, %parallel_loop3A_292], %parallel_loop3A_289 : memref<16x8x137xf32, #tpu.memory_space<vmem>>[vector<16xi32>, vector<16xi32>, vector<16xi32>], vector<16xf32>,
        } {sc.loop_unroll_factor = 4 : i64, sc.parallel_access}
        %dma_start3A_198 = arith.constant 0 : i32
        %dma_start3A_199 = arith.constant 0 : i32
        %dma_start3A_200 = arith.constant 0 : i32
        %dma_start3A_201 = tpu.memref_slice %arg8[%dma_start3A_198, %dma_start3A_199, %dma_start3A_200] : memref<16x8x137xf32, #tpu.memory_space<vmem>> -> memref<16x8x128xf32, #tpu.memory_space<vmem>>
        %dma_start3A_202 = arith.constant 0 : i32
        %dma_start3A_203 = arith.constant 0 : i32
        %dma_start3A_204 = arith.constant 0 : i32
        %dma_start3A_205 = tpu.memref_slice %arg4[%dma_start3A_202, %add3A_178, %dma_start3A_203, %dma_start3A_204] : memref<64x256x8x128xf32, #tpu.memory_space<hbm>> -> memref<16x1x8x128xf32, #tpu.memory_space<hbm>>
        %dma_start3A_206 = tpu.memref_squeeze %dma_start3A_205 : memref<16x1x8x128xf32, #tpu.memory_space<hbm>> -> memref<16x8x128xf32, #tpu.memory_space<hbm>>
        %dma_start3A_207 = arith.constant 0 : i32
        %dma_start3A_208 = arith.constant 0 : i32
        %dma_start3A_209 = arith.constant 0 : i32
        %dma_start3A_210 = tpu.memref_slice %arg4[%dma_start3A_207, %add3A_178, %dma_start3A_208, %dma_start3A_209] : memref<64x256x8x128xf32, #tpu.memory_space<hbm>> -> memref<16x1x8x128xf32, #tpu.memory_space<hbm>>
        %dma_start3A_211 = tpu.memref_squeeze %dma_start3A_210 : memref<16x1x8x128xf32, #tpu.memory_space<hbm>> -> memref<16x8x128xf32, #tpu.memory_space<hbm>>
        %dma_start3A_212 = arith.constant 0 : i32
        %dma_start3A_213 = arith.constant 0 : i32
        %dma_start3A_214 = arith.constant 0 : i32
        %dma_start3A_215 = tpu.memref_slice %arg8[%dma_start3A_212, %dma_start3A_213, %dma_start3A_214] : memref<16x8x137xf32, #tpu.memory_space<vmem>> -> memref<16x8x128xf32, #tpu.memory_space<vmem>>
        tpu.enqueue_dma source(%dma_start3A_215 : memref<16x8x128xf32, #tpu.memory_space<vmem>>) target(%dma_start3A_211 : memref<16x8x128xf32, #tpu.memory_space<hbm>>) target_semaphore(%arg11 : memref<!tpu.dma_semaphore, #tpu.memory_space<semaphore_mem>>)
      } else {
      }
      %and3A_184 = arith.constant 1 : i32
      %and3A_185 = arith.andi %scan3A_173, %and3A_184 : i32
      %eq3A_186 = arith.constant 1 : i32
      %eq3A_187 = arith.cmpi eq, %and3A_185, %eq3A_186 : i32
      %convert_element_type3A_188 = arith.extui %eq3A_187 : i1 to i32
      %cond3A_189 = arith.constant 0 : i32
      %cond3A_190 = arith.cmpi ne, %convert_element_type3A_188, %cond3A_189 : i32
      scf.if %cond3A_190 {
        %ge3A = arith.constant 2 : i32
        %ge3A_191 = arith.cmpi sge, %scan3A_173, %ge3A : i32
        %convert_element_type3A_192 = arith.extui %ge3A_191 : i1 to i32
        %cond3A_193 = arith.constant 0 : i32
        %cond3A_194 = arith.cmpi ne, %convert_element_type3A_192, %cond3A_193 : i32
        scf.if %cond3A_194 {
          %dma_wait3A_216 = arith.constant 0 : i32
          %dma_wait3A_217 = arith.constant 0 : i32
          %dma_wait3A_218 = arith.constant 0 : i32
          %dma_wait3A_219 = tpu.memref_slice %arg9[%dma_wait3A_216, %dma_wait3A_217, %dma_wait3A_218] : memref<16x8x137xf32, #tpu.memory_space<vmem>> -> memref<16x8x128xf32, #tpu.memory_space<vmem>>
          %dma_wait3A_220 = arith.constant 0 : i32
          %dma_wait3A_221 = arith.constant 0 : i32
          %dma_wait3A_222 = arith.constant 0 : i32
          %dma_wait3A_223 = tpu.memref_slice %arg4[%dma_wait3A_220, %add3A_178, %dma_wait3A_221, %dma_wait3A_222] : memref<64x256x8x128xf32, #tpu.memory_space<hbm>> -> memref<16x1x8x128xf32, #tpu.memory_space<hbm>>
          %dma_wait3A_224 = tpu.memref_squeeze %dma_wait3A_223 : memref<16x1x8x128xf32, #tpu.memory_space<hbm>> -> memref<16x8x128xf32, #tpu.memory_space<hbm>>
          %dma_wait3A_225 = arith.constant 0 : i32
          %dma_wait3A_226 = arith.constant 0 : i32
          %dma_wait3A_227 = arith.constant 0 : i32
          %dma_wait3A_228 = tpu.memref_slice %arg4[%dma_wait3A_225, %add3A_178, %dma_wait3A_226, %dma_wait3A_227] : memref<64x256x8x128xf32, #tpu.memory_space<hbm>> -> memref<16x1x8x128xf32, #tpu.memory_space<hbm>>
          %dma_wait3A_229 = tpu.memref_squeeze %dma_wait3A_228 : memref<16x1x8x128xf32, #tpu.memory_space<hbm>> -> memref<16x8x128xf32, #tpu.memory_space<hbm>>
          %dma_wait3A_230 = arith.constant 0 : i32
          %dma_wait3A_231 = arith.constant 0 : i32
          %dma_wait3A_232 = arith.constant 0 : i32
          %dma_wait3A_233 = tpu.memref_slice %arg9[%dma_wait3A_230, %dma_wait3A_231, %dma_wait3A_232] : memref<16x8x137xf32, #tpu.memory_space<vmem>> -> memref<16x8x128xf32, #tpu.memory_space<vmem>>
          tpu.wait_dma2 semaphore(%arg12 : memref<!tpu.dma_semaphore, #tpu.memory_space<semaphore_mem>>) src(%dma_wait3A_233 : memref<16x8x128xf32, #tpu.memory_space<vmem>>) dst(%dma_wait3A_229 : memref<16x8x128xf32, #tpu.memory_space<hbm>>)
        } else {
        }
        %parallel_loop3A_195 = arith.constant 0 : i32
        %parallel_loop3A_196 = arith.constant 128 : i32
        %parallel_loop3A_197 = arith.constant 1 : i32
        scf.for %parallel_loop3A_216 = %parallel_loop3A_195 to %parallel_loop3A_196 step %parallel_loop3A_197  : i32 {
          %parallel_loop3A_217 = arith.constant 3 : i32
          %parallel_loop3A_218 = arith.shrui %parallel_loop3A_216, %parallel_loop3A_217 : i32
          %parallel_loop3A_219 = arith.constant 7 : i32
          %parallel_loop3A_220 = arith.andi %parallel_loop3A_216, %parallel_loop3A_219 : i32
          %parallel_loop3A_221 = arith.constant 128 : i32
          %parallel_loop3A_222 = arith.muli %parallel_loop3A_218, %parallel_loop3A_221 : i32
          %parallel_loop3A_223 = arith.constant 16 : i32
          %parallel_loop3A_224 = arith.muli %parallel_loop3A_220, %parallel_loop3A_223 : i32
          %parallel_loop3A_225 = arith.addi %parallel_loop3A_222, %parallel_loop3A_224 : i32
          %parallel_loop3A_226 = arith.index_cast %parallel_loop3A_225 : i32 to index
          %parallel_loop3A_227 = tpu.vector_load %arg7[%parallel_loop3A_226] {strides = array<i32>} : memref<2048xi32, #tpu.memory_space<vmem>>, vector<16xi32>,
          %parallel_loop3A_228 = arith.addi %parallel_loop3A_227, %iota3A : vector<16xi32>
          %parallel_loop3A_229 = arith.constant 2 : i32
          %parallel_loop3A_230 = arith.muli %parallel_loop3A_229, %parallel_loop3A_220 : i32
          %parallel_loop3A_231 = vector.broadcast %parallel_loop3A_230 : i32 to vector<16xi32>
          %parallel_loop3A_232 = arith.addi %select_n3A, %parallel_loop3A_231 : vector<16xi32>
          %parallel_loop3A_233 = arith.constant 8 : i32
          %parallel_loop3A_234 = arith.muli %parallel_loop3A_218, %parallel_loop3A_233 : i32
          %parallel_loop3A_235 = vector.broadcast %parallel_loop3A_234 : i32 to vector<16xi32>
          %parallel_loop3A_236 = arith.addi %mul3A_49, %parallel_loop3A_235 : vector<16xi32>
          %parallel_loop3A_237 = arith.constant 0 : i32
          %parallel_loop3A_238 = vector.broadcast %parallel_loop3A_237 : i32 to vector<16xi32>
          %parallel_loop3A_239 = arith.addi %parallel_loop3A_228, %parallel_loop3A_238 : vector<16xi32>
          %parallel_loop3A_240 = tpu.vector_load_idx %arg10[%parallel_loop3A_239] : memref<1664xf32, #tpu.memory_space<vmem>>[vector<16xi32>], vector<16xf32>,
          %parallel_loop3A_241 = arith.constant 0 : i32
          %parallel_loop3A_242 = vector.broadcast %parallel_loop3A_241 : i32 to vector<16xi32>
          %parallel_loop3A_243 = arith.addi %parallel_loop3A_236, %parallel_loop3A_242 : vector<16xi32>
          tpu.vector_store_idx %arg9[%parallel_loop3A_232, %select_n3A_46, %parallel_loop3A_243], %parallel_loop3A_240 : memref<16x8x137xf32, #tpu.memory_space<vmem>>[vector<16xi32>, vector<16xi32>, vector<16xi32>], vector<16xf32>,
          %parallel_loop3A_244 = arith.constant 16 : i32
          %parallel_loop3A_245 = vector.broadcast %parallel_loop3A_244 : i32 to vector<16xi32>
          %parallel_loop3A_246 = arith.addi %parallel_loop3A_228, %parallel_loop3A_245 : vector<16xi32>
          %parallel_loop3A_247 = tpu.vector_load_idx %arg10[%parallel_loop3A_246] : memref<1664xf32, #tpu.memory_space<vmem>>[vector<16xi32>], vector<16xf32>,
          %parallel_loop3A_248 = arith.constant 1 : i32
          %parallel_loop3A_249 = vector.broadcast %parallel_loop3A_248 : i32 to vector<16xi32>
          %parallel_loop3A_250 = arith.addi %parallel_loop3A_236, %parallel_loop3A_249 : vector<16xi32>
          tpu.vector_store_idx %arg9[%parallel_loop3A_232, %select_n3A_46, %parallel_loop3A_250], %parallel_loop3A_247 : memref<16x8x137xf32, #tpu.memory_space<vmem>>[vector<16xi32>, vector<16xi32>, vector<16xi32>], vector<16xf32>,
          %parallel_loop3A_251 = arith.constant 32 : i32
          %parallel_loop3A_252 = vector.broadcast %parallel_loop3A_251 : i32 to vector<16xi32>
          %parallel_loop3A_253 = arith.addi %parallel_loop3A_228, %parallel_loop3A_252 : vector<16xi32>
          %parallel_loop3A_254 = tpu.vector_load_idx %arg10[%parallel_loop3A_253] : memref<1664xf32, #tpu.memory_space<vmem>>[vector<16xi32>], vector<16xf32>,
          %parallel_loop3A_255 = arith.constant 2 : i32
          %parallel_loop3A_256 = vector.broadcast %parallel_loop3A_255 : i32 to vector<16xi32>
          %parallel_loop3A_257 = arith.addi %parallel_loop3A_236, %parallel_loop3A_256 : vector<16xi32>
          tpu.vector_store_idx %arg9[%parallel_loop3A_232, %select_n3A_46, %parallel_loop3A_257], %parallel_loop3A_254 : memref<16x8x137xf32, #tpu.memory_space<vmem>>[vector<16xi32>, vector<16xi32>, vector<16xi32>], vector<16xf32>,
          %parallel_loop3A_258 = arith.constant 48 : i32
          %parallel_loop3A_259 = vector.broadcast %parallel_loop3A_258 : i32 to vector<16xi32>
          %parallel_loop3A_260 = arith.addi %parallel_loop3A_228, %parallel_loop3A_259 : vector<16xi32>
          %parallel_loop3A_261 = tpu.vector_load_idx %arg10[%parallel_loop3A_260] : memref<1664xf32, #tpu.memory_space<vmem>>[vector<16xi32>], vector<16xf32>,
          %parallel_loop3A_262 = arith.constant 3 : i32
          %parallel_loop3A_263 = vector.broadcast %parallel_loop3A_262 : i32 to vector<16xi32>
          %parallel_loop3A_264 = arith.addi %parallel_loop3A_236, %parallel_loop3A_263 : vector<16xi32>
          tpu.vector_store_idx %arg9[%parallel_loop3A_232, %select_n3A_46, %parallel_loop3A_264], %parallel_loop3A_261 : memref<16x8x137xf32, #tpu.memory_space<vmem>>[vector<16xi32>, vector<16xi32>, vector<16xi32>], vector<16xf32>,
          %parallel_loop3A_265 = arith.constant 64 : i32
          %parallel_loop3A_266 = vector.broadcast %parallel_loop3A_265 : i32 to vector<16xi32>
          %parallel_loop3A_267 = arith.addi %parallel_loop3A_228, %parallel_loop3A_266 : vector<16xi32>
          %parallel_loop3A_268 = tpu.vector_load_idx %arg10[%parallel_loop3A_267] : memref<1664xf32, #tpu.memory_space<vmem>>[vector<16xi32>], vector<16xf32>,
          %parallel_loop3A_269 = arith.constant 4 : i32
          %parallel_loop3A_270 = vector.broadcast %parallel_loop3A_269 : i32 to vector<16xi32>
          %parallel_loop3A_271 = arith.addi %parallel_loop3A_236, %parallel_loop3A_270 : vector<16xi32>
          tpu.vector_store_idx %arg9[%parallel_loop3A_232, %select_n3A_46, %parallel_loop3A_271], %parallel_loop3A_268 : memref<16x8x137xf32, #tpu.memory_space<vmem>>[vector<16xi32>, vector<16xi32>, vector<16xi32>], vector<16xf32>,
          %parallel_loop3A_272 = arith.constant 80 : i32
          %parallel_loop3A_273 = vector.broadcast %parallel_loop3A_272 : i32 to vector<16xi32>
          %parallel_loop3A_274 = arith.addi %parallel_loop3A_228, %parallel_loop3A_273 : vector<16xi32>
          %parallel_loop3A_275 = tpu.vector_load_idx %arg10[%parallel_loop3A_274] : memref<1664xf32, #tpu.memory_space<vmem>>[vector<16xi32>], vector<16xf32>,
          %parallel_loop3A_276 = arith.constant 5 : i32
          %parallel_loop3A_277 = vector.broadcast %parallel_loop3A_276 : i32 to vector<16xi32>
          %parallel_loop3A_278 = arith.addi %parallel_loop3A_236, %parallel_loop3A_277 : vector<16xi32>
          tpu.vector_store_idx %arg9[%parallel_loop3A_232, %select_n3A_46, %parallel_loop3A_278], %parallel_loop3A_275 : memref<16x8x137xf32, #tpu.memory_space<vmem>>[vector<16xi32>, vector<16xi32>, vector<16xi32>], vector<16xf32>,
          %parallel_loop3A_279 = arith.constant 96 : i32
          %parallel_loop3A_280 = vector.broadcast %parallel_loop3A_279 : i32 to vector<16xi32>
          %parallel_loop3A_281 = arith.addi %parallel_loop3A_228, %parallel_loop3A_280 : vector<16xi32>
          %parallel_loop3A_282 = tpu.vector_load_idx %arg10[%parallel_loop3A_281] : memref<1664xf32, #tpu.memory_space<vmem>>[vector<16xi32>], vector<16xf32>,
          %parallel_loop3A_283 = arith.constant 6 : i32
          %parallel_loop3A_284 = vector.broadcast %parallel_loop3A_283 : i32 to vector<16xi32>
          %parallel_loop3A_285 = arith.addi %parallel_loop3A_236, %parallel_loop3A_284 : vector<16xi32>
          tpu.vector_store_idx %arg9[%parallel_loop3A_232, %select_n3A_46, %parallel_loop3A_285], %parallel_loop3A_282 : memref<16x8x137xf32, #tpu.memory_space<vmem>>[vector<16xi32>, vector<16xi32>, vector<16xi32>], vector<16xf32>,
          %parallel_loop3A_286 = arith.constant 112 : i32
          %parallel_loop3A_287 = vector.broadcast %parallel_loop3A_286 : i32 to vector<16xi32>
          %parallel_loop3A_288 = arith.addi %parallel_loop3A_228, %parallel_loop3A_287 : vector<16xi32>
          %parallel_loop3A_289 = tpu.vector_load_idx %arg10[%parallel_loop3A_288] : memref<1664xf32, #tpu.memory_space<vmem>>[vector<16xi32>], vector<16xf32>,
          %parallel_loop3A_290 = arith.constant 7 : i32
          %parallel_loop3A_291 = vector.broadcast %parallel_loop3A_290 : i32 to vector<16xi32>
          %parallel_loop3A_292 = arith.addi %parallel_loop3A_236, %parallel_loop3A_291 : vector<16xi32>
          tpu.vector_store_idx %arg9[%parallel_loop3A_232, %select_n3A_46, %parallel_loop3A_292], %parallel_loop3A_289 : memref<16x8x137xf32, #tpu.memory_space<vmem>>[vector<16xi32>, vector<16xi32>, vector<16xi32>], vector<16xf32>,
        } {sc.loop_unroll_factor = 4 : i64, sc.parallel_access}
        %dma_start3A_198 = arith.constant 0 : i32
        %dma_start3A_199 = arith.constant 0 : i32
        %dma_start3A_200 = arith.constant 0 : i32
        %dma_start3A_201 = tpu.memref_slice %arg9[%dma_start3A_198, %dma_start3A_199, %dma_start3A_200] : memref<16x8x137xf32, #tpu.memory_space<vmem>> -> memref<16x8x128xf32, #tpu.memory_space<vmem>>
        %dma_start3A_202 = arith.constant 0 : i32
        %dma_start3A_203 = arith.constant 0 : i32
        %dma_start3A_204 = arith.constant 0 : i32
        %dma_start3A_205 = tpu.memref_slice %arg4[%dma_start3A_202, %add3A_178, %dma_start3A_203, %dma_start3A_204] : memref<64x256x8x128xf32, #tpu.memory_space<hbm>> -> memref<16x1x8x128xf32, #tpu.memory_space<hbm>>
        %dma_start3A_206 = tpu.memref_squeeze %dma_start3A_205 : memref<16x1x8x128xf32, #tpu.memory_space<hbm>> -> memref<16x8x128xf32, #tpu.memory_space<hbm>>
        %dma_start3A_207 = arith.constant 0 : i32
        %dma_start3A_208 = arith.constant 0 : i32
        %dma_start3A_209 = arith.constant 0 : i32
        %dma_start3A_210 = tpu.memref_slice %arg4[%dma_start3A_207, %add3A_178, %dma_start3A_208, %dma_start3A_209] : memref<64x256x8x128xf32, #tpu.memory_space<hbm>> -> memref<16x1x8x128xf32, #tpu.memory_space<hbm>>
        %dma_start3A_211 = tpu.memref_squeeze %dma_start3A_210 : memref<16x1x8x128xf32, #tpu.memory_space<hbm>> -> memref<16x8x128xf32, #tpu.memory_space<hbm>>
        %dma_start3A_212 = arith.constant 0 : i32
        %dma_start3A_213 = arith.constant 0 : i32
        %dma_start3A_214 = arith.constant 0 : i32
        %dma_start3A_215 = tpu.memref_slice %arg9[%dma_start3A_212, %dma_start3A_213, %dma_start3A_214] : memref<16x8x137xf32, #tpu.memory_space<vmem>> -> memref<16x8x128xf32, #tpu.memory_space<vmem>>
        tpu.enqueue_dma source(%dma_start3A_215 : memref<16x8x128xf32, #tpu.memory_space<vmem>>) target(%dma_start3A_211 : memref<16x8x128xf32, #tpu.memory_space<hbm>>) target_semaphore(%arg12 : memref<!tpu.dma_semaphore, #tpu.memory_space<semaphore_mem>>)
      } else {
      }
    }
    %scan3A_76 = arith.constant 8 : i32
    %dma_wait3A_77 = arith.constant 128 : i32
    %dma_wait3A_78 = arith.constant 0 : i32
    %dma_wait3A_79 = tpu.memref_slice %arg2[%dma_wait3A_77, %add3A, %dma_wait3A_78] : memref<512x32x128xf32, #tpu.memory_space<hbm>> -> memref<128x1x128xf32, #tpu.memory_space<hbm>>
    %dma_wait3A_80 = tpu.memref_squeeze %dma_wait3A_79 : memref<128x1x128xf32, #tpu.memory_space<hbm>> -> memref<128x128xf32, #tpu.memory_space<hbm>>
    %dma_wait3A_81 = arith.constant 128 : i32
    %dma_wait3A_82 = arith.constant 0 : i32
    %dma_wait3A_83 = tpu.memref_slice %arg2[%dma_wait3A_81, %add3A, %dma_wait3A_82] : memref<512x32x128xf32, #tpu.memory_space<hbm>> -> memref<128x1x128xf32, #tpu.memory_space<hbm>>
    %dma_wait3A_84 = tpu.memref_squeeze %dma_wait3A_83 : memref<128x1x128xf32, #tpu.memory_space<hbm>> -> memref<128x128xf32, #tpu.memory_space<hbm>>
    tpu.wait_dma2 semaphore(%arg13 : memref<!tpu.dma_semaphore, #tpu.memory_space<semaphore_mem>>) src(%dma_wait3A_84 : memref<128x128xf32, #tpu.memory_space<hbm>>) dst(%arg6 : memref<128x128xf32, #tpu.memory_space<vmem>>)
    %dma_start3A_85 = arith.constant 256 : i32
    %dma_start3A_86 = arith.constant 0 : i32
    %dma_start3A_87 = tpu.memref_slice %arg2[%dma_start3A_85, %add3A, %dma_start3A_86] : memref<512x32x128xf32, #tpu.memory_space<hbm>> -> memref<128x1x128xf32, #tpu.memory_space<hbm>>
    %dma_start3A_88 = tpu.memref_squeeze %dma_start3A_87 : memref<128x1x128xf32, #tpu.memory_space<hbm>> -> memref<128x128xf32, #tpu.memory_space<hbm>>
    %dma_start3A_89 = arith.constant 256 : i32
    %dma_start3A_90 = arith.constant 0 : i32
    %dma_start3A_91 = tpu.memref_slice %arg2[%dma_start3A_89, %add3A, %dma_start3A_90] : memref<512x32x128xf32, #tpu.memory_space<hbm>> -> memref<128x1x128xf32, #tpu.memory_space<hbm>>
    %dma_start3A_92 = tpu.memref_squeeze %dma_start3A_91 : memref<128x1x128xf32, #tpu.memory_space<hbm>> -> memref<128x128xf32, #tpu.memory_space<hbm>>
    tpu.enqueue_dma source(%dma_start3A_92 : memref<128x128xf32, #tpu.memory_space<hbm>>) target(%arg5 : memref<128x128xf32, #tpu.memory_space<vmem>>) target_semaphore(%arg13 : memref<!tpu.dma_semaphore, #tpu.memory_space<semaphore_mem>>)
    %scan3A_93 = arith.constant 0 : i32
    %scan3A_94 = arith.constant 0 : i32
    %scan3A_95 = arith.constant 8 : i32
    %scan3A_96 = arith.addi %scan3A_94, %scan3A_95 : i32
    %scan3A_97 = arith.constant 1 : i32
    scf.for %scan3A_173 = %scan3A_94 to %scan3A_96 step %scan3A_97  : i32 {
      %parallel_loop3A = arith.constant 0 : i32
      %parallel_loop3A_174 = arith.constant 128 : i32
      %parallel_loop3A_175 = arith.constant 1 : i32
      scf.for %parallel_loop3A_191 = %parallel_loop3A to %parallel_loop3A_174 step %parallel_loop3A_175  : i32 {
        %parallel_loop3A_192 = arith.constant 16 : i32
        %parallel_loop3A_193 = arith.muli %scan3A_173, %parallel_loop3A_192 : i32
        %parallel_loop3A_194 = arith.index_cast %parallel_loop3A_191 : i32 to index
        %parallel_loop3A_195 = arith.index_cast %parallel_loop3A_193 : i32 to index
        %parallel_loop3A_196 = tpu.vector_load %arg6[%parallel_loop3A_194, %parallel_loop3A_195] {strides = array<i32>} : memref<128x128xf32, #tpu.memory_space<vmem>>, vector<16xf32>,
        %parallel_loop3A_197 = arith.constant 1 : i32
        %parallel_loop3A_198 = vector.broadcast %parallel_loop3A_197 : i32 to vector<16xi32>
        %parallel_loop3A_199 = arith.addi %mul3A_49, %parallel_loop3A_198 : vector<16xi32>
        %parallel_loop3A_200 = arith.constant -9.000000e+02 : f32
        %parallel_loop3A_201 = vector.broadcast %parallel_loop3A_200 : f32 to vector<16xf32>
        %parallel_loop3A_202 = arith.cmpf oge, %parallel_loop3A_196, %parallel_loop3A_201 : vector<16xf32>
        %parallel_loop3A_203 = arith.extui %parallel_loop3A_202 : vector<16xi1> to vector<16xi32>
        %parallel_loop3A_204 = arith.addi %parallel_loop3A_199, %parallel_loop3A_203 : vector<16xi32>
        %parallel_loop3A_205 = arith.constant -4.000000e+02 : f32
        %parallel_loop3A_206 = vector.broadcast %parallel_loop3A_205 : f32 to vector<16xf32>
        %parallel_loop3A_207 = arith.cmpf oge, %parallel_loop3A_196, %parallel_loop3A_206 : vector<16xf32>
        %parallel_loop3A_208 = arith.extui %parallel_loop3A_207 : vector<16xi1> to vector<16xi32>
        %parallel_loop3A_209 = arith.addi %parallel_loop3A_204, %parallel_loop3A_208 : vector<16xi32>
        %parallel_loop3A_210 = arith.constant -1.000000e+02 : f32
        %parallel_loop3A_211 = vector.broadcast %parallel_loop3A_210 : f32 to vector<16xf32>
        %parallel_loop3A_212 = arith.cmpf oge, %parallel_loop3A_196, %parallel_loop3A_211 : vector<16xf32>
        %parallel_loop3A_213 = arith.extui %parallel_loop3A_212 : vector<16xi1> to vector<16xi32>
        %parallel_loop3A_214 = arith.addi %parallel_loop3A_209, %parallel_loop3A_213 : vector<16xi32>
        %parallel_loop3A_215 = arith.constant -5.000000e+01 : f32
        %parallel_loop3A_216 = vector.broadcast %parallel_loop3A_215 : f32 to vector<16xf32>
        %parallel_loop3A_217 = arith.cmpf oge, %parallel_loop3A_196, %parallel_loop3A_216 : vector<16xf32>
        %parallel_loop3A_218 = arith.extui %parallel_loop3A_217 : vector<16xi1> to vector<16xi32>
        %parallel_loop3A_219 = arith.addi %parallel_loop3A_214, %parallel_loop3A_218 : vector<16xi32>
        %parallel_loop3A_220 = arith.constant -1.000000e+01 : f32
        %parallel_loop3A_221 = vector.broadcast %parallel_loop3A_220 : f32 to vector<16xf32>
        %parallel_loop3A_222 = arith.cmpf oge, %parallel_loop3A_196, %parallel_loop3A_221 : vector<16xf32>
        %parallel_loop3A_223 = arith.extui %parallel_loop3A_222 : vector<16xi1> to vector<16xi32>
        %parallel_loop3A_224 = arith.addi %parallel_loop3A_219, %parallel_loop3A_223 : vector<16xi32>
        %parallel_loop3A_225 = arith.constant 2.000000e+01 : f32
        %parallel_loop3A_226 = vector.broadcast %parallel_loop3A_225 : f32 to vector<16xf32>
        %parallel_loop3A_227 = arith.cmpf oge, %parallel_loop3A_196, %parallel_loop3A_226 : vector<16xf32>
        %parallel_loop3A_228 = arith.extui %parallel_loop3A_227 : vector<16xi1> to vector<16xi32>
        %parallel_loop3A_229 = arith.addi %parallel_loop3A_224, %parallel_loop3A_228 : vector<16xi32>
        %parallel_loop3A_230 = arith.constant 4.000000e+01 : f32
        %parallel_loop3A_231 = vector.broadcast %parallel_loop3A_230 : f32 to vector<16xf32>
        %parallel_loop3A_232 = arith.cmpf oge, %parallel_loop3A_196, %parallel_loop3A_231 : vector<16xf32>
        %parallel_loop3A_233 = arith.extui %parallel_loop3A_232 : vector<16xi1> to vector<16xi32>
        %parallel_loop3A_234 = arith.addi %parallel_loop3A_229, %parallel_loop3A_233 : vector<16xi32>
        %parallel_loop3A_235 = arith.constant 6.000000e+01 : f32
        %parallel_loop3A_236 = vector.broadcast %parallel_loop3A_235 : f32 to vector<16xf32>
        %parallel_loop3A_237 = arith.cmpf oge, %parallel_loop3A_196, %parallel_loop3A_236 : vector<16xf32>
        %parallel_loop3A_238 = arith.extui %parallel_loop3A_237 : vector<16xi1> to vector<16xi32>
        %parallel_loop3A_239 = arith.addi %parallel_loop3A_234, %parallel_loop3A_238 : vector<16xi32>
        %parallel_loop3A_240 = arith.constant 1.000000e+02 : f32
        %parallel_loop3A_241 = vector.broadcast %parallel_loop3A_240 : f32 to vector<16xf32>
        %parallel_loop3A_242 = arith.cmpf oge, %parallel_loop3A_196, %parallel_loop3A_241 : vector<16xf32>
        %parallel_loop3A_243 = arith.extui %parallel_loop3A_242 : vector<16xi1> to vector<16xi32>
        %parallel_loop3A_244 = arith.addi %parallel_loop3A_239, %parallel_loop3A_243 : vector<16xi32>
        %parallel_loop3A_245 = arith.constant 8.000000e+02 : f32
        %parallel_loop3A_246 = vector.broadcast %parallel_loop3A_245 : f32 to vector<16xf32>
        %parallel_loop3A_247 = arith.cmpf oge, %parallel_loop3A_196, %parallel_loop3A_246 : vector<16xf32>
        %parallel_loop3A_248 = arith.extui %parallel_loop3A_247 : vector<16xi1> to vector<16xi32>
        %parallel_loop3A_249 = arith.addi %parallel_loop3A_244, %parallel_loop3A_248 : vector<16xi32>
        %parallel_loop3A_250 = arith.constant 1.000000e+03 : f32
        %parallel_loop3A_251 = vector.broadcast %parallel_loop3A_250 : f32 to vector<16xf32>
        %parallel_loop3A_252 = arith.cmpf oge, %parallel_loop3A_196, %parallel_loop3A_251 : vector<16xf32>
        %parallel_loop3A_253 = arith.extui %parallel_loop3A_252 : vector<16xi1> to vector<16xi32>
        %parallel_loop3A_254 = arith.addi %parallel_loop3A_249, %parallel_loop3A_253 : vector<16xi32>
        %parallel_loop3A_255 = vector.broadcast %parallel_loop3A_191 : i32 to vector<16xi32>
        %parallel_loop3A_256 = arith.addi %mul3A_3, %parallel_loop3A_255 : vector<16xi32>
        %parallel_loop3A_257 = arith.constant 128 : i32
        %parallel_loop3A_258 = vector.broadcast %parallel_loop3A_257 : i32 to vector<16xi32>
        %parallel_loop3A_259 = arith.muli %parallel_loop3A_254, %parallel_loop3A_258 : vector<16xi32>
        tpu.vector_store_idx %arg7[%parallel_loop3A_256], %parallel_loop3A_259 : memref<2048xi32, #tpu.memory_space<vmem>>[vector<16xi32>], vector<16xi32>,
      } {sc.loop_unroll_factor = 4 : i64, sc.parallel_access}
      %mul3A_176 = arith.constant 8 : i32
      %mul3A_177 = arith.muli %add3A, %mul3A_176 : i32
      %add3A_178 = arith.addi %mul3A_177, %scan3A_173 : i32
      %and3A_179 = arith.constant 1 : i32
      %and3A_180 = arith.andi %scan3A_173, %and3A_179 : i32
      %eq3A_181 = arith.constant 0 : i32
      %eq3A_182 = arith.cmpi eq, %and3A_180, %eq3A_181 : i32
      %convert_element_type3A = arith.extui %eq3A_182 : i1 to i32
      %cond3A = arith.constant 0 : i32
      %cond3A_183 = arith.cmpi ne, %convert_element_type3A, %cond3A : i32
      scf.if %cond3A_183 {
        %dma_wait3A_191 = arith.constant 0 : i32
        %dma_wait3A_192 = arith.constant 0 : i32
        %dma_wait3A_193 = arith.constant 0 : i32
        %dma_wait3A_194 = tpu.memref_slice %arg8[%dma_wait3A_191, %dma_wait3A_192, %dma_wait3A_193] : memref<16x8x137xf32, #tpu.memory_space<vmem>> -> memref<16x8x128xf32, #tpu.memory_space<vmem>>
        %dma_wait3A_195 = arith.constant 16 : i32
        %dma_wait3A_196 = arith.constant 0 : i32
        %dma_wait3A_197 = arith.constant 0 : i32
        %dma_wait3A_198 = tpu.memref_slice %arg4[%dma_wait3A_195, %add3A_178, %dma_wait3A_196, %dma_wait3A_197] : memref<64x256x8x128xf32, #tpu.memory_space<hbm>> -> memref<16x1x8x128xf32, #tpu.memory_space<hbm>>
        %dma_wait3A_199 = tpu.memref_squeeze %dma_wait3A_198 : memref<16x1x8x128xf32, #tpu.memory_space<hbm>> -> memref<16x8x128xf32, #tpu.memory_space<hbm>>
        %dma_wait3A_200 = arith.constant 16 : i32
        %dma_wait3A_201 = arith.constant 0 : i32
        %dma_wait3A_202 = arith.constant 0 : i32
        %dma_wait3A_203 = tpu.memref_slice %arg4[%dma_wait3A_200, %add3A_178, %dma_wait3A_201, %dma_wait3A_202] : memref<64x256x8x128xf32, #tpu.memory_space<hbm>> -> memref<16x1x8x128xf32, #tpu.memory_space<hbm>>
        %dma_wait3A_204 = tpu.memref_squeeze %dma_wait3A_203 : memref<16x1x8x128xf32, #tpu.memory_space<hbm>> -> memref<16x8x128xf32, #tpu.memory_space<hbm>>
        %dma_wait3A_205 = arith.constant 0 : i32
        %dma_wait3A_206 = arith.constant 0 : i32
        %dma_wait3A_207 = arith.constant 0 : i32
        %dma_wait3A_208 = tpu.memref_slice %arg8[%dma_wait3A_205, %dma_wait3A_206, %dma_wait3A_207] : memref<16x8x137xf32, #tpu.memory_space<vmem>> -> memref<16x8x128xf32, #tpu.memory_space<vmem>>
        tpu.wait_dma2 semaphore(%arg11 : memref<!tpu.dma_semaphore, #tpu.memory_space<semaphore_mem>>) src(%dma_wait3A_208 : memref<16x8x128xf32, #tpu.memory_space<vmem>>) dst(%dma_wait3A_204 : memref<16x8x128xf32, #tpu.memory_space<hbm>>)
        %parallel_loop3A_209 = arith.constant 0 : i32
        %parallel_loop3A_210 = arith.constant 128 : i32
        %parallel_loop3A_211 = arith.constant 1 : i32
        scf.for %parallel_loop3A_230 = %parallel_loop3A_209 to %parallel_loop3A_210 step %parallel_loop3A_211  : i32 {
          %parallel_loop3A_231 = arith.constant 3 : i32
          %parallel_loop3A_232 = arith.shrui %parallel_loop3A_230, %parallel_loop3A_231 : i32
          %parallel_loop3A_233 = arith.constant 7 : i32
          %parallel_loop3A_234 = arith.andi %parallel_loop3A_230, %parallel_loop3A_233 : i32
          %parallel_loop3A_235 = arith.constant 128 : i32
          %parallel_loop3A_236 = arith.muli %parallel_loop3A_232, %parallel_loop3A_235 : i32
          %parallel_loop3A_237 = arith.constant 16 : i32
          %parallel_loop3A_238 = arith.muli %parallel_loop3A_234, %parallel_loop3A_237 : i32
          %parallel_loop3A_239 = arith.addi %parallel_loop3A_236, %parallel_loop3A_238 : i32
          %parallel_loop3A_240 = arith.index_cast %parallel_loop3A_239 : i32 to index
          %parallel_loop3A_241 = tpu.vector_load %arg7[%parallel_loop3A_240] {strides = array<i32>} : memref<2048xi32, #tpu.memory_space<vmem>>, vector<16xi32>,
          %parallel_loop3A_242 = arith.addi %parallel_loop3A_241, %iota3A : vector<16xi32>
          %parallel_loop3A_243 = arith.constant 2 : i32
          %parallel_loop3A_244 = arith.muli %parallel_loop3A_243, %parallel_loop3A_234 : i32
          %parallel_loop3A_245 = vector.broadcast %parallel_loop3A_244 : i32 to vector<16xi32>
          %parallel_loop3A_246 = arith.addi %select_n3A, %parallel_loop3A_245 : vector<16xi32>
          %parallel_loop3A_247 = arith.constant 8 : i32
          %parallel_loop3A_248 = arith.muli %parallel_loop3A_232, %parallel_loop3A_247 : i32
          %parallel_loop3A_249 = vector.broadcast %parallel_loop3A_248 : i32 to vector<16xi32>
          %parallel_loop3A_250 = arith.addi %mul3A_49, %parallel_loop3A_249 : vector<16xi32>
          %parallel_loop3A_251 = arith.constant 0 : i32
          %parallel_loop3A_252 = vector.broadcast %parallel_loop3A_251 : i32 to vector<16xi32>
          %parallel_loop3A_253 = arith.addi %parallel_loop3A_242, %parallel_loop3A_252 : vector<16xi32>
          %parallel_loop3A_254 = tpu.vector_load_idx %arg10[%parallel_loop3A_253] : memref<1664xf32, #tpu.memory_space<vmem>>[vector<16xi32>], vector<16xf32>,
          %parallel_loop3A_255 = arith.constant 0 : i32
          %parallel_loop3A_256 = vector.broadcast %parallel_loop3A_255 : i32 to vector<16xi32>
          %parallel_loop3A_257 = arith.addi %parallel_loop3A_250, %parallel_loop3A_256 : vector<16xi32>
          tpu.vector_store_idx %arg8[%parallel_loop3A_246, %select_n3A_46, %parallel_loop3A_257], %parallel_loop3A_254 : memref<16x8x137xf32, #tpu.memory_space<vmem>>[vector<16xi32>, vector<16xi32>, vector<16xi32>], vector<16xf32>,
          %parallel_loop3A_258 = arith.constant 16 : i32
          %parallel_loop3A_259 = vector.broadcast %parallel_loop3A_258 : i32 to vector<16xi32>
          %parallel_loop3A_260 = arith.addi %parallel_loop3A_242, %parallel_loop3A_259 : vector<16xi32>
          %parallel_loop3A_261 = tpu.vector_load_idx %arg10[%parallel_loop3A_260] : memref<1664xf32, #tpu.memory_space<vmem>>[vector<16xi32>], vector<16xf32>,
          %parallel_loop3A_262 = arith.constant 1 : i32
          %parallel_loop3A_263 = vector.broadcast %parallel_loop3A_262 : i32 to vector<16xi32>
          %parallel_loop3A_264 = arith.addi %parallel_loop3A_250, %parallel_loop3A_263 : vector<16xi32>
          tpu.vector_store_idx %arg8[%parallel_loop3A_246, %select_n3A_46, %parallel_loop3A_264], %parallel_loop3A_261 : memref<16x8x137xf32, #tpu.memory_space<vmem>>[vector<16xi32>, vector<16xi32>, vector<16xi32>], vector<16xf32>,
          %parallel_loop3A_265 = arith.constant 32 : i32
          %parallel_loop3A_266 = vector.broadcast %parallel_loop3A_265 : i32 to vector<16xi32>
          %parallel_loop3A_267 = arith.addi %parallel_loop3A_242, %parallel_loop3A_266 : vector<16xi32>
          %parallel_loop3A_268 = tpu.vector_load_idx %arg10[%parallel_loop3A_267] : memref<1664xf32, #tpu.memory_space<vmem>>[vector<16xi32>], vector<16xf32>,
          %parallel_loop3A_269 = arith.constant 2 : i32
          %parallel_loop3A_270 = vector.broadcast %parallel_loop3A_269 : i32 to vector<16xi32>
          %parallel_loop3A_271 = arith.addi %parallel_loop3A_250, %parallel_loop3A_270 : vector<16xi32>
          tpu.vector_store_idx %arg8[%parallel_loop3A_246, %select_n3A_46, %parallel_loop3A_271], %parallel_loop3A_268 : memref<16x8x137xf32, #tpu.memory_space<vmem>>[vector<16xi32>, vector<16xi32>, vector<16xi32>], vector<16xf32>,
          %parallel_loop3A_272 = arith.constant 48 : i32
          %parallel_loop3A_273 = vector.broadcast %parallel_loop3A_272 : i32 to vector<16xi32>
          %parallel_loop3A_274 = arith.addi %parallel_loop3A_242, %parallel_loop3A_273 : vector<16xi32>
          %parallel_loop3A_275 = tpu.vector_load_idx %arg10[%parallel_loop3A_274] : memref<1664xf32, #tpu.memory_space<vmem>>[vector<16xi32>], vector<16xf32>,
          %parallel_loop3A_276 = arith.constant 3 : i32
          %parallel_loop3A_277 = vector.broadcast %parallel_loop3A_276 : i32 to vector<16xi32>
          %parallel_loop3A_278 = arith.addi %parallel_loop3A_250, %parallel_loop3A_277 : vector<16xi32>
          tpu.vector_store_idx %arg8[%parallel_loop3A_246, %select_n3A_46, %parallel_loop3A_278], %parallel_loop3A_275 : memref<16x8x137xf32, #tpu.memory_space<vmem>>[vector<16xi32>, vector<16xi32>, vector<16xi32>], vector<16xf32>,
          %parallel_loop3A_279 = arith.constant 64 : i32
          %parallel_loop3A_280 = vector.broadcast %parallel_loop3A_279 : i32 to vector<16xi32>
          %parallel_loop3A_281 = arith.addi %parallel_loop3A_242, %parallel_loop3A_280 : vector<16xi32>
          %parallel_loop3A_282 = tpu.vector_load_idx %arg10[%parallel_loop3A_281] : memref<1664xf32, #tpu.memory_space<vmem>>[vector<16xi32>], vector<16xf32>,
          %parallel_loop3A_283 = arith.constant 4 : i32
          %parallel_loop3A_284 = vector.broadcast %parallel_loop3A_283 : i32 to vector<16xi32>
          %parallel_loop3A_285 = arith.addi %parallel_loop3A_250, %parallel_loop3A_284 : vector<16xi32>
          tpu.vector_store_idx %arg8[%parallel_loop3A_246, %select_n3A_46, %parallel_loop3A_285], %parallel_loop3A_282 : memref<16x8x137xf32, #tpu.memory_space<vmem>>[vector<16xi32>, vector<16xi32>, vector<16xi32>], vector<16xf32>,
          %parallel_loop3A_286 = arith.constant 80 : i32
          %parallel_loop3A_287 = vector.broadcast %parallel_loop3A_286 : i32 to vector<16xi32>
          %parallel_loop3A_288 = arith.addi %parallel_loop3A_242, %parallel_loop3A_287 : vector<16xi32>
          %parallel_loop3A_289 = tpu.vector_load_idx %arg10[%parallel_loop3A_288] : memref<1664xf32, #tpu.memory_space<vmem>>[vector<16xi32>], vector<16xf32>,
          %parallel_loop3A_290 = arith.constant 5 : i32
          %parallel_loop3A_291 = vector.broadcast %parallel_loop3A_290 : i32 to vector<16xi32>
          %parallel_loop3A_292 = arith.addi %parallel_loop3A_250, %parallel_loop3A_291 : vector<16xi32>
          tpu.vector_store_idx %arg8[%parallel_loop3A_246, %select_n3A_46, %parallel_loop3A_292], %parallel_loop3A_289 : memref<16x8x137xf32, #tpu.memory_space<vmem>>[vector<16xi32>, vector<16xi32>, vector<16xi32>], vector<16xf32>,
          %parallel_loop3A_293 = arith.constant 96 : i32
          %parallel_loop3A_294 = vector.broadcast %parallel_loop3A_293 : i32 to vector<16xi32>
          %parallel_loop3A_295 = arith.addi %parallel_loop3A_242, %parallel_loop3A_294 : vector<16xi32>
          %parallel_loop3A_296 = tpu.vector_load_idx %arg10[%parallel_loop3A_295] : memref<1664xf32, #tpu.memory_space<vmem>>[vector<16xi32>], vector<16xf32>,
          %parallel_loop3A_297 = arith.constant 6 : i32
          %parallel_loop3A_298 = vector.broadcast %parallel_loop3A_297 : i32 to vector<16xi32>
          %parallel_loop3A_299 = arith.addi %parallel_loop3A_250, %parallel_loop3A_298 : vector<16xi32>
          tpu.vector_store_idx %arg8[%parallel_loop3A_246, %select_n3A_46, %parallel_loop3A_299], %parallel_loop3A_296 : memref<16x8x137xf32, #tpu.memory_space<vmem>>[vector<16xi32>, vector<16xi32>, vector<16xi32>], vector<16xf32>,
          %parallel_loop3A_300 = arith.constant 112 : i32
          %parallel_loop3A_301 = vector.broadcast %parallel_loop3A_300 : i32 to vector<16xi32>
          %parallel_loop3A_302 = arith.addi %parallel_loop3A_242, %parallel_loop3A_301 : vector<16xi32>
          %parallel_loop3A_303 = tpu.vector_load_idx %arg10[%parallel_loop3A_302] : memref<1664xf32, #tpu.memory_space<vmem>>[vector<16xi32>], vector<16xf32>,
          %parallel_loop3A_304 = arith.constant 7 : i32
          %parallel_loop3A_305 = vector.broadcast %parallel_loop3A_304 : i32 to vector<16xi32>
          %parallel_loop3A_306 = arith.addi %parallel_loop3A_250, %parallel_loop3A_305 : vector<16xi32>
          tpu.vector_store_idx %arg8[%parallel_loop3A_246, %select_n3A_46, %parallel_loop3A_306], %parallel_loop3A_303 : memref<16x8x137xf32, #tpu.memory_space<vmem>>[vector<16xi32>, vector<16xi32>, vector<16xi32>], vector<16xf32>,
        } {sc.loop_unroll_factor = 4 : i64, sc.parallel_access}
        %dma_start3A_212 = arith.constant 0 : i32
        %dma_start3A_213 = arith.constant 0 : i32
        %dma_start3A_214 = arith.constant 0 : i32
        %dma_start3A_215 = tpu.memref_slice %arg8[%dma_start3A_212, %dma_start3A_213, %dma_start3A_214] : memref<16x8x137xf32, #tpu.memory_space<vmem>> -> memref<16x8x128xf32, #tpu.memory_space<vmem>>
        %dma_start3A_216 = arith.constant 16 : i32
        %dma_start3A_217 = arith.constant 0 : i32
        %dma_start3A_218 = arith.constant 0 : i32
        %dma_start3A_219 = tpu.memref_slice %arg4[%dma_start3A_216, %add3A_178, %dma_start3A_217, %dma_start3A_218] : memref<64x256x8x128xf32, #tpu.memory_space<hbm>> -> memref<16x1x8x128xf32, #tpu.memory_space<hbm>>
        %dma_start3A_220 = tpu.memref_squeeze %dma_start3A_219 : memref<16x1x8x128xf32, #tpu.memory_space<hbm>> -> memref<16x8x128xf32, #tpu.memory_space<hbm>>
        %dma_start3A_221 = arith.constant 16 : i32
        %dma_start3A_222 = arith.constant 0 : i32
        %dma_start3A_223 = arith.constant 0 : i32
        %dma_start3A_224 = tpu.memref_slice %arg4[%dma_start3A_221, %add3A_178, %dma_start3A_222, %dma_start3A_223] : memref<64x256x8x128xf32, #tpu.memory_space<hbm>> -> memref<16x1x8x128xf32, #tpu.memory_space<hbm>>
        %dma_start3A_225 = tpu.memref_squeeze %dma_start3A_224 : memref<16x1x8x128xf32, #tpu.memory_space<hbm>> -> memref<16x8x128xf32, #tpu.memory_space<hbm>>
        %dma_start3A_226 = arith.constant 0 : i32
        %dma_start3A_227 = arith.constant 0 : i32
        %dma_start3A_228 = arith.constant 0 : i32
        %dma_start3A_229 = tpu.memref_slice %arg8[%dma_start3A_226, %dma_start3A_227, %dma_start3A_228] : memref<16x8x137xf32, #tpu.memory_space<vmem>> -> memref<16x8x128xf32, #tpu.memory_space<vmem>>
        tpu.enqueue_dma source(%dma_start3A_229 : memref<16x8x128xf32, #tpu.memory_space<vmem>>) target(%dma_start3A_225 : memref<16x8x128xf32, #tpu.memory_space<hbm>>) target_semaphore(%arg11 : memref<!tpu.dma_semaphore, #tpu.memory_space<semaphore_mem>>)
      } else {
      }
      %and3A_184 = arith.constant 1 : i32
      %and3A_185 = arith.andi %scan3A_173, %and3A_184 : i32
      %eq3A_186 = arith.constant 1 : i32
      %eq3A_187 = arith.cmpi eq, %and3A_185, %eq3A_186 : i32
      %convert_element_type3A_188 = arith.extui %eq3A_187 : i1 to i32
      %cond3A_189 = arith.constant 0 : i32
      %cond3A_190 = arith.cmpi ne, %convert_element_type3A_188, %cond3A_189 : i32
      scf.if %cond3A_190 {
        %dma_wait3A_191 = arith.constant 0 : i32
        %dma_wait3A_192 = arith.constant 0 : i32
        %dma_wait3A_193 = arith.constant 0 : i32
        %dma_wait3A_194 = tpu.memref_slice %arg9[%dma_wait3A_191, %dma_wait3A_192, %dma_wait3A_193] : memref<16x8x137xf32, #tpu.memory_space<vmem>> -> memref<16x8x128xf32, #tpu.memory_space<vmem>>
        %dma_wait3A_195 = arith.constant 16 : i32
        %dma_wait3A_196 = arith.constant 0 : i32
        %dma_wait3A_197 = arith.constant 0 : i32
        %dma_wait3A_198 = tpu.memref_slice %arg4[%dma_wait3A_195, %add3A_178, %dma_wait3A_196, %dma_wait3A_197] : memref<64x256x8x128xf32, #tpu.memory_space<hbm>> -> memref<16x1x8x128xf32, #tpu.memory_space<hbm>>
        %dma_wait3A_199 = tpu.memref_squeeze %dma_wait3A_198 : memref<16x1x8x128xf32, #tpu.memory_space<hbm>> -> memref<16x8x128xf32, #tpu.memory_space<hbm>>
        %dma_wait3A_200 = arith.constant 16 : i32
        %dma_wait3A_201 = arith.constant 0 : i32
        %dma_wait3A_202 = arith.constant 0 : i32
        %dma_wait3A_203 = tpu.memref_slice %arg4[%dma_wait3A_200, %add3A_178, %dma_wait3A_201, %dma_wait3A_202] : memref<64x256x8x128xf32, #tpu.memory_space<hbm>> -> memref<16x1x8x128xf32, #tpu.memory_space<hbm>>
        %dma_wait3A_204 = tpu.memref_squeeze %dma_wait3A_203 : memref<16x1x8x128xf32, #tpu.memory_space<hbm>> -> memref<16x8x128xf32, #tpu.memory_space<hbm>>
        %dma_wait3A_205 = arith.constant 0 : i32
        %dma_wait3A_206 = arith.constant 0 : i32
        %dma_wait3A_207 = arith.constant 0 : i32
        %dma_wait3A_208 = tpu.memref_slice %arg9[%dma_wait3A_205, %dma_wait3A_206, %dma_wait3A_207] : memref<16x8x137xf32, #tpu.memory_space<vmem>> -> memref<16x8x128xf32, #tpu.memory_space<vmem>>
        tpu.wait_dma2 semaphore(%arg12 : memref<!tpu.dma_semaphore, #tpu.memory_space<semaphore_mem>>) src(%dma_wait3A_208 : memref<16x8x128xf32, #tpu.memory_space<vmem>>) dst(%dma_wait3A_204 : memref<16x8x128xf32, #tpu.memory_space<hbm>>)
        %parallel_loop3A_209 = arith.constant 0 : i32
        %parallel_loop3A_210 = arith.constant 128 : i32
        %parallel_loop3A_211 = arith.constant 1 : i32
        scf.for %parallel_loop3A_230 = %parallel_loop3A_209 to %parallel_loop3A_210 step %parallel_loop3A_211  : i32 {
          %parallel_loop3A_231 = arith.constant 3 : i32
          %parallel_loop3A_232 = arith.shrui %parallel_loop3A_230, %parallel_loop3A_231 : i32
          %parallel_loop3A_233 = arith.constant 7 : i32
          %parallel_loop3A_234 = arith.andi %parallel_loop3A_230, %parallel_loop3A_233 : i32
          %parallel_loop3A_235 = arith.constant 128 : i32
          %parallel_loop3A_236 = arith.muli %parallel_loop3A_232, %parallel_loop3A_235 : i32
          %parallel_loop3A_237 = arith.constant 16 : i32
          %parallel_loop3A_238 = arith.muli %parallel_loop3A_234, %parallel_loop3A_237 : i32
          %parallel_loop3A_239 = arith.addi %parallel_loop3A_236, %parallel_loop3A_238 : i32
          %parallel_loop3A_240 = arith.index_cast %parallel_loop3A_239 : i32 to index
          %parallel_loop3A_241 = tpu.vector_load %arg7[%parallel_loop3A_240] {strides = array<i32>} : memref<2048xi32, #tpu.memory_space<vmem>>, vector<16xi32>,
          %parallel_loop3A_242 = arith.addi %parallel_loop3A_241, %iota3A : vector<16xi32>
          %parallel_loop3A_243 = arith.constant 2 : i32
          %parallel_loop3A_244 = arith.muli %parallel_loop3A_243, %parallel_loop3A_234 : i32
          %parallel_loop3A_245 = vector.broadcast %parallel_loop3A_244 : i32 to vector<16xi32>
          %parallel_loop3A_246 = arith.addi %select_n3A, %parallel_loop3A_245 : vector<16xi32>
          %parallel_loop3A_247 = arith.constant 8 : i32
          %parallel_loop3A_248 = arith.muli %parallel_loop3A_232, %parallel_loop3A_247 : i32
          %parallel_loop3A_249 = vector.broadcast %parallel_loop3A_248 : i32 to vector<16xi32>
          %parallel_loop3A_250 = arith.addi %mul3A_49, %parallel_loop3A_249 : vector<16xi32>
          %parallel_loop3A_251 = arith.constant 0 : i32
          %parallel_loop3A_252 = vector.broadcast %parallel_loop3A_251 : i32 to vector<16xi32>
          %parallel_loop3A_253 = arith.addi %parallel_loop3A_242, %parallel_loop3A_252 : vector<16xi32>
          %parallel_loop3A_254 = tpu.vector_load_idx %arg10[%parallel_loop3A_253] : memref<1664xf32, #tpu.memory_space<vmem>>[vector<16xi32>], vector<16xf32>,
          %parallel_loop3A_255 = arith.constant 0 : i32
          %parallel_loop3A_256 = vector.broadcast %parallel_loop3A_255 : i32 to vector<16xi32>
          %parallel_loop3A_257 = arith.addi %parallel_loop3A_250, %parallel_loop3A_256 : vector<16xi32>
          tpu.vector_store_idx %arg9[%parallel_loop3A_246, %select_n3A_46, %parallel_loop3A_257], %parallel_loop3A_254 : memref<16x8x137xf32, #tpu.memory_space<vmem>>[vector<16xi32>, vector<16xi32>, vector<16xi32>], vector<16xf32>,
          %parallel_loop3A_258 = arith.constant 16 : i32
          %parallel_loop3A_259 = vector.broadcast %parallel_loop3A_258 : i32 to vector<16xi32>
          %parallel_loop3A_260 = arith.addi %parallel_loop3A_242, %parallel_loop3A_259 : vector<16xi32>
          %parallel_loop3A_261 = tpu.vector_load_idx %arg10[%parallel_loop3A_260] : memref<1664xf32, #tpu.memory_space<vmem>>[vector<16xi32>], vector<16xf32>,
          %parallel_loop3A_262 = arith.constant 1 : i32
          %parallel_loop3A_263 = vector.broadcast %parallel_loop3A_262 : i32 to vector<16xi32>
          %parallel_loop3A_264 = arith.addi %parallel_loop3A_250, %parallel_loop3A_263 : vector<16xi32>
          tpu.vector_store_idx %arg9[%parallel_loop3A_246, %select_n3A_46, %parallel_loop3A_264], %parallel_loop3A_261 : memref<16x8x137xf32, #tpu.memory_space<vmem>>[vector<16xi32>, vector<16xi32>, vector<16xi32>], vector<16xf32>,
          %parallel_loop3A_265 = arith.constant 32 : i32
          %parallel_loop3A_266 = vector.broadcast %parallel_loop3A_265 : i32 to vector<16xi32>
          %parallel_loop3A_267 = arith.addi %parallel_loop3A_242, %parallel_loop3A_266 : vector<16xi32>
          %parallel_loop3A_268 = tpu.vector_load_idx %arg10[%parallel_loop3A_267] : memref<1664xf32, #tpu.memory_space<vmem>>[vector<16xi32>], vector<16xf32>,
          %parallel_loop3A_269 = arith.constant 2 : i32
          %parallel_loop3A_270 = vector.broadcast %parallel_loop3A_269 : i32 to vector<16xi32>
          %parallel_loop3A_271 = arith.addi %parallel_loop3A_250, %parallel_loop3A_270 : vector<16xi32>
          tpu.vector_store_idx %arg9[%parallel_loop3A_246, %select_n3A_46, %parallel_loop3A_271], %parallel_loop3A_268 : memref<16x8x137xf32, #tpu.memory_space<vmem>>[vector<16xi32>, vector<16xi32>, vector<16xi32>], vector<16xf32>,
          %parallel_loop3A_272 = arith.constant 48 : i32
          %parallel_loop3A_273 = vector.broadcast %parallel_loop3A_272 : i32 to vector<16xi32>
          %parallel_loop3A_274 = arith.addi %parallel_loop3A_242, %parallel_loop3A_273 : vector<16xi32>
          %parallel_loop3A_275 = tpu.vector_load_idx %arg10[%parallel_loop3A_274] : memref<1664xf32, #tpu.memory_space<vmem>>[vector<16xi32>], vector<16xf32>,
          %parallel_loop3A_276 = arith.constant 3 : i32
          %parallel_loop3A_277 = vector.broadcast %parallel_loop3A_276 : i32 to vector<16xi32>
          %parallel_loop3A_278 = arith.addi %parallel_loop3A_250, %parallel_loop3A_277 : vector<16xi32>
          tpu.vector_store_idx %arg9[%parallel_loop3A_246, %select_n3A_46, %parallel_loop3A_278], %parallel_loop3A_275 : memref<16x8x137xf32, #tpu.memory_space<vmem>>[vector<16xi32>, vector<16xi32>, vector<16xi32>], vector<16xf32>,
          %parallel_loop3A_279 = arith.constant 64 : i32
          %parallel_loop3A_280 = vector.broadcast %parallel_loop3A_279 : i32 to vector<16xi32>
          %parallel_loop3A_281 = arith.addi %parallel_loop3A_242, %parallel_loop3A_280 : vector<16xi32>
          %parallel_loop3A_282 = tpu.vector_load_idx %arg10[%parallel_loop3A_281] : memref<1664xf32, #tpu.memory_space<vmem>>[vector<16xi32>], vector<16xf32>,
          %parallel_loop3A_283 = arith.constant 4 : i32
          %parallel_loop3A_284 = vector.broadcast %parallel_loop3A_283 : i32 to vector<16xi32>
          %parallel_loop3A_285 = arith.addi %parallel_loop3A_250, %parallel_loop3A_284 : vector<16xi32>
          tpu.vector_store_idx %arg9[%parallel_loop3A_246, %select_n3A_46, %parallel_loop3A_285], %parallel_loop3A_282 : memref<16x8x137xf32, #tpu.memory_space<vmem>>[vector<16xi32>, vector<16xi32>, vector<16xi32>], vector<16xf32>,
          %parallel_loop3A_286 = arith.constant 80 : i32
          %parallel_loop3A_287 = vector.broadcast %parallel_loop3A_286 : i32 to vector<16xi32>
          %parallel_loop3A_288 = arith.addi %parallel_loop3A_242, %parallel_loop3A_287 : vector<16xi32>
          %parallel_loop3A_289 = tpu.vector_load_idx %arg10[%parallel_loop3A_288] : memref<1664xf32, #tpu.memory_space<vmem>>[vector<16xi32>], vector<16xf32>,
          %parallel_loop3A_290 = arith.constant 5 : i32
          %parallel_loop3A_291 = vector.broadcast %parallel_loop3A_290 : i32 to vector<16xi32>
          %parallel_loop3A_292 = arith.addi %parallel_loop3A_250, %parallel_loop3A_291 : vector<16xi32>
          tpu.vector_store_idx %arg9[%parallel_loop3A_246, %select_n3A_46, %parallel_loop3A_292], %parallel_loop3A_289 : memref<16x8x137xf32, #tpu.memory_space<vmem>>[vector<16xi32>, vector<16xi32>, vector<16xi32>], vector<16xf32>,
          %parallel_loop3A_293 = arith.constant 96 : i32
          %parallel_loop3A_294 = vector.broadcast %parallel_loop3A_293 : i32 to vector<16xi32>
          %parallel_loop3A_295 = arith.addi %parallel_loop3A_242, %parallel_loop3A_294 : vector<16xi32>
          %parallel_loop3A_296 = tpu.vector_load_idx %arg10[%parallel_loop3A_295] : memref<1664xf32, #tpu.memory_space<vmem>>[vector<16xi32>], vector<16xf32>,
          %parallel_loop3A_297 = arith.constant 6 : i32
          %parallel_loop3A_298 = vector.broadcast %parallel_loop3A_297 : i32 to vector<16xi32>
          %parallel_loop3A_299 = arith.addi %parallel_loop3A_250, %parallel_loop3A_298 : vector<16xi32>
          tpu.vector_store_idx %arg9[%parallel_loop3A_246, %select_n3A_46, %parallel_loop3A_299], %parallel_loop3A_296 : memref<16x8x137xf32, #tpu.memory_space<vmem>>[vector<16xi32>, vector<16xi32>, vector<16xi32>], vector<16xf32>,
          %parallel_loop3A_300 = arith.constant 112 : i32
          %parallel_loop3A_301 = vector.broadcast %parallel_loop3A_300 : i32 to vector<16xi32>
          %parallel_loop3A_302 = arith.addi %parallel_loop3A_242, %parallel_loop3A_301 : vector<16xi32>
          %parallel_loop3A_303 = tpu.vector_load_idx %arg10[%parallel_loop3A_302] : memref<1664xf32, #tpu.memory_space<vmem>>[vector<16xi32>], vector<16xf32>,
          %parallel_loop3A_304 = arith.constant 7 : i32
          %parallel_loop3A_305 = vector.broadcast %parallel_loop3A_304 : i32 to vector<16xi32>
          %parallel_loop3A_306 = arith.addi %parallel_loop3A_250, %parallel_loop3A_305 : vector<16xi32>
          tpu.vector_store_idx %arg9[%parallel_loop3A_246, %select_n3A_46, %parallel_loop3A_306], %parallel_loop3A_303 : memref<16x8x137xf32, #tpu.memory_space<vmem>>[vector<16xi32>, vector<16xi32>, vector<16xi32>], vector<16xf32>,
        } {sc.loop_unroll_factor = 4 : i64, sc.parallel_access}
        %dma_start3A_212 = arith.constant 0 : i32
        %dma_start3A_213 = arith.constant 0 : i32
        %dma_start3A_214 = arith.constant 0 : i32
        %dma_start3A_215 = tpu.memref_slice %arg9[%dma_start3A_212, %dma_start3A_213, %dma_start3A_214] : memref<16x8x137xf32, #tpu.memory_space<vmem>> -> memref<16x8x128xf32, #tpu.memory_space<vmem>>
        %dma_start3A_216 = arith.constant 16 : i32
        %dma_start3A_217 = arith.constant 0 : i32
        %dma_start3A_218 = arith.constant 0 : i32
        %dma_start3A_219 = tpu.memref_slice %arg4[%dma_start3A_216, %add3A_178, %dma_start3A_217, %dma_start3A_218] : memref<64x256x8x128xf32, #tpu.memory_space<hbm>> -> memref<16x1x8x128xf32, #tpu.memory_space<hbm>>
        %dma_start3A_220 = tpu.memref_squeeze %dma_start3A_219 : memref<16x1x8x128xf32, #tpu.memory_space<hbm>> -> memref<16x8x128xf32, #tpu.memory_space<hbm>>
        %dma_start3A_221 = arith.constant 16 : i32
        %dma_start3A_222 = arith.constant 0 : i32
        %dma_start3A_223 = arith.constant 0 : i32
        %dma_start3A_224 = tpu.memref_slice %arg4[%dma_start3A_221, %add3A_178, %dma_start3A_222, %dma_start3A_223] : memref<64x256x8x128xf32, #tpu.memory_space<hbm>> -> memref<16x1x8x128xf32, #tpu.memory_space<hbm>>
        %dma_start3A_225 = tpu.memref_squeeze %dma_start3A_224 : memref<16x1x8x128xf32, #tpu.memory_space<hbm>> -> memref<16x8x128xf32, #tpu.memory_space<hbm>>
        %dma_start3A_226 = arith.constant 0 : i32
        %dma_start3A_227 = arith.constant 0 : i32
        %dma_start3A_228 = arith.constant 0 : i32
        %dma_start3A_229 = tpu.memref_slice %arg9[%dma_start3A_226, %dma_start3A_227, %dma_start3A_228] : memref<16x8x137xf32, #tpu.memory_space<vmem>> -> memref<16x8x128xf32, #tpu.memory_space<vmem>>
        tpu.enqueue_dma source(%dma_start3A_229 : memref<16x8x128xf32, #tpu.memory_space<vmem>>) target(%dma_start3A_225 : memref<16x8x128xf32, #tpu.memory_space<hbm>>) target_semaphore(%arg12 : memref<!tpu.dma_semaphore, #tpu.memory_space<semaphore_mem>>)
      } else {
      }
    }
    %scan3A_98 = arith.constant 8 : i32
    %dma_wait3A_99 = arith.constant 256 : i32
    %dma_wait3A_100 = arith.constant 0 : i32
    %dma_wait3A_101 = tpu.memref_slice %arg2[%dma_wait3A_99, %add3A, %dma_wait3A_100] : memref<512x32x128xf32, #tpu.memory_space<hbm>> -> memref<128x1x128xf32, #tpu.memory_space<hbm>>
    %dma_wait3A_102 = tpu.memref_squeeze %dma_wait3A_101 : memref<128x1x128xf32, #tpu.memory_space<hbm>> -> memref<128x128xf32, #tpu.memory_space<hbm>>
    %dma_wait3A_103 = arith.constant 256 : i32
    %dma_wait3A_104 = arith.constant 0 : i32
    %dma_wait3A_105 = tpu.memref_slice %arg2[%dma_wait3A_103, %add3A, %dma_wait3A_104] : memref<512x32x128xf32, #tpu.memory_space<hbm>> -> memref<128x1x128xf32, #tpu.memory_space<hbm>>
    %dma_wait3A_106 = tpu.memref_squeeze %dma_wait3A_105 : memref<128x1x128xf32, #tpu.memory_space<hbm>> -> memref<128x128xf32, #tpu.memory_space<hbm>>
    tpu.wait_dma2 semaphore(%arg13 : memref<!tpu.dma_semaphore, #tpu.memory_space<semaphore_mem>>) src(%dma_wait3A_106 : memref<128x128xf32, #tpu.memory_space<hbm>>) dst(%arg5 : memref<128x128xf32, #tpu.memory_space<vmem>>)
    %dma_start3A_107 = arith.constant 384 : i32
    %dma_start3A_108 = arith.constant 0 : i32
    %dma_start3A_109 = tpu.memref_slice %arg2[%dma_start3A_107, %add3A, %dma_start3A_108] : memref<512x32x128xf32, #tpu.memory_space<hbm>> -> memref<128x1x128xf32, #tpu.memory_space<hbm>>
    %dma_start3A_110 = tpu.memref_squeeze %dma_start3A_109 : memref<128x1x128xf32, #tpu.memory_space<hbm>> -> memref<128x128xf32, #tpu.memory_space<hbm>>
    %dma_start3A_111 = arith.constant 384 : i32
    %dma_start3A_112 = arith.constant 0 : i32
    %dma_start3A_113 = tpu.memref_slice %arg2[%dma_start3A_111, %add3A, %dma_start3A_112] : memref<512x32x128xf32, #tpu.memory_space<hbm>> -> memref<128x1x128xf32, #tpu.memory_space<hbm>>
    %dma_start3A_114 = tpu.memref_squeeze %dma_start3A_113 : memref<128x1x128xf32, #tpu.memory_space<hbm>> -> memref<128x128xf32, #tpu.memory_space<hbm>>
    tpu.enqueue_dma source(%dma_start3A_114 : memref<128x128xf32, #tpu.memory_space<hbm>>) target(%arg6 : memref<128x128xf32, #tpu.memory_space<vmem>>) target_semaphore(%arg13 : memref<!tpu.dma_semaphore, #tpu.memory_space<semaphore_mem>>)
    %scan3A_115 = arith.constant 0 : i32
    %scan3A_116 = arith.constant 0 : i32
    %scan3A_117 = arith.constant 8 : i32
    %scan3A_118 = arith.addi %scan3A_116, %scan3A_117 : i32
    %scan3A_119 = arith.constant 1 : i32
    scf.for %scan3A_173 = %scan3A_116 to %scan3A_118 step %scan3A_119  : i32 {
      %parallel_loop3A = arith.constant 0 : i32
      %parallel_loop3A_174 = arith.constant 128 : i32
      %parallel_loop3A_175 = arith.constant 1 : i32
      scf.for %parallel_loop3A_191 = %parallel_loop3A to %parallel_loop3A_174 step %parallel_loop3A_175  : i32 {
        %parallel_loop3A_192 = arith.constant 16 : i32
        %parallel_loop3A_193 = arith.muli %scan3A_173, %parallel_loop3A_192 : i32
        %parallel_loop3A_194 = arith.index_cast %parallel_loop3A_191 : i32 to index
        %parallel_loop3A_195 = arith.index_cast %parallel_loop3A_193 : i32 to index
        %parallel_loop3A_196 = tpu.vector_load %arg5[%parallel_loop3A_194, %parallel_loop3A_195] {strides = array<i32>} : memref<128x128xf32, #tpu.memory_space<vmem>>, vector<16xf32>,
        %parallel_loop3A_197 = arith.constant 1 : i32
        %parallel_loop3A_198 = vector.broadcast %parallel_loop3A_197 : i32 to vector<16xi32>
        %parallel_loop3A_199 = arith.addi %mul3A_49, %parallel_loop3A_198 : vector<16xi32>
        %parallel_loop3A_200 = arith.constant -9.000000e+02 : f32
        %parallel_loop3A_201 = vector.broadcast %parallel_loop3A_200 : f32 to vector<16xf32>
        %parallel_loop3A_202 = arith.cmpf oge, %parallel_loop3A_196, %parallel_loop3A_201 : vector<16xf32>
        %parallel_loop3A_203 = arith.extui %parallel_loop3A_202 : vector<16xi1> to vector<16xi32>
        %parallel_loop3A_204 = arith.addi %parallel_loop3A_199, %parallel_loop3A_203 : vector<16xi32>
        %parallel_loop3A_205 = arith.constant -4.000000e+02 : f32
        %parallel_loop3A_206 = vector.broadcast %parallel_loop3A_205 : f32 to vector<16xf32>
        %parallel_loop3A_207 = arith.cmpf oge, %parallel_loop3A_196, %parallel_loop3A_206 : vector<16xf32>
        %parallel_loop3A_208 = arith.extui %parallel_loop3A_207 : vector<16xi1> to vector<16xi32>
        %parallel_loop3A_209 = arith.addi %parallel_loop3A_204, %parallel_loop3A_208 : vector<16xi32>
        %parallel_loop3A_210 = arith.constant -1.000000e+02 : f32
        %parallel_loop3A_211 = vector.broadcast %parallel_loop3A_210 : f32 to vector<16xf32>
        %parallel_loop3A_212 = arith.cmpf oge, %parallel_loop3A_196, %parallel_loop3A_211 : vector<16xf32>
        %parallel_loop3A_213 = arith.extui %parallel_loop3A_212 : vector<16xi1> to vector<16xi32>
        %parallel_loop3A_214 = arith.addi %parallel_loop3A_209, %parallel_loop3A_213 : vector<16xi32>
        %parallel_loop3A_215 = arith.constant -5.000000e+01 : f32
        %parallel_loop3A_216 = vector.broadcast %parallel_loop3A_215 : f32 to vector<16xf32>
        %parallel_loop3A_217 = arith.cmpf oge, %parallel_loop3A_196, %parallel_loop3A_216 : vector<16xf32>
        %parallel_loop3A_218 = arith.extui %parallel_loop3A_217 : vector<16xi1> to vector<16xi32>
        %parallel_loop3A_219 = arith.addi %parallel_loop3A_214, %parallel_loop3A_218 : vector<16xi32>
        %parallel_loop3A_220 = arith.constant -1.000000e+01 : f32
        %parallel_loop3A_221 = vector.broadcast %parallel_loop3A_220 : f32 to vector<16xf32>
        %parallel_loop3A_222 = arith.cmpf oge, %parallel_loop3A_196, %parallel_loop3A_221 : vector<16xf32>
        %parallel_loop3A_223 = arith.extui %parallel_loop3A_222 : vector<16xi1> to vector<16xi32>
        %parallel_loop3A_224 = arith.addi %parallel_loop3A_219, %parallel_loop3A_223 : vector<16xi32>
        %parallel_loop3A_225 = arith.constant 2.000000e+01 : f32
        %parallel_loop3A_226 = vector.broadcast %parallel_loop3A_225 : f32 to vector<16xf32>
        %parallel_loop3A_227 = arith.cmpf oge, %parallel_loop3A_196, %parallel_loop3A_226 : vector<16xf32>
        %parallel_loop3A_228 = arith.extui %parallel_loop3A_227 : vector<16xi1> to vector<16xi32>
        %parallel_loop3A_229 = arith.addi %parallel_loop3A_224, %parallel_loop3A_228 : vector<16xi32>
        %parallel_loop3A_230 = arith.constant 4.000000e+01 : f32
        %parallel_loop3A_231 = vector.broadcast %parallel_loop3A_230 : f32 to vector<16xf32>
        %parallel_loop3A_232 = arith.cmpf oge, %parallel_loop3A_196, %parallel_loop3A_231 : vector<16xf32>
        %parallel_loop3A_233 = arith.extui %parallel_loop3A_232 : vector<16xi1> to vector<16xi32>
        %parallel_loop3A_234 = arith.addi %parallel_loop3A_229, %parallel_loop3A_233 : vector<16xi32>
        %parallel_loop3A_235 = arith.constant 6.000000e+01 : f32
        %parallel_loop3A_236 = vector.broadcast %parallel_loop3A_235 : f32 to vector<16xf32>
        %parallel_loop3A_237 = arith.cmpf oge, %parallel_loop3A_196, %parallel_loop3A_236 : vector<16xf32>
        %parallel_loop3A_238 = arith.extui %parallel_loop3A_237 : vector<16xi1> to vector<16xi32>
        %parallel_loop3A_239 = arith.addi %parallel_loop3A_234, %parallel_loop3A_238 : vector<16xi32>
        %parallel_loop3A_240 = arith.constant 1.000000e+02 : f32
        %parallel_loop3A_241 = vector.broadcast %parallel_loop3A_240 : f32 to vector<16xf32>
        %parallel_loop3A_242 = arith.cmpf oge, %parallel_loop3A_196, %parallel_loop3A_241 : vector<16xf32>
        %parallel_loop3A_243 = arith.extui %parallel_loop3A_242 : vector<16xi1> to vector<16xi32>
        %parallel_loop3A_244 = arith.addi %parallel_loop3A_239, %parallel_loop3A_243 : vector<16xi32>
        %parallel_loop3A_245 = arith.constant 8.000000e+02 : f32
        %parallel_loop3A_246 = vector.broadcast %parallel_loop3A_245 : f32 to vector<16xf32>
        %parallel_loop3A_247 = arith.cmpf oge, %parallel_loop3A_196, %parallel_loop3A_246 : vector<16xf32>
        %parallel_loop3A_248 = arith.extui %parallel_loop3A_247 : vector<16xi1> to vector<16xi32>
        %parallel_loop3A_249 = arith.addi %parallel_loop3A_244, %parallel_loop3A_248 : vector<16xi32>
        %parallel_loop3A_250 = arith.constant 1.000000e+03 : f32
        %parallel_loop3A_251 = vector.broadcast %parallel_loop3A_250 : f32 to vector<16xf32>
        %parallel_loop3A_252 = arith.cmpf oge, %parallel_loop3A_196, %parallel_loop3A_251 : vector<16xf32>
        %parallel_loop3A_253 = arith.extui %parallel_loop3A_252 : vector<16xi1> to vector<16xi32>
        %parallel_loop3A_254 = arith.addi %parallel_loop3A_249, %parallel_loop3A_253 : vector<16xi32>
        %parallel_loop3A_255 = vector.broadcast %parallel_loop3A_191 : i32 to vector<16xi32>
        %parallel_loop3A_256 = arith.addi %mul3A_3, %parallel_loop3A_255 : vector<16xi32>
        %parallel_loop3A_257 = arith.constant 128 : i32
        %parallel_loop3A_258 = vector.broadcast %parallel_loop3A_257 : i32 to vector<16xi32>
        %parallel_loop3A_259 = arith.muli %parallel_loop3A_254, %parallel_loop3A_258 : vector<16xi32>
        tpu.vector_store_idx %arg7[%parallel_loop3A_256], %parallel_loop3A_259 : memref<2048xi32, #tpu.memory_space<vmem>>[vector<16xi32>], vector<16xi32>,
      } {sc.loop_unroll_factor = 4 : i64, sc.parallel_access}
      %mul3A_176 = arith.constant 8 : i32
      %mul3A_177 = arith.muli %add3A, %mul3A_176 : i32
      %add3A_178 = arith.addi %mul3A_177, %scan3A_173 : i32
      %and3A_179 = arith.constant 1 : i32
      %and3A_180 = arith.andi %scan3A_173, %and3A_179 : i32
      %eq3A_181 = arith.constant 0 : i32
      %eq3A_182 = arith.cmpi eq, %and3A_180, %eq3A_181 : i32
      %convert_element_type3A = arith.extui %eq3A_182 : i1 to i32
      %cond3A = arith.constant 0 : i32
      %cond3A_183 = arith.cmpi ne, %convert_element_type3A, %cond3A : i32
      scf.if %cond3A_183 {
        %dma_wait3A_191 = arith.constant 0 : i32
        %dma_wait3A_192 = arith.constant 0 : i32
        %dma_wait3A_193 = arith.constant 0 : i32
        %dma_wait3A_194 = tpu.memref_slice %arg8[%dma_wait3A_191, %dma_wait3A_192, %dma_wait3A_193] : memref<16x8x137xf32, #tpu.memory_space<vmem>> -> memref<16x8x128xf32, #tpu.memory_space<vmem>>
        %dma_wait3A_195 = arith.constant 32 : i32
        %dma_wait3A_196 = arith.constant 0 : i32
        %dma_wait3A_197 = arith.constant 0 : i32
        %dma_wait3A_198 = tpu.memref_slice %arg4[%dma_wait3A_195, %add3A_178, %dma_wait3A_196, %dma_wait3A_197] : memref<64x256x8x128xf32, #tpu.memory_space<hbm>> -> memref<16x1x8x128xf32, #tpu.memory_space<hbm>>
        %dma_wait3A_199 = tpu.memref_squeeze %dma_wait3A_198 : memref<16x1x8x128xf32, #tpu.memory_space<hbm>> -> memref<16x8x128xf32, #tpu.memory_space<hbm>>
        %dma_wait3A_200 = arith.constant 32 : i32
        %dma_wait3A_201 = arith.constant 0 : i32
        %dma_wait3A_202 = arith.constant 0 : i32
        %dma_wait3A_203 = tpu.memref_slice %arg4[%dma_wait3A_200, %add3A_178, %dma_wait3A_201, %dma_wait3A_202] : memref<64x256x8x128xf32, #tpu.memory_space<hbm>> -> memref<16x1x8x128xf32, #tpu.memory_space<hbm>>
        %dma_wait3A_204 = tpu.memref_squeeze %dma_wait3A_203 : memref<16x1x8x128xf32, #tpu.memory_space<hbm>> -> memref<16x8x128xf32, #tpu.memory_space<hbm>>
        %dma_wait3A_205 = arith.constant 0 : i32
        %dma_wait3A_206 = arith.constant 0 : i32
        %dma_wait3A_207 = arith.constant 0 : i32
        %dma_wait3A_208 = tpu.memref_slice %arg8[%dma_wait3A_205, %dma_wait3A_206, %dma_wait3A_207] : memref<16x8x137xf32, #tpu.memory_space<vmem>> -> memref<16x8x128xf32, #tpu.memory_space<vmem>>
        tpu.wait_dma2 semaphore(%arg11 : memref<!tpu.dma_semaphore, #tpu.memory_space<semaphore_mem>>) src(%dma_wait3A_208 : memref<16x8x128xf32, #tpu.memory_space<vmem>>) dst(%dma_wait3A_204 : memref<16x8x128xf32, #tpu.memory_space<hbm>>)
        %parallel_loop3A_209 = arith.constant 0 : i32
        %parallel_loop3A_210 = arith.constant 128 : i32
        %parallel_loop3A_211 = arith.constant 1 : i32
        scf.for %parallel_loop3A_230 = %parallel_loop3A_209 to %parallel_loop3A_210 step %parallel_loop3A_211  : i32 {
          %parallel_loop3A_231 = arith.constant 3 : i32
          %parallel_loop3A_232 = arith.shrui %parallel_loop3A_230, %parallel_loop3A_231 : i32
          %parallel_loop3A_233 = arith.constant 7 : i32
          %parallel_loop3A_234 = arith.andi %parallel_loop3A_230, %parallel_loop3A_233 : i32
          %parallel_loop3A_235 = arith.constant 128 : i32
          %parallel_loop3A_236 = arith.muli %parallel_loop3A_232, %parallel_loop3A_235 : i32
          %parallel_loop3A_237 = arith.constant 16 : i32
          %parallel_loop3A_238 = arith.muli %parallel_loop3A_234, %parallel_loop3A_237 : i32
          %parallel_loop3A_239 = arith.addi %parallel_loop3A_236, %parallel_loop3A_238 : i32
          %parallel_loop3A_240 = arith.index_cast %parallel_loop3A_239 : i32 to index
          %parallel_loop3A_241 = tpu.vector_load %arg7[%parallel_loop3A_240] {strides = array<i32>} : memref<2048xi32, #tpu.memory_space<vmem>>, vector<16xi32>,
          %parallel_loop3A_242 = arith.addi %parallel_loop3A_241, %iota3A : vector<16xi32>
          %parallel_loop3A_243 = arith.constant 2 : i32
          %parallel_loop3A_244 = arith.muli %parallel_loop3A_243, %parallel_loop3A_234 : i32
          %parallel_loop3A_245 = vector.broadcast %parallel_loop3A_244 : i32 to vector<16xi32>
          %parallel_loop3A_246 = arith.addi %select_n3A, %parallel_loop3A_245 : vector<16xi32>
          %parallel_loop3A_247 = arith.constant 8 : i32
          %parallel_loop3A_248 = arith.muli %parallel_loop3A_232, %parallel_loop3A_247 : i32
          %parallel_loop3A_249 = vector.broadcast %parallel_loop3A_248 : i32 to vector<16xi32>
          %parallel_loop3A_250 = arith.addi %mul3A_49, %parallel_loop3A_249 : vector<16xi32>
          %parallel_loop3A_251 = arith.constant 0 : i32
          %parallel_loop3A_252 = vector.broadcast %parallel_loop3A_251 : i32 to vector<16xi32>
          %parallel_loop3A_253 = arith.addi %parallel_loop3A_242, %parallel_loop3A_252 : vector<16xi32>
          %parallel_loop3A_254 = tpu.vector_load_idx %arg10[%parallel_loop3A_253] : memref<1664xf32, #tpu.memory_space<vmem>>[vector<16xi32>], vector<16xf32>,
          %parallel_loop3A_255 = arith.constant 0 : i32
          %parallel_loop3A_256 = vector.broadcast %parallel_loop3A_255 : i32 to vector<16xi32>
          %parallel_loop3A_257 = arith.addi %parallel_loop3A_250, %parallel_loop3A_256 : vector<16xi32>
          tpu.vector_store_idx %arg8[%parallel_loop3A_246, %select_n3A_46, %parallel_loop3A_257], %parallel_loop3A_254 : memref<16x8x137xf32, #tpu.memory_space<vmem>>[vector<16xi32>, vector<16xi32>, vector<16xi32>], vector<16xf32>,
          %parallel_loop3A_258 = arith.constant 16 : i32
          %parallel_loop3A_259 = vector.broadcast %parallel_loop3A_258 : i32 to vector<16xi32>
          %parallel_loop3A_260 = arith.addi %parallel_loop3A_242, %parallel_loop3A_259 : vector<16xi32>
          %parallel_loop3A_261 = tpu.vector_load_idx %arg10[%parallel_loop3A_260] : memref<1664xf32, #tpu.memory_space<vmem>>[vector<16xi32>], vector<16xf32>,
          %parallel_loop3A_262 = arith.constant 1 : i32
          %parallel_loop3A_263 = vector.broadcast %parallel_loop3A_262 : i32 to vector<16xi32>
          %parallel_loop3A_264 = arith.addi %parallel_loop3A_250, %parallel_loop3A_263 : vector<16xi32>
          tpu.vector_store_idx %arg8[%parallel_loop3A_246, %select_n3A_46, %parallel_loop3A_264], %parallel_loop3A_261 : memref<16x8x137xf32, #tpu.memory_space<vmem>>[vector<16xi32>, vector<16xi32>, vector<16xi32>], vector<16xf32>,
          %parallel_loop3A_265 = arith.constant 32 : i32
          %parallel_loop3A_266 = vector.broadcast %parallel_loop3A_265 : i32 to vector<16xi32>
          %parallel_loop3A_267 = arith.addi %parallel_loop3A_242, %parallel_loop3A_266 : vector<16xi32>
          %parallel_loop3A_268 = tpu.vector_load_idx %arg10[%parallel_loop3A_267] : memref<1664xf32, #tpu.memory_space<vmem>>[vector<16xi32>], vector<16xf32>,
          %parallel_loop3A_269 = arith.constant 2 : i32
          %parallel_loop3A_270 = vector.broadcast %parallel_loop3A_269 : i32 to vector<16xi32>
          %parallel_loop3A_271 = arith.addi %parallel_loop3A_250, %parallel_loop3A_270 : vector<16xi32>
          tpu.vector_store_idx %arg8[%parallel_loop3A_246, %select_n3A_46, %parallel_loop3A_271], %parallel_loop3A_268 : memref<16x8x137xf32, #tpu.memory_space<vmem>>[vector<16xi32>, vector<16xi32>, vector<16xi32>], vector<16xf32>,
          %parallel_loop3A_272 = arith.constant 48 : i32
          %parallel_loop3A_273 = vector.broadcast %parallel_loop3A_272 : i32 to vector<16xi32>
          %parallel_loop3A_274 = arith.addi %parallel_loop3A_242, %parallel_loop3A_273 : vector<16xi32>
          %parallel_loop3A_275 = tpu.vector_load_idx %arg10[%parallel_loop3A_274] : memref<1664xf32, #tpu.memory_space<vmem>>[vector<16xi32>], vector<16xf32>,
          %parallel_loop3A_276 = arith.constant 3 : i32
          %parallel_loop3A_277 = vector.broadcast %parallel_loop3A_276 : i32 to vector<16xi32>
          %parallel_loop3A_278 = arith.addi %parallel_loop3A_250, %parallel_loop3A_277 : vector<16xi32>
          tpu.vector_store_idx %arg8[%parallel_loop3A_246, %select_n3A_46, %parallel_loop3A_278], %parallel_loop3A_275 : memref<16x8x137xf32, #tpu.memory_space<vmem>>[vector<16xi32>, vector<16xi32>, vector<16xi32>], vector<16xf32>,
          %parallel_loop3A_279 = arith.constant 64 : i32
          %parallel_loop3A_280 = vector.broadcast %parallel_loop3A_279 : i32 to vector<16xi32>
          %parallel_loop3A_281 = arith.addi %parallel_loop3A_242, %parallel_loop3A_280 : vector<16xi32>
          %parallel_loop3A_282 = tpu.vector_load_idx %arg10[%parallel_loop3A_281] : memref<1664xf32, #tpu.memory_space<vmem>>[vector<16xi32>], vector<16xf32>,
          %parallel_loop3A_283 = arith.constant 4 : i32
          %parallel_loop3A_284 = vector.broadcast %parallel_loop3A_283 : i32 to vector<16xi32>
          %parallel_loop3A_285 = arith.addi %parallel_loop3A_250, %parallel_loop3A_284 : vector<16xi32>
          tpu.vector_store_idx %arg8[%parallel_loop3A_246, %select_n3A_46, %parallel_loop3A_285], %parallel_loop3A_282 : memref<16x8x137xf32, #tpu.memory_space<vmem>>[vector<16xi32>, vector<16xi32>, vector<16xi32>], vector<16xf32>,
          %parallel_loop3A_286 = arith.constant 80 : i32
          %parallel_loop3A_287 = vector.broadcast %parallel_loop3A_286 : i32 to vector<16xi32>
          %parallel_loop3A_288 = arith.addi %parallel_loop3A_242, %parallel_loop3A_287 : vector<16xi32>
          %parallel_loop3A_289 = tpu.vector_load_idx %arg10[%parallel_loop3A_288] : memref<1664xf32, #tpu.memory_space<vmem>>[vector<16xi32>], vector<16xf32>,
          %parallel_loop3A_290 = arith.constant 5 : i32
          %parallel_loop3A_291 = vector.broadcast %parallel_loop3A_290 : i32 to vector<16xi32>
          %parallel_loop3A_292 = arith.addi %parallel_loop3A_250, %parallel_loop3A_291 : vector<16xi32>
          tpu.vector_store_idx %arg8[%parallel_loop3A_246, %select_n3A_46, %parallel_loop3A_292], %parallel_loop3A_289 : memref<16x8x137xf32, #tpu.memory_space<vmem>>[vector<16xi32>, vector<16xi32>, vector<16xi32>], vector<16xf32>,
          %parallel_loop3A_293 = arith.constant 96 : i32
          %parallel_loop3A_294 = vector.broadcast %parallel_loop3A_293 : i32 to vector<16xi32>
          %parallel_loop3A_295 = arith.addi %parallel_loop3A_242, %parallel_loop3A_294 : vector<16xi32>
          %parallel_loop3A_296 = tpu.vector_load_idx %arg10[%parallel_loop3A_295] : memref<1664xf32, #tpu.memory_space<vmem>>[vector<16xi32>], vector<16xf32>,
          %parallel_loop3A_297 = arith.constant 6 : i32
          %parallel_loop3A_298 = vector.broadcast %parallel_loop3A_297 : i32 to vector<16xi32>
          %parallel_loop3A_299 = arith.addi %parallel_loop3A_250, %parallel_loop3A_298 : vector<16xi32>
          tpu.vector_store_idx %arg8[%parallel_loop3A_246, %select_n3A_46, %parallel_loop3A_299], %parallel_loop3A_296 : memref<16x8x137xf32, #tpu.memory_space<vmem>>[vector<16xi32>, vector<16xi32>, vector<16xi32>], vector<16xf32>,
          %parallel_loop3A_300 = arith.constant 112 : i32
          %parallel_loop3A_301 = vector.broadcast %parallel_loop3A_300 : i32 to vector<16xi32>
          %parallel_loop3A_302 = arith.addi %parallel_loop3A_242, %parallel_loop3A_301 : vector<16xi32>
          %parallel_loop3A_303 = tpu.vector_load_idx %arg10[%parallel_loop3A_302] : memref<1664xf32, #tpu.memory_space<vmem>>[vector<16xi32>], vector<16xf32>,
          %parallel_loop3A_304 = arith.constant 7 : i32
          %parallel_loop3A_305 = vector.broadcast %parallel_loop3A_304 : i32 to vector<16xi32>
          %parallel_loop3A_306 = arith.addi %parallel_loop3A_250, %parallel_loop3A_305 : vector<16xi32>
          tpu.vector_store_idx %arg8[%parallel_loop3A_246, %select_n3A_46, %parallel_loop3A_306], %parallel_loop3A_303 : memref<16x8x137xf32, #tpu.memory_space<vmem>>[vector<16xi32>, vector<16xi32>, vector<16xi32>], vector<16xf32>,
        } {sc.loop_unroll_factor = 4 : i64, sc.parallel_access}
        %dma_start3A_212 = arith.constant 0 : i32
        %dma_start3A_213 = arith.constant 0 : i32
        %dma_start3A_214 = arith.constant 0 : i32
        %dma_start3A_215 = tpu.memref_slice %arg8[%dma_start3A_212, %dma_start3A_213, %dma_start3A_214] : memref<16x8x137xf32, #tpu.memory_space<vmem>> -> memref<16x8x128xf32, #tpu.memory_space<vmem>>
        %dma_start3A_216 = arith.constant 32 : i32
        %dma_start3A_217 = arith.constant 0 : i32
        %dma_start3A_218 = arith.constant 0 : i32
        %dma_start3A_219 = tpu.memref_slice %arg4[%dma_start3A_216, %add3A_178, %dma_start3A_217, %dma_start3A_218] : memref<64x256x8x128xf32, #tpu.memory_space<hbm>> -> memref<16x1x8x128xf32, #tpu.memory_space<hbm>>
        %dma_start3A_220 = tpu.memref_squeeze %dma_start3A_219 : memref<16x1x8x128xf32, #tpu.memory_space<hbm>> -> memref<16x8x128xf32, #tpu.memory_space<hbm>>
        %dma_start3A_221 = arith.constant 32 : i32
        %dma_start3A_222 = arith.constant 0 : i32
        %dma_start3A_223 = arith.constant 0 : i32
        %dma_start3A_224 = tpu.memref_slice %arg4[%dma_start3A_221, %add3A_178, %dma_start3A_222, %dma_start3A_223] : memref<64x256x8x128xf32, #tpu.memory_space<hbm>> -> memref<16x1x8x128xf32, #tpu.memory_space<hbm>>
        %dma_start3A_225 = tpu.memref_squeeze %dma_start3A_224 : memref<16x1x8x128xf32, #tpu.memory_space<hbm>> -> memref<16x8x128xf32, #tpu.memory_space<hbm>>
        %dma_start3A_226 = arith.constant 0 : i32
        %dma_start3A_227 = arith.constant 0 : i32
        %dma_start3A_228 = arith.constant 0 : i32
        %dma_start3A_229 = tpu.memref_slice %arg8[%dma_start3A_226, %dma_start3A_227, %dma_start3A_228] : memref<16x8x137xf32, #tpu.memory_space<vmem>> -> memref<16x8x128xf32, #tpu.memory_space<vmem>>
        tpu.enqueue_dma source(%dma_start3A_229 : memref<16x8x128xf32, #tpu.memory_space<vmem>>) target(%dma_start3A_225 : memref<16x8x128xf32, #tpu.memory_space<hbm>>) target_semaphore(%arg11 : memref<!tpu.dma_semaphore, #tpu.memory_space<semaphore_mem>>)
      } else {
      }
      %and3A_184 = arith.constant 1 : i32
      %and3A_185 = arith.andi %scan3A_173, %and3A_184 : i32
      %eq3A_186 = arith.constant 1 : i32
      %eq3A_187 = arith.cmpi eq, %and3A_185, %eq3A_186 : i32
      %convert_element_type3A_188 = arith.extui %eq3A_187 : i1 to i32
      %cond3A_189 = arith.constant 0 : i32
      %cond3A_190 = arith.cmpi ne, %convert_element_type3A_188, %cond3A_189 : i32
      scf.if %cond3A_190 {
        %dma_wait3A_191 = arith.constant 0 : i32
        %dma_wait3A_192 = arith.constant 0 : i32
        %dma_wait3A_193 = arith.constant 0 : i32
        %dma_wait3A_194 = tpu.memref_slice %arg9[%dma_wait3A_191, %dma_wait3A_192, %dma_wait3A_193] : memref<16x8x137xf32, #tpu.memory_space<vmem>> -> memref<16x8x128xf32, #tpu.memory_space<vmem>>
        %dma_wait3A_195 = arith.constant 32 : i32
        %dma_wait3A_196 = arith.constant 0 : i32
        %dma_wait3A_197 = arith.constant 0 : i32
        %dma_wait3A_198 = tpu.memref_slice %arg4[%dma_wait3A_195, %add3A_178, %dma_wait3A_196, %dma_wait3A_197] : memref<64x256x8x128xf32, #tpu.memory_space<hbm>> -> memref<16x1x8x128xf32, #tpu.memory_space<hbm>>
        %dma_wait3A_199 = tpu.memref_squeeze %dma_wait3A_198 : memref<16x1x8x128xf32, #tpu.memory_space<hbm>> -> memref<16x8x128xf32, #tpu.memory_space<hbm>>
        %dma_wait3A_200 = arith.constant 32 : i32
        %dma_wait3A_201 = arith.constant 0 : i32
        %dma_wait3A_202 = arith.constant 0 : i32
        %dma_wait3A_203 = tpu.memref_slice %arg4[%dma_wait3A_200, %add3A_178, %dma_wait3A_201, %dma_wait3A_202] : memref<64x256x8x128xf32, #tpu.memory_space<hbm>> -> memref<16x1x8x128xf32, #tpu.memory_space<hbm>>
        %dma_wait3A_204 = tpu.memref_squeeze %dma_wait3A_203 : memref<16x1x8x128xf32, #tpu.memory_space<hbm>> -> memref<16x8x128xf32, #tpu.memory_space<hbm>>
        %dma_wait3A_205 = arith.constant 0 : i32
        %dma_wait3A_206 = arith.constant 0 : i32
        %dma_wait3A_207 = arith.constant 0 : i32
        %dma_wait3A_208 = tpu.memref_slice %arg9[%dma_wait3A_205, %dma_wait3A_206, %dma_wait3A_207] : memref<16x8x137xf32, #tpu.memory_space<vmem>> -> memref<16x8x128xf32, #tpu.memory_space<vmem>>
        tpu.wait_dma2 semaphore(%arg12 : memref<!tpu.dma_semaphore, #tpu.memory_space<semaphore_mem>>) src(%dma_wait3A_208 : memref<16x8x128xf32, #tpu.memory_space<vmem>>) dst(%dma_wait3A_204 : memref<16x8x128xf32, #tpu.memory_space<hbm>>)
        %parallel_loop3A_209 = arith.constant 0 : i32
        %parallel_loop3A_210 = arith.constant 128 : i32
        %parallel_loop3A_211 = arith.constant 1 : i32
        scf.for %parallel_loop3A_230 = %parallel_loop3A_209 to %parallel_loop3A_210 step %parallel_loop3A_211  : i32 {
          %parallel_loop3A_231 = arith.constant 3 : i32
          %parallel_loop3A_232 = arith.shrui %parallel_loop3A_230, %parallel_loop3A_231 : i32
          %parallel_loop3A_233 = arith.constant 7 : i32
          %parallel_loop3A_234 = arith.andi %parallel_loop3A_230, %parallel_loop3A_233 : i32
          %parallel_loop3A_235 = arith.constant 128 : i32
          %parallel_loop3A_236 = arith.muli %parallel_loop3A_232, %parallel_loop3A_235 : i32
          %parallel_loop3A_237 = arith.constant 16 : i32
          %parallel_loop3A_238 = arith.muli %parallel_loop3A_234, %parallel_loop3A_237 : i32
          %parallel_loop3A_239 = arith.addi %parallel_loop3A_236, %parallel_loop3A_238 : i32
          %parallel_loop3A_240 = arith.index_cast %parallel_loop3A_239 : i32 to index
          %parallel_loop3A_241 = tpu.vector_load %arg7[%parallel_loop3A_240] {strides = array<i32>} : memref<2048xi32, #tpu.memory_space<vmem>>, vector<16xi32>,
          %parallel_loop3A_242 = arith.addi %parallel_loop3A_241, %iota3A : vector<16xi32>
          %parallel_loop3A_243 = arith.constant 2 : i32
          %parallel_loop3A_244 = arith.muli %parallel_loop3A_243, %parallel_loop3A_234 : i32
          %parallel_loop3A_245 = vector.broadcast %parallel_loop3A_244 : i32 to vector<16xi32>
          %parallel_loop3A_246 = arith.addi %select_n3A, %parallel_loop3A_245 : vector<16xi32>
          %parallel_loop3A_247 = arith.constant 8 : i32
          %parallel_loop3A_248 = arith.muli %parallel_loop3A_232, %parallel_loop3A_247 : i32
          %parallel_loop3A_249 = vector.broadcast %parallel_loop3A_248 : i32 to vector<16xi32>
          %parallel_loop3A_250 = arith.addi %mul3A_49, %parallel_loop3A_249 : vector<16xi32>
          %parallel_loop3A_251 = arith.constant 0 : i32
          %parallel_loop3A_252 = vector.broadcast %parallel_loop3A_251 : i32 to vector<16xi32>
          %parallel_loop3A_253 = arith.addi %parallel_loop3A_242, %parallel_loop3A_252 : vector<16xi32>
          %parallel_loop3A_254 = tpu.vector_load_idx %arg10[%parallel_loop3A_253] : memref<1664xf32, #tpu.memory_space<vmem>>[vector<16xi32>], vector<16xf32>,
          %parallel_loop3A_255 = arith.constant 0 : i32
          %parallel_loop3A_256 = vector.broadcast %parallel_loop3A_255 : i32 to vector<16xi32>
          %parallel_loop3A_257 = arith.addi %parallel_loop3A_250, %parallel_loop3A_256 : vector<16xi32>
          tpu.vector_store_idx %arg9[%parallel_loop3A_246, %select_n3A_46, %parallel_loop3A_257], %parallel_loop3A_254 : memref<16x8x137xf32, #tpu.memory_space<vmem>>[vector<16xi32>, vector<16xi32>, vector<16xi32>], vector<16xf32>,
          %parallel_loop3A_258 = arith.constant 16 : i32
          %parallel_loop3A_259 = vector.broadcast %parallel_loop3A_258 : i32 to vector<16xi32>
          %parallel_loop3A_260 = arith.addi %parallel_loop3A_242, %parallel_loop3A_259 : vector<16xi32>
          %parallel_loop3A_261 = tpu.vector_load_idx %arg10[%parallel_loop3A_260] : memref<1664xf32, #tpu.memory_space<vmem>>[vector<16xi32>], vector<16xf32>,
          %parallel_loop3A_262 = arith.constant 1 : i32
          %parallel_loop3A_263 = vector.broadcast %parallel_loop3A_262 : i32 to vector<16xi32>
          %parallel_loop3A_264 = arith.addi %parallel_loop3A_250, %parallel_loop3A_263 : vector<16xi32>
          tpu.vector_store_idx %arg9[%parallel_loop3A_246, %select_n3A_46, %parallel_loop3A_264], %parallel_loop3A_261 : memref<16x8x137xf32, #tpu.memory_space<vmem>>[vector<16xi32>, vector<16xi32>, vector<16xi32>], vector<16xf32>,
          %parallel_loop3A_265 = arith.constant 32 : i32
          %parallel_loop3A_266 = vector.broadcast %parallel_loop3A_265 : i32 to vector<16xi32>
          %parallel_loop3A_267 = arith.addi %parallel_loop3A_242, %parallel_loop3A_266 : vector<16xi32>
          %parallel_loop3A_268 = tpu.vector_load_idx %arg10[%parallel_loop3A_267] : memref<1664xf32, #tpu.memory_space<vmem>>[vector<16xi32>], vector<16xf32>,
          %parallel_loop3A_269 = arith.constant 2 : i32
          %parallel_loop3A_270 = vector.broadcast %parallel_loop3A_269 : i32 to vector<16xi32>
          %parallel_loop3A_271 = arith.addi %parallel_loop3A_250, %parallel_loop3A_270 : vector<16xi32>
          tpu.vector_store_idx %arg9[%parallel_loop3A_246, %select_n3A_46, %parallel_loop3A_271], %parallel_loop3A_268 : memref<16x8x137xf32, #tpu.memory_space<vmem>>[vector<16xi32>, vector<16xi32>, vector<16xi32>], vector<16xf32>,
          %parallel_loop3A_272 = arith.constant 48 : i32
          %parallel_loop3A_273 = vector.broadcast %parallel_loop3A_272 : i32 to vector<16xi32>
          %parallel_loop3A_274 = arith.addi %parallel_loop3A_242, %parallel_loop3A_273 : vector<16xi32>
          %parallel_loop3A_275 = tpu.vector_load_idx %arg10[%parallel_loop3A_274] : memref<1664xf32, #tpu.memory_space<vmem>>[vector<16xi32>], vector<16xf32>,
          %parallel_loop3A_276 = arith.constant 3 : i32
          %parallel_loop3A_277 = vector.broadcast %parallel_loop3A_276 : i32 to vector<16xi32>
          %parallel_loop3A_278 = arith.addi %parallel_loop3A_250, %parallel_loop3A_277 : vector<16xi32>
          tpu.vector_store_idx %arg9[%parallel_loop3A_246, %select_n3A_46, %parallel_loop3A_278], %parallel_loop3A_275 : memref<16x8x137xf32, #tpu.memory_space<vmem>>[vector<16xi32>, vector<16xi32>, vector<16xi32>], vector<16xf32>,
          %parallel_loop3A_279 = arith.constant 64 : i32
          %parallel_loop3A_280 = vector.broadcast %parallel_loop3A_279 : i32 to vector<16xi32>
          %parallel_loop3A_281 = arith.addi %parallel_loop3A_242, %parallel_loop3A_280 : vector<16xi32>
          %parallel_loop3A_282 = tpu.vector_load_idx %arg10[%parallel_loop3A_281] : memref<1664xf32, #tpu.memory_space<vmem>>[vector<16xi32>], vector<16xf32>,
          %parallel_loop3A_283 = arith.constant 4 : i32
          %parallel_loop3A_284 = vector.broadcast %parallel_loop3A_283 : i32 to vector<16xi32>
          %parallel_loop3A_285 = arith.addi %parallel_loop3A_250, %parallel_loop3A_284 : vector<16xi32>
          tpu.vector_store_idx %arg9[%parallel_loop3A_246, %select_n3A_46, %parallel_loop3A_285], %parallel_loop3A_282 : memref<16x8x137xf32, #tpu.memory_space<vmem>>[vector<16xi32>, vector<16xi32>, vector<16xi32>], vector<16xf32>,
          %parallel_loop3A_286 = arith.constant 80 : i32
          %parallel_loop3A_287 = vector.broadcast %parallel_loop3A_286 : i32 to vector<16xi32>
          %parallel_loop3A_288 = arith.addi %parallel_loop3A_242, %parallel_loop3A_287 : vector<16xi32>
          %parallel_loop3A_289 = tpu.vector_load_idx %arg10[%parallel_loop3A_288] : memref<1664xf32, #tpu.memory_space<vmem>>[vector<16xi32>], vector<16xf32>,
          %parallel_loop3A_290 = arith.constant 5 : i32
          %parallel_loop3A_291 = vector.broadcast %parallel_loop3A_290 : i32 to vector<16xi32>
          %parallel_loop3A_292 = arith.addi %parallel_loop3A_250, %parallel_loop3A_291 : vector<16xi32>
          tpu.vector_store_idx %arg9[%parallel_loop3A_246, %select_n3A_46, %parallel_loop3A_292], %parallel_loop3A_289 : memref<16x8x137xf32, #tpu.memory_space<vmem>>[vector<16xi32>, vector<16xi32>, vector<16xi32>], vector<16xf32>,
          %parallel_loop3A_293 = arith.constant 96 : i32
          %parallel_loop3A_294 = vector.broadcast %parallel_loop3A_293 : i32 to vector<16xi32>
          %parallel_loop3A_295 = arith.addi %parallel_loop3A_242, %parallel_loop3A_294 : vector<16xi32>
          %parallel_loop3A_296 = tpu.vector_load_idx %arg10[%parallel_loop3A_295] : memref<1664xf32, #tpu.memory_space<vmem>>[vector<16xi32>], vector<16xf32>,
          %parallel_loop3A_297 = arith.constant 6 : i32
          %parallel_loop3A_298 = vector.broadcast %parallel_loop3A_297 : i32 to vector<16xi32>
          %parallel_loop3A_299 = arith.addi %parallel_loop3A_250, %parallel_loop3A_298 : vector<16xi32>
          tpu.vector_store_idx %arg9[%parallel_loop3A_246, %select_n3A_46, %parallel_loop3A_299], %parallel_loop3A_296 : memref<16x8x137xf32, #tpu.memory_space<vmem>>[vector<16xi32>, vector<16xi32>, vector<16xi32>], vector<16xf32>,
          %parallel_loop3A_300 = arith.constant 112 : i32
          %parallel_loop3A_301 = vector.broadcast %parallel_loop3A_300 : i32 to vector<16xi32>
          %parallel_loop3A_302 = arith.addi %parallel_loop3A_242, %parallel_loop3A_301 : vector<16xi32>
          %parallel_loop3A_303 = tpu.vector_load_idx %arg10[%parallel_loop3A_302] : memref<1664xf32, #tpu.memory_space<vmem>>[vector<16xi32>], vector<16xf32>,
          %parallel_loop3A_304 = arith.constant 7 : i32
          %parallel_loop3A_305 = vector.broadcast %parallel_loop3A_304 : i32 to vector<16xi32>
          %parallel_loop3A_306 = arith.addi %parallel_loop3A_250, %parallel_loop3A_305 : vector<16xi32>
          tpu.vector_store_idx %arg9[%parallel_loop3A_246, %select_n3A_46, %parallel_loop3A_306], %parallel_loop3A_303 : memref<16x8x137xf32, #tpu.memory_space<vmem>>[vector<16xi32>, vector<16xi32>, vector<16xi32>], vector<16xf32>,
        } {sc.loop_unroll_factor = 4 : i64, sc.parallel_access}
        %dma_start3A_212 = arith.constant 0 : i32
        %dma_start3A_213 = arith.constant 0 : i32
        %dma_start3A_214 = arith.constant 0 : i32
        %dma_start3A_215 = tpu.memref_slice %arg9[%dma_start3A_212, %dma_start3A_213, %dma_start3A_214] : memref<16x8x137xf32, #tpu.memory_space<vmem>> -> memref<16x8x128xf32, #tpu.memory_space<vmem>>
        %dma_start3A_216 = arith.constant 32 : i32
        %dma_start3A_217 = arith.constant 0 : i32
        %dma_start3A_218 = arith.constant 0 : i32
        %dma_start3A_219 = tpu.memref_slice %arg4[%dma_start3A_216, %add3A_178, %dma_start3A_217, %dma_start3A_218] : memref<64x256x8x128xf32, #tpu.memory_space<hbm>> -> memref<16x1x8x128xf32, #tpu.memory_space<hbm>>
        %dma_start3A_220 = tpu.memref_squeeze %dma_start3A_219 : memref<16x1x8x128xf32, #tpu.memory_space<hbm>> -> memref<16x8x128xf32, #tpu.memory_space<hbm>>
        %dma_start3A_221 = arith.constant 32 : i32
        %dma_start3A_222 = arith.constant 0 : i32
        %dma_start3A_223 = arith.constant 0 : i32
        %dma_start3A_224 = tpu.memref_slice %arg4[%dma_start3A_221, %add3A_178, %dma_start3A_222, %dma_start3A_223] : memref<64x256x8x128xf32, #tpu.memory_space<hbm>> -> memref<16x1x8x128xf32, #tpu.memory_space<hbm>>
        %dma_start3A_225 = tpu.memref_squeeze %dma_start3A_224 : memref<16x1x8x128xf32, #tpu.memory_space<hbm>> -> memref<16x8x128xf32, #tpu.memory_space<hbm>>
        %dma_start3A_226 = arith.constant 0 : i32
        %dma_start3A_227 = arith.constant 0 : i32
        %dma_start3A_228 = arith.constant 0 : i32
        %dma_start3A_229 = tpu.memref_slice %arg9[%dma_start3A_226, %dma_start3A_227, %dma_start3A_228] : memref<16x8x137xf32, #tpu.memory_space<vmem>> -> memref<16x8x128xf32, #tpu.memory_space<vmem>>
        tpu.enqueue_dma source(%dma_start3A_229 : memref<16x8x128xf32, #tpu.memory_space<vmem>>) target(%dma_start3A_225 : memref<16x8x128xf32, #tpu.memory_space<hbm>>) target_semaphore(%arg12 : memref<!tpu.dma_semaphore, #tpu.memory_space<semaphore_mem>>)
      } else {
      }
    }
    %scan3A_120 = arith.constant 8 : i32
    %dma_wait3A_121 = arith.constant 384 : i32
    %dma_wait3A_122 = arith.constant 0 : i32
    %dma_wait3A_123 = tpu.memref_slice %arg2[%dma_wait3A_121, %add3A, %dma_wait3A_122] : memref<512x32x128xf32, #tpu.memory_space<hbm>> -> memref<128x1x128xf32, #tpu.memory_space<hbm>>
    %dma_wait3A_124 = tpu.memref_squeeze %dma_wait3A_123 : memref<128x1x128xf32, #tpu.memory_space<hbm>> -> memref<128x128xf32, #tpu.memory_space<hbm>>
    %dma_wait3A_125 = arith.constant 384 : i32
    %dma_wait3A_126 = arith.constant 0 : i32
    %dma_wait3A_127 = tpu.memref_slice %arg2[%dma_wait3A_125, %add3A, %dma_wait3A_126] : memref<512x32x128xf32, #tpu.memory_space<hbm>> -> memref<128x1x128xf32, #tpu.memory_space<hbm>>
    %dma_wait3A_128 = tpu.memref_squeeze %dma_wait3A_127 : memref<128x1x128xf32, #tpu.memory_space<hbm>> -> memref<128x128xf32, #tpu.memory_space<hbm>>
    tpu.wait_dma2 semaphore(%arg13 : memref<!tpu.dma_semaphore, #tpu.memory_space<semaphore_mem>>) src(%dma_wait3A_128 : memref<128x128xf32, #tpu.memory_space<hbm>>) dst(%arg6 : memref<128x128xf32, #tpu.memory_space<vmem>>)
    %scan3A_129 = arith.constant 0 : i32
    %scan3A_130 = arith.constant 0 : i32
    %scan3A_131 = arith.constant 8 : i32
    %scan3A_132 = arith.addi %scan3A_130, %scan3A_131 : i32
    %scan3A_133 = arith.constant 1 : i32
    scf.for %scan3A_173 = %scan3A_130 to %scan3A_132 step %scan3A_133  : i32 {
      %parallel_loop3A = arith.constant 0 : i32
      %parallel_loop3A_174 = arith.constant 128 : i32
      %parallel_loop3A_175 = arith.constant 1 : i32
      scf.for %parallel_loop3A_191 = %parallel_loop3A to %parallel_loop3A_174 step %parallel_loop3A_175  : i32 {
        %parallel_loop3A_192 = arith.constant 16 : i32
        %parallel_loop3A_193 = arith.muli %scan3A_173, %parallel_loop3A_192 : i32
        %parallel_loop3A_194 = arith.index_cast %parallel_loop3A_191 : i32 to index
        %parallel_loop3A_195 = arith.index_cast %parallel_loop3A_193 : i32 to index
        %parallel_loop3A_196 = tpu.vector_load %arg6[%parallel_loop3A_194, %parallel_loop3A_195] {strides = array<i32>} : memref<128x128xf32, #tpu.memory_space<vmem>>, vector<16xf32>,
        %parallel_loop3A_197 = arith.constant 1 : i32
        %parallel_loop3A_198 = vector.broadcast %parallel_loop3A_197 : i32 to vector<16xi32>
        %parallel_loop3A_199 = arith.addi %mul3A_49, %parallel_loop3A_198 : vector<16xi32>
        %parallel_loop3A_200 = arith.constant -9.000000e+02 : f32
        %parallel_loop3A_201 = vector.broadcast %parallel_loop3A_200 : f32 to vector<16xf32>
        %parallel_loop3A_202 = arith.cmpf oge, %parallel_loop3A_196, %parallel_loop3A_201 : vector<16xf32>
        %parallel_loop3A_203 = arith.extui %parallel_loop3A_202 : vector<16xi1> to vector<16xi32>
        %parallel_loop3A_204 = arith.addi %parallel_loop3A_199, %parallel_loop3A_203 : vector<16xi32>
        %parallel_loop3A_205 = arith.constant -4.000000e+02 : f32
        %parallel_loop3A_206 = vector.broadcast %parallel_loop3A_205 : f32 to vector<16xf32>
        %parallel_loop3A_207 = arith.cmpf oge, %parallel_loop3A_196, %parallel_loop3A_206 : vector<16xf32>
        %parallel_loop3A_208 = arith.extui %parallel_loop3A_207 : vector<16xi1> to vector<16xi32>
        %parallel_loop3A_209 = arith.addi %parallel_loop3A_204, %parallel_loop3A_208 : vector<16xi32>
        %parallel_loop3A_210 = arith.constant -1.000000e+02 : f32
        %parallel_loop3A_211 = vector.broadcast %parallel_loop3A_210 : f32 to vector<16xf32>
        %parallel_loop3A_212 = arith.cmpf oge, %parallel_loop3A_196, %parallel_loop3A_211 : vector<16xf32>
        %parallel_loop3A_213 = arith.extui %parallel_loop3A_212 : vector<16xi1> to vector<16xi32>
        %parallel_loop3A_214 = arith.addi %parallel_loop3A_209, %parallel_loop3A_213 : vector<16xi32>
        %parallel_loop3A_215 = arith.constant -5.000000e+01 : f32
        %parallel_loop3A_216 = vector.broadcast %parallel_loop3A_215 : f32 to vector<16xf32>
        %parallel_loop3A_217 = arith.cmpf oge, %parallel_loop3A_196, %parallel_loop3A_216 : vector<16xf32>
        %parallel_loop3A_218 = arith.extui %parallel_loop3A_217 : vector<16xi1> to vector<16xi32>
        %parallel_loop3A_219 = arith.addi %parallel_loop3A_214, %parallel_loop3A_218 : vector<16xi32>
        %parallel_loop3A_220 = arith.constant -1.000000e+01 : f32
        %parallel_loop3A_221 = vector.broadcast %parallel_loop3A_220 : f32 to vector<16xf32>
        %parallel_loop3A_222 = arith.cmpf oge, %parallel_loop3A_196, %parallel_loop3A_221 : vector<16xf32>
        %parallel_loop3A_223 = arith.extui %parallel_loop3A_222 : vector<16xi1> to vector<16xi32>
        %parallel_loop3A_224 = arith.addi %parallel_loop3A_219, %parallel_loop3A_223 : vector<16xi32>
        %parallel_loop3A_225 = arith.constant 2.000000e+01 : f32
        %parallel_loop3A_226 = vector.broadcast %parallel_loop3A_225 : f32 to vector<16xf32>
        %parallel_loop3A_227 = arith.cmpf oge, %parallel_loop3A_196, %parallel_loop3A_226 : vector<16xf32>
        %parallel_loop3A_228 = arith.extui %parallel_loop3A_227 : vector<16xi1> to vector<16xi32>
        %parallel_loop3A_229 = arith.addi %parallel_loop3A_224, %parallel_loop3A_228 : vector<16xi32>
        %parallel_loop3A_230 = arith.constant 4.000000e+01 : f32
        %parallel_loop3A_231 = vector.broadcast %parallel_loop3A_230 : f32 to vector<16xf32>
        %parallel_loop3A_232 = arith.cmpf oge, %parallel_loop3A_196, %parallel_loop3A_231 : vector<16xf32>
        %parallel_loop3A_233 = arith.extui %parallel_loop3A_232 : vector<16xi1> to vector<16xi32>
        %parallel_loop3A_234 = arith.addi %parallel_loop3A_229, %parallel_loop3A_233 : vector<16xi32>
        %parallel_loop3A_235 = arith.constant 6.000000e+01 : f32
        %parallel_loop3A_236 = vector.broadcast %parallel_loop3A_235 : f32 to vector<16xf32>
        %parallel_loop3A_237 = arith.cmpf oge, %parallel_loop3A_196, %parallel_loop3A_236 : vector<16xf32>
        %parallel_loop3A_238 = arith.extui %parallel_loop3A_237 : vector<16xi1> to vector<16xi32>
        %parallel_loop3A_239 = arith.addi %parallel_loop3A_234, %parallel_loop3A_238 : vector<16xi32>
        %parallel_loop3A_240 = arith.constant 1.000000e+02 : f32
        %parallel_loop3A_241 = vector.broadcast %parallel_loop3A_240 : f32 to vector<16xf32>
        %parallel_loop3A_242 = arith.cmpf oge, %parallel_loop3A_196, %parallel_loop3A_241 : vector<16xf32>
        %parallel_loop3A_243 = arith.extui %parallel_loop3A_242 : vector<16xi1> to vector<16xi32>
        %parallel_loop3A_244 = arith.addi %parallel_loop3A_239, %parallel_loop3A_243 : vector<16xi32>
        %parallel_loop3A_245 = arith.constant 8.000000e+02 : f32
        %parallel_loop3A_246 = vector.broadcast %parallel_loop3A_245 : f32 to vector<16xf32>
        %parallel_loop3A_247 = arith.cmpf oge, %parallel_loop3A_196, %parallel_loop3A_246 : vector<16xf32>
        %parallel_loop3A_248 = arith.extui %parallel_loop3A_247 : vector<16xi1> to vector<16xi32>
        %parallel_loop3A_249 = arith.addi %parallel_loop3A_244, %parallel_loop3A_248 : vector<16xi32>
        %parallel_loop3A_250 = arith.constant 1.000000e+03 : f32
        %parallel_loop3A_251 = vector.broadcast %parallel_loop3A_250 : f32 to vector<16xf32>
        %parallel_loop3A_252 = arith.cmpf oge, %parallel_loop3A_196, %parallel_loop3A_251 : vector<16xf32>
        %parallel_loop3A_253 = arith.extui %parallel_loop3A_252 : vector<16xi1> to vector<16xi32>
        %parallel_loop3A_254 = arith.addi %parallel_loop3A_249, %parallel_loop3A_253 : vector<16xi32>
        %parallel_loop3A_255 = vector.broadcast %parallel_loop3A_191 : i32 to vector<16xi32>
        %parallel_loop3A_256 = arith.addi %mul3A_3, %parallel_loop3A_255 : vector<16xi32>
        %parallel_loop3A_257 = arith.constant 128 : i32
        %parallel_loop3A_258 = vector.broadcast %parallel_loop3A_257 : i32 to vector<16xi32>
        %parallel_loop3A_259 = arith.muli %parallel_loop3A_254, %parallel_loop3A_258 : vector<16xi32>
        tpu.vector_store_idx %arg7[%parallel_loop3A_256], %parallel_loop3A_259 : memref<2048xi32, #tpu.memory_space<vmem>>[vector<16xi32>], vector<16xi32>,
      } {sc.loop_unroll_factor = 4 : i64, sc.parallel_access}
      %mul3A_176 = arith.constant 8 : i32
      %mul3A_177 = arith.muli %add3A, %mul3A_176 : i32
      %add3A_178 = arith.addi %mul3A_177, %scan3A_173 : i32
      %and3A_179 = arith.constant 1 : i32
      %and3A_180 = arith.andi %scan3A_173, %and3A_179 : i32
      %eq3A_181 = arith.constant 0 : i32
      %eq3A_182 = arith.cmpi eq, %and3A_180, %eq3A_181 : i32
      %convert_element_type3A = arith.extui %eq3A_182 : i1 to i32
      %cond3A = arith.constant 0 : i32
      %cond3A_183 = arith.cmpi ne, %convert_element_type3A, %cond3A : i32
      scf.if %cond3A_183 {
        %dma_wait3A_191 = arith.constant 0 : i32
        %dma_wait3A_192 = arith.constant 0 : i32
        %dma_wait3A_193 = arith.constant 0 : i32
        %dma_wait3A_194 = tpu.memref_slice %arg8[%dma_wait3A_191, %dma_wait3A_192, %dma_wait3A_193] : memref<16x8x137xf32, #tpu.memory_space<vmem>> -> memref<16x8x128xf32, #tpu.memory_space<vmem>>
        %dma_wait3A_195 = arith.constant 48 : i32
        %dma_wait3A_196 = arith.constant 0 : i32
        %dma_wait3A_197 = arith.constant 0 : i32
        %dma_wait3A_198 = tpu.memref_slice %arg4[%dma_wait3A_195, %add3A_178, %dma_wait3A_196, %dma_wait3A_197] : memref<64x256x8x128xf32, #tpu.memory_space<hbm>> -> memref<16x1x8x128xf32, #tpu.memory_space<hbm>>
        %dma_wait3A_199 = tpu.memref_squeeze %dma_wait3A_198 : memref<16x1x8x128xf32, #tpu.memory_space<hbm>> -> memref<16x8x128xf32, #tpu.memory_space<hbm>>
        %dma_wait3A_200 = arith.constant 48 : i32
        %dma_wait3A_201 = arith.constant 0 : i32
        %dma_wait3A_202 = arith.constant 0 : i32
        %dma_wait3A_203 = tpu.memref_slice %arg4[%dma_wait3A_200, %add3A_178, %dma_wait3A_201, %dma_wait3A_202] : memref<64x256x8x128xf32, #tpu.memory_space<hbm>> -> memref<16x1x8x128xf32, #tpu.memory_space<hbm>>
        %dma_wait3A_204 = tpu.memref_squeeze %dma_wait3A_203 : memref<16x1x8x128xf32, #tpu.memory_space<hbm>> -> memref<16x8x128xf32, #tpu.memory_space<hbm>>
        %dma_wait3A_205 = arith.constant 0 : i32
        %dma_wait3A_206 = arith.constant 0 : i32
        %dma_wait3A_207 = arith.constant 0 : i32
        %dma_wait3A_208 = tpu.memref_slice %arg8[%dma_wait3A_205, %dma_wait3A_206, %dma_wait3A_207] : memref<16x8x137xf32, #tpu.memory_space<vmem>> -> memref<16x8x128xf32, #tpu.memory_space<vmem>>
        tpu.wait_dma2 semaphore(%arg11 : memref<!tpu.dma_semaphore, #tpu.memory_space<semaphore_mem>>) src(%dma_wait3A_208 : memref<16x8x128xf32, #tpu.memory_space<vmem>>) dst(%dma_wait3A_204 : memref<16x8x128xf32, #tpu.memory_space<hbm>>)
        %parallel_loop3A_209 = arith.constant 0 : i32
        %parallel_loop3A_210 = arith.constant 128 : i32
        %parallel_loop3A_211 = arith.constant 1 : i32
        scf.for %parallel_loop3A_230 = %parallel_loop3A_209 to %parallel_loop3A_210 step %parallel_loop3A_211  : i32 {
          %parallel_loop3A_231 = arith.constant 3 : i32
          %parallel_loop3A_232 = arith.shrui %parallel_loop3A_230, %parallel_loop3A_231 : i32
          %parallel_loop3A_233 = arith.constant 7 : i32
          %parallel_loop3A_234 = arith.andi %parallel_loop3A_230, %parallel_loop3A_233 : i32
          %parallel_loop3A_235 = arith.constant 128 : i32
          %parallel_loop3A_236 = arith.muli %parallel_loop3A_232, %parallel_loop3A_235 : i32
          %parallel_loop3A_237 = arith.constant 16 : i32
          %parallel_loop3A_238 = arith.muli %parallel_loop3A_234, %parallel_loop3A_237 : i32
          %parallel_loop3A_239 = arith.addi %parallel_loop3A_236, %parallel_loop3A_238 : i32
          %parallel_loop3A_240 = arith.index_cast %parallel_loop3A_239 : i32 to index
          %parallel_loop3A_241 = tpu.vector_load %arg7[%parallel_loop3A_240] {strides = array<i32>} : memref<2048xi32, #tpu.memory_space<vmem>>, vector<16xi32>,
          %parallel_loop3A_242 = arith.addi %parallel_loop3A_241, %iota3A : vector<16xi32>
          %parallel_loop3A_243 = arith.constant 2 : i32
          %parallel_loop3A_244 = arith.muli %parallel_loop3A_243, %parallel_loop3A_234 : i32
          %parallel_loop3A_245 = vector.broadcast %parallel_loop3A_244 : i32 to vector<16xi32>
          %parallel_loop3A_246 = arith.addi %select_n3A, %parallel_loop3A_245 : vector<16xi32>
          %parallel_loop3A_247 = arith.constant 8 : i32
          %parallel_loop3A_248 = arith.muli %parallel_loop3A_232, %parallel_loop3A_247 : i32
          %parallel_loop3A_249 = vector.broadcast %parallel_loop3A_248 : i32 to vector<16xi32>
          %parallel_loop3A_250 = arith.addi %mul3A_49, %parallel_loop3A_249 : vector<16xi32>
          %parallel_loop3A_251 = arith.constant 0 : i32
          %parallel_loop3A_252 = vector.broadcast %parallel_loop3A_251 : i32 to vector<16xi32>
          %parallel_loop3A_253 = arith.addi %parallel_loop3A_242, %parallel_loop3A_252 : vector<16xi32>
          %parallel_loop3A_254 = tpu.vector_load_idx %arg10[%parallel_loop3A_253] : memref<1664xf32, #tpu.memory_space<vmem>>[vector<16xi32>], vector<16xf32>,
          %parallel_loop3A_255 = arith.constant 0 : i32
          %parallel_loop3A_256 = vector.broadcast %parallel_loop3A_255 : i32 to vector<16xi32>
          %parallel_loop3A_257 = arith.addi %parallel_loop3A_250, %parallel_loop3A_256 : vector<16xi32>
          tpu.vector_store_idx %arg8[%parallel_loop3A_246, %select_n3A_46, %parallel_loop3A_257], %parallel_loop3A_254 : memref<16x8x137xf32, #tpu.memory_space<vmem>>[vector<16xi32>, vector<16xi32>, vector<16xi32>], vector<16xf32>,
          %parallel_loop3A_258 = arith.constant 16 : i32
          %parallel_loop3A_259 = vector.broadcast %parallel_loop3A_258 : i32 to vector<16xi32>
          %parallel_loop3A_260 = arith.addi %parallel_loop3A_242, %parallel_loop3A_259 : vector<16xi32>
          %parallel_loop3A_261 = tpu.vector_load_idx %arg10[%parallel_loop3A_260] : memref<1664xf32, #tpu.memory_space<vmem>>[vector<16xi32>], vector<16xf32>,
          %parallel_loop3A_262 = arith.constant 1 : i32
          %parallel_loop3A_263 = vector.broadcast %parallel_loop3A_262 : i32 to vector<16xi32>
          %parallel_loop3A_264 = arith.addi %parallel_loop3A_250, %parallel_loop3A_263 : vector<16xi32>
          tpu.vector_store_idx %arg8[%parallel_loop3A_246, %select_n3A_46, %parallel_loop3A_264], %parallel_loop3A_261 : memref<16x8x137xf32, #tpu.memory_space<vmem>>[vector<16xi32>, vector<16xi32>, vector<16xi32>], vector<16xf32>,
          %parallel_loop3A_265 = arith.constant 32 : i32
          %parallel_loop3A_266 = vector.broadcast %parallel_loop3A_265 : i32 to vector<16xi32>
          %parallel_loop3A_267 = arith.addi %parallel_loop3A_242, %parallel_loop3A_266 : vector<16xi32>
          %parallel_loop3A_268 = tpu.vector_load_idx %arg10[%parallel_loop3A_267] : memref<1664xf32, #tpu.memory_space<vmem>>[vector<16xi32>], vector<16xf32>,
          %parallel_loop3A_269 = arith.constant 2 : i32
          %parallel_loop3A_270 = vector.broadcast %parallel_loop3A_269 : i32 to vector<16xi32>
          %parallel_loop3A_271 = arith.addi %parallel_loop3A_250, %parallel_loop3A_270 : vector<16xi32>
          tpu.vector_store_idx %arg8[%parallel_loop3A_246, %select_n3A_46, %parallel_loop3A_271], %parallel_loop3A_268 : memref<16x8x137xf32, #tpu.memory_space<vmem>>[vector<16xi32>, vector<16xi32>, vector<16xi32>], vector<16xf32>,
          %parallel_loop3A_272 = arith.constant 48 : i32
          %parallel_loop3A_273 = vector.broadcast %parallel_loop3A_272 : i32 to vector<16xi32>
          %parallel_loop3A_274 = arith.addi %parallel_loop3A_242, %parallel_loop3A_273 : vector<16xi32>
          %parallel_loop3A_275 = tpu.vector_load_idx %arg10[%parallel_loop3A_274] : memref<1664xf32, #tpu.memory_space<vmem>>[vector<16xi32>], vector<16xf32>,
          %parallel_loop3A_276 = arith.constant 3 : i32
          %parallel_loop3A_277 = vector.broadcast %parallel_loop3A_276 : i32 to vector<16xi32>
          %parallel_loop3A_278 = arith.addi %parallel_loop3A_250, %parallel_loop3A_277 : vector<16xi32>
          tpu.vector_store_idx %arg8[%parallel_loop3A_246, %select_n3A_46, %parallel_loop3A_278], %parallel_loop3A_275 : memref<16x8x137xf32, #tpu.memory_space<vmem>>[vector<16xi32>, vector<16xi32>, vector<16xi32>], vector<16xf32>,
          %parallel_loop3A_279 = arith.constant 64 : i32
          %parallel_loop3A_280 = vector.broadcast %parallel_loop3A_279 : i32 to vector<16xi32>
          %parallel_loop3A_281 = arith.addi %parallel_loop3A_242, %parallel_loop3A_280 : vector<16xi32>
          %parallel_loop3A_282 = tpu.vector_load_idx %arg10[%parallel_loop3A_281] : memref<1664xf32, #tpu.memory_space<vmem>>[vector<16xi32>], vector<16xf32>,
          %parallel_loop3A_283 = arith.constant 4 : i32
          %parallel_loop3A_284 = vector.broadcast %parallel_loop3A_283 : i32 to vector<16xi32>
          %parallel_loop3A_285 = arith.addi %parallel_loop3A_250, %parallel_loop3A_284 : vector<16xi32>
          tpu.vector_store_idx %arg8[%parallel_loop3A_246, %select_n3A_46, %parallel_loop3A_285], %parallel_loop3A_282 : memref<16x8x137xf32, #tpu.memory_space<vmem>>[vector<16xi32>, vector<16xi32>, vector<16xi32>], vector<16xf32>,
          %parallel_loop3A_286 = arith.constant 80 : i32
          %parallel_loop3A_287 = vector.broadcast %parallel_loop3A_286 : i32 to vector<16xi32>
          %parallel_loop3A_288 = arith.addi %parallel_loop3A_242, %parallel_loop3A_287 : vector<16xi32>
          %parallel_loop3A_289 = tpu.vector_load_idx %arg10[%parallel_loop3A_288] : memref<1664xf32, #tpu.memory_space<vmem>>[vector<16xi32>], vector<16xf32>,
          %parallel_loop3A_290 = arith.constant 5 : i32
          %parallel_loop3A_291 = vector.broadcast %parallel_loop3A_290 : i32 to vector<16xi32>
          %parallel_loop3A_292 = arith.addi %parallel_loop3A_250, %parallel_loop3A_291 : vector<16xi32>
          tpu.vector_store_idx %arg8[%parallel_loop3A_246, %select_n3A_46, %parallel_loop3A_292], %parallel_loop3A_289 : memref<16x8x137xf32, #tpu.memory_space<vmem>>[vector<16xi32>, vector<16xi32>, vector<16xi32>], vector<16xf32>,
          %parallel_loop3A_293 = arith.constant 96 : i32
          %parallel_loop3A_294 = vector.broadcast %parallel_loop3A_293 : i32 to vector<16xi32>
          %parallel_loop3A_295 = arith.addi %parallel_loop3A_242, %parallel_loop3A_294 : vector<16xi32>
          %parallel_loop3A_296 = tpu.vector_load_idx %arg10[%parallel_loop3A_295] : memref<1664xf32, #tpu.memory_space<vmem>>[vector<16xi32>], vector<16xf32>,
          %parallel_loop3A_297 = arith.constant 6 : i32
          %parallel_loop3A_298 = vector.broadcast %parallel_loop3A_297 : i32 to vector<16xi32>
          %parallel_loop3A_299 = arith.addi %parallel_loop3A_250, %parallel_loop3A_298 : vector<16xi32>
          tpu.vector_store_idx %arg8[%parallel_loop3A_246, %select_n3A_46, %parallel_loop3A_299], %parallel_loop3A_296 : memref<16x8x137xf32, #tpu.memory_space<vmem>>[vector<16xi32>, vector<16xi32>, vector<16xi32>], vector<16xf32>,
          %parallel_loop3A_300 = arith.constant 112 : i32
          %parallel_loop3A_301 = vector.broadcast %parallel_loop3A_300 : i32 to vector<16xi32>
          %parallel_loop3A_302 = arith.addi %parallel_loop3A_242, %parallel_loop3A_301 : vector<16xi32>
          %parallel_loop3A_303 = tpu.vector_load_idx %arg10[%parallel_loop3A_302] : memref<1664xf32, #tpu.memory_space<vmem>>[vector<16xi32>], vector<16xf32>,
          %parallel_loop3A_304 = arith.constant 7 : i32
          %parallel_loop3A_305 = vector.broadcast %parallel_loop3A_304 : i32 to vector<16xi32>
          %parallel_loop3A_306 = arith.addi %parallel_loop3A_250, %parallel_loop3A_305 : vector<16xi32>
          tpu.vector_store_idx %arg8[%parallel_loop3A_246, %select_n3A_46, %parallel_loop3A_306], %parallel_loop3A_303 : memref<16x8x137xf32, #tpu.memory_space<vmem>>[vector<16xi32>, vector<16xi32>, vector<16xi32>], vector<16xf32>,
        } {sc.loop_unroll_factor = 4 : i64, sc.parallel_access}
        %dma_start3A_212 = arith.constant 0 : i32
        %dma_start3A_213 = arith.constant 0 : i32
        %dma_start3A_214 = arith.constant 0 : i32
        %dma_start3A_215 = tpu.memref_slice %arg8[%dma_start3A_212, %dma_start3A_213, %dma_start3A_214] : memref<16x8x137xf32, #tpu.memory_space<vmem>> -> memref<16x8x128xf32, #tpu.memory_space<vmem>>
        %dma_start3A_216 = arith.constant 48 : i32
        %dma_start3A_217 = arith.constant 0 : i32
        %dma_start3A_218 = arith.constant 0 : i32
        %dma_start3A_219 = tpu.memref_slice %arg4[%dma_start3A_216, %add3A_178, %dma_start3A_217, %dma_start3A_218] : memref<64x256x8x128xf32, #tpu.memory_space<hbm>> -> memref<16x1x8x128xf32, #tpu.memory_space<hbm>>
        %dma_start3A_220 = tpu.memref_squeeze %dma_start3A_219 : memref<16x1x8x128xf32, #tpu.memory_space<hbm>> -> memref<16x8x128xf32, #tpu.memory_space<hbm>>
        %dma_start3A_221 = arith.constant 48 : i32
        %dma_start3A_222 = arith.constant 0 : i32
        %dma_start3A_223 = arith.constant 0 : i32
        %dma_start3A_224 = tpu.memref_slice %arg4[%dma_start3A_221, %add3A_178, %dma_start3A_222, %dma_start3A_223] : memref<64x256x8x128xf32, #tpu.memory_space<hbm>> -> memref<16x1x8x128xf32, #tpu.memory_space<hbm>>
        %dma_start3A_225 = tpu.memref_squeeze %dma_start3A_224 : memref<16x1x8x128xf32, #tpu.memory_space<hbm>> -> memref<16x8x128xf32, #tpu.memory_space<hbm>>
        %dma_start3A_226 = arith.constant 0 : i32
        %dma_start3A_227 = arith.constant 0 : i32
        %dma_start3A_228 = arith.constant 0 : i32
        %dma_start3A_229 = tpu.memref_slice %arg8[%dma_start3A_226, %dma_start3A_227, %dma_start3A_228] : memref<16x8x137xf32, #tpu.memory_space<vmem>> -> memref<16x8x128xf32, #tpu.memory_space<vmem>>
        tpu.enqueue_dma source(%dma_start3A_229 : memref<16x8x128xf32, #tpu.memory_space<vmem>>) target(%dma_start3A_225 : memref<16x8x128xf32, #tpu.memory_space<hbm>>) target_semaphore(%arg11 : memref<!tpu.dma_semaphore, #tpu.memory_space<semaphore_mem>>)
      } else {
      }
      %and3A_184 = arith.constant 1 : i32
      %and3A_185 = arith.andi %scan3A_173, %and3A_184 : i32
      %eq3A_186 = arith.constant 1 : i32
      %eq3A_187 = arith.cmpi eq, %and3A_185, %eq3A_186 : i32
      %convert_element_type3A_188 = arith.extui %eq3A_187 : i1 to i32
      %cond3A_189 = arith.constant 0 : i32
      %cond3A_190 = arith.cmpi ne, %convert_element_type3A_188, %cond3A_189 : i32
      scf.if %cond3A_190 {
        %dma_wait3A_191 = arith.constant 0 : i32
        %dma_wait3A_192 = arith.constant 0 : i32
        %dma_wait3A_193 = arith.constant 0 : i32
        %dma_wait3A_194 = tpu.memref_slice %arg9[%dma_wait3A_191, %dma_wait3A_192, %dma_wait3A_193] : memref<16x8x137xf32, #tpu.memory_space<vmem>> -> memref<16x8x128xf32, #tpu.memory_space<vmem>>
        %dma_wait3A_195 = arith.constant 48 : i32
        %dma_wait3A_196 = arith.constant 0 : i32
        %dma_wait3A_197 = arith.constant 0 : i32
        %dma_wait3A_198 = tpu.memref_slice %arg4[%dma_wait3A_195, %add3A_178, %dma_wait3A_196, %dma_wait3A_197] : memref<64x256x8x128xf32, #tpu.memory_space<hbm>> -> memref<16x1x8x128xf32, #tpu.memory_space<hbm>>
        %dma_wait3A_199 = tpu.memref_squeeze %dma_wait3A_198 : memref<16x1x8x128xf32, #tpu.memory_space<hbm>> -> memref<16x8x128xf32, #tpu.memory_space<hbm>>
        %dma_wait3A_200 = arith.constant 48 : i32
        %dma_wait3A_201 = arith.constant 0 : i32
        %dma_wait3A_202 = arith.constant 0 : i32
        %dma_wait3A_203 = tpu.memref_slice %arg4[%dma_wait3A_200, %add3A_178, %dma_wait3A_201, %dma_wait3A_202] : memref<64x256x8x128xf32, #tpu.memory_space<hbm>> -> memref<16x1x8x128xf32, #tpu.memory_space<hbm>>
        %dma_wait3A_204 = tpu.memref_squeeze %dma_wait3A_203 : memref<16x1x8x128xf32, #tpu.memory_space<hbm>> -> memref<16x8x128xf32, #tpu.memory_space<hbm>>
        %dma_wait3A_205 = arith.constant 0 : i32
        %dma_wait3A_206 = arith.constant 0 : i32
        %dma_wait3A_207 = arith.constant 0 : i32
        %dma_wait3A_208 = tpu.memref_slice %arg9[%dma_wait3A_205, %dma_wait3A_206, %dma_wait3A_207] : memref<16x8x137xf32, #tpu.memory_space<vmem>> -> memref<16x8x128xf32, #tpu.memory_space<vmem>>
        tpu.wait_dma2 semaphore(%arg12 : memref<!tpu.dma_semaphore, #tpu.memory_space<semaphore_mem>>) src(%dma_wait3A_208 : memref<16x8x128xf32, #tpu.memory_space<vmem>>) dst(%dma_wait3A_204 : memref<16x8x128xf32, #tpu.memory_space<hbm>>)
        %parallel_loop3A_209 = arith.constant 0 : i32
        %parallel_loop3A_210 = arith.constant 128 : i32
        %parallel_loop3A_211 = arith.constant 1 : i32
        scf.for %parallel_loop3A_230 = %parallel_loop3A_209 to %parallel_loop3A_210 step %parallel_loop3A_211  : i32 {
          %parallel_loop3A_231 = arith.constant 3 : i32
          %parallel_loop3A_232 = arith.shrui %parallel_loop3A_230, %parallel_loop3A_231 : i32
          %parallel_loop3A_233 = arith.constant 7 : i32
          %parallel_loop3A_234 = arith.andi %parallel_loop3A_230, %parallel_loop3A_233 : i32
          %parallel_loop3A_235 = arith.constant 128 : i32
          %parallel_loop3A_236 = arith.muli %parallel_loop3A_232, %parallel_loop3A_235 : i32
          %parallel_loop3A_237 = arith.constant 16 : i32
          %parallel_loop3A_238 = arith.muli %parallel_loop3A_234, %parallel_loop3A_237 : i32
          %parallel_loop3A_239 = arith.addi %parallel_loop3A_236, %parallel_loop3A_238 : i32
          %parallel_loop3A_240 = arith.index_cast %parallel_loop3A_239 : i32 to index
          %parallel_loop3A_241 = tpu.vector_load %arg7[%parallel_loop3A_240] {strides = array<i32>} : memref<2048xi32, #tpu.memory_space<vmem>>, vector<16xi32>,
          %parallel_loop3A_242 = arith.addi %parallel_loop3A_241, %iota3A : vector<16xi32>
          %parallel_loop3A_243 = arith.constant 2 : i32
          %parallel_loop3A_244 = arith.muli %parallel_loop3A_243, %parallel_loop3A_234 : i32
          %parallel_loop3A_245 = vector.broadcast %parallel_loop3A_244 : i32 to vector<16xi32>
          %parallel_loop3A_246 = arith.addi %select_n3A, %parallel_loop3A_245 : vector<16xi32>
          %parallel_loop3A_247 = arith.constant 8 : i32
          %parallel_loop3A_248 = arith.muli %parallel_loop3A_232, %parallel_loop3A_247 : i32
          %parallel_loop3A_249 = vector.broadcast %parallel_loop3A_248 : i32 to vector<16xi32>
          %parallel_loop3A_250 = arith.addi %mul3A_49, %parallel_loop3A_249 : vector<16xi32>
          %parallel_loop3A_251 = arith.constant 0 : i32
          %parallel_loop3A_252 = vector.broadcast %parallel_loop3A_251 : i32 to vector<16xi32>
          %parallel_loop3A_253 = arith.addi %parallel_loop3A_242, %parallel_loop3A_252 : vector<16xi32>
          %parallel_loop3A_254 = tpu.vector_load_idx %arg10[%parallel_loop3A_253] : memref<1664xf32, #tpu.memory_space<vmem>>[vector<16xi32>], vector<16xf32>,
          %parallel_loop3A_255 = arith.constant 0 : i32
          %parallel_loop3A_256 = vector.broadcast %parallel_loop3A_255 : i32 to vector<16xi32>
          %parallel_loop3A_257 = arith.addi %parallel_loop3A_250, %parallel_loop3A_256 : vector<16xi32>
          tpu.vector_store_idx %arg9[%parallel_loop3A_246, %select_n3A_46, %parallel_loop3A_257], %parallel_loop3A_254 : memref<16x8x137xf32, #tpu.memory_space<vmem>>[vector<16xi32>, vector<16xi32>, vector<16xi32>], vector<16xf32>,
          %parallel_loop3A_258 = arith.constant 16 : i32
          %parallel_loop3A_259 = vector.broadcast %parallel_loop3A_258 : i32 to vector<16xi32>
          %parallel_loop3A_260 = arith.addi %parallel_loop3A_242, %parallel_loop3A_259 : vector<16xi32>
          %parallel_loop3A_261 = tpu.vector_load_idx %arg10[%parallel_loop3A_260] : memref<1664xf32, #tpu.memory_space<vmem>>[vector<16xi32>], vector<16xf32>,
          %parallel_loop3A_262 = arith.constant 1 : i32
          %parallel_loop3A_263 = vector.broadcast %parallel_loop3A_262 : i32 to vector<16xi32>
          %parallel_loop3A_264 = arith.addi %parallel_loop3A_250, %parallel_loop3A_263 : vector<16xi32>
          tpu.vector_store_idx %arg9[%parallel_loop3A_246, %select_n3A_46, %parallel_loop3A_264], %parallel_loop3A_261 : memref<16x8x137xf32, #tpu.memory_space<vmem>>[vector<16xi32>, vector<16xi32>, vector<16xi32>], vector<16xf32>,
          %parallel_loop3A_265 = arith.constant 32 : i32
          %parallel_loop3A_266 = vector.broadcast %parallel_loop3A_265 : i32 to vector<16xi32>
          %parallel_loop3A_267 = arith.addi %parallel_loop3A_242, %parallel_loop3A_266 : vector<16xi32>
          %parallel_loop3A_268 = tpu.vector_load_idx %arg10[%parallel_loop3A_267] : memref<1664xf32, #tpu.memory_space<vmem>>[vector<16xi32>], vector<16xf32>,
          %parallel_loop3A_269 = arith.constant 2 : i32
          %parallel_loop3A_270 = vector.broadcast %parallel_loop3A_269 : i32 to vector<16xi32>
          %parallel_loop3A_271 = arith.addi %parallel_loop3A_250, %parallel_loop3A_270 : vector<16xi32>
          tpu.vector_store_idx %arg9[%parallel_loop3A_246, %select_n3A_46, %parallel_loop3A_271], %parallel_loop3A_268 : memref<16x8x137xf32, #tpu.memory_space<vmem>>[vector<16xi32>, vector<16xi32>, vector<16xi32>], vector<16xf32>,
          %parallel_loop3A_272 = arith.constant 48 : i32
          %parallel_loop3A_273 = vector.broadcast %parallel_loop3A_272 : i32 to vector<16xi32>
          %parallel_loop3A_274 = arith.addi %parallel_loop3A_242, %parallel_loop3A_273 : vector<16xi32>
          %parallel_loop3A_275 = tpu.vector_load_idx %arg10[%parallel_loop3A_274] : memref<1664xf32, #tpu.memory_space<vmem>>[vector<16xi32>], vector<16xf32>,
          %parallel_loop3A_276 = arith.constant 3 : i32
          %parallel_loop3A_277 = vector.broadcast %parallel_loop3A_276 : i32 to vector<16xi32>
          %parallel_loop3A_278 = arith.addi %parallel_loop3A_250, %parallel_loop3A_277 : vector<16xi32>
          tpu.vector_store_idx %arg9[%parallel_loop3A_246, %select_n3A_46, %parallel_loop3A_278], %parallel_loop3A_275 : memref<16x8x137xf32, #tpu.memory_space<vmem>>[vector<16xi32>, vector<16xi32>, vector<16xi32>], vector<16xf32>,
          %parallel_loop3A_279 = arith.constant 64 : i32
          %parallel_loop3A_280 = vector.broadcast %parallel_loop3A_279 : i32 to vector<16xi32>
          %parallel_loop3A_281 = arith.addi %parallel_loop3A_242, %parallel_loop3A_280 : vector<16xi32>
          %parallel_loop3A_282 = tpu.vector_load_idx %arg10[%parallel_loop3A_281] : memref<1664xf32, #tpu.memory_space<vmem>>[vector<16xi32>], vector<16xf32>,
          %parallel_loop3A_283 = arith.constant 4 : i32
          %parallel_loop3A_284 = vector.broadcast %parallel_loop3A_283 : i32 to vector<16xi32>
          %parallel_loop3A_285 = arith.addi %parallel_loop3A_250, %parallel_loop3A_284 : vector<16xi32>
          tpu.vector_store_idx %arg9[%parallel_loop3A_246, %select_n3A_46, %parallel_loop3A_285], %parallel_loop3A_282 : memref<16x8x137xf32, #tpu.memory_space<vmem>>[vector<16xi32>, vector<16xi32>, vector<16xi32>], vector<16xf32>,
          %parallel_loop3A_286 = arith.constant 80 : i32
          %parallel_loop3A_287 = vector.broadcast %parallel_loop3A_286 : i32 to vector<16xi32>
          %parallel_loop3A_288 = arith.addi %parallel_loop3A_242, %parallel_loop3A_287 : vector<16xi32>
          %parallel_loop3A_289 = tpu.vector_load_idx %arg10[%parallel_loop3A_288] : memref<1664xf32, #tpu.memory_space<vmem>>[vector<16xi32>], vector<16xf32>,
          %parallel_loop3A_290 = arith.constant 5 : i32
          %parallel_loop3A_291 = vector.broadcast %parallel_loop3A_290 : i32 to vector<16xi32>
          %parallel_loop3A_292 = arith.addi %parallel_loop3A_250, %parallel_loop3A_291 : vector<16xi32>
          tpu.vector_store_idx %arg9[%parallel_loop3A_246, %select_n3A_46, %parallel_loop3A_292], %parallel_loop3A_289 : memref<16x8x137xf32, #tpu.memory_space<vmem>>[vector<16xi32>, vector<16xi32>, vector<16xi32>], vector<16xf32>,
          %parallel_loop3A_293 = arith.constant 96 : i32
          %parallel_loop3A_294 = vector.broadcast %parallel_loop3A_293 : i32 to vector<16xi32>
          %parallel_loop3A_295 = arith.addi %parallel_loop3A_242, %parallel_loop3A_294 : vector<16xi32>
          %parallel_loop3A_296 = tpu.vector_load_idx %arg10[%parallel_loop3A_295] : memref<1664xf32, #tpu.memory_space<vmem>>[vector<16xi32>], vector<16xf32>,
          %parallel_loop3A_297 = arith.constant 6 : i32
          %parallel_loop3A_298 = vector.broadcast %parallel_loop3A_297 : i32 to vector<16xi32>
          %parallel_loop3A_299 = arith.addi %parallel_loop3A_250, %parallel_loop3A_298 : vector<16xi32>
          tpu.vector_store_idx %arg9[%parallel_loop3A_246, %select_n3A_46, %parallel_loop3A_299], %parallel_loop3A_296 : memref<16x8x137xf32, #tpu.memory_space<vmem>>[vector<16xi32>, vector<16xi32>, vector<16xi32>], vector<16xf32>,
          %parallel_loop3A_300 = arith.constant 112 : i32
          %parallel_loop3A_301 = vector.broadcast %parallel_loop3A_300 : i32 to vector<16xi32>
          %parallel_loop3A_302 = arith.addi %parallel_loop3A_242, %parallel_loop3A_301 : vector<16xi32>
          %parallel_loop3A_303 = tpu.vector_load_idx %arg10[%parallel_loop3A_302] : memref<1664xf32, #tpu.memory_space<vmem>>[vector<16xi32>], vector<16xf32>,
          %parallel_loop3A_304 = arith.constant 7 : i32
          %parallel_loop3A_305 = vector.broadcast %parallel_loop3A_304 : i32 to vector<16xi32>
          %parallel_loop3A_306 = arith.addi %parallel_loop3A_250, %parallel_loop3A_305 : vector<16xi32>
          tpu.vector_store_idx %arg9[%parallel_loop3A_246, %select_n3A_46, %parallel_loop3A_306], %parallel_loop3A_303 : memref<16x8x137xf32, #tpu.memory_space<vmem>>[vector<16xi32>, vector<16xi32>, vector<16xi32>], vector<16xf32>,
        } {sc.loop_unroll_factor = 4 : i64, sc.parallel_access}
        %dma_start3A_212 = arith.constant 0 : i32
        %dma_start3A_213 = arith.constant 0 : i32
        %dma_start3A_214 = arith.constant 0 : i32
        %dma_start3A_215 = tpu.memref_slice %arg9[%dma_start3A_212, %dma_start3A_213, %dma_start3A_214] : memref<16x8x137xf32, #tpu.memory_space<vmem>> -> memref<16x8x128xf32, #tpu.memory_space<vmem>>
        %dma_start3A_216 = arith.constant 48 : i32
        %dma_start3A_217 = arith.constant 0 : i32
        %dma_start3A_218 = arith.constant 0 : i32
        %dma_start3A_219 = tpu.memref_slice %arg4[%dma_start3A_216, %add3A_178, %dma_start3A_217, %dma_start3A_218] : memref<64x256x8x128xf32, #tpu.memory_space<hbm>> -> memref<16x1x8x128xf32, #tpu.memory_space<hbm>>
        %dma_start3A_220 = tpu.memref_squeeze %dma_start3A_219 : memref<16x1x8x128xf32, #tpu.memory_space<hbm>> -> memref<16x8x128xf32, #tpu.memory_space<hbm>>
        %dma_start3A_221 = arith.constant 48 : i32
        %dma_start3A_222 = arith.constant 0 : i32
        %dma_start3A_223 = arith.constant 0 : i32
        %dma_start3A_224 = tpu.memref_slice %arg4[%dma_start3A_221, %add3A_178, %dma_start3A_222, %dma_start3A_223] : memref<64x256x8x128xf32, #tpu.memory_space<hbm>> -> memref<16x1x8x128xf32, #tpu.memory_space<hbm>>
        %dma_start3A_225 = tpu.memref_squeeze %dma_start3A_224 : memref<16x1x8x128xf32, #tpu.memory_space<hbm>> -> memref<16x8x128xf32, #tpu.memory_space<hbm>>
        %dma_start3A_226 = arith.constant 0 : i32
        %dma_start3A_227 = arith.constant 0 : i32
        %dma_start3A_228 = arith.constant 0 : i32
        %dma_start3A_229 = tpu.memref_slice %arg9[%dma_start3A_226, %dma_start3A_227, %dma_start3A_228] : memref<16x8x137xf32, #tpu.memory_space<vmem>> -> memref<16x8x128xf32, #tpu.memory_space<vmem>>
        tpu.enqueue_dma source(%dma_start3A_229 : memref<16x8x128xf32, #tpu.memory_space<vmem>>) target(%dma_start3A_225 : memref<16x8x128xf32, #tpu.memory_space<hbm>>) target_semaphore(%arg12 : memref<!tpu.dma_semaphore, #tpu.memory_space<semaphore_mem>>)
      } else {
      }
    }
    %scan3A_134 = arith.constant 8 : i32
    %dma_wait3A_135 = arith.constant 0 : i32
    %dma_wait3A_136 = arith.constant 0 : i32
    %dma_wait3A_137 = arith.constant 0 : i32
    %dma_wait3A_138 = arith.constant 0 : i32
    %dma_wait3A_139 = tpu.memref_slice %arg8[%dma_wait3A_136, %dma_wait3A_137, %dma_wait3A_138] : memref<16x8x137xf32, #tpu.memory_space<vmem>> -> memref<16x8x128xf32, #tpu.memory_space<vmem>>
    %dma_wait3A_140 = arith.constant 0 : i32
    %dma_wait3A_141 = arith.constant 0 : i32
    %dma_wait3A_142 = arith.constant 0 : i32
    %dma_wait3A_143 = tpu.memref_slice %arg4[%dma_wait3A_140, %dma_wait3A_135, %dma_wait3A_141, %dma_wait3A_142] : memref<64x256x8x128xf32, #tpu.memory_space<hbm>> -> memref<16x1x8x128xf32, #tpu.memory_space<hbm>>
    %dma_wait3A_144 = tpu.memref_squeeze %dma_wait3A_143 : memref<16x1x8x128xf32, #tpu.memory_space<hbm>> -> memref<16x8x128xf32, #tpu.memory_space<hbm>>
    %dma_wait3A_145 = arith.constant 0 : i32
    %dma_wait3A_146 = arith.constant 0 : i32
    %dma_wait3A_147 = arith.constant 0 : i32
    %dma_wait3A_148 = tpu.memref_slice %arg4[%dma_wait3A_145, %dma_wait3A_135, %dma_wait3A_146, %dma_wait3A_147] : memref<64x256x8x128xf32, #tpu.memory_space<hbm>> -> memref<16x1x8x128xf32, #tpu.memory_space<hbm>>
    %dma_wait3A_149 = tpu.memref_squeeze %dma_wait3A_148 : memref<16x1x8x128xf32, #tpu.memory_space<hbm>> -> memref<16x8x128xf32, #tpu.memory_space<hbm>>
    %dma_wait3A_150 = arith.constant 0 : i32
    %dma_wait3A_151 = arith.constant 0 : i32
    %dma_wait3A_152 = arith.constant 0 : i32
    %dma_wait3A_153 = tpu.memref_slice %arg8[%dma_wait3A_150, %dma_wait3A_151, %dma_wait3A_152] : memref<16x8x137xf32, #tpu.memory_space<vmem>> -> memref<16x8x128xf32, #tpu.memory_space<vmem>>
    tpu.wait_dma2 semaphore(%arg11 : memref<!tpu.dma_semaphore, #tpu.memory_space<semaphore_mem>>) src(%dma_wait3A_153 : memref<16x8x128xf32, #tpu.memory_space<vmem>>) dst(%dma_wait3A_149 : memref<16x8x128xf32, #tpu.memory_space<hbm>>)
    %dma_wait3A_154 = arith.constant 0 : i32
    %dma_wait3A_155 = arith.constant 0 : i32
    %dma_wait3A_156 = arith.constant 0 : i32
    %dma_wait3A_157 = arith.constant 0 : i32
    %dma_wait3A_158 = tpu.memref_slice %arg9[%dma_wait3A_155, %dma_wait3A_156, %dma_wait3A_157] : memref<16x8x137xf32, #tpu.memory_space<vmem>> -> memref<16x8x128xf32, #tpu.memory_space<vmem>>
    %dma_wait3A_159 = arith.constant 0 : i32
    %dma_wait3A_160 = arith.constant 0 : i32
    %dma_wait3A_161 = arith.constant 0 : i32
    %dma_wait3A_162 = tpu.memref_slice %arg4[%dma_wait3A_159, %dma_wait3A_154, %dma_wait3A_160, %dma_wait3A_161] : memref<64x256x8x128xf32, #tpu.memory_space<hbm>> -> memref<16x1x8x128xf32, #tpu.memory_space<hbm>>
    %dma_wait3A_163 = tpu.memref_squeeze %dma_wait3A_162 : memref<16x1x8x128xf32, #tpu.memory_space<hbm>> -> memref<16x8x128xf32, #tpu.memory_space<hbm>>
    %dma_wait3A_164 = arith.constant 0 : i32
    %dma_wait3A_165 = arith.constant 0 : i32
    %dma_wait3A_166 = arith.constant 0 : i32
    %dma_wait3A_167 = tpu.memref_slice %arg4[%dma_wait3A_164, %dma_wait3A_154, %dma_wait3A_165, %dma_wait3A_166] : memref<64x256x8x128xf32, #tpu.memory_space<hbm>> -> memref<16x1x8x128xf32, #tpu.memory_space<hbm>>
    %dma_wait3A_168 = tpu.memref_squeeze %dma_wait3A_167 : memref<16x1x8x128xf32, #tpu.memory_space<hbm>> -> memref<16x8x128xf32, #tpu.memory_space<hbm>>
    %dma_wait3A_169 = arith.constant 0 : i32
    %dma_wait3A_170 = arith.constant 0 : i32
    %dma_wait3A_171 = arith.constant 0 : i32
    %dma_wait3A_172 = tpu.memref_slice %arg9[%dma_wait3A_169, %dma_wait3A_170, %dma_wait3A_171] : memref<16x8x137xf32, #tpu.memory_space<vmem>> -> memref<16x8x128xf32, #tpu.memory_space<vmem>>
    tpu.wait_dma2 semaphore(%arg12 : memref<!tpu.dma_semaphore, #tpu.memory_space<semaphore_mem>>) src(%dma_wait3A_172 : memref<16x8x128xf32, #tpu.memory_space<vmem>>) dst(%dma_wait3A_168 : memref<16x8x128xf32, #tpu.memory_space<hbm>>)
    return
  }
}

</mosaic_0001>

<sc_bundles>
// kernel: _run.3.cloned.1.call-start
scs
__scs_entry_jumppad:
0x0: {  	(pc) =	sbr.rel $0x88, $3  }
0x1: {  	(tag) =	ssettag $0x0;
	lr =	simm.s32 $0x1  }
0x2: {  	[smem:$0x3F9F] =	sst lr;
	_ =	strace $0xD0000000  }
0x3: {  	_ = 	snop  }
0x4: {  	_ = 	snop  }
0x5: {  	_ = 	snop  }
0x6: {  	_ = 	snop  }
0x7: {  	_ = 	snop  }
__scs_overlays_trampoline_lowered:
0x8: {  	[smem:$0x3FAE] =	sst s0  }
0x9: {  	[smem:$0x3FAF] =	sst s1  }
0xa: {  	[smem:$0x3FB0] =	sst s2  }
0xb: {  	[smem:$0x3FB1] =	sst s3  }
0xc: {  	[smem:$0x3FB2] =	sst s4  }
0xd: {  	[smem:$0x3FB3] =	sst s5  }
0xe: {  	[smem:$0x3FB4] =	sst s6  }
0xf: {  	[smem:$0x3FB5] =	sst s7  }
0x10: {  	[smem:$0x3FB6] =	sst s8  }
0x11: {  	[smem:$0x3FB7] =	sst s9;
	s0 =	simm.s32 @!p0 $0x0  }
0x12: {  	s1 =	sld [smem:$0x3F9D];
	s0 =	simm.s32 @p0 $0x1  }
0x13: {  	[smem:$0x3FB8] =	sst s0;
	s0 =	simm.s32 @!p1 $0x0  }
0x14: {  	s2 =	sld [smem:$0x3F9C];
	s0 =	simm.s32 @p1 $0x1  }
0x15: {  	[smem:$0x3FB9] =	sst s0;
	s0 =	simm.s32 @!p2 $0x0  }
0x16: {  	s3 =	sld [smem:$0x3FDB];
	s0 =	simm.s32 @p2 $0x1  }
0x17: {  	s4 =	simm.s32 $0x1BF5;
	[smem:$0x3FBB] =	sst s0  }
0x18: {  	s0 =	sld [smem:$0x3F9E];
	_ =	swait.ge [sflag:s4], $0x0  }
0x19: {  	s7 =	sld [smem:$0x3F9F]  }
0x1a: {  	s8 =	sadd.s32 $0xFFFFE003, lr  }
0x1b: {  	s9 =	sadd.s32 $0xFFFFFEF7, lr;
	s5 =	simm.s32 $0xFFFFFFFF;
	p2 =	slt.u32 s8, $0xFFFFF086  }
0x1c: {  	p1 =	slt.u32 s9, $0xF7A;
	s5 =	simm.s32 @!p2 $0x0  }
0x1d: {  	s5 =	simm.s32 @p1 $0x1;
	p0 =	seq.s32 s7, s2  }
0x1e: {  	s7 =	smul.u32 @!p0 $0xF7A, s2;
	p2 =	seq.s32 @!p0 s5, $0x0  }
0x1f: {  	s9 =	smul.u32 $0xF7A, s1;
	s8 =	simm.s32 @!p0 $0x1BF5;
	p2 =	por !p2, p0  }
0x20: {  	[sflag:s8] =	ssyncset.s32 @!p0 $0xFFFFF086;
	s6 =	sadd.s32 @!p0 s3, s7;
	s7 =	simm.s32 @!p0 $0x108  }
0x21: {  	s3 =	sadd.s32 s3, s9;
	s6 =	sadd.s32 @!p0 $0x88, s6;
	s7 =	simm.s32 @p2 $0x1082  }
0x22: {  	[simem:s7], [sflag:s8] =	dma.local @!p0 [hbm:s6], $0xF7A  }
0x23: {  	s9 =	sor.u32 $0xD0000000, s2;
	s6 =	simm.s32 $0x108;
	_ =	swait.ge @!p0 [sflag:s8], $0x0  }
0x24: {  	s3 =	sadd.s32 $0x88, s3;
	s6 =	simm.s32 @!p1 $0x1082;
	[sflag:s4] =	ssyncset.s32 $0xFFFFF086  }
0x25: {  	[simem:s6], [sflag:s4] =	dma.local [hbm:s3], $0xF7A  }
0x26: {  	[smem:$0x3F9F] =	sst s1;
	(tag) =	ssettag s2;
	_ =	strace s9  }
0x27: {  	s1 =	sld [smem:$0x3FAF]  }
0x28: {  	s2 =	sld [smem:$0x3FB0]  }
0x29: {  	s4 =	sld [smem:$0x3FB2]  }
0x2a: {  	p0 =	seq.s32 s5, $0x0;
	s5 =	sld [smem:$0x3FB3]  }
0x2b: {  	s6 =	sld [smem:$0x3FB4]  }
0x2c: {  	s7 =	sld [smem:$0x3FB5]  }
0x2d: {  	s3 =	simm.s32 $0x108;
	s8 =	sld [smem:$0x3FB6]  }
0x2e: {  	s3 =	simm.s32 @!p0 $0x1082;
	s9 =	sld [smem:$0x3FB7]  }
0x2f: {  	lr =	sadd.s32 s0, s3;
	s0 =	sld [smem:$0x3FAE]  }
0x30: {  	s3 =	sld [smem:$0x3FB1]  }
0x31: {  	[smem:$0x3FBA] =	sst s10  }
0x32: {  	s10 =	sld [smem:$0x3FB8];
	_ =	sdelay $0x3  }
0x33: {  	p0 =	seq.s32 s10, $0x1;
	s10 =	sld [smem:$0x3FBA];
	_ =	sdelay $0x3  }
0x34: {  	[smem:$0x3FBA] =	sst s10  }
0x35: {  	s10 =	sld [smem:$0x3FB9];
	_ =	sdelay $0x3  }
0x36: {  	p1 =	seq.s32 s10, $0x1;
	s10 =	sld [smem:$0x3FBA];
	_ =	sdelay $0x3  }
0x37: {  	[smem:$0x3FBA] =	sst s10  }
0x38: {  	s10 =	sld [smem:$0x3FBB]  }
0x39: {  	_ = 	snop;
	(pc) =	sbr.ind lr, $3  }
0x3a: {  	_ = 	snop  }
0x3b: {  	_ = 	snop  }
0x3c: {  	p2 =	seq.s32 s10, $0x1;
	s10 =	sld [smem:$0x3FBA]  }
0x3d: {  	_ =	shalt  }
0x3e: {  	_ =	shalt  }
0x3f: {  	_ =	shalt  }
0x40: {  	_ =	shalt  }
0x41: {  	_ =	shalt  }
0x42: {  	_ =	shalt  }
0x43: {  	_ =	shalt  }
0x44: {  	_ =	shalt  }
0x45: {  	_ =	shalt  }
0x46: {  	_ =	shalt  }
0x47: {  	_ =	shalt  }
0x48: {  	_ =	shalt  }
0x49: {  	_ =	shalt  }
0x4a: {  	_ =	shalt  }
0x4b: {  	_ =	shalt  }
0x4c: {  	_ =	shalt  }
0x4d: {  	_ =	shalt  }
0x4e: {  	_ =	shalt  }
0x4f: {  	_ =	shalt  }
0x50: {  	_ =	shalt  }
0x51: {  	_ =	shalt  }
0x52: {  	_ =	shalt  }
0x53: {  	_ =	shalt  }
0x54: {  	_ =	shalt  }
0x55: {  	_ =	shalt  }
0x56: {  	_ =	shalt  }
0x57: {  	_ =	shalt  }
0x58: {  	_ =	shalt  }
0x59: {  	_ =	shalt  }
0x5a: {  	_ =	shalt  }
0x5b: {  	_ =	shalt  }
0x5c: {  	_ =	shalt  }
0x5d: {  	_ =	shalt  }
0x5e: {  	_ =	shalt  }
0x5f: {  	_ =	shalt  }
0x60: {  	_ =	shalt  }
0x61: {  	_ =	shalt  }
0x62: {  	_ =	shalt  }
0x63: {  	_ =	shalt  }
0x64: {  	_ =	shalt  }
0x65: {  	_ =	shalt  }
0x66: {  	_ =	shalt  }
0x67: {  	_ =	shalt  }
0x68: {  	_ =	shalt  }
0x69: {  	_ =	shalt  }
0x6a: {  	_ =	shalt  }
0x6b: {  	_ =	shalt  }
0x6c: {  	_ =	shalt  }
0x6d: {  	_ =	shalt  }
0x6e: {  	_ =	shalt  }
0x6f: {  	_ =	shalt  }
0x70: {  	_ =	shalt  }
0x71: {  	_ =	shalt  }
0x72: {  	_ =	shalt  }
0x73: {  	_ =	shalt  }
0x74: {  	_ =	shalt  }
0x75: {  	_ =	shalt  }
0x76: {  	_ =	shalt  }
0x77: {  	_ =	shalt  }
0x78: {  	_ =	shalt  }
0x79: {  	_ =	shalt  }
0x7a: {  	_ =	shalt  }
0x7b: {  	_ =	shalt  }
0x7c: {  	_ =	shalt  }
0x7d: {  	_ =	shalt  }
0x7e: {  	_ =	shalt  }
0x7f: {  	_ =	shalt  }
0x80: {  	_ =	shalt  }
0x81: {  	_ =	shalt  }
0x82: {  	_ =	shalt  }
0x83: {  	_ =	shalt  }
0x84: {  	_ =	shalt  }
0x85: {  	_ =	shalt  }
0x86: {  	_ =	shalt  }
0x87: {  	_ =	shalt  }
.Lfunc_end0:
.L_simem_size_0:
called_computation_lowered:
.L_overlay_start_0:
0x88: {  	s2 =	sld [smem:$0x3FD9]  }
0x89: {  	s3 =	sld [smem:$0x3FFE];
	_ =	sdelay $0x1  }
0x8a: {  	s1 =	srdreg.scid  }
0x8b: {  	s0 =	sand.u32 $0x1, s1  }
0x8c: {  	s18 =	sshll.u32 s0, $0xA;
	s2 =	sadd.s32 s3, s2  }
0x8d: {  	s2 =	sadd.s32 s2, s18  }
0x8e: {  	[smem:$0x3FC6] =	sst s2  }
0x8f: {  	_ = 	snop  }
0x90: {  	s2 =	sld [smem:$0x3FC9]  }
0x91: {  	s19 =	sld [smem:$0x3FC8]  }
0x92: {  	s4 =	sld [smem:$0x3FD0];
	(tm) =	ssettm $0x1  }
0x93: {  	s5 =	sld [smem:$0x3FFB];
	_ =	sdelay $0x3  }
0x94: {  	_ =	strace s5  }
0x95: {  	s5 =	sld [smem:$0x3FFC];
	_ =	sdelay $0x3  }
0x96: {  	_ =	strace s5  }
0x97: {  	s5 =	sld [smem:$0x3FFD];
	_ =	sdelay $0x3  }
0x98: {  	_ =	strace s5  }
0x99: {  	_ =	strace $0x8FFFFFFF  }
0x9a: {  	s20 =	sld [smem:$0x3FDB];
	_ =	sdelay $0x1  }
0x9b: {  	s6 =	simm.s32 $_scs_section_size  }
0x9c: {  	s7 =	simm.s32 $_size__tile_overlayer_lowered;
	s8 =	simm.s32 $_tile_overlayer_lowered  }
0x9d: {  	s23 =	simm.s32 $0x1BFF;
	s22 =	sshll.u32 s8, $0x1;
	s5 =	sadd.s32 s6, s20  }
0x9e: {  	s9 =	simm.s32 $0x0;
	s21 =	sshll.u32 s7, $0x1;
	s7 =	sadd.s32 s22, s5  }
0x9f: {  	[timem:s9], [sflag:s23] =	dma.local [hbm:s7], s21  }
0xa0: {  	_ =	swait.ge [sflag:s23], s21  }
0xa1: {  	s6 =	ssub.s32 $0x0, s21;
	[sflag:s23] =	ssyncset.done $0x0  }
0xa2: {  	[sflag:s23] =	ssyncadd.s32 s6;
	_ =	sdelay $0x1  }
0xa3: {  	s24 =	simm.s32 $0x1B8B  }
0xa4: {  	_ =	swait.ge [sflag:s24], $0x1  }
0xa5: {  	[sflag:s24] =	ssyncset.done $0x0  }
0xa6: {  	s25 =	simm.s32 $0x1B8E;
	[sflag:s24] =	ssyncadd.s32 $0xFFFFFFFF  }
0xa7: {  	s26 =	simm.s32 $execute0_lowered;
	[smem:$0x3FD2] =	sst s25  }
0xa8: {  	s6 =	sshll.u32 s26, $0x1;
	_ =	strace $0x80000046;
	[dreg:$0x1] =	wrdreg $0xFFFFFFFF  }
0xa9: {  	s28 =	simm.s32 $_size_execute0_lowered;
	s5 =	sadd.s32 s5, s6;
	[dreg:$0x0] =	wrdreg $0x0  }
0xaa: {  	s6 =	sshll.u32 s28, $0x1;
	[dreg:$0x2] =	wrdreg s5  }
0xab: {  	[dreg:$0x3] =	wrdreg s6  }
0xac: {  	[dreg:$0x4] =	wrdreg $0xC0  }
0xad: {  	_ =	task [dreg:s9], $0x5FFFF  }
0xae: {  	[dreg:$0x1] =	wrdreg $0xFFFFFFFF  }
0xaf: {  	[dreg:$0x0] =	wrdreg $0x60  }
0xb0: {  	[dreg:$0x2] =	wrdreg s2  }
0xb1: {  	[dreg:$0x3] =	wrdreg s19  }
0xb2: {  	[dreg:$0x4] =	wrdreg s4  }
0xb3: {  	[dreg:$0x5] =	wrdreg $0x9  }
0xb4: {  	_ =	task.clear_ibuf [dreg:s9], $0x6FFFF;
	_ =	strace $0x90000046  }
0xb5: {  	s29 =	simm.s32 $0x9;
	_ =	strace $0x80000048  }
0xb6: {  	_ =	swait.ge [sflag:s29], $0x1  }
0xb7: {  	[sflag:s29] =	ssyncadd.s32 $0xFFFFFFFF  }
0xb8: {  	_ =	strace $0x90000048  }
0xb9: {  	_ =	sfence  }
0xba: {  	s30 =	sld [smem:$0x0];
	_ =	sdelay $0x2  }
0xbb: {  	s31 =	sshll.u32 s1, $0xD;
	s1 =	sshrl.u32 s1, $0x2  }
0xbc: {  	s3 =	sand.u32 $0x4000, s31;
	s1 =	sadd.s32 s1, s30  }
0xbd: {  	s0 =	sor.u32 s3, s0;
	s1 =	sshll.u32 s1, $0x11  }
0xbe: {  	s0 =	sor.u32 s1, s0  }
0xbf: {  	s0 =	sadd.s32 $0x8F2B, s0  }
0xc0: {  	[sflag:s0] =	ssyncadd.remote.s32 $0x1  }
0xc1: {  	_ =	sfence.sel $0xFFFF  }
0xc2: {  	[dreg:$0x0] =	wrdreg $0xFFFFFFFF;
	(pc) =	sbr.abs _section_cstart, $3  }
0xc3: {  	[dreg:$0x1] =	wrdreg $0xFFFFFFFF  }
0xc4: {  	_ =	task.clear_ibuf [dreg:s9], $0x2FFFF;
	_ =	strace $0x9FFFFFFF  }
0xc5: {  	(tm) =	ssettm $0x7FFFFFFF  }
tec
execute0_lowered:
.L_overlay_start_1:
0x0: {  	(tag) =	ssettag $0x1  }
0x1: {  	s0 =	rddreg [dreg:$0x0];
	s1 =	srdreg.scid  }
0x2: {  	s2 =	stileid.u32;
	s6 =	rddreg [dreg:$0x2];
	s4 =	simm.s32 $0x0  }
0x3: {  	s14 =	simm.s32 $0x18800;
	s20 =	simm.s32 $0x8000;
	s21 =	simm.s32 $0x10800  }
0x4: {  	s30 =	simm.s32 $0x11000;
	s31 =	simm.s32 $0x15000;
	s19 =	simm.s32 $0x17000  }
0x5: {  	s8 =	simm.s32 $0x18000;
	s10 =	simm.s32 $0x2;
	s13 =	simm.s32 $0x1  }
0x6: {  	s9 =	simm.s32 $0x0;
	s1 =	sand.u32 $0x1, s1;
	s2 =	sshll.u32 s2, $0x1  }
0x7: {  	[smem:$0x7FF] =	sst s4;
	s25 =	sadd.s32 $0x80000, s6;
	s28 =	sadd.s32 $0x100000, s6  }
0x8: {  	s29 =	sadd.s32 $0x180000, s6;
	_ =	strace $0x80000047;
	[dreg:$0x7] =	wrdreg s25  }
0x9: {  	v0 =	vlaneseq.u32;
	s6 =	simm.s32 $0x17800;
	s2 =	sor.u32 s1, s2;
	[dreg:$0x9] =	wrdreg s28  }
0xa: {  	v62 =	vimm.s32 $0x1;
	v3 =	vimm.s32 $0x0;
	v2 =	vand.u32 $0x7, v0;
	s1 =	ssub.s32 $0x2, s1;
	[dreg:$0xa] =	wrdreg s29;
	s3 =	sshll.u32 s2, $0x4  }
0xb: {  	v4 =	vmul.u32 $0x80, v0;
	v5 =	vshrl.u32 v0, $0x3;
	v6 =	vor.u32 $0x10, v0;
	s5 =	sshrl.u32 s1, $0x1;
	s7 =	sshll.u32 s2, $0x3;
	s3 =	sadd.s32 s0, s3  }
.Ltmp0:
0xc: {  	v8 =	vor.u32 $0x20, v0;
	v10 =	vor.u32 $0x30, v0;
	v63 =	vmul.u32 $0x80, v2;
	s23 =	sadd.s32 $0x10000, s3;
	[dreg:$0x4] =	wrdreg s3;
	(pc) =	sbr.rel .LBB2_1-.Ltmp0, $4  }
0xd: {  	v12 =	vor.u32 $0x40, v0;
	v14 =	vor.u32 $0x50, v0;
	v16 =	vor.u32 $0x60, v0;
	s2 =	simm.s32 $0x16800;
	s24 =	sadd.s32 $0x20000, s3;
	[dreg:$0x5] =	wrdreg s23  }
0xe: {  	v18 =	vor.u32 $0x70, v0;
	v5 =	vmul.u32 $0x800, v5;
	s22 =	ssub.s32 s1, s5;
	v7 =	vor.u32 $0x1, v63;
	s26 =	sadd.s32 $0x30000, s3;
	[dreg:$0x6] =	wrdreg s24  }
0xf: {  	s1 =	simm.s32 $0x15800;
	v9 =	vor.u32 $0x2, v63;
	v11 =	vor.u32 $0x3, v63;
	v13 =	vor.u32 $0x4, v63;
	s0 =	smax.u32 s22, $0x1;
	[dreg:$0x8] =	wrdreg s26  }
0x10: {  	s5 =	simm.s32 $0x8800;
	v15 =	vor.u32 $0x5, v63;
	v17 =	vor.u32 $0x6, v63;
	v19 =	vor.u32 $0x7, v63;
	[dreg:$0xb] =	wrdreg s0;
	s0 =	simm.s32 $0x16000  }
.LBB2_45:
0x11: {  	_ =	swait.ge [sflag:s13], $0x4000  }
0x12: {  	[sflag:s13] =	ssyncset.done $0x0  }
0x13: {  	[sflag:s13] =	ssyncadd.s32 $0xFFFFC000  }
0x14: {  	_ =	swait.ge [sflag:s10], $0x4000  }
0x15: {  	s9 =	rddreg [dreg:$0xc]  }
0x16: {  	s3 =	rddreg [dreg:$0xb];
	s9 =	sadd.s32 $0x1, s9  }
0x17: {  	p0 =	sne.s32 s9, s3  }
.Ltmp1:
0x18: {  	_ = 	snop;
	(pc) =	sbr.rel @!p0 .LBB2_46-.Ltmp1, $3  }
0x19: {  	_ =	sdelay $0x1  }
0x1a: {  	[sflag:s10] =	ssyncset.done $0x0  }
0x1b: {  	[sflag:s10] =	ssyncadd.s32 $0xFFFFC000  }
.LBB2_1:
0x1c: {  	[dreg:$0xc] =	wrdreg s9  }
0x1d: {  	s3 =	rddreg [dreg:$0x1];
	s24 =	simm.s32 $0x4  }
0x1e: {  	[tilespmem:s14], [sflag:$0x4] =	stream.linear.gather [hbm4b:s3+s4], $0x680, $0x38;
	[tilespmem:$0x18E80] =	vst v63  }
0x1f: {  	_ =	swait.ge [sflag:s24], $0x680  }
0x20: {  	s26 =	simm.s32 $0x80;
	s11 =	simm.s32 $0x1000;
	[sflag:s24] =	ssyncset.done $0x0  }
0x21: {  	s28 =	simm.s32 $0x3;
	s25 =	rddreg [dreg:$0x4];
	[sflag:s24] =	ssyncadd.s32 $0xFFFFF980  }
0x22: {  	[tilespmem:s4], [sflag:$0x3] =	stream.strided.gather [hbm4b:s25+s26], $0x4000, s11, s26, $0x38;
	[tilespmem:$0x18E80] =	vst v63  }
.Ltmp2:
0x23: {  	_ =	swait.ge [sflag:s28], $0x4000;
	(pc) =	sbr.rel .LBB2_2-.Ltmp2, $4  }
0x24: {  	[sflag:s28] =	ssyncset.done $0x0  }
0x25: {  	s12 =	simm.s32 $0x4000;
	s29 =	rddreg [dreg:$0x5];
	[sflag:s28] =	ssyncadd.s32 $0xFFFFC000  }
0x26: {  	[tilespmem:s12], [sflag:$0x3] =	stream.strided.gather [hbm4b:s29+s26], $0x4000, s11, s26, $0x38;
	[tilespmem:$0x18E80] =	vst v63  }
0x27: {  	s15 =	simm.s32 $0x0;
	s12 =	simm.s32 $0x100  }
.LBB2_11:
0x28: {  	s15 =	sadd.s32 $0x1, s15  }
0x29: {  	p0 =	sne.s32 s15, $0x8  }
.Ltmp3:
0x2a: {  	_ = 	snop;
	(pc) =	sbr.rel @!p0 .LBB2_12-.Ltmp3, $2  }
0x2b: {  	_ =	sdelay $0x2  }
0x2c: {  	s12 =	sadd.s32 $0x10, s12;
	v62 =	vimm.s32 $0x1  }
.LBB2_2:
0x2d: {  	s3 =	simm.s32 $0x0  }
0x2e: {  	s26 =	simm.s32 $0x1;
	s9 =	simm.s32 $0x2;
	v20 =	vmov s3  }
0x2f: {  	v25 =	vld [tilespmem:s12+$0x80];
	v21 =	vmov s26;
	v22 =	vmov s9;
	v20 =	vand.u32 $0x7C, v20  }
0x30: {  	s16 =	simm.s32 $0x4;
	v21 =	vand.u32 $0x7D, v21;
	v22 =	vand.u32 $0x7E, v22;
	v20 =	vbroadcast v20, $0x0  }
0x31: {  	v23 =	vmov s16;
	v21 =	vbroadcast v21, $0x0;
	v24 =	vbroadcast v22, $0x0  }
0x32: {  	v28 =	vld [tilespmem:s12+$0xFFFFFF00];
	v22 =	vand.u32 $0x7C, v23  }
0x33: {  	s28 =	simm.s32 $0x3;
	v29 =	vld [tilespmem:s12+$0xFFFFFF80];
	v23 =	vor.u32 v4, v20;
	v21 =	vor.u32 v4, v21;
	v20 =	vor.u32 v4, v24  }
0x34: {  	v30 =	vld [tilespmem:s12+$0x0];
	vm0 =	vge.f32 v25, $-9.000000000e+02;
	vm1 =	vge.f32 v25, $-4.000000000e+02;
	v24 =	vor.u32 s28, v4  }
0x35: {  	vm13 =	vge.f32 v25, $-1.000000000e+02;
	vm14 =	vge.f32 v25, $-5.000000000e+01;
	vm15 =	vge.f32 v25, $-1.000000000e+01  }
0x36: {  	vm4 =	vge.f32 v25, $2.000000000e+01;
	vm5 =	vge.f32 v25, $4.000000000e+01;
	vm6 =	vge.f32 v25, $6.000000000e+01  }
0x37: {  	vm7 =	vge.f32 v25, $1.000000000e+02;
	vm8 =	vge.f32 v25, $8.000000000e+02;
	vm9 =	vge.f32 v25, $1.000000000e+03  }
0x38: {  	vm10 =	vge.f32 v28, $-9.000000000e+02;
	vm11 =	vge.f32 v28, $-4.000000000e+02;
	vm2 =	vge.f32 v29, $-9.000000000e+02  }
0x39: {  	vm3 =	vge.f32 v29, $-4.000000000e+02;
	vm12 =	vge.f32 v30, $-4.000000000e+02;
	v26 =	vsel vm0, $0x2, v62  }
0x3a: {  	v27 =	vsel vm1, $0x1, v3;
	v31 =	vsel vm2, $0x2, v62;
	v32 =	vsel vm3, $0x1, v3  }
0x3b: {  	v39 =	vsel vm12, $0x1, v3;
	vm12 =	vge.f32 v30, $2.000000000e+01;
	v26 =	vadd.s32 v27, v26  }
0x3c: {  	v27 =	vsel vm13, $0x1, v3;
	vm13 =	vge.f32 v28, $-1.000000000e+02;
	v31 =	vadd.s32 v32, v31  }
0x3d: {  	v51 =	vsel vm12, $0x1, v3;
	vm12 =	vge.f32 v30, $8.000000000e+02;
	v26 =	vadd.s32 v27, v26  }
0x3e: {  	v27 =	vsel vm14, $0x1, v3;
	vm14 =	vge.f32 v29, $-1.000000000e+02;
	v40 =	vsel vm13, $0x1, v3  }
0x3f: {  	vm13 =	vge.f32 v28, $4.000000000e+01;
	v26 =	vadd.s32 v27, v26;
	v27 =	vsel vm15, $0x1, v3  }
0x40: {  	vm15 =	vge.f32 v30, $-1.000000000e+02;
	v41 =	vsel vm14, $0x1, v3;
	vm14 =	vge.f32 v29, $4.000000000e+01  }
0x41: {  	v52 =	vsel vm13, $0x1, v3;
	vm13 =	vge.f32 v28, $1.000000000e+03;
	v26 =	vadd.s32 v27, v26  }
0x42: {  	v27 =	vsel vm4, $0x1, v3;
	vm4 =	vge.f32 v30, $-9.000000000e+02;
	v31 =	vadd.s32 v41, v31  }
0x43: {  	v42 =	vsel vm15, $0x1, v3;
	vm15 =	vge.f32 v30, $4.000000000e+01;
	v53 =	vsel vm14, $0x1, v3  }
0x44: {  	vm14 =	vge.f32 v29, $1.000000000e+03;
	v26 =	vadd.s32 v27, v26;
	v27 =	vsel vm5, $0x1, v3  }
0x45: {  	vm5 =	vge.f32 v29, $-5.000000000e+01;
	v54 =	vsel vm15, $0x1, v3;
	vm15 =	vge.f32 v30, $1.000000000e+03  }
0x46: {  	v26 =	vadd.s32 v27, v26;
	v27 =	vsel vm6, $0x1, v3;
	vm6 =	vge.f32 v30, $-5.000000000e+01  }
0x47: {  	v44 =	vsel vm5, $0x1, v3;
	vm5 =	vge.f32 v29, $6.000000000e+01;
	v26 =	vadd.s32 v27, v26  }
0x48: {  	v27 =	vsel vm7, $0x1, v3;
	vm7 =	vge.f32 v28, $-1.000000000e+01;
	v31 =	vadd.s32 v44, v31  }
0x49: {  	v45 =	vsel vm6, $0x1, v3;
	vm6 =	vge.f32 v30, $6.000000000e+01;
	v56 =	vsel vm5, $0x1, v3  }
0x4a: {  	v26 =	vadd.s32 v27, v26;
	v27 =	vsel vm8, $0x1, v3;
	vm8 =	vge.f32 v29, $-1.000000000e+01  }
0x4b: {  	v46 =	vsel vm7, $0x1, v3;
	vm7 =	vge.f32 v28, $1.000000000e+02;
	v57 =	vsel vm6, $0x1, v3  }
0x4c: {  	v25 =	vadd.s32 v27, v26;
	v26 =	vsel vm9, $0x1, v3;
	v27 =	vsel vm11, $0x1, v3  }
0x4d: {  	vm9 =	vge.f32 v30, $-1.000000000e+01;
	v47 =	vsel vm8, $0x1, v3;
	vm11 =	vge.f32 v29, $2.000000000e+01  }
0x4e: {  	vm8 =	vge.f32 v29, $1.000000000e+02;
	v58 =	vsel vm7, $0x1, v3;
	v25 =	vadd.s32 v26, v25  }
0x4f: {  	v26 =	vsel vm10, $0x2, v62;
	vm10 =	vge.f32 v28, $2.000000000e+01;
	v31 =	vadd.s32 v47, v31  }
0x50: {  	v48 =	vsel vm9, $0x1, v3;
	v50 =	vsel vm11, $0x1, v3;
	vm9 =	vge.f32 v30, $1.000000000e+02  }
0x51: {  	v59 =	vsel vm8, $0x1, v3;
	vm11 =	vge.f32 v29, $8.000000000e+02;
	v29 =	vsel vm12, $0x1, v3  }
0x52: {  	v30 =	vsel vm13, $0x1, v3;
	v26 =	vadd.s32 v27, v26;
	v27 =	vsel vm4, $0x2, v62  }
0x53: {  	vm4 =	vge.f32 v28, $-5.000000000e+01;
	v49 =	vsel vm10, $0x1, v3;
	v31 =	vadd.s32 v50, v31  }
0x54: {  	v25 =	vshll.u32 v25, $0x7;
	v60 =	vsel vm9, $0x1, v3;
	vm10 =	vge.f32 v28, $8.000000000e+02  }
0x55: {  	v27 =	vadd.s32 v39, v27;
	v26 =	vadd.s32 v40, v26;
	v43 =	vsel vm4, $0x1, v3  }
0x56: {  	vm4 =	vge.f32 v28, $6.000000000e+01;
	v31 =	vadd.s32 v53, v31;
	v61 =	vsel vm10, $0x1, v3  }
0x57: {  	v28 =	vsel vm11, $0x1, v3;
	v27 =	vadd.s32 v42, v27;
	v26 =	vadd.s32 v43, v26  }
0x58: {  	v55 =	vsel vm4, $0x1, v3;
	v27 =	vadd.s32 v45, v27;
	v26 =	vadd.s32 v46, v26  }
0x59: {  	v31 =	vadd.s32 v56, v31;
	v27 =	vadd.s32 v48, v27;
	v26 =	vadd.s32 v49, v26  }
0x5a: {  	v31 =	vadd.s32 v59, v31;
	v27 =	vadd.s32 v51, v27;
	v26 =	vadd.s32 v52, v26  }
0x5b: {  	v28 =	vadd.s32 v28, v31;
	v27 =	vadd.s32 v54, v27;
	v26 =	vadd.s32 v55, v26  }
0x5c: {  	v31 =	vsel vm14, $0x1, v3;
	v27 =	vadd.s32 v57, v27;
	v26 =	vadd.s32 v58, v26  }
0x5d: {  	v28 =	vadd.s32 v31, v28;
	v27 =	vadd.s32 v60, v27;
	v26 =	vadd.s32 v61, v26  }
0x5e: {  	v27 =	vadd.s32 v29, v27;
	v26 =	vadd.s32 v30, v26;
	v29 =	vsel vm15, $0x1, v3  }
0x5f: {  	s29 =	simm.s32 $0x5;
	s11 =	simm.s32 $0x6;
	s3 =	sadd.s32 $0x200, s12;
	[tilespmem:v24+s20+$0x0] =	vst.idx.msk $0xffff, v25;
	v25 =	vshll.u32 v28, $0x7;
	v24 =	vshll.u32 v26, $0x7;
	v29 =	vadd.s32 v29, v27  }
0x60: {  	s9 =	simm.s32 $0x8;
	v28 =	vld [tilespmem:s3+$0x80];
	v26 =	vmov s29;
	v27 =	vmov s11;
	[tilespmem:v23+s20+$0x0] =	vst.idx.msk $0xffff, v24;
	v23 =	vshll.u32 v29, $0x7  }
.LBB2_3:
0x61: {  	p0 =	slt.u32 s9, $0x7C;
	v29 =	vbroadcast v22, $0x0;
	v24 =	vld [tilespmem:s3+$0xFFFFFF80];
	v22 =	vand.u32 $0x7D, v26;
	v26 =	vand.u32 $0x7E, v27;
	[tilespmem:v21+s20+$0x0] =	vst.idx.msk $0xffff, v25  }
0x62: {  	v21 =	vmov s9;
	v27 =	vbroadcast v22, $0x0;
	v25 =	vld [tilespmem:s3+$0x0];
	v30 =	vbroadcast v26, $0x0;
	[tilespmem:v20+s20+$0x0] =	vst.idx.msk $0xffff, v23  }
0x63: {  	v22 =	vand.u32 $0x7C, v21;
	v26 =	vld [tilespmem:s3+$0xFFFFFF00]  }
0x64: {  	s11 =	sadd.s32 $0x3, s16;
	s16 =	smov.u32 s9;
	v23 =	vor.u32 v4, v29;
	v21 =	vor.u32 v4, v27;
	v20 =	vor.u32 v4, v30  }
0x65: {  	v27 =	vor.u32 s11, v4;
	vm0 =	vge.f32 v28, $-9.000000000e+02;
	vm1 =	vge.f32 v28, $-4.000000000e+02  }
0x66: {  	v29 =	vsel vm0, $0x2, v62;
	v30 =	vsel vm1, $0x1, v3;
	vm0 =	vge.f32 v28, $-1.000000000e+02  }
0x67: {  	v29 =	vadd.s32 v30, v29;
	v30 =	vsel vm0, $0x1, v3;
	vm0 =	vge.f32 v28, $-5.000000000e+01  }
0x68: {  	v29 =	vadd.s32 v30, v29;
	v30 =	vsel vm0, $0x1, v3;
	vm0 =	vge.f32 v28, $-1.000000000e+01  }
0x69: {  	v29 =	vadd.s32 v30, v29;
	v30 =	vsel vm0, $0x1, v3;
	vm0 =	vge.f32 v28, $2.000000000e+01  }
0x6a: {  	v29 =	vadd.s32 v30, v29;
	v30 =	vsel vm0, $0x1, v3;
	vm0 =	vge.f32 v28, $4.000000000e+01  }
0x6b: {  	v29 =	vadd.s32 v30, v29;
	v30 =	vsel vm0, $0x1, v3;
	vm0 =	vge.f32 v28, $6.000000000e+01  }
0x6c: {  	v29 =	vadd.s32 v30, v29;
	v30 =	vsel vm0, $0x1, v3;
	vm0 =	vge.f32 v28, $1.000000000e+02  }
0x6d: {  	v29 =	vadd.s32 v30, v29;
	v30 =	vsel vm0, $0x1, v3;
	vm0 =	vge.f32 v28, $8.000000000e+02  }
0x6e: {  	v29 =	vadd.s32 v30, v29;
	v30 =	vsel vm0, $0x1, v3;
	vm0 =	vge.f32 v28, $1.000000000e+03  }
0x6f: {  	vm1 =	vge.f32 v26, $-9.000000000e+02;
	v28 =	vadd.s32 v30, v29;
	v29 =	vsel vm0, $0x1, v3  }
0x70: {  	vm2 =	vge.f32 v24, $-9.000000000e+02;
	vm0 =	vge.f32 v26, $-4.000000000e+02;
	v28 =	vadd.s32 v29, v28  }
0x71: {  	vm3 =	vge.f32 v24, $-4.000000000e+02;
	vm4 =	vge.f32 v25, $-9.000000000e+02;
	v28 =	vshll.u32 v28, $0x7  }
0x72: {  	v29 =	vsel vm1, $0x2, v62;
	v30 =	vsel vm0, $0x1, v3;
	vm0 =	vge.f32 v25, $-4.000000000e+02;
	[tilespmem:v27+s20+$0x0] =	vst.idx.msk $0xffff, v28  }
0x73: {  	v31 =	vsel vm4, $0x2, v62;
	v27 =	vsel vm2, $0x2, v62;
	v28 =	vsel vm3, $0x1, v3  }
0x74: {  	vm1 =	vge.f32 v26, $-1.000000000e+02;
	v32 =	vsel vm0, $0x1, v3;
	vm2 =	vge.f32 v24, $-1.000000000e+02  }
0x75: {  	v29 =	vadd.s32 v30, v29;
	vm0 =	vge.f32 v25, $-1.000000000e+02;
	v27 =	vadd.s32 v28, v27  }
0x76: {  	v31 =	vadd.s32 v32, v31;
	v28 =	vsel vm1, $0x1, v3;
	v30 =	vsel vm2, $0x1, v3  }
0x77: {  	v32 =	vsel vm0, $0x1, v3;
	vm1 =	vge.f32 v26, $-5.000000000e+01;
	vm2 =	vge.f32 v24, $-5.000000000e+01  }
0x78: {  	vm0 =	vge.f32 v25, $-5.000000000e+01;
	v28 =	vadd.s32 v28, v29;
	v27 =	vadd.s32 v30, v27  }
0x79: {  	v31 =	vadd.s32 v32, v31;
	v29 =	vsel vm1, $0x1, v3;
	v30 =	vsel vm2, $0x1, v3  }
0x7a: {  	v32 =	vsel vm0, $0x1, v3;
	vm1 =	vge.f32 v26, $-1.000000000e+01;
	vm2 =	vge.f32 v24, $-1.000000000e+01  }
0x7b: {  	vm0 =	vge.f32 v25, $-1.000000000e+01;
	v28 =	vadd.s32 v29, v28;
	v27 =	vadd.s32 v30, v27  }
0x7c: {  	v31 =	vadd.s32 v32, v31;
	v29 =	vsel vm1, $0x1, v3;
	v30 =	vsel vm2, $0x1, v3  }
0x7d: {  	v32 =	vsel vm0, $0x1, v3;
	vm1 =	vge.f32 v26, $2.000000000e+01;
	vm2 =	vge.f32 v24, $2.000000000e+01  }
0x7e: {  	vm0 =	vge.f32 v25, $2.000000000e+01;
	v28 =	vadd.s32 v29, v28;
	v27 =	vadd.s32 v30, v27  }
0x7f: {  	v31 =	vadd.s32 v32, v31;
	v29 =	vsel vm1, $0x1, v3;
	v30 =	vsel vm2, $0x1, v3  }
0x80: {  	v32 =	vsel vm0, $0x1, v3;
	vm1 =	vge.f32 v26, $4.000000000e+01;
	vm2 =	vge.f32 v24, $4.000000000e+01  }
0x81: {  	vm0 =	vge.f32 v25, $4.000000000e+01;
	v28 =	vadd.s32 v29, v28;
	v27 =	vadd.s32 v30, v27  }
0x82: {  	v31 =	vadd.s32 v32, v31;
	v29 =	vsel vm1, $0x1, v3;
	v30 =	vsel vm2, $0x1, v3  }
0x83: {  	v32 =	vsel vm0, $0x1, v3;
	vm1 =	vge.f32 v26, $6.000000000e+01;
	vm2 =	vge.f32 v24, $6.000000000e+01  }
0x84: {  	vm0 =	vge.f32 v25, $6.000000000e+01;
	v28 =	vadd.s32 v29, v28;
	v27 =	vadd.s32 v30, v27  }
0x85: {  	v31 =	vadd.s32 v32, v31;
	v29 =	vsel vm1, $0x1, v3;
	v30 =	vsel vm2, $0x1, v3  }
0x86: {  	v32 =	vsel vm0, $0x1, v3;
	vm1 =	vge.f32 v26, $1.000000000e+02;
	vm2 =	vge.f32 v24, $1.000000000e+02  }
0x87: {  	vm0 =	vge.f32 v25, $1.000000000e+02;
	v28 =	vadd.s32 v29, v28;
	v27 =	vadd.s32 v30, v27  }
0x88: {  	v31 =	vadd.s32 v32, v31;
	v29 =	vsel vm1, $0x1, v3;
	v30 =	vsel vm2, $0x1, v3  }
0x89: {  	v32 =	vsel vm0, $0x1, v3;
	vm1 =	vge.f32 v26, $8.000000000e+02;
	vm2 =	vge.f32 v24, $8.000000000e+02  }
0x8a: {  	vm0 =	vge.f32 v25, $8.000000000e+02;
	v28 =	vadd.s32 v29, v28;
	v27 =	vadd.s32 v30, v27  }
0x8b: {  	v31 =	vadd.s32 v32, v31;
	v29 =	vsel vm1, $0x1, v3;
	v30 =	vsel vm2, $0x1, v3  }
0x8c: {  	vm1 =	vge.f32 v26, $1.000000000e+03;
	vm2 =	vge.f32 v24, $1.000000000e+03;
	v24 =	vsel vm0, $0x1, v3  }
.Ltmp4:
0x8d: {  	vm0 =	vge.f32 v25, $1.000000000e+03;
	v26 =	vadd.s32 v29, v28;
	v27 =	vadd.s32 v30, v27;
	(pc) =	sbr.rel @p0 .LBB2_3-.Ltmp4, $4  }
0x8e: {  	v25 =	vsel vm1, $0x1, v3;
	v28 =	vsel vm2, $0x1, v3;
	v24 =	vadd.s32 v24, v31  }
0x8f: {  	v25 =	vadd.s32 v25, v26;
	v26 =	vadd.s32 v28, v27;
	v27 =	vsel vm0, $0x1, v3  }
0x90: {  	s17 =	sadd.s32 $0x2, s9;
	s3 =	sadd.s32 $0x200, s3;
	s11 =	sadd.s32 $0x1, s9;
	v29 =	vshll.u32 v25, $0x7;
	v25 =	vshll.u32 v26, $0x7;
	v24 =	vadd.s32 v27, v24  }
0x91: {  	s9 =	sadd.s32 $0x4, s9;
	v26 =	vmov s11;
	v27 =	vmov s17;
	v28 =	vld [tilespmem:s3+$0x80];
	[tilespmem:v23+s20+$0x0] =	vst.idx.msk $0xffff, v29;
	v23 =	vshll.u32 v24, $0x7  }
0x92: {  	_ = 	snop  }
0x93: {  	v22 =	vbroadcast v22, $0x0;
	v26 =	vand.u32 $0x7D, v26;
	v27 =	vand.u32 $0x7E, v27  }
0x94: {  	v26 =	vbroadcast v26, $0x0;
	v27 =	vbroadcast v27, $0x0  }
0x95: {  	v22 =	vor.u32 v4, v22  }
0x96: {  	v26 =	vor.u32 v4, v26;
	v27 =	vor.u32 v4, v27;
	vm0 =	vge.f32 v28, $-9.000000000e+02  }
0x97: {  	vm1 =	vge.f32 v28, $-4.000000000e+02;
	vm13 =	vge.f32 v28, $-1.000000000e+02;
	vm14 =	vge.f32 v28, $-5.000000000e+01  }
0x98: {  	v30 =	vld [tilespmem:s3+$0xFFFFFF00];
	vm15 =	vge.f32 v28, $-1.000000000e+01;
	vm4 =	vge.f32 v28, $2.000000000e+01;
	vm5 =	vge.f32 v28, $4.000000000e+01  }
0x99: {  	v31 =	vld [tilespmem:s3+$0xFFFFFF80];
	vm6 =	vge.f32 v28, $6.000000000e+01;
	vm7 =	vge.f32 v28, $1.000000000e+02;
	vm8 =	vge.f32 v28, $8.000000000e+02  }
0x9a: {  	v32 =	vld [tilespmem:s3+$0x0];
	vm9 =	vge.f32 v28, $1.000000000e+03;
	v24 =	vsel vm0, $0x2, v62;
	v29 =	vsel vm1, $0x1, v3  }
0x9b: {  	v50 =	vsel vm13, $0x1, v3;
	v51 =	vsel vm14, $0x1, v3;
	v52 =	vsel vm15, $0x1, v3  }
0x9c: {  	v53 =	vsel vm4, $0x1, v3;
	v54 =	vsel vm5, $0x1, v3;
	v55 =	vsel vm6, $0x1, v3  }
0x9d: {  	v56 =	vsel vm7, $0x1, v3;
	v57 =	vsel vm8, $0x1, v3;
	vm10 =	vge.f32 v30, $-9.000000000e+02  }
0x9e: {  	v28 =	vsel vm9, $0x1, v3;
	vm11 =	vge.f32 v30, $-4.000000000e+02;
	vm2 =	vge.f32 v31, $-9.000000000e+02  }
0x9f: {  	vm3 =	vge.f32 v31, $-4.000000000e+02;
	vm4 =	vge.f32 v32, $-9.000000000e+02;
	vm12 =	vge.f32 v32, $-4.000000000e+02  }
0xa0: {  	vm13 =	vge.f32 v30, $-1.000000000e+02;
	vm14 =	vge.f32 v31, $-1.000000000e+02;
	vm15 =	vge.f32 v32, $-1.000000000e+02  }
0xa1: {  	vm5 =	vge.f32 v31, $-5.000000000e+01;
	vm6 =	vge.f32 v32, $-5.000000000e+01;
	vm7 =	vge.f32 v30, $-1.000000000e+01  }
0xa2: {  	vm8 =	vge.f32 v31, $-1.000000000e+01;
	vm9 =	vge.f32 v32, $-1.000000000e+01;
	v24 =	vadd.s32 v29, v24  }
0xa3: {  	v58 =	vsel vm10, $0x2, v62;
	v59 =	vsel vm11, $0x1, v3;
	v33 =	vsel vm2, $0x2, v62  }
0xa4: {  	v34 =	vsel vm3, $0x1, v3;
	v35 =	vsel vm4, $0x2, v62;
	v61 =	vsel vm12, $0x1, v3  }
0xa5: {  	v62 =	vsel vm13, $0x1, v3;
	v36 =	vsel vm14, $0x1, v3;
	vm4 =	vge.f32 v30, $-5.000000000e+01  }
0xa6: {  	v37 =	vsel vm15, $0x1, v3;
	v39 =	vsel vm5, $0x1, v3;
	v40 =	vsel vm6, $0x1, v3  }
0xa7: {  	v41 =	vsel vm7, $0x1, v3;
	v42 =	vsel vm8, $0x1, v3;
	vm10 =	vge.f32 v30, $2.000000000e+01  }
0xa8: {  	vm11 =	vge.f32 v31, $2.000000000e+01;
	v43 =	vsel vm9, $0x1, v3;
	vm12 =	vge.f32 v32, $2.000000000e+01  }
0xa9: {  	vm13 =	vge.f32 v30, $4.000000000e+01;
	vm14 =	vge.f32 v31, $4.000000000e+01;
	vm15 =	vge.f32 v32, $4.000000000e+01  }
0xaa: {  	vm5 =	vge.f32 v31, $6.000000000e+01;
	vm6 =	vge.f32 v32, $6.000000000e+01;
	vm7 =	vge.f32 v30, $1.000000000e+02  }
0xab: {  	vm8 =	vge.f32 v31, $1.000000000e+02;
	vm9 =	vge.f32 v32, $1.000000000e+02;
	v24 =	vadd.s32 v50, v24  }
0xac: {  	v60 =	vadd.s32 v34, v33;
	v33 =	vadd.s32 v61, v35;
	v38 =	vsel vm4, $0x1, v3  }
0xad: {  	v44 =	vsel vm10, $0x1, v3;
	v45 =	vsel vm11, $0x1, v3;
	v46 =	vsel vm12, $0x1, v3  }
0xae: {  	v47 =	vsel vm13, $0x1, v3;
	v48 =	vsel vm14, $0x1, v3;
	vm4 =	vge.f32 v30, $6.000000000e+01  }
0xaf: {  	v49 =	vsel vm15, $0x1, v3;
	vm10 =	vge.f32 v30, $8.000000000e+02;
	vm11 =	vge.f32 v30, $1.000000000e+03  }
0xb0: {  	vm12 =	vge.f32 v31, $8.000000000e+02;
	vm13 =	vge.f32 v31, $1.000000000e+03;
	vm14 =	vge.f32 v32, $8.000000000e+02  }
0xb1: {  	vm15 =	vge.f32 v32, $1.000000000e+03;
	v24 =	vadd.s32 v51, v24;
	v29 =	vadd.s32 v36, v60  }
0xb2: {  	v33 =	vadd.s32 v37, v33;
	v50 =	vsel vm4, $0x1, v3;
	v51 =	vsel vm5, $0x1, v3  }
0xb3: {  	[tilespmem:v20+s20+$0x0] =	vst.idx.msk $0xffff, v23;
	v60 =	vsel vm11, $0x1, v3;
	v20 =	vsel vm13, $0x1, v3;
	v24 =	vadd.s32 v52, v24  }
0xb4: {  	v29 =	vadd.s32 v39, v29;
	v33 =	vadd.s32 v40, v33;
	v24 =	vadd.s32 v53, v24  }
0xb5: {  	v52 =	vsel vm6, $0x1, v3;
	v29 =	vadd.s32 v42, v29;
	v24 =	vadd.s32 v54, v24  }
0xb6: {  	v33 =	vadd.s32 v43, v33;
	v53 =	vsel vm7, $0x1, v3;
	v24 =	vadd.s32 v55, v24  }
0xb7: {  	v29 =	vadd.s32 v45, v29;
	v33 =	vadd.s32 v46, v33;
	v24 =	vadd.s32 v56, v24  }
0xb8: {  	v54 =	vsel vm8, $0x1, v3;
	v29 =	vadd.s32 v48, v29;
	v24 =	vadd.s32 v57, v24  }
0xb9: {  	v33 =	vadd.s32 v49, v33;
	v24 =	vadd.s32 v28, v24;
	v28 =	vadd.s32 v59, v58  }
0xba: {  	v55 =	vsel vm9, $0x1, v3;
	v29 =	vadd.s32 v51, v29;
	v28 =	vadd.s32 v62, v28  }
0xbb: {  	s29 =	sadd.s32 $0x3, s16;
	v33 =	vadd.s32 v52, v33;
	v56 =	vsel vm10, $0x1, v3;
	v28 =	vadd.s32 v38, v28  }
0xbc: {  	v29 =	vadd.s32 v54, v29;
	v57 =	vor.u32 s29, v4;
	v28 =	vadd.s32 v41, v28  }
0xbd: {  	v33 =	vadd.s32 v55, v33;
	v58 =	vsel vm12, $0x1, v3;
	v28 =	vadd.s32 v44, v28  }
0xbe: {  	s17 =	sand.u32 $0x1, s15;
	v59 =	vsel vm14, $0x1, v3;
	v29 =	vadd.s32 v58, v29;
	v28 =	vadd.s32 v47, v28  }
0xbf: {  	[tilespmem:v21+s20+$0x0] =	vst.idx.msk $0xffff, v25;
	p0 =	seq.s32 s17, $0x1;
	v24 =	vshll.u32 v24, $0x7;
	v21 =	vadd.s32 v59, v33;
	v28 =	vadd.s32 v50, v28  }
.Ltmp5:
0xc0: {  	v62 =	vsel vm15, $0x1, v3;
	v20 =	vadd.s32 v20, v29;
	v28 =	vadd.s32 v53, v28;
	(pc) =	sbr.rel @p0 .LBB2_8-.Ltmp5, $4  }
0xc1: {  	v21 =	vadd.s32 v62, v21;
	v20 =	vshll.u32 v20, $0x7;
	[tilespmem:v57+s20+$0x0] =	vst.idx.msk $0xffff, v24;
	v28 =	vadd.s32 v56, v28  }
0xc2: {  	v21 =	vshll.u32 v21, $0x7;
	[tilespmem:v26+s20+$0x0] =	vst.idx.msk $0xffff, v20;
	v61 =	vadd.s32 v60, v28  }
0xc3: {  	[tilespmem:v27+s20+$0x0] =	vst.idx.msk $0xffff, v21;
	v23 =	vshll.u32 v61, $0x7  }
0xc4: {  	s16 =	sadd.s32 s7, s15;
	[tilespmem:v22+s20+$0x0] =	vst.idx.msk $0xffff, v23  }
0xc5: {  	p0 =	slt.u32 s15, $0x2;
	s3 =	simm.s32 $0x0  }
0xc6: {  	s11 =	simm.s32 $0x0;
	s9 =	simm.s32 @!p0 $0x1;
	s3 =	sand.u32 $0x1E00, s3  }
0xc7: {  	s18 =	sand.u32 $0x4, s11;
	_ =	swait.ge @!p0 [sflag:s9], $0x4000;
	s3 =	sshrl.u32 s3, $0x2  }
0xc8: {  	s22 =	sshll.u32 s18, $0x4;
	[sflag:s9] =	ssyncset.done @!p0 $0x0;
	s3 =	sor.u32 $0x8000, s3  }
0xc9: {  	[sflag:s9] =	ssyncadd.s32 @!p0 $0xFFFFC000;
	s25 =	sor.u32 s22, s3  }
0xca: {  	v21 =	vld [tilespmem:s25+$0x0]  }
0xcb: {  	s23 =	sor.u32 $0x3, s18  }
0xcc: {  	s26 =	sor.u32 $0x2, s18;
	s24 =	sshll.u32 s23, $0x4  }
0xcd: {  	s28 =	sshll.u32 s26, $0x4;
	s24 =	sor.u32 s24, s3  }
0xce: {  	s22 =	sor.u32 s28, s3;
	v24 =	vld [tilespmem:s24+$0x0]  }
0xcf: {  	v27 =	vld [tilespmem:s22+$0x0];
	v20 =	vadd.s32 v0, v21  }
0xd0: {  	s29 =	sor.u32 $0x1, s18;
	s18 =	sshll.u32 s18, $0x1  }
0xd1: {  	v22 =	vmov s18;
	s25 =	sshll.u32 s29, $0x4  }
0xd2: {  	s11 =	sand.u32 $0x78, s11;
	v22 =	vshll.u32 v22, $0xB;
	s3 =	sor.u32 s25, s3  }
0xd3: {  	v25 =	vor.u32 s11, v63;
	s18 =	sshll.u32 s23, $0x1;
	v22 =	vor.u32 v5, v22;
	v23 =	vld [tilespmem:s3+$0x0];
	v31 =	vadd.s32 v0, v24  }
0xd4: {  	v32 =	vmov s18;
	v29 =	vor.u32 v22, v25;
	v28 =	vadd.s32 v0, v27;
	v26 =	vld.idx.msk [tilespmem:v20+s14+$0x0], $0xffff  }
0xd5: {  	s9 =	sshll.u32 s26, $0x1;
	v32 =	vshll.u32 v32, $0xB;
	v30 =	vadd.s32 v6, v21  }
0xd6: {  	v32 =	vor.u32 v5, v32;
	v20 =	vmov s9  }
0xd7: {  	v37 =	vor.u32 v32, v25;
	v20 =	vshll.u32 v20, $0xB  }
0xd8: {  	v39 =	vadd.s32 v6, v24;
	v33 =	vadd.s32 v0, v23;
	v31 =	vld.idx.msk [tilespmem:v31+s14+$0x0], $0xffff;
	v34 =	vor.u32 v5, v20  }
0xd9: {  	s22 =	sshll.u32 s29, $0x1;
	v28 =	vld.idx.msk [tilespmem:v28+s14+$0x0], $0xffff;
	v20 =	vor.u32 s11, v22;
	[tilespmem:v29+s5+$0x0] =	vst.idx.msk $0xffff, v26;
	v26 =	vor.u32 v34, v25  }
0xda: {  	v22 =	vmov s22;
	v35 =	vor.u32 v7, v20;
	v29 =	vld.idx.msk [tilespmem:v30+s14+$0x0], $0xffff;
	v30 =	vadd.s32 v6, v27  }
0xdb: {  	v36 =	vadd.s32 v8, v21;
	v22 =	vshll.u32 v22, $0xB  }
0xdc: {  	v32 =	vor.u32 s11, v32;
	v38 =	vor.u32 v5, v22  }
0xdd: {  	s23 =	simm.s32 $0x100;
	v50 =	vor.u32 v7, v32;
	v33 =	vld.idx.msk [tilespmem:v33+s14+$0x0], $0xffff;
	v25 =	vor.u32 v38, v25;
	[tilespmem:v37+s5+$0x0] =	vst.idx.msk $0xffff, v31  }
0xde: {  	s18 =	simm.s32 $0x4;
	s3 =	sand.u32 $0x1E00, s23;
	v22 =	vor.u32 s11, v34;
	v37 =	vld.idx.msk [tilespmem:v39+s14+$0x0], $0xffff;
	[tilespmem:v26+s5+$0x0] =	vst.idx.msk $0xffff, v28;
	v28 =	vadd.s32 v6, v23  }
0xdf: {  	s3 =	sshrl.u32 s3, $0x2;
	v51 =	vadd.s32 v8, v24;
	s9 =	sand.u32 $0x4, s18;
	v30 =	vld.idx.msk [tilespmem:v30+s14+$0x0], $0xffff;
	[tilespmem:v35+s5+$0x0] =	vst.idx.msk $0xffff, v29;
	v29 =	vor.u32 v7, v22  }
0xe0: {  	v41 =	vadd.s32 v8, v27;
	s24 =	sshll.u32 s9, $0x4;
	v40 =	vor.u32 v9, v20;
	v26 =	vor.u32 s11, v38;
	s11 =	sor.u32 $0x8000, s3;
	v35 =	vld.idx.msk [tilespmem:v36+s14+$0x0], $0xffff  }
0xe1: {  	v31 =	vadd.s32 v10, v21;
	s3 =	sor.u32 s24, s11  }
0xe2: {  	[tilespmem:v25+s5+$0x0] =	vst.idx.msk $0xffff, v33;
	v25 =	vld [tilespmem:s3+$0x0]  }
0xe3: {  	v57 =	vor.u32 v9, v32;
	v42 =	vor.u32 v7, v26;
	[tilespmem:v50+s5+$0x0] =	vst.idx.msk $0xffff, v37;
	v33 =	vld.idx.msk [tilespmem:v28+s14+$0x0], $0xffff  }
0xe4: {  	v56 =	vadd.s32 v10, v27;
	s25 =	sor.u32 $0x3, s9;
	v44 =	vld.idx.msk [tilespmem:v51+s14+$0x0], $0xffff;
	[tilespmem:v29+s5+$0x0] =	vst.idx.msk $0xffff, v30;
	v29 =	vadd.s32 v8, v23  }
0xe5: {  	v60 =	vadd.s32 v12, v21;
	v62 =	vadd.s32 v12, v27;
	s28 =	sshll.u32 s9, $0x1;
	s22 =	sor.u32 $0x2, s9;
	s26 =	sshll.u32 s25, $0x4;
	[tilespmem:v40+s5+$0x0] =	vst.idx.msk $0xffff, v35;
	v52 =	vld.idx.msk [tilespmem:v41+s14+$0x0], $0xffff  }
0xe6: {  	v58 =	vadd.s32 v10, v23;
	v53 =	vor.u32 v9, v22;
	s23 =	sor.u32 s26, s11;
	s26 =	sshll.u32 s22, $0x4;
	v54 =	vld.idx.msk [tilespmem:v31+s14+$0x0], $0xffff;
	v31 =	vmov s28  }
0xe7: {  	s29 =	sshll.u32 s22, $0x1;
	v43 =	vor.u32 v11, v20;
	v39 =	vadd.s32 v16, v21;
	s22 =	sor.u32 s26, s11;
	v28 =	vld [tilespmem:s23+$0x0];
	v31 =	vshll.u32 v31, $0xB  }
0xe8: {  	s9 =	sor.u32 $0x1, s9;
	v55 =	vmov s29;
	v45 =	vadd.s32 v0, v25;
	[tilespmem:v42+s5+$0x0] =	vst.idx.msk $0xffff, v33;
	v49 =	vor.u32 v5, v31;
	v31 =	vld [tilespmem:s22+$0x0]  }
0xe9: {  	s29 =	sshll.u32 s9, $0x4;
	v34 =	vor.u32 v15, v26;
	v47 =	vor.u32 v9, v26;
	v50 =	vadd.s32 v10, v24;
	s3 =	sshll.u32 s25, $0x1;
	v46 =	vld.idx.msk [tilespmem:v29+s14+$0x0], $0xffff  }
0xea: {  	v37 =	vshll.u32 v55, $0xB;
	v36 =	vadd.s32 v16, v24;
	s11 =	sor.u32 s29, s11;
	v30 =	vmov s3;
	[tilespmem:v57+s5+$0x0] =	vst.idx.msk $0xffff, v44  }
0xeb: {  	v51 =	vor.u32 v11, v22;
	v37 =	vor.u32 v5, v37;
	v30 =	vshll.u32 v30, $0xB;
	v33 =	vld [tilespmem:s11+$0x0];
	[tilespmem:v53+s5+$0x0] =	vst.idx.msk $0xffff, v52  }
0xec: {  	s9 =	sshll.u32 s9, $0x1;
	v55 =	vadd.s32 v6, v25;
	v57 =	vor.u32 v11, v26;
	v61 =	vadd.s32 v0, v28;
	v38 =	vld.idx.msk [tilespmem:v56+s14+$0x0], $0xffff  }
0xed: {  	v59 =	vmov s9;
	s28 =	sand.u32 $0x78, s18;
	v48 =	vor.u32 v5, v30;
	v44 =	vld.idx.msk [tilespmem:v45+s14+$0x0], $0xffff;
	[tilespmem:v43+s5+$0x0] =	vst.idx.msk $0xffff, v54;
	v52 =	vadd.s32 v0, v31  }
0xee: {  	v41 =	vshll.u32 v59, $0xB;
	[tilespmem:v47+s5+$0x0] =	vst.idx.msk $0xffff, v46;
	v46 =	vld.idx.msk [tilespmem:v50+s14+$0x0], $0xffff;
	v47 =	vor.u32 v11, v32;
	v50 =	vor.u32 s28, v63  }
0xef: {  	v30 =	vor.u32 s28, v49;
	v54 =	vadd.s32 v12, v24;
	v40 =	vld.idx.msk [tilespmem:v60+s14+$0x0], $0xffff;
	v49 =	vor.u32 v49, v50  }
0xf0: {  	v59 =	vor.u32 v13, v22;
	v42 =	vor.u32 v13, v32;
	v35 =	vld.idx.msk [tilespmem:v58+s14+$0x0], $0xffff;
	v58 =	vadd.s32 v0, v33  }
0xf1: {  	v1 =	vmov v63;
	v29 =	vor.u32 s28, v48;
	v43 =	vld.idx.msk [tilespmem:v61+s14+$0x0], $0xffff;
	[tilespmem:v51+s5+$0x0] =	vst.idx.msk $0xffff, v38;
	v38 =	vor.u32 v48, v50  }
0xf2: {  	v53 =	vadd.s32 v14, v21;
	v48 =	vadd.s32 v12, v23;
	v51 =	vor.u32 v13, v20;
	v45 =	vld.idx.msk [tilespmem:v62+s14+$0x0], $0xffff  }
0xf3: {  	v56 =	vadd.s32 v14, v24;
	v60 =	vadd.s32 v14, v27;
	v52 =	vld.idx.msk [tilespmem:v52+s14+$0x0], $0xffff;
	[tilespmem:v47+s5+$0x0] =	vst.idx.msk $0xffff, v46  }
0xf4: {  	v61 =	vor.u32 v7, v30;
	[tilespmem:v49+s5+$0x0] =	vst.idx.msk $0xffff, v44;
	v44 =	vor.u32 v37, v50;
	v54 =	vld.idx.msk [tilespmem:v54+s14+$0x0], $0xffff  }
0xf5: {  	v63 =	vadd.s32 v8, v25;
	v49 =	vadd.s32 v6, v31;
	[tilespmem:v57+s5+$0x0] =	vst.idx.msk $0xffff, v35;
	v58 =	vld.idx.msk [tilespmem:v58+s14+$0x0], $0xffff  }
0xf6: {  	v62 =	vadd.s32 v6, v28;
	v46 =	vadd.s32 v14, v23;
	v55 =	vld.idx.msk [tilespmem:v55+s14+$0x0], $0xffff;
	[tilespmem:v38+s5+$0x0] =	vst.idx.msk $0xffff, v43  }
0xf7: {  	v47 =	vor.u32 v5, v41;
	v57 =	vor.u32 v13, v26;
	v48 =	vld.idx.msk [tilespmem:v48+s14+$0x0], $0xffff;
	[tilespmem:v51+s5+$0x0] =	vst.idx.msk $0xffff, v40  }
0xf8: {  	v35 =	vor.u32 s28, v47;
	v38 =	vor.u32 s28, v37;
	[tilespmem:v59+s5+$0x0] =	vst.idx.msk $0xffff, v45;
	v59 =	vor.u32 v47, v50;
	v47 =	vld.idx.msk [tilespmem:v53+s14+$0x0], $0xffff  }
0xf9: {  	v41 =	vor.u32 v15, v35;
	v40 =	vld.idx.msk [tilespmem:v60+s14+$0x0], $0xffff;
	v60 =	vor.u32 v15, v22;
	[tilespmem:v44+s5+$0x0] =	vst.idx.msk $0xffff, v52  }
0xfa: {  	v43 =	vadd.s32 v16, v27;
	[tilespmem:v42+s5+$0x0] =	vst.idx.msk $0xffff, v54;
	v50 =	vld.idx.msk [tilespmem:v49+s14+$0x0], $0xffff;
	v49 =	vor.u32 v15, v20  }
0xfb: {  	v53 =	vor.u32 v7, v38;
	v51 =	vld.idx.msk [tilespmem:v62+s14+$0x0], $0xffff;
	[tilespmem:v61+s5+$0x0] =	vst.idx.msk $0xffff, v55;
	v55 =	vadd.s32 v6, v33  }
0xfc: {  	v37 =	vadd.s32 v16, v28;
	v52 =	vor.u32 v7, v29;
	[tilespmem:v57+s5+$0x0] =	vst.idx.msk $0xffff, v48;
	v44 =	vld.idx.msk [tilespmem:v56+s14+$0x0], $0xffff  }
0xfd: {  	v54 =	vadd.s32 v8, v31;
	v48 =	vor.u32 v9, v30;
	v45 =	vld.idx.msk [tilespmem:v63+s14+$0x0], $0xffff;
	[tilespmem:v59+s5+$0x0] =	vst.idx.msk $0xffff, v58  }
0xfe: {  	s3 =	simm.s32 $0x200;
	v42 =	vld.idx.msk [tilespmem:v46+s14+$0x0], $0xffff;
	v46 =	vor.u32 v15, v32;
	[tilespmem:v60+s5+$0x0] =	vst.idx.msk $0xffff, v40;
	v40 =	vor.u32 v19, v32  }
.LBB2_6:
0xff: {  	s18 =	sadd.s32 $0x4, s18;
	s9 =	sand.u32 $0x1E00, s3;
	[tilespmem:v49+s5+$0x0] =	vst.idx.msk $0xffff, v47;
	v47 =	vadd.s32 v18, v21;
	v43 =	vld.idx.msk [tilespmem:v43+s14+$0x0], $0xffff;
	v49 =	vor.u32 v17, v32  }
0x100: {  	v32 =	vadd.s32 v10, v25;
	s22 =	sand.u32 $0x4, s18;
	s11 =	sshrl.u32 s9, $0x2;
	s9 =	sand.u32 $0x78, s18;
	v55 =	vld.idx.msk [tilespmem:v55+s14+$0x0], $0xffff;
	[tilespmem:v53+s5+$0x0] =	vst.idx.msk $0xffff, v50;
	v50 =	vor.u32 v17, v22  }
0x101: {  	s23 =	sor.u32 $0x8000, s11;
	s11 =	sshll.u32 s22, $0x4;
	s24 =	sor.u32 $0x1, s22;
	[tilespmem:v52+s5+$0x0] =	vst.idx.msk $0xffff, v51;
	v39 =	vld.idx.msk [tilespmem:v39+s14+$0x0], $0xffff;
	v51 =	vadd.s32 v16, v23;
	v52 =	vadd.s32 v18, v24  }
0x102: {  	v27 =	vadd.s32 v18, v27;
	s26 =	sor.u32 $0x2, s22;
	s25 =	sor.u32 s11, s23;
	s11 =	sshll.u32 s24, $0x4;
	[tilespmem:v48+s5+$0x0] =	vst.idx.msk $0xffff, v45;
	v45 =	vld.idx.msk [tilespmem:v54+s14+$0x0], $0xffff;
	v48 =	vor.u32 v17, v20  }
0x103: {  	v21 =	vmov v25;
	v53 =	vor.u32 v17, v26;
	s29 =	sor.u32 $0x3, s22;
	s28 =	sshll.u32 s26, $0x4;
	v54 =	vadd.s32 v18, v23;
	s11 =	sor.u32 s11, s23;
	[tilespmem:v46+s5+$0x0] =	vst.idx.msk $0xffff, v44;
	v25 =	vld [tilespmem:s25+$0x0]  }
0x104: {  	s25 =	sor.u32 s28, s23;
	s28 =	sshll.u32 s29, $0x4;
	s29 =	sshll.u32 s29, $0x1;
	v44 =	vor.u32 v9, v38;
	v46 =	vadd.s32 v8, v28;
	[tilespmem:v34+s5+$0x0] =	vst.idx.msk $0xffff, v42;
	v36 =	vld.idx.msk [tilespmem:v36+s14+$0x0], $0xffff  }
0x105: {  	v56 =	vor.u32 v7, v35;
	v57 =	vadd.s32 v8, v33;
	s22 =	sshll.u32 s22, $0x1;
	s26 =	sshll.u32 s26, $0x1;
	s23 =	sor.u32 s28, s23;
	v23 =	vmov s29;
	v42 =	vld.idx.msk [tilespmem:v32+s14+$0x0], $0xffff;
	[tilespmem:v50+s5+$0x0] =	vst.idx.msk $0xffff, v43  }
0x106: {  	p0 =	slt.u32 s18, $0x7C;
	v24 =	vmovc v28;
	v34 =	vmov s22;
	s22 =	sshll.u32 s24, $0x1;
	v43 =	vmov s26;
	v2 =	vshll.u32 v23, $0xB;
	v32 =	vmovc v29;
	v50 =	vld.idx.msk [tilespmem:v51+s14+$0x0], $0xffff  }
0x107: {  	v28 =	vshll.u32 v34, $0xB;
	v43 =	vshll.u32 v43, $0xB;
	v51 =	vor.u32 v5, v2;
	[tilespmem:v48+s5+$0x0] =	vst.idx.msk $0xffff, v39;
	v48 =	vld.idx.msk [tilespmem:v27+s14+$0x0], $0xffff  }
0x108: {  	v58 =	vor.u32 v5, v28;
	v28 =	vmov s22;
	v29 =	vor.u32 s9, v51;
	v27 =	vmovc v31;
	v23 =	vmovc v33;
	v47 =	vld.idx.msk [tilespmem:v47+s14+$0x0], $0xffff  }
0x109: {  	v59 =	vor.u32 s9, v58;
	v60 =	vshll.u32 v28, $0xB;
	v33 =	vor.u32 v19, v22;
	v22 =	vmovc v38;
	v34 =	vmovc v41;
	v28 =	vld [tilespmem:s23+$0x0]  }
0x10a: {  	v38 =	vadd.s32 v10, v27;
	v41 =	vld.idx.msk [tilespmem:v46+s14+$0x0], $0xffff;
	v46 =	vor.u32 v19, v20;
	[tilespmem:v49+s5+$0x0] =	vst.idx.msk $0xffff, v36  }
0x10b: {  	v39 =	vadd.s32 v16, v21;
	v36 =	vor.u32 v11, v30;
	v20 =	vmov v30;
	v31 =	vld [tilespmem:s25+$0x0];
	[tilespmem:v56+s5+$0x0] =	vst.idx.msk $0xffff, v55  }
0x10c: {  	v49 =	vadd.s32 v0, v25;
	v56 =	vor.u32 v9, v32;
	v55 =	vld.idx.msk [tilespmem:v57+s14+$0x0], $0xffff;
	[tilespmem:v53+s5+$0x0] =	vst.idx.msk $0xffff, v50  }
0x10d: {  	v50 =	vor.u32 v9, v35;
	[tilespmem:v44+s5+$0x0] =	vst.idx.msk $0xffff, v45;
	v44 =	vadd.s32 v10, v24;
	v45 =	vld.idx.msk [tilespmem:v52+s14+$0x0], $0xffff  }
0x10e: {  	v52 =	vadd.s32 v10, v23;
	v53 =	vld.idx.msk [tilespmem:v54+s14+$0x0], $0xffff;
	v54 =	vor.u32 v19, v26;
	[tilespmem:v33+s5+$0x0] =	vst.idx.msk $0xffff, v48  }
0x10f: {  	v57 =	vor.u32 v13, v32;
	v48 =	vadd.s32 v12, v21;
	v38 =	vld.idx.msk [tilespmem:v38+s14+$0x0], $0xffff;
	[tilespmem:v46+s5+$0x0] =	vst.idx.msk $0xffff, v47  }
0x110: {  	v30 =	vmov v59;
	v46 =	vadd.s32 v0, v28;
	v33 =	vld [tilespmem:s11+$0x0];
	[tilespmem:v36+s5+$0x0] =	vst.idx.msk $0xffff, v42;
	v36 =	vor.u32 v11, v22  }
0x111: {  	v47 =	vadd.s32 v14, v21;
	v42 =	vld.idx.msk [tilespmem:v49+s14+$0x0], $0xffff;
	v49 =	vadd.s32 v12, v27;
	[tilespmem:v56+s5+$0x0] =	vst.idx.msk $0xffff, v41  }
0x112: {  	v56 =	vadd.s32 v14, v24;
	[tilespmem:v50+s5+$0x0] =	vst.idx.msk $0xffff, v55;
	v41 =	vld.idx.msk [tilespmem:v44+s14+$0x0], $0xffff;
	v44 =	vor.u32 v11, v32  }
0x113: {  	v26 =	vmov v35;
	v50 =	vor.u32 s9, v1;
	v55 =	vadd.s32 v0, v31;
	v52 =	vld.idx.msk [tilespmem:v52+s14+$0x0], $0xffff;
	[tilespmem:v40+s5+$0x0] =	vst.idx.msk $0xffff, v45  }
0x114: {  	v35 =	vor.u32 v58, v50;
	v45 =	vadd.s32 v12, v24;
	v40 =	vld.idx.msk [tilespmem:v48+s14+$0x0], $0xffff;
	[tilespmem:v54+s5+$0x0] =	vst.idx.msk $0xffff, v53  }
0x115: {  	v48 =	vadd.s32 v6, v25;
	v53 =	vor.u32 v11, v26;
	v46 =	vld.idx.msk [tilespmem:v46+s14+$0x0], $0xffff;
	[tilespmem:v36+s5+$0x0] =	vst.idx.msk $0xffff, v38  }
0x116: {  	v51 =	vor.u32 v51, v50;
	v58 =	vadd.s32 v12, v23;
	v54 =	vor.u32 v13, v20;
	v49 =	vld.idx.msk [tilespmem:v49+s14+$0x0], $0xffff  }
0x117: {  	v61 =	vadd.s32 v14, v23;
	v62 =	vor.u32 v13, v22;
	v59 =	vadd.s32 v0, v33;
	v36 =	vmovc v37  }
0x118: {  	v38 =	vor.u32 v5, v43;
	v43 =	vadd.s32 v14, v27;
	v37 =	vld.idx.msk [tilespmem:v55+s14+$0x0], $0xffff;
	[tilespmem:v44+s5+$0x0] =	vst.idx.msk $0xffff, v41  }
0x119: {  	[tilespmem:v35+s5+$0x0] =	vst.idx.msk $0xffff, v42;
	v42 =	vor.u32 v38, v50;
	v38 =	vor.u32 s9, v38;
	v44 =	vld.idx.msk [tilespmem:v45+s14+$0x0], $0xffff  }
0x11a: {  	v63 =	vor.u32 v13, v26;
	v45 =	vld.idx.msk [tilespmem:v48+s14+$0x0], $0xffff;
	v48 =	vadd.s32 v6, v31;
	[tilespmem:v53+s5+$0x0] =	vst.idx.msk $0xffff, v52  }
0x11b: {  	v52 =	vor.u32 v7, v30;
	[tilespmem:v51+s5+$0x0] =	vst.idx.msk $0xffff, v46;
	v46 =	vadd.s32 v6, v28;
	v58 =	vld.idx.msk [tilespmem:v58+s14+$0x0], $0xffff  }
0x11c: {  	v2 =	vadd.s32 v8, v25;
	v35 =	vor.u32 v5, v60;
	v59 =	vld.idx.msk [tilespmem:v59+s14+$0x0], $0xffff;
	[tilespmem:v62+s5+$0x0] =	vst.idx.msk $0xffff, v49  }
0x11d: {  	v60 =	vor.u32 v35, v50;
	v35 =	vor.u32 s9, v35;
	[tilespmem:v54+s5+$0x0] =	vst.idx.msk $0xffff, v40;
	v40 =	vld.idx.msk [tilespmem:v43+s14+$0x0], $0xffff  }
0x11e: {  	v41 =	vor.u32 v15, v35;
	v62 =	vor.u32 v15, v22;
	[tilespmem:v42+s5+$0x0] =	vst.idx.msk $0xffff, v37;
	v47 =	vld.idx.msk [tilespmem:v47+s14+$0x0], $0xffff  }
.Ltmp6:
0x11f: {  	v49 =	vor.u32 v15, v20;
	v43 =	vadd.s32 v16, v27;
	v50 =	vld.idx.msk [tilespmem:v48+s14+$0x0], $0xffff;
	[tilespmem:v57+s5+$0x0] =	vst.idx.msk $0xffff, v44;
	(pc) =	sbr.rel @p0 .LBB2_6-.Ltmp6, $4  }
0x120: {  	v55 =	vadd.s32 v6, v33;
	v53 =	vor.u32 v7, v38;
	[tilespmem:v52+s5+$0x0] =	vst.idx.msk $0xffff, v45;
	v51 =	vld.idx.msk [tilespmem:v46+s14+$0x0], $0xffff  }
0x121: {  	v37 =	vadd.s32 v16, v28;
	v52 =	vor.u32 v7, v29;
	v45 =	vld.idx.msk [tilespmem:v2+s14+$0x0], $0xffff;
	[tilespmem:v63+s5+$0x0] =	vst.idx.msk $0xffff, v58  }
0x122: {  	v54 =	vadd.s32 v8, v31;
	v48 =	vor.u32 v9, v30;
	[tilespmem:v60+s5+$0x0] =	vst.idx.msk $0xffff, v59;
	v44 =	vld.idx.msk [tilespmem:v56+s14+$0x0], $0xffff  }
0x123: {  	s3 =	sadd.s32 $0x100, s3;
	v46 =	vor.u32 v15, v32;
	v42 =	vld.idx.msk [tilespmem:v61+s14+$0x0], $0xffff;
	[tilespmem:v62+s5+$0x0] =	vst.idx.msk $0xffff, v40;
	v40 =	vor.u32 v19, v32  }
0x124: {  	_ =	sdelay $0x3  }
0x125: {  	v2 =	vld.idx.msk [tilespmem:v55+s14+$0x0], $0xffff;
	v62 =	vadd.s32 v8, v28;
	v56 =	vor.u32 v7, v35  }
0x126: {  	v57 =	vadd.s32 v8, v33  }
0x127: {  	[tilespmem:v53+s5+$0x0] =	vst.idx.msk $0xffff, v50  }
0x128: {  	v53 =	vor.u32 v9, v38;
	v50 =	vld.idx.msk [tilespmem:v54+s14+$0x0], $0xffff  }
0x129: {  	[tilespmem:v52+s5+$0x0] =	vst.idx.msk $0xffff, v51;
	v51 =	vadd.s32 v10, v31  }
0x12a: {  	v52 =	vadd.s32 v10, v25;
	v63 =	vld.idx.msk [tilespmem:v62+s14+$0x0], $0xffff;
	[tilespmem:v56+s5+$0x0] =	vst.idx.msk $0xffff, v2;
	v2 =	vor.u32 v9, v29  }
0x12b: {  	v60 =	vor.u32 v9, v35;
	v61 =	vadd.s32 v10, v28;
	v55 =	vld.idx.msk [tilespmem:v57+s14+$0x0], $0xffff  }
0x12c: {  	[tilespmem:v49+s5+$0x0] =	vst.idx.msk $0xffff, v47;
	v62 =	vadd.s32 v10, v33  }
0x12d: {  	[tilespmem:v53+s5+$0x0] =	vst.idx.msk $0xffff, v50  }
0x12e: {  	[tilespmem:v48+s5+$0x0] =	vst.idx.msk $0xffff, v45;
	v48 =	vor.u32 v11, v38;
	v45 =	vld.idx.msk [tilespmem:v51+s14+$0x0], $0xffff  }
0x12f: {  	v49 =	vld.idx.msk [tilespmem:v52+s14+$0x0], $0xffff;
	v50 =	vor.u32 v11, v30;
	[tilespmem:v2+s5+$0x0] =	vst.idx.msk $0xffff, v63;
	v2 =	vadd.s32 v12, v31  }
0x130: {  	v58 =	vor.u32 v11, v29;
	v63 =	vadd.s32 v12, v25;
	[tilespmem:v60+s5+$0x0] =	vst.idx.msk $0xffff, v55;
	v57 =	vld.idx.msk [tilespmem:v61+s14+$0x0], $0xffff  }
0x131: {  	v59 =	vor.u32 v11, v35;
	[tilespmem:v46+s5+$0x0] =	vst.idx.msk $0xffff, v44;
	v46 =	vadd.s32 v12, v28;
	v44 =	vld.idx.msk [tilespmem:v62+s14+$0x0], $0xffff  }
0x132: {  	v43 =	vld.idx.msk [tilespmem:v43+s14+$0x0], $0xffff;
	[tilespmem:v34+s5+$0x0] =	vst.idx.msk $0xffff, v42;
	v60 =	vor.u32 v17, v22;
	v61 =	vadd.s32 v12, v33  }
0x133: {  	v39 =	vld.idx.msk [tilespmem:v39+s14+$0x0], $0xffff;
	v62 =	vor.u32 v17, v20;
	[tilespmem:v48+s5+$0x0] =	vst.idx.msk $0xffff, v45  }
0x134: {  	[tilespmem:v50+s5+$0x0] =	vst.idx.msk $0xffff, v49;
	v45 =	vadd.s32 v16, v23;
	v48 =	vor.u32 v13, v38;
	v2 =	vld.idx.msk [tilespmem:v2+s14+$0x0], $0xffff  }
0x135: {  	v56 =	vadd.s32 v14, v31;
	v49 =	vld.idx.msk [tilespmem:v63+s14+$0x0], $0xffff;
	v63 =	vor.u32 v13, v30;
	[tilespmem:v58+s5+$0x0] =	vst.idx.msk $0xffff, v57  }
0x136: {  	v57 =	vor.u32 v13, v29;
	v58 =	vadd.s32 v14, v25;
	v46 =	vld.idx.msk [tilespmem:v46+s14+$0x0], $0xffff;
	[tilespmem:v59+s5+$0x0] =	vst.idx.msk $0xffff, v44  }
0x137: {  	[tilespmem:v60+s5+$0x0] =	vst.idx.msk $0xffff, v43;
	v60 =	vor.u32 v13, v35;
	v59 =	vadd.s32 v14, v28;
	v34 =	vld.idx.msk [tilespmem:v61+s14+$0x0], $0xffff  }
0x138: {  	v32 =	vor.u32 v17, v32;
	v36 =	vld.idx.msk [tilespmem:v36+s14+$0x0], $0xffff;
	[tilespmem:v62+s5+$0x0] =	vst.idx.msk $0xffff, v39;
	v61 =	vadd.s32 v14, v33  }
0x139: {  	v27 =	vadd.s32 v18, v27;
	v62 =	vor.u32 v17, v26;
	v45 =	vld.idx.msk [tilespmem:v45+s14+$0x0], $0xffff;
	[tilespmem:v48+s5+$0x0] =	vst.idx.msk $0xffff, v2  }
0x13a: {  	v2 =	vadd.s32 v18, v21;
	[tilespmem:v63+s5+$0x0] =	vst.idx.msk $0xffff, v49;
	v63 =	vor.u32 v15, v38;
	v21 =	vld.idx.msk [tilespmem:v56+s14+$0x0], $0xffff  }
0x13b: {  	v55 =	vor.u32 v15, v30;
	v54 =	vld.idx.msk [tilespmem:v58+s14+$0x0], $0xffff;
	v56 =	vadd.s32 v16, v31;
	[tilespmem:v57+s5+$0x0] =	vst.idx.msk $0xffff, v46  }
0x13c: {  	v57 =	vadd.s32 v16, v25;
	[tilespmem:v60+s5+$0x0] =	vst.idx.msk $0xffff, v34;
	v58 =	vld.idx.msk [tilespmem:v59+s14+$0x0], $0xffff;
	v59 =	vor.u32 v15, v29  }
0x13d: {  	[tilespmem:v32+s5+$0x0] =	vst.idx.msk $0xffff, v36;
	v60 =	vld.idx.msk [tilespmem:v61+s14+$0x0], $0xffff  }
0x13e: {  	v27 =	vld.idx.msk [tilespmem:v27+s14+$0x0], $0xffff;
	[tilespmem:v62+s5+$0x0] =	vst.idx.msk $0xffff, v45;
	v62 =	vadd.s32 v16, v33;
	v61 =	vor.u32 v19, v22  }
0x13f: {  	v24 =	vadd.s32 v18, v24;
	v20 =	vor.u32 v19, v20;
	v2 =	vld.idx.msk [tilespmem:v2+s14+$0x0], $0xffff;
	[tilespmem:v63+s5+$0x0] =	vst.idx.msk $0xffff, v21  }
0x140: {  	v49 =	vor.u32 v17, v38;
	v63 =	vadd.s32 v18, v23;
	[tilespmem:v55+s5+$0x0] =	vst.idx.msk $0xffff, v54;
	v48 =	vld.idx.msk [tilespmem:v56+s14+$0x0], $0xffff  }
0x141: {  	v52 =	vadd.s32 v18, v31;
	v51 =	vor.u32 v17, v30;
	v50 =	vld.idx.msk [tilespmem:v57+s14+$0x0], $0xffff;
	[tilespmem:v59+s5+$0x0] =	vst.idx.msk $0xffff, v58  }
0x142: {  	v53 =	vadd.s32 v18, v25;
	v54 =	vor.u32 v17, v29;
	[tilespmem:v41+s5+$0x0] =	vst.idx.msk $0xffff, v60;
	v55 =	vld.idx.msk [tilespmem:v37+s14+$0x0], $0xffff  }
0x143: {  	v56 =	vadd.s32 v18, v28;
	v57 =	vor.u32 v17, v35;
	[tilespmem:v61+s5+$0x0] =	vst.idx.msk $0xffff, v27;
	v58 =	vld.idx.msk [tilespmem:v62+s14+$0x0], $0xffff  }
0x144: {  	v24 =	vld.idx.msk [tilespmem:v24+s14+$0x0], $0xffff;
	[tilespmem:v20+s5+$0x0] =	vst.idx.msk $0xffff, v2;
	v2 =	vadd.s32 v18, v33  }
0x145: {  	v59 =	vor.u32 v19, v26;
	v20 =	vld.idx.msk [tilespmem:v63+s14+$0x0], $0xffff;
	[tilespmem:v49+s5+$0x0] =	vst.idx.msk $0xffff, v48  }
0x146: {  	v60 =	vor.u32 v19, v38;
	[tilespmem:v51+s5+$0x0] =	vst.idx.msk $0xffff, v50;
	v23 =	vld.idx.msk [tilespmem:v52+s14+$0x0], $0xffff  }
0x147: {  	v61 =	vor.u32 v19, v30;
	v25 =	vld.idx.msk [tilespmem:v53+s14+$0x0], $0xffff;
	[tilespmem:v54+s5+$0x0] =	vst.idx.msk $0xffff, v55  }
0x148: {  	v62 =	vor.u32 v19, v29;
	[tilespmem:v57+s5+$0x0] =	vst.idx.msk $0xffff, v58;
	v22 =	vld.idx.msk [tilespmem:v56+s14+$0x0], $0xffff  }
0x149: {  	[tilespmem:v40+s5+$0x0] =	vst.idx.msk $0xffff, v24;
	v63 =	vor.u32 v19, v35;
	v2 =	vld.idx.msk [tilespmem:v2+s14+$0x0], $0xffff  }
0x14a: {  	[tilespmem:v59+s5+$0x0] =	vst.idx.msk $0xffff, v20  }
0x14b: {  	[tilespmem:v60+s5+$0x0] =	vst.idx.msk $0xffff, v23  }
0x14c: {  	s3 =	sshll.u32 s16, $0x7;
	[tilespmem:v61+s5+$0x0] =	vst.idx.msk $0xffff, v25  }
0x14d: {  	s9 =	rddreg [dreg:$0x2];
	s3 =	sand.u32 $0x1FFFFF00, s3;
	[tilespmem:v62+s5+$0x0] =	vst.idx.msk $0xffff, v22  }
0x14e: {  	s3 =	sadd.s32 s9, s3;
	[tilespmem:v63+s5+$0x0] =	vst.idx.msk $0xffff, v2  }
0x14f: {  	[hbm4b:s3+s4] =	stream.linear.scatter [tilespmem:s5], [sflag:$0x1], $0x400, $0x38;
	[tilespmem:$0x18E80] =	vst v63  }
0x150: {  	s11 =	simm.s32 $0x9000;
	s9 =	sadd.s32 $0x8000, s3  }
0x151: {  	[hbm4b:s9+s4] =	stream.linear.scatter [tilespmem:s11], [sflag:$0x1], $0x400, $0x38;
	[tilespmem:$0x18E80] =	vst v63  }
0x152: {  	s29 =	simm.s32 $0x9800;
	s28 =	sadd.s32 $0x10000, s3  }
0x153: {  	[hbm4b:s28+s4] =	stream.linear.scatter [tilespmem:s29], [sflag:$0x1], $0x400, $0x38;
	[tilespmem:$0x18E80] =	vst v63  }
0x154: {  	s22 =	simm.s32 $0xA000;
	s18 =	sadd.s32 $0x18000, s3  }
0x155: {  	[hbm4b:s18+s4] =	stream.linear.scatter [tilespmem:s22], [sflag:$0x1], $0x400, $0x38;
	[tilespmem:$0x18E80] =	vst v63  }
0x156: {  	s24 =	simm.s32 $0xA800;
	s23 =	sadd.s32 $0x20000, s3  }
0x157: {  	[hbm4b:s23+s4] =	stream.linear.scatter [tilespmem:s24], [sflag:$0x1], $0x400, $0x38;
	[tilespmem:$0x18E80] =	vst v63  }
0x158: {  	s26 =	simm.s32 $0xB000;
	s25 =	sadd.s32 $0x28000, s3  }
0x159: {  	[hbm4b:s25+s4] =	stream.linear.scatter [tilespmem:s26], [sflag:$0x1], $0x400, $0x38;
	[tilespmem:$0x18E80] =	vst v63  }
0x15a: {  	s28 =	sadd.s32 $0x30000, s3;
	s29 =	simm.s32 $0xB800  }
0x15b: {  	[hbm4b:s28+s4] =	stream.linear.scatter [tilespmem:s29], [sflag:$0x1], $0x400, $0x38;
	[tilespmem:$0x18E80] =	vst v63  }
0x15c: {  	s18 =	sadd.s32 $0x38000, s3;
	s22 =	simm.s32 $0xC000  }
0x15d: {  	[hbm4b:s18+s4] =	stream.linear.scatter [tilespmem:s22], [sflag:$0x1], $0x400, $0x38;
	[tilespmem:$0x18E80] =	vst v63  }
0x15e: {  	s23 =	sadd.s32 $0x40000, s3;
	s24 =	simm.s32 $0xC800  }
0x15f: {  	[hbm4b:s23+s4] =	stream.linear.scatter [tilespmem:s24], [sflag:$0x1], $0x400, $0x38;
	[tilespmem:$0x18E80] =	vst v63  }
0x160: {  	s25 =	sadd.s32 $0x48000, s3;
	s26 =	simm.s32 $0xD000  }
0x161: {  	[hbm4b:s25+s4] =	stream.linear.scatter [tilespmem:s26], [sflag:$0x1], $0x400, $0x38;
	[tilespmem:$0x18E80] =	vst v63  }
0x162: {  	s28 =	sadd.s32 $0x50000, s3;
	s29 =	simm.s32 $0xD800  }
0x163: {  	[hbm4b:s28+s4] =	stream.linear.scatter [tilespmem:s29], [sflag:$0x1], $0x400, $0x38;
	[tilespmem:$0x18E80] =	vst v63  }
0x164: {  	s11 =	sadd.s32 $0x58000, s3;
	s18 =	simm.s32 $0xE000  }
0x165: {  	[hbm4b:s11+s4] =	stream.linear.scatter [tilespmem:s18], [sflag:$0x1], $0x400, $0x38;
	[tilespmem:$0x18E80] =	vst v63  }
0x166: {  	s22 =	sadd.s32 $0x60000, s3;
	s23 =	simm.s32 $0xE800  }
0x167: {  	[hbm4b:s22+s4] =	stream.linear.scatter [tilespmem:s23], [sflag:$0x1], $0x400, $0x38;
	[tilespmem:$0x18E80] =	vst v63  }
0x168: {  	p0 =	seq.s32 s17, $0x0;
	s24 =	sadd.s32 $0x68000, s3;
	s25 =	simm.s32 $0xF000  }
0x169: {  	[hbm4b:s24+s4] =	stream.linear.scatter [tilespmem:s25], [sflag:$0x1], $0x400, $0x38;
	[tilespmem:$0x18E80] =	vst v63  }
.Ltmp7:
0x16a: {  	_ = 	snop;
	(pc) =	sbr.rel @p0 .LBB2_11-.Ltmp7, $4  }
0x16b: {  	s26 =	sadd.s32 $0x70000, s3;
	s28 =	simm.s32 $0xF800  }
0x16c: {  	[hbm4b:s26+s4] =	stream.linear.scatter [tilespmem:s28], [sflag:$0x1], $0x400, $0x38;
	[tilespmem:$0x18E80] =	vst v63  }
0x16d: {  	s3 =	sadd.s32 $0x78000, s3;
	s29 =	simm.s32 $0x10000  }
0x16e: {  	v63 =	vmov v1;
	[hbm4b:s3+s4] =	stream.linear.scatter [tilespmem:s29], [sflag:$0x1], $0x400, $0x38;
	[tilespmem:$0x18E80] =	vst v63  }
.LBB2_8:
0x16f: {  	p0 =	slt.u32 s15, $0x2;
	s3 =	simm.s32 $0x0  }
0x170: {  	s11 =	simm.s32 $0x0;
	s9 =	simm.s32 @!p0 $0x2;
	s3 =	sand.u32 $0x1E00, s3  }
0x171: {  	s17 =	sand.u32 $0x4, s11;
	_ =	swait.ge @!p0 [sflag:s9], $0x4000;
	s3 =	sshrl.u32 s3, $0x2  }
0x172: {  	s18 =	sshll.u32 s17, $0x4;
	[sflag:s9] =	ssyncset.done @!p0 $0x0;
	s3 =	sor.u32 $0x8000, s3  }
0x173: {  	s22 =	sor.u32 $0x3, s17;
	[sflag:s9] =	ssyncadd.s32 @!p0 $0xFFFFC000;
	s25 =	sor.u32 s18, s3  }
0x174: {  	s23 =	sshll.u32 s22, $0x4;
	v21 =	vld [tilespmem:s25+$0x0]  }
0x175: {  	s23 =	sor.u32 s23, s3  }
0x176: {  	s26 =	sor.u32 $0x2, s17;
	v24 =	vld [tilespmem:s23+$0x0]  }
0x177: {  	s28 =	sshll.u32 s26, $0x4  }
0x178: {  	s29 =	sor.u32 $0x1, s17;
	s18 =	sor.u32 s28, s3  }
0x179: {  	s24 =	sshll.u32 s29, $0x4;
	v27 =	vld [tilespmem:s18+$0x0];
	v2 =	vadd.s32 v0, v21  }
0x17a: {  	s17 =	sshll.u32 s17, $0x1;
	s3 =	sor.u32 s24, s3  }
0x17b: {  	v20 =	vmov s17;
	v23 =	vld [tilespmem:s3+$0x0];
	v30 =	vadd.s32 v0, v24  }
0x17c: {  	s11 =	sand.u32 $0x78, s11;
	v20 =	vshll.u32 v20, $0xB;
	s24 =	sshll.u32 s22, $0x1  }
0x17d: {  	v22 =	vor.u32 s11, v63;
	v20 =	vor.u32 v5, v20;
	v31 =	vmov s24  }
0x17e: {  	v26 =	vor.u32 v20, v22;
	v31 =	vshll.u32 v31, $0xB;
	v25 =	vadd.s32 v0, v27;
	v2 =	vld.idx.msk [tilespmem:v2+s14+$0x0], $0xffff  }
0x17f: {  	s23 =	sshll.u32 s26, $0x1;
	v31 =	vor.u32 v5, v31;
	v28 =	vadd.s32 v6, v21  }
0x180: {  	v29 =	vmov s23;
	v36 =	vor.u32 v31, v22;
	v32 =	vadd.s32 v0, v23;
	v30 =	vld.idx.msk [tilespmem:v30+s14+$0x0], $0xffff  }
0x181: {  	v29 =	vshll.u32 v29, $0xB;
	v37 =	vadd.s32 v6, v24  }
0x182: {  	v29 =	vor.u32 v5, v29  }
0x183: {  	s25 =	sshll.u32 s29, $0x1;
	v20 =	vor.u32 s11, v20;
	v25 =	vld.idx.msk [tilespmem:v25+s14+$0x0], $0xffff;
	[tilespmem:v26+s21+$0x0] =	vst.idx.msk $0xffff, v2;
	v2 =	vor.u32 v29, v22  }
0x184: {  	v34 =	vor.u32 v7, v20;
	v33 =	vadd.s32 v6, v27;
	v26 =	vmov s25;
	v28 =	vld.idx.msk [tilespmem:v28+s14+$0x0], $0xffff  }
0x185: {  	v38 =	vld.idx.msk [tilespmem:v32+s14+$0x0], $0xffff;
	v32 =	vor.u32 s11, v31;
	[tilespmem:v36+s21+$0x0] =	vst.idx.msk $0xffff, v30;
	v26 =	vshll.u32 v26, $0xB  }
0x186: {  	v35 =	vadd.s32 v8, v21;
	v52 =	vor.u32 v7, v32;
	v31 =	vld.idx.msk [tilespmem:v37+s14+$0x0], $0xffff;
	v26 =	vor.u32 v5, v26  }
0x187: {  	s17 =	simm.s32 $0x4;
	s26 =	simm.s32 $0x100;
	v39 =	vor.u32 v26, v22  }
0x188: {  	s9 =	sand.u32 $0x4, s17;
	s3 =	sand.u32 $0x1E00, s26;
	v22 =	vor.u32 s11, v29;
	[tilespmem:v2+s21+$0x0] =	vst.idx.msk $0xffff, v25;
	v2 =	vadd.s32 v6, v23  }
0x189: {  	s29 =	sor.u32 $0x2, s9;
	s3 =	sshrl.u32 s3, $0x2;
	v25 =	vld.idx.msk [tilespmem:v33+s14+$0x0], $0xffff;
	[tilespmem:v34+s21+$0x0] =	vst.idx.msk $0xffff, v28;
	v28 =	vor.u32 v7, v22  }
0x18a: {  	s26 =	sshll.u32 s29, $0x4;
	v51 =	vadd.s32 v8, v27;
	s25 =	sshll.u32 s29, $0x1;
	v26 =	vor.u32 s11, v26;
	s11 =	sor.u32 $0x8000, s3  }
0x18b: {  	v50 =	vor.u32 v9, v20;
	s18 =	sor.u32 s26, s11;
	[tilespmem:v52+s21+$0x0] =	vst.idx.msk $0xffff, v31;
	v31 =	vmov s25;
	v29 =	vld.idx.msk [tilespmem:v35+s14+$0x0], $0xffff  }
0x18c: {  	s28 =	sshll.u32 s9, $0x4;
	v30 =	vadd.s32 v10, v21;
	v43 =	vshll.u32 v31, $0xB;
	v31 =	vld [tilespmem:s18+$0x0];
	[tilespmem:v39+s21+$0x0] =	vst.idx.msk $0xffff, v38  }
0x18d: {  	s22 =	sor.u32 $0x3, s9;
	v53 =	vadd.s32 v8, v24;
	s3 =	sor.u32 s28, s11;
	v54 =	vor.u32 v7, v26;
	v2 =	vld.idx.msk [tilespmem:v2+s14+$0x0], $0xffff  }
0x18e: {  	s23 =	sshll.u32 s22, $0x4;
	v42 =	vor.u32 v11, v20;
	v40 =	vadd.s32 v8, v23;
	[tilespmem:v28+s21+$0x0] =	vst.idx.msk $0xffff, v25;
	v25 =	vld [tilespmem:s3+$0x0]  }
0x18f: {  	v57 =	vadd.s32 v10, v27;
	v48 =	vadd.s32 v10, v24;
	v58 =	vadd.s32 v10, v23;
	s3 =	sshll.u32 s22, $0x1;
	s22 =	sor.u32 s23, s11;
	v55 =	vld.idx.msk [tilespmem:v51+s14+$0x0], $0xffff  }
0x190: {  	s24 =	sshll.u32 s9, $0x1;
	s9 =	sor.u32 $0x1, s9;
	v49 =	vadd.s32 v12, v21;
	v56 =	vor.u32 v9, v22;
	[tilespmem:v50+s21+$0x0] =	vst.idx.msk $0xffff, v29;
	v28 =	vld [tilespmem:s22+$0x0]  }
0x191: {  	v60 =	vadd.s32 v12, v27;
	v62 =	vor.u32 v11, v32;
	v36 =	vadd.s32 v16, v24;
	s29 =	sshll.u32 s9, $0x4;
	v41 =	vld.idx.msk [tilespmem:v30+s14+$0x0], $0xffff  }
0x192: {  	v38 =	vld.idx.msk [tilespmem:v53+s14+$0x0], $0xffff;
	s11 =	sor.u32 s29, s11;
	v51 =	vadd.s32 v0, v31;
	[tilespmem:v54+s21+$0x0] =	vst.idx.msk $0xffff, v2;
	v2 =	vor.u32 v9, v32  }
0x193: {  	v45 =	vor.u32 v9, v26;
	v34 =	vor.u32 v15, v26;
	v52 =	vadd.s32 v14, v21;
	v33 =	vld [tilespmem:s11+$0x0]  }
0x194: {  	v39 =	vadd.s32 v16, v21;
	v53 =	vadd.s32 v12, v24;
	v44 =	vadd.s32 v0, v25;
	v40 =	vld.idx.msk [tilespmem:v40+s14+$0x0], $0xffff  }
0x195: {  	v43 =	vor.u32 v5, v43;
	v50 =	vor.u32 v11, v22;
	v30 =	vmov s24;
	[tilespmem:v56+s21+$0x0] =	vst.idx.msk $0xffff, v55  }
0x196: {  	v29 =	vmov s3;
	v30 =	vshll.u32 v30, $0xB;
	v37 =	vld.idx.msk [tilespmem:v57+s14+$0x0], $0xffff;
	[tilespmem:v42+s21+$0x0] =	vst.idx.msk $0xffff, v41;
	v42 =	vadd.s32 v0, v28  }
0x197: {  	s28 =	sand.u32 $0x78, s17;
	v29 =	vshll.u32 v29, $0xB;
	v47 =	vor.u32 v5, v30;
	v51 =	vld.idx.msk [tilespmem:v51+s14+$0x0], $0xffff;
	[tilespmem:v2+s21+$0x0] =	vst.idx.msk $0xffff, v38  }
0x198: {  	s9 =	sshll.u32 s9, $0x1;
	v46 =	vor.u32 v5, v29;
	v30 =	vor.u32 s28, v47;
	v61 =	vld.idx.msk [tilespmem:v48+s14+$0x0], $0xffff;
	v48 =	vor.u32 s28, v63  }
0x199: {  	v59 =	vmov s9;
	v57 =	vadd.s32 v0, v33;
	v38 =	vld.idx.msk [tilespmem:v44+s14+$0x0], $0xffff;
	[tilespmem:v45+s21+$0x0] =	vst.idx.msk $0xffff, v40;
	v47 =	vor.u32 v47, v48  }
0x19a: {  	v54 =	vadd.s32 v6, v25;
	v56 =	vadd.s32 v14, v24;
	v55 =	vor.u32 v11, v26;
	v35 =	vld.idx.msk [tilespmem:v58+s14+$0x0], $0xffff  }
0x19b: {  	v29 =	vor.u32 s28, v46;
	v41 =	vshll.u32 v59, $0xB;
	v42 =	vld.idx.msk [tilespmem:v42+s14+$0x0], $0xffff;
	[tilespmem:v50+s21+$0x0] =	vst.idx.msk $0xffff, v37;
	v37 =	vor.u32 v46, v48  }
0x19c: {  	v59 =	vadd.s32 v14, v27;
	v49 =	vld.idx.msk [tilespmem:v49+s14+$0x0], $0xffff;
	v46 =	vadd.s32 v12, v23;
	v50 =	vor.u32 v13, v20  }
0x19d: {  	v41 =	vor.u32 v5, v41;
	v58 =	vor.u32 v13, v22;
	v44 =	vld.idx.msk [tilespmem:v60+s14+$0x0], $0xffff;
	[tilespmem:v62+s21+$0x0] =	vst.idx.msk $0xffff, v61  }
0x19e: {  	v2 =	vor.u32 v13, v32;
	v45 =	vor.u32 v43, v48;
	v57 =	vld.idx.msk [tilespmem:v57+s14+$0x0], $0xffff;
	[tilespmem:v47+s21+$0x0] =	vst.idx.msk $0xffff, v38  }
0x19f: {  	v40 =	vadd.s32 v14, v23;
	v60 =	vadd.s32 v6, v31;
	v53 =	vld.idx.msk [tilespmem:v53+s14+$0x0], $0xffff;
	[tilespmem:v55+s21+$0x0] =	vst.idx.msk $0xffff, v35  }
0x1a0: {  	v55 =	vor.u32 v7, v30;
	v54 =	vld.idx.msk [tilespmem:v54+s14+$0x0], $0xffff;
	[tilespmem:v37+s21+$0x0] =	vst.idx.msk $0xffff, v42;
	v37 =	vadd.s32 v6, v28  }
0x1a1: {  	v61 =	vor.u32 v13, v26;
	v42 =	vld.idx.msk [tilespmem:v46+s14+$0x0], $0xffff;
	v46 =	vadd.s32 v8, v25;
	[tilespmem:v50+s21+$0x0] =	vst.idx.msk $0xffff, v49  }
0x1a2: {  	v62 =	vor.u32 v15, v22;
	[tilespmem:v58+s21+$0x0] =	vst.idx.msk $0xffff, v44;
	v44 =	vor.u32 v41, v48;
	v47 =	vld.idx.msk [tilespmem:v52+s14+$0x0], $0xffff  }
0x1a3: {  	v38 =	vor.u32 s28, v43;
	v35 =	vor.u32 s28, v41;
	[tilespmem:v45+s21+$0x0] =	vst.idx.msk $0xffff, v51;
	v43 =	vadd.s32 v16, v27;
	v58 =	vld.idx.msk [tilespmem:v59+s14+$0x0], $0xffff  }
0x1a4: {  	v49 =	vor.u32 v15, v20;
	v41 =	vor.u32 v15, v35;
	v50 =	vld.idx.msk [tilespmem:v60+s14+$0x0], $0xffff;
	[tilespmem:v2+s21+$0x0] =	vst.idx.msk $0xffff, v53  }
0x1a5: {  	v52 =	vor.u32 v7, v29;
	v48 =	vor.u32 v9, v30;
	[tilespmem:v55+s21+$0x0] =	vst.idx.msk $0xffff, v54;
	v51 =	vld.idx.msk [tilespmem:v37+s14+$0x0], $0xffff  }
0x1a6: {  	v53 =	vor.u32 v7, v38;
	v55 =	vadd.s32 v6, v33;
	[tilespmem:v61+s21+$0x0] =	vst.idx.msk $0xffff, v42;
	v45 =	vld.idx.msk [tilespmem:v46+s14+$0x0], $0xffff  }
0x1a7: {  	v37 =	vadd.s32 v16, v28;
	v54 =	vadd.s32 v8, v31;
	[tilespmem:v44+s21+$0x0] =	vst.idx.msk $0xffff, v57;
	v44 =	vld.idx.msk [tilespmem:v56+s14+$0x0], $0xffff  }
0x1a8: {  	s3 =	simm.s32 $0x200;
	v42 =	vld.idx.msk [tilespmem:v40+s14+$0x0], $0xffff;
	v46 =	vor.u32 v15, v32;
	v40 =	vor.u32 v19, v32;
	[tilespmem:v62+s21+$0x0] =	vst.idx.msk $0xffff, v58  }
.LBB2_9:
0x1a9: {  	s17 =	sadd.s32 $0x4, s17;
	s9 =	sand.u32 $0x1E00, s3;
	[tilespmem:v49+s21+$0x0] =	vst.idx.msk $0xffff, v47  }
0x1aa: {  	v2 =	vadd.s32 v18, v21;
	v43 =	vld.idx.msk [tilespmem:v43+s14+$0x0], $0xffff;
	v47 =	vor.u32 v17, v32;
	v32 =	vadd.s32 v10, v25;
	s18 =	sand.u32 $0x4, s17;
	s11 =	sshrl.u32 s9, $0x2;
	s9 =	sand.u32 $0x78, s17  }
0x1ab: {  	v27 =	vadd.s32 v18, v27;
	v49 =	vld.idx.msk [tilespmem:v55+s14+$0x0], $0xffff;
	[tilespmem:v53+s21+$0x0] =	vst.idx.msk $0xffff, v50;
	v50 =	vor.u32 v17, v22;
	s22 =	sor.u32 $0x8000, s11;
	s11 =	sshll.u32 s18, $0x4;
	s23 =	sor.u32 $0x1, s18  }
0x1ac: {  	[tilespmem:v52+s21+$0x0] =	vst.idx.msk $0xffff, v51;
	v39 =	vld.idx.msk [tilespmem:v39+s14+$0x0], $0xffff;
	v51 =	vadd.s32 v16, v23;
	v52 =	vadd.s32 v18, v24;
	s25 =	sor.u32 $0x2, s18;
	s24 =	sor.u32 s11, s22;
	s11 =	sshll.u32 s23, $0x4  }
0x1ad: {  	v56 =	vadd.s32 v8, v33;
	s28 =	sor.u32 $0x3, s18;
	[tilespmem:v48+s21+$0x0] =	vst.idx.msk $0xffff, v45;
	v45 =	vld.idx.msk [tilespmem:v54+s14+$0x0], $0xffff;
	v48 =	vor.u32 v17, v20;
	s26 =	sshll.u32 s25, $0x4;
	s11 =	sor.u32 s11, s22  }
0x1ae: {  	v21 =	vmov v25;
	v53 =	vor.u32 v17, v26;
	v54 =	vadd.s32 v18, v23;
	[tilespmem:v46+s21+$0x0] =	vst.idx.msk $0xffff, v44;
	v25 =	vld [tilespmem:s24+$0x0];
	s24 =	sor.u32 s26, s22;
	s26 =	sshll.u32 s28, $0x4;
	s28 =	sshll.u32 s28, $0x1  }
0x1af: {  	s18 =	sshll.u32 s18, $0x1;
	s25 =	sshll.u32 s25, $0x1;
	v44 =	vor.u32 v9, v38;
	v46 =	vadd.s32 v8, v28;
	[tilespmem:v34+s21+$0x0] =	vst.idx.msk $0xffff, v42;
	v36 =	vld.idx.msk [tilespmem:v36+s14+$0x0], $0xffff;
	v23 =	vmov s28  }
0x1b0: {  	v55 =	vor.u32 v7, v35;
	s22 =	sor.u32 s26, s22;
	v34 =	vmov s18;
	v42 =	vld.idx.msk [tilespmem:v32+s14+$0x0], $0xffff;
	[tilespmem:v50+s21+$0x0] =	vst.idx.msk $0xffff, v43;
	v43 =	vmov s25  }
0x1b1: {  	p0 =	slt.u32 s17, $0x7C;
	v24 =	vmovc v28;
	s18 =	sshll.u32 s23, $0x1;
	v1 =	vshll.u32 v23, $0xB;
	v32 =	vmovc v29;
	v28 =	vshll.u32 v34, $0xB;
	v50 =	vld.idx.msk [tilespmem:v51+s14+$0x0], $0xffff;
	v43 =	vshll.u32 v43, $0xB  }
0x1b2: {  	v51 =	vor.u32 v5, v1;
	v57 =	vor.u32 v5, v28;
	[tilespmem:v48+s21+$0x0] =	vst.idx.msk $0xffff, v39;
	v48 =	vld.idx.msk [tilespmem:v27+s14+$0x0], $0xffff  }
0x1b3: {  	v28 =	vmov s18;
	v29 =	vor.u32 s9, v51;
	v27 =	vmovc v31;
	v23 =	vmovc v33;
	v58 =	vor.u32 s9, v57;
	v2 =	vld.idx.msk [tilespmem:v2+s14+$0x0], $0xffff  }
0x1b4: {  	v59 =	vshll.u32 v28, $0xB;
	v33 =	vor.u32 v19, v22;
	v22 =	vmovc v38;
	v34 =	vmovc v41;
	v39 =	vadd.s32 v16, v21;
	v28 =	vld [tilespmem:s22+$0x0]  }
0x1b5: {  	v38 =	vadd.s32 v10, v27;
	v41 =	vld.idx.msk [tilespmem:v46+s14+$0x0], $0xffff;
	v46 =	vor.u32 v19, v20;
	[tilespmem:v47+s21+$0x0] =	vst.idx.msk $0xffff, v36  }
0x1b6: {  	v60 =	vadd.s32 v14, v23;
	v36 =	vor.u32 v11, v30;
	v20 =	vmov v30;
	v31 =	vld [tilespmem:s24+$0x0];
	[tilespmem:v55+s21+$0x0] =	vst.idx.msk $0xffff, v49  }
0x1b7: {  	v47 =	vadd.s32 v0, v25;
	v55 =	vor.u32 v9, v32;
	v49 =	vld.idx.msk [tilespmem:v56+s14+$0x0], $0xffff;
	[tilespmem:v53+s21+$0x0] =	vst.idx.msk $0xffff, v50  }
0x1b8: {  	v50 =	vor.u32 v9, v35;
	[tilespmem:v44+s21+$0x0] =	vst.idx.msk $0xffff, v45;
	v44 =	vadd.s32 v10, v24;
	v45 =	vld.idx.msk [tilespmem:v52+s14+$0x0], $0xffff  }
0x1b9: {  	v52 =	vadd.s32 v10, v23;
	v53 =	vld.idx.msk [tilespmem:v54+s14+$0x0], $0xffff;
	v54 =	vor.u32 v19, v26;
	[tilespmem:v33+s21+$0x0] =	vst.idx.msk $0xffff, v48  }
0x1ba: {  	v56 =	vor.u32 v13, v32;
	v48 =	vadd.s32 v12, v21;
	v38 =	vld.idx.msk [tilespmem:v38+s14+$0x0], $0xffff;
	[tilespmem:v46+s21+$0x0] =	vst.idx.msk $0xffff, v2  }
0x1bb: {  	v30 =	vmov v58;
	v2 =	vadd.s32 v0, v28;
	v33 =	vld [tilespmem:s11+$0x0];
	[tilespmem:v36+s21+$0x0] =	vst.idx.msk $0xffff, v42;
	v36 =	vor.u32 v11, v22  }
0x1bc: {  	v46 =	vadd.s32 v14, v21;
	v42 =	vld.idx.msk [tilespmem:v47+s14+$0x0], $0xffff;
	v47 =	vadd.s32 v12, v27;
	[tilespmem:v55+s21+$0x0] =	vst.idx.msk $0xffff, v41  }
0x1bd: {  	v58 =	vadd.s32 v14, v24;
	[tilespmem:v50+s21+$0x0] =	vst.idx.msk $0xffff, v49;
	v41 =	vld.idx.msk [tilespmem:v44+s14+$0x0], $0xffff;
	v44 =	vor.u32 v11, v32  }
0x1be: {  	v26 =	vmov v35;
	v49 =	vor.u32 s9, v63;
	v50 =	vadd.s32 v0, v31;
	v52 =	vld.idx.msk [tilespmem:v52+s14+$0x0], $0xffff;
	[tilespmem:v40+s21+$0x0] =	vst.idx.msk $0xffff, v45  }
0x1bf: {  	v35 =	vor.u32 v57, v49;
	v45 =	vadd.s32 v12, v24;
	v40 =	vld.idx.msk [tilespmem:v48+s14+$0x0], $0xffff;
	[tilespmem:v54+s21+$0x0] =	vst.idx.msk $0xffff, v53  }
0x1c0: {  	v48 =	vadd.s32 v6, v25;
	v53 =	vor.u32 v11, v26;
	v2 =	vld.idx.msk [tilespmem:v2+s14+$0x0], $0xffff;
	[tilespmem:v36+s21+$0x0] =	vst.idx.msk $0xffff, v38  }
0x1c1: {  	v55 =	vadd.s32 v12, v23;
	v51 =	vor.u32 v51, v49;
	v54 =	vor.u32 v13, v20;
	v47 =	vld.idx.msk [tilespmem:v47+s14+$0x0], $0xffff  }
0x1c2: {  	v61 =	vor.u32 v13, v22;
	v62 =	vor.u32 v13, v26;
	v57 =	vadd.s32 v0, v33;
	v36 =	vmovc v37  }
0x1c3: {  	v38 =	vor.u32 v5, v43;
	v43 =	vadd.s32 v14, v27;
	v37 =	vld.idx.msk [tilespmem:v50+s14+$0x0], $0xffff;
	[tilespmem:v44+s21+$0x0] =	vst.idx.msk $0xffff, v41  }
0x1c4: {  	v0 =	vmov v63;
	[tilespmem:v35+s21+$0x0] =	vst.idx.msk $0xffff, v42;
	v42 =	vor.u32 v38, v49;
	v38 =	vor.u32 s9, v38;
	v44 =	vld.idx.msk [tilespmem:v45+s14+$0x0], $0xffff  }
0x1c5: {  	v35 =	vor.u32 v5, v59;
	v45 =	vld.idx.msk [tilespmem:v48+s14+$0x0], $0xffff;
	v48 =	vadd.s32 v6, v31;
	[tilespmem:v53+s21+$0x0] =	vst.idx.msk $0xffff, v52  }
0x1c6: {  	v52 =	vor.u32 v7, v30;
	[tilespmem:v51+s21+$0x0] =	vst.idx.msk $0xffff, v2;
	v2 =	vadd.s32 v6, v28;
	v63 =	vld.idx.msk [tilespmem:v55+s14+$0x0], $0xffff  }
0x1c7: {  	v1 =	vadd.s32 v8, v25;
	v59 =	vor.u32 v35, v49;
	v57 =	vld.idx.msk [tilespmem:v57+s14+$0x0], $0xffff;
	[tilespmem:v61+s21+$0x0] =	vst.idx.msk $0xffff, v47  }
0x1c8: {  	v35 =	vor.u32 s9, v35;
	v49 =	vor.u32 v15, v20;
	[tilespmem:v54+s21+$0x0] =	vst.idx.msk $0xffff, v40;
	v40 =	vld.idx.msk [tilespmem:v43+s14+$0x0], $0xffff  }
0x1c9: {  	v41 =	vor.u32 v15, v35;
	[tilespmem:v42+s21+$0x0] =	vst.idx.msk $0xffff, v37;
	v47 =	vld.idx.msk [tilespmem:v46+s14+$0x0], $0xffff;
	v46 =	vor.u32 v15, v22  }
.Ltmp8:
0x1ca: {  	v53 =	vor.u32 v7, v38;
	v43 =	vadd.s32 v16, v27;
	v50 =	vld.idx.msk [tilespmem:v48+s14+$0x0], $0xffff;
	[tilespmem:v56+s21+$0x0] =	vst.idx.msk $0xffff, v44;
	(pc) =	sbr.rel @p0 .LBB2_9-.Ltmp8, $4  }
0x1cb: {  	v55 =	vadd.s32 v6, v33;
	v37 =	vadd.s32 v16, v28;
	[tilespmem:v52+s21+$0x0] =	vst.idx.msk $0xffff, v45;
	v51 =	vld.idx.msk [tilespmem:v2+s14+$0x0], $0xffff  }
0x1cc: {  	v52 =	vor.u32 v7, v29;
	v45 =	vld.idx.msk [tilespmem:v1+s14+$0x0], $0xffff;
	[tilespmem:v62+s21+$0x0] =	vst.idx.msk $0xffff, v63;
	v63 =	vmov v0;
	v0 =	vlaneseq.u32  }
0x1cd: {  	v54 =	vadd.s32 v8, v31;
	v48 =	vor.u32 v9, v30;
	[tilespmem:v59+s21+$0x0] =	vst.idx.msk $0xffff, v57;
	v44 =	vld.idx.msk [tilespmem:v58+s14+$0x0], $0xffff  }
0x1ce: {  	s3 =	sadd.s32 $0x100, s3;
	v42 =	vld.idx.msk [tilespmem:v60+s14+$0x0], $0xffff;
	[tilespmem:v46+s21+$0x0] =	vst.idx.msk $0xffff, v40;
	v46 =	vor.u32 v15, v32;
	v40 =	vor.u32 v19, v32  }
0x1cf: {  	_ =	sdelay $0x3  }
0x1d0: {  	v1 =	vld.idx.msk [tilespmem:v55+s14+$0x0], $0xffff;
	v2 =	vadd.s32 v8, v28;
	v62 =	vor.u32 v7, v35  }
0x1d1: {  	v56 =	vadd.s32 v8, v33  }
0x1d2: {  	[tilespmem:v53+s21+$0x0] =	vst.idx.msk $0xffff, v50  }
0x1d3: {  	v53 =	vor.u32 v9, v38;
	v50 =	vld.idx.msk [tilespmem:v54+s14+$0x0], $0xffff  }
0x1d4: {  	[tilespmem:v52+s21+$0x0] =	vst.idx.msk $0xffff, v51;
	v51 =	vadd.s32 v10, v31  }
0x1d5: {  	v52 =	vadd.s32 v10, v25;
	v2 =	vld.idx.msk [tilespmem:v2+s14+$0x0], $0xffff;
	[tilespmem:v62+s21+$0x0] =	vst.idx.msk $0xffff, v1;
	v1 =	vor.u32 v9, v29  }
0x1d6: {  	v60 =	vor.u32 v9, v35;
	v61 =	vadd.s32 v10, v28;
	v54 =	vld.idx.msk [tilespmem:v56+s14+$0x0], $0xffff  }
0x1d7: {  	[tilespmem:v49+s21+$0x0] =	vst.idx.msk $0xffff, v47;
	v62 =	vadd.s32 v10, v33  }
0x1d8: {  	[tilespmem:v53+s21+$0x0] =	vst.idx.msk $0xffff, v50  }
0x1d9: {  	[tilespmem:v48+s21+$0x0] =	vst.idx.msk $0xffff, v45;
	v48 =	vor.u32 v11, v38;
	v45 =	vld.idx.msk [tilespmem:v51+s14+$0x0], $0xffff  }
0x1da: {  	v57 =	vor.u32 v11, v30;
	v49 =	vld.idx.msk [tilespmem:v52+s14+$0x0], $0xffff;
	[tilespmem:v1+s21+$0x0] =	vst.idx.msk $0xffff, v2;
	v1 =	vadd.s32 v12, v31  }
0x1db: {  	v59 =	vor.u32 v11, v29;
	v2 =	vadd.s32 v12, v25;
	[tilespmem:v60+s21+$0x0] =	vst.idx.msk $0xffff, v54;
	v58 =	vld.idx.msk [tilespmem:v61+s14+$0x0], $0xffff  }
0x1dc: {  	[tilespmem:v46+s21+$0x0] =	vst.idx.msk $0xffff, v44;
	v46 =	vadd.s32 v12, v28;
	v60 =	vor.u32 v11, v35;
	v44 =	vld.idx.msk [tilespmem:v62+s14+$0x0], $0xffff  }
0x1dd: {  	v43 =	vld.idx.msk [tilespmem:v43+s14+$0x0], $0xffff;
	[tilespmem:v34+s21+$0x0] =	vst.idx.msk $0xffff, v42;
	v34 =	vadd.s32 v12, v33;
	v61 =	vor.u32 v17, v22  }
0x1de: {  	v39 =	vld.idx.msk [tilespmem:v39+s14+$0x0], $0xffff;
	v62 =	vor.u32 v17, v20;
	[tilespmem:v48+s21+$0x0] =	vst.idx.msk $0xffff, v45  }
0x1df: {  	[tilespmem:v57+s21+$0x0] =	vst.idx.msk $0xffff, v49;
	v45 =	vadd.s32 v16, v23;
	v48 =	vor.u32 v13, v38;
	v1 =	vld.idx.msk [tilespmem:v1+s14+$0x0], $0xffff  }
0x1e0: {  	v56 =	vor.u32 v13, v30;
	v57 =	vadd.s32 v14, v31;
	v2 =	vld.idx.msk [tilespmem:v2+s14+$0x0], $0xffff;
	[tilespmem:v59+s21+$0x0] =	vst.idx.msk $0xffff, v58  }
0x1e1: {  	v58 =	vor.u32 v13, v29;
	v59 =	vadd.s32 v14, v25;
	v46 =	vld.idx.msk [tilespmem:v46+s14+$0x0], $0xffff;
	[tilespmem:v60+s21+$0x0] =	vst.idx.msk $0xffff, v44  }
0x1e2: {  	[tilespmem:v61+s21+$0x0] =	vst.idx.msk $0xffff, v43;
	v61 =	vor.u32 v13, v35;
	v60 =	vadd.s32 v14, v28;
	v34 =	vld.idx.msk [tilespmem:v34+s14+$0x0], $0xffff  }
0x1e3: {  	v32 =	vor.u32 v17, v32;
	v36 =	vld.idx.msk [tilespmem:v36+s14+$0x0], $0xffff;
	[tilespmem:v62+s21+$0x0] =	vst.idx.msk $0xffff, v39;
	v62 =	vadd.s32 v14, v33  }
0x1e4: {  	v24 =	vadd.s32 v18, v24;
	v53 =	vor.u32 v17, v26;
	v45 =	vld.idx.msk [tilespmem:v45+s14+$0x0], $0xffff;
	[tilespmem:v48+s21+$0x0] =	vst.idx.msk $0xffff, v1  }
0x1e5: {  	v54 =	vor.u32 v15, v38;
	v1 =	vadd.s32 v18, v21;
	[tilespmem:v56+s21+$0x0] =	vst.idx.msk $0xffff, v2;
	v2 =	vld.idx.msk [tilespmem:v57+s14+$0x0], $0xffff  }
0x1e6: {  	v56 =	vor.u32 v15, v30;
	v55 =	vld.idx.msk [tilespmem:v59+s14+$0x0], $0xffff;
	v57 =	vadd.s32 v16, v31;
	[tilespmem:v58+s21+$0x0] =	vst.idx.msk $0xffff, v46  }
0x1e7: {  	v58 =	vadd.s32 v16, v25;
	[tilespmem:v61+s21+$0x0] =	vst.idx.msk $0xffff, v34;
	v59 =	vld.idx.msk [tilespmem:v60+s14+$0x0], $0xffff;
	v60 =	vor.u32 v15, v29  }
0x1e8: {  	[tilespmem:v32+s21+$0x0] =	vst.idx.msk $0xffff, v36;
	v61 =	vld.idx.msk [tilespmem:v62+s14+$0x0], $0xffff  }
0x1e9: {  	v24 =	vld.idx.msk [tilespmem:v24+s14+$0x0], $0xffff;
	[tilespmem:v53+s21+$0x0] =	vst.idx.msk $0xffff, v45;
	v45 =	vadd.s32 v16, v33  }
0x1ea: {  	v27 =	vadd.s32 v18, v27;
	v20 =	vor.u32 v19, v20;
	v1 =	vld.idx.msk [tilespmem:v1+s14+$0x0], $0xffff;
	[tilespmem:v54+s21+$0x0] =	vst.idx.msk $0xffff, v2  }
0x1eb: {  	v49 =	vor.u32 v17, v38;
	v2 =	vadd.s32 v18, v23;
	[tilespmem:v56+s21+$0x0] =	vst.idx.msk $0xffff, v55;
	v21 =	vld.idx.msk [tilespmem:v57+s14+$0x0], $0xffff  }
0x1ec: {  	v52 =	vadd.s32 v18, v31;
	v51 =	vor.u32 v17, v30;
	v50 =	vld.idx.msk [tilespmem:v58+s14+$0x0], $0xffff;
	[tilespmem:v60+s21+$0x0] =	vst.idx.msk $0xffff, v59  }
0x1ed: {  	v53 =	vadd.s32 v18, v25;
	v54 =	vor.u32 v17, v29;
	[tilespmem:v41+s21+$0x0] =	vst.idx.msk $0xffff, v61;
	v55 =	vld.idx.msk [tilespmem:v37+s14+$0x0], $0xffff  }
0x1ee: {  	[tilespmem:v40+s21+$0x0] =	vst.idx.msk $0xffff, v24;
	v56 =	vadd.s32 v18, v28;
	v57 =	vor.u32 v17, v35;
	v58 =	vld.idx.msk [tilespmem:v45+s14+$0x0], $0xffff  }
0x1ef: {  	v27 =	vld.idx.msk [tilespmem:v27+s14+$0x0], $0xffff;
	v62 =	vor.u32 v19, v22;
	[tilespmem:v20+s21+$0x0] =	vst.idx.msk $0xffff, v1;
	v1 =	vadd.s32 v18, v33  }
0x1f0: {  	v20 =	vor.u32 v19, v26;
	v2 =	vld.idx.msk [tilespmem:v2+s14+$0x0], $0xffff;
	[tilespmem:v49+s21+$0x0] =	vst.idx.msk $0xffff, v21  }
0x1f1: {  	v59 =	vor.u32 v19, v38;
	[tilespmem:v51+s21+$0x0] =	vst.idx.msk $0xffff, v50;
	v21 =	vld.idx.msk [tilespmem:v52+s14+$0x0], $0xffff  }
0x1f2: {  	v60 =	vor.u32 v19, v30;
	v25 =	vld.idx.msk [tilespmem:v53+s14+$0x0], $0xffff;
	[tilespmem:v54+s21+$0x0] =	vst.idx.msk $0xffff, v55  }
0x1f3: {  	v61 =	vor.u32 v19, v29;
	[tilespmem:v57+s21+$0x0] =	vst.idx.msk $0xffff, v58;
	v22 =	vld.idx.msk [tilespmem:v56+s14+$0x0], $0xffff  }
0x1f4: {  	[tilespmem:v62+s21+$0x0] =	vst.idx.msk $0xffff, v27;
	v62 =	vor.u32 v19, v35;
	v1 =	vld.idx.msk [tilespmem:v1+s14+$0x0], $0xffff  }
0x1f5: {  	[tilespmem:v20+s21+$0x0] =	vst.idx.msk $0xffff, v2  }
0x1f6: {  	[tilespmem:v59+s21+$0x0] =	vst.idx.msk $0xffff, v21  }
0x1f7: {  	[tilespmem:v60+s21+$0x0] =	vst.idx.msk $0xffff, v25  }
0x1f8: {  	s3 =	sshll.u32 s16, $0x7;
	s9 =	rddreg [dreg:$0x2];
	[tilespmem:v61+s21+$0x0] =	vst.idx.msk $0xffff, v22  }
0x1f9: {  	s3 =	sadd.s32 s9, s3;
	[tilespmem:v62+s21+$0x0] =	vst.idx.msk $0xffff, v1  }
0x1fa: {  	[hbm4b:s3+s4] =	stream.linear.scatter [tilespmem:s21], [sflag:$0x2], $0x400, $0x38;
	[tilespmem:$0x18E80] =	vst v63  }
0x1fb: {  	s9 =	sadd.s32 $0x8000, s3  }
0x1fc: {  	[hbm4b:s9+s4] =	stream.linear.scatter [tilespmem:s30], [sflag:$0x2], $0x400, $0x38;
	[tilespmem:$0x18E80] =	vst v63  }
0x1fd: {  	s11 =	simm.s32 $0x11800;
	s17 =	sadd.s32 $0x10000, s3  }
0x1fe: {  	[hbm4b:s17+s4] =	stream.linear.scatter [tilespmem:s11], [sflag:$0x2], $0x400, $0x38;
	[tilespmem:$0x18E80] =	vst v63  }
0x1ff: {  	s22 =	simm.s32 $0x12000;
	s18 =	sadd.s32 $0x18000, s3  }
0x200: {  	[hbm4b:s18+s4] =	stream.linear.scatter [tilespmem:s22], [sflag:$0x2], $0x400, $0x38;
	[tilespmem:$0x18E80] =	vst v63  }
0x201: {  	s24 =	simm.s32 $0x12800;
	s23 =	sadd.s32 $0x20000, s3  }
0x202: {  	[hbm4b:s23+s4] =	stream.linear.scatter [tilespmem:s24], [sflag:$0x2], $0x400, $0x38;
	[tilespmem:$0x18E80] =	vst v63  }
0x203: {  	s26 =	simm.s32 $0x13000;
	s25 =	sadd.s32 $0x28000, s3  }
0x204: {  	[hbm4b:s25+s4] =	stream.linear.scatter [tilespmem:s26], [sflag:$0x2], $0x400, $0x38;
	[tilespmem:$0x18E80] =	vst v63  }
0x205: {  	s29 =	simm.s32 $0x13800;
	s28 =	sadd.s32 $0x30000, s3  }
0x206: {  	[hbm4b:s28+s4] =	stream.linear.scatter [tilespmem:s29], [sflag:$0x2], $0x400, $0x38;
	[tilespmem:$0x18E80] =	vst v63  }
0x207: {  	s16 =	sadd.s32 $0x38000, s3;
	s17 =	simm.s32 $0x14000  }
0x208: {  	[hbm4b:s16+s4] =	stream.linear.scatter [tilespmem:s17], [sflag:$0x2], $0x400, $0x38;
	[tilespmem:$0x18E80] =	vst v63  }
0x209: {  	s18 =	sadd.s32 $0x40000, s3;
	s22 =	simm.s32 $0x14800  }
0x20a: {  	[hbm4b:s18+s4] =	stream.linear.scatter [tilespmem:s22], [sflag:$0x2], $0x400, $0x38;
	[tilespmem:$0x18E80] =	vst v63  }
0x20b: {  	s23 =	sadd.s32 $0x48000, s3  }
0x20c: {  	[hbm4b:s23+s4] =	stream.linear.scatter [tilespmem:s31], [sflag:$0x2], $0x400, $0x38;
	[tilespmem:$0x18E80] =	vst v63  }
0x20d: {  	s24 =	sadd.s32 $0x50000, s3  }
0x20e: {  	[hbm4b:s24+s4] =	stream.linear.scatter [tilespmem:s1], [sflag:$0x2], $0x400, $0x38;
	[tilespmem:$0x18E80] =	vst v63  }
0x20f: {  	s25 =	sadd.s32 $0x58000, s3  }
0x210: {  	[hbm4b:s25+s4] =	stream.linear.scatter [tilespmem:s0], [sflag:$0x2], $0x400, $0x38;
	[tilespmem:$0x18E80] =	vst v63  }
0x211: {  	s26 =	sadd.s32 $0x60000, s3  }
0x212: {  	[hbm4b:s26+s4] =	stream.linear.scatter [tilespmem:s2], [sflag:$0x2], $0x400, $0x38;
	[tilespmem:$0x18E80] =	vst v63  }
0x213: {  	s28 =	sadd.s32 $0x68000, s3  }
0x214: {  	[hbm4b:s28+s4] =	stream.linear.scatter [tilespmem:s19], [sflag:$0x2], $0x400, $0x38;
	[tilespmem:$0x18E80] =	vst v63  }
.Ltmp9:
0x215: {  	_ = 	snop;
	(pc) =	sbr.rel .LBB2_11-.Ltmp9, $4  }
0x216: {  	s29 =	sadd.s32 $0x70000, s3  }
0x217: {  	[hbm4b:s29+s4] =	stream.linear.scatter [tilespmem:s6], [sflag:$0x2], $0x400, $0x38;
	[tilespmem:$0x18E80] =	vst v63  }
0x218: {  	s3 =	sadd.s32 $0x78000, s3  }
0x219: {  	[hbm4b:s3+s4] =	stream.linear.scatter [tilespmem:s8], [sflag:$0x2], $0x400, $0x38;
	[tilespmem:$0x18E80] =	vst v63  }
.LBB2_12:
.Ltmp10:
0x21a: {  	s3 =	simm.s32 $0x3;
	(pc) =	sbr.rel .LBB2_13-.Ltmp10, $4  }
0x21b: {  	s12 =	simm.s32 $0x0;
	s9 =	simm.s32 $0x80;
	_ =	swait.ge [sflag:s3], $0x4000  }
0x21c: {  	s11 =	simm.s32 $0x1000;
	s15 =	simm.s32 $0x4100;
	[sflag:s3] =	ssyncset.done $0x0  }
0x21d: {  	s16 =	simm.s32 $0x0;
	s29 =	rddreg [dreg:$0x6];
	[sflag:s3] =	ssyncadd.s32 $0xFFFFC000  }
0x21e: {  	[tilespmem:s12], [sflag:$0x3] =	stream.strided.gather [hbm4b:s29+s9], $0x4000, s11, s9, $0x38;
	[tilespmem:$0x18E80] =	vst v63  }
.LBB2_22:
0x21f: {  	s16 =	sadd.s32 $0x1, s16  }
0x220: {  	p0 =	sne.s32 s16, $0x8  }
.Ltmp11:
0x221: {  	_ = 	snop;
	(pc) =	sbr.rel @!p0 .LBB2_23-.Ltmp11, $2  }
0x222: {  	_ =	sdelay $0x2  }
0x223: {  	s15 =	sadd.s32 $0x10, s15  }
.LBB2_13:
0x224: {  	s3 =	simm.s32 $0x1  }
0x225: {  	v1 =	vmov s12;
	s9 =	simm.s32 $0x2;
	v25 =	vld [tilespmem:s15+$0x80];
	v2 =	vmov s3  }
0x226: {  	v1 =	vand.u32 $0x7C, v1;
	v20 =	vmov s9;
	v2 =	vand.u32 $0x7D, v2  }
0x227: {  	s17 =	simm.s32 $0x4;
	s28 =	simm.s32 $0x3;
	v1 =	vbroadcast v1, $0x0;
	v20 =	vand.u32 $0x7E, v20;
	v2 =	vbroadcast v2, $0x0  }
0x228: {  	v26 =	vld [tilespmem:s15+$0xFFFFFF00];
	v21 =	vmov s17;
	v24 =	vor.u32 s28, v4;
	v20 =	vbroadcast v20, $0x0  }
0x229: {  	v27 =	vld [tilespmem:s15+$0xFFFFFF80];
	v22 =	vand.u32 $0x7C, v21;
	v23 =	vor.u32 v4, v1;
	v21 =	vor.u32 v4, v2  }
0x22a: {  	v28 =	vld [tilespmem:s15+$0x0];
	v20 =	vor.u32 v4, v20;
	vm0 =	vge.f32 v25, $-9.000000000e+02;
	vm1 =	vge.f32 v25, $-4.000000000e+02  }
0x22b: {  	vm13 =	vge.f32 v25, $-1.000000000e+02;
	vm14 =	vge.f32 v25, $-5.000000000e+01;
	vm15 =	vge.f32 v25, $-1.000000000e+01  }
0x22c: {  	vm4 =	vge.f32 v25, $2.000000000e+01;
	vm5 =	vge.f32 v25, $4.000000000e+01;
	vm6 =	vge.f32 v25, $6.000000000e+01  }
0x22d: {  	vm7 =	vge.f32 v25, $1.000000000e+02;
	vm8 =	vge.f32 v25, $8.000000000e+02;
	vm9 =	vge.f32 v25, $1.000000000e+03  }
0x22e: {  	vm10 =	vge.f32 v26, $-9.000000000e+02;
	vm11 =	vge.f32 v26, $-4.000000000e+02;
	vm2 =	vge.f32 v27, $-9.000000000e+02  }
0x22f: {  	vm3 =	vge.f32 v27, $-4.000000000e+02;
	vm12 =	vge.f32 v28, $-4.000000000e+02;
	v1 =	vsel vm0, $0x2, v62  }
0x230: {  	v2 =	vsel vm1, $0x1, v3;
	v25 =	vsel vm11, $0x1, v3;
	v29 =	vsel vm2, $0x2, v62  }
0x231: {  	v30 =	vsel vm3, $0x1, v3;
	vm11 =	vge.f32 v27, $2.000000000e+01;
	v1 =	vadd.s32 v2, v1  }
0x232: {  	v2 =	vsel vm13, $0x1, v3;
	vm13 =	vge.f32 v26, $-1.000000000e+02;
	v29 =	vadd.s32 v30, v29  }
0x233: {  	v30 =	vsel vm12, $0x1, v3;
	v1 =	vadd.s32 v2, v1;
	v2 =	vsel vm14, $0x1, v3  }
0x234: {  	vm12 =	vge.f32 v28, $2.000000000e+01;
	v1 =	vadd.s32 v2, v1;
	v2 =	vsel vm15, $0x1, v3  }
0x235: {  	vm14 =	vge.f32 v27, $-1.000000000e+02;
	v1 =	vadd.s32 v2, v1;
	v2 =	vsel vm4, $0x1, v3  }
0x236: {  	vm15 =	vge.f32 v28, $-1.000000000e+02;
	v1 =	vadd.s32 v2, v1;
	v2 =	vsel vm5, $0x1, v3  }
0x237: {  	vm4 =	vge.f32 v28, $-9.000000000e+02;
	v1 =	vadd.s32 v2, v1;
	v2 =	vsel vm6, $0x1, v3  }
0x238: {  	vm5 =	vge.f32 v27, $-5.000000000e+01;
	v1 =	vadd.s32 v2, v1;
	v2 =	vsel vm7, $0x1, v3  }
0x239: {  	vm6 =	vge.f32 v28, $-5.000000000e+01;
	v1 =	vadd.s32 v2, v1;
	v2 =	vsel vm8, $0x1, v3  }
0x23a: {  	vm7 =	vge.f32 v26, $-1.000000000e+01;
	v1 =	vadd.s32 v2, v1;
	v2 =	vsel vm9, $0x1, v3  }
0x23b: {  	vm8 =	vge.f32 v27, $-1.000000000e+01;
	v1 =	vadd.s32 v2, v1;
	v2 =	vsel vm10, $0x2, v62  }
0x23c: {  	vm9 =	vge.f32 v28, $-1.000000000e+01;
	v2 =	vadd.s32 v25, v2;
	v25 =	vsel vm4, $0x2, v62  }
0x23d: {  	vm10 =	vge.f32 v26, $2.000000000e+01;
	v25 =	vadd.s32 v30, v25;
	v30 =	vsel vm13, $0x1, v3  }
0x23e: {  	vm4 =	vge.f32 v26, $-5.000000000e+01;
	v2 =	vadd.s32 v30, v2;
	v30 =	vsel vm14, $0x1, v3  }
0x23f: {  	v1 =	vshll.u32 v1, $0x7;
	v29 =	vadd.s32 v30, v29;
	v30 =	vsel vm15, $0x1, v3  }
0x240: {  	vm13 =	vge.f32 v26, $4.000000000e+01;
	v25 =	vadd.s32 v30, v25;
	v30 =	vsel vm4, $0x1, v3  }
0x241: {  	vm14 =	vge.f32 v27, $4.000000000e+01;
	v2 =	vadd.s32 v30, v2;
	v30 =	vsel vm5, $0x1, v3  }
0x242: {  	vm15 =	vge.f32 v28, $4.000000000e+01;
	v29 =	vadd.s32 v30, v29;
	v30 =	vsel vm6, $0x1, v3  }
0x243: {  	vm4 =	vge.f32 v26, $6.000000000e+01;
	v25 =	vadd.s32 v30, v25;
	v30 =	vsel vm7, $0x1, v3  }
0x244: {  	vm5 =	vge.f32 v27, $6.000000000e+01;
	v2 =	vadd.s32 v30, v2;
	v30 =	vsel vm8, $0x1, v3  }
0x245: {  	vm6 =	vge.f32 v28, $6.000000000e+01;
	v29 =	vadd.s32 v30, v29;
	v30 =	vsel vm9, $0x1, v3  }
0x246: {  	vm7 =	vge.f32 v26, $1.000000000e+02;
	v25 =	vadd.s32 v30, v25;
	v30 =	vsel vm10, $0x1, v3  }
0x247: {  	vm8 =	vge.f32 v27, $1.000000000e+02;
	v2 =	vadd.s32 v30, v2;
	v30 =	vsel vm11, $0x1, v3  }
0x248: {  	vm9 =	vge.f32 v28, $1.000000000e+02;
	v29 =	vadd.s32 v30, v29;
	v30 =	vsel vm12, $0x1, v3  }
0x249: {  	vm10 =	vge.f32 v26, $8.000000000e+02;
	v25 =	vadd.s32 v30, v25;
	v30 =	vsel vm13, $0x1, v3  }
0x24a: {  	vm11 =	vge.f32 v27, $8.000000000e+02;
	v2 =	vadd.s32 v30, v2;
	v30 =	vsel vm14, $0x1, v3  }
0x24b: {  	vm12 =	vge.f32 v28, $8.000000000e+02;
	v29 =	vadd.s32 v30, v29;
	v30 =	vsel vm15, $0x1, v3  }
0x24c: {  	vm13 =	vge.f32 v26, $1.000000000e+03;
	v25 =	vadd.s32 v30, v25;
	v30 =	vsel vm4, $0x1, v3  }
0x24d: {  	v26 =	vsel vm11, $0x1, v3;
	v2 =	vadd.s32 v30, v2;
	v30 =	vsel vm5, $0x1, v3  }
0x24e: {  	vm14 =	vge.f32 v27, $1.000000000e+03;
	v29 =	vadd.s32 v30, v29;
	v30 =	vsel vm6, $0x1, v3  }
0x24f: {  	v27 =	vsel vm12, $0x1, v3;
	v25 =	vadd.s32 v30, v25;
	v30 =	vsel vm7, $0x1, v3  }
0x250: {  	vm15 =	vge.f32 v28, $1.000000000e+03;
	v2 =	vadd.s32 v30, v2;
	v30 =	vsel vm8, $0x1, v3  }
0x251: {  	v28 =	vsel vm13, $0x1, v3;
	v29 =	vadd.s32 v30, v29;
	v30 =	vsel vm9, $0x1, v3  }
0x252: {  	v25 =	vadd.s32 v30, v25;
	v30 =	vsel vm10, $0x1, v3;
	v26 =	vadd.s32 v26, v29  }
0x253: {  	v29 =	vsel vm14, $0x1, v3;
	v2 =	vadd.s32 v30, v2;
	v27 =	vadd.s32 v27, v25  }
0x254: {  	v25 =	vadd.s32 v29, v26;
	v26 =	vsel vm15, $0x1, v3;
	v2 =	vadd.s32 v28, v2  }
0x255: {  	s29 =	simm.s32 $0x5;
	s11 =	simm.s32 $0x6;
	s3 =	sadd.s32 $0x200, s15;
	[tilespmem:v24+s20+$0x0] =	vst.idx.msk $0xffff, v1;
	v25 =	vshll.u32 v25, $0x7;
	v1 =	vshll.u32 v2, $0x7;
	v2 =	vadd.s32 v26, v27  }
0x256: {  	s9 =	simm.s32 $0x8;
	v28 =	vld [tilespmem:s3+$0x80];
	v26 =	vmov s29;
	v27 =	vmov s11;
	[tilespmem:v23+s20+$0x0] =	vst.idx.msk $0xffff, v1;
	v23 =	vshll.u32 v2, $0x7  }
.LBB2_14:
0x257: {  	p0 =	slt.u32 s9, $0x7C;
	v1 =	vbroadcast v22, $0x0;
	v24 =	vld [tilespmem:s3+$0xFFFFFF80];
	v2 =	vand.u32 $0x7D, v26;
	v22 =	vand.u32 $0x7E, v27;
	[tilespmem:v21+s20+$0x0] =	vst.idx.msk $0xffff, v25  }
0x258: {  	v21 =	vmov s9;
	v2 =	vbroadcast v2, $0x0;
	v25 =	vld [tilespmem:s3+$0x0];
	v27 =	vbroadcast v22, $0x0;
	[tilespmem:v20+s20+$0x0] =	vst.idx.msk $0xffff, v23  }
0x259: {  	v22 =	vand.u32 $0x7C, v21;
	v26 =	vld [tilespmem:s3+$0xFFFFFF00]  }
0x25a: {  	s11 =	sadd.s32 $0x3, s17;
	s17 =	smov.u32 s9;
	v23 =	vor.u32 v4, v1;
	v21 =	vor.u32 v4, v2;
	v20 =	vor.u32 v4, v27  }
0x25b: {  	v1 =	vor.u32 s11, v4;
	vm0 =	vge.f32 v28, $-9.000000000e+02;
	vm1 =	vge.f32 v28, $-4.000000000e+02  }
0x25c: {  	v2 =	vsel vm0, $0x2, v62;
	v27 =	vsel vm1, $0x1, v3;
	vm0 =	vge.f32 v28, $-1.000000000e+02  }
0x25d: {  	v2 =	vadd.s32 v27, v2;
	v27 =	vsel vm0, $0x1, v3;
	vm0 =	vge.f32 v28, $-5.000000000e+01  }
0x25e: {  	v2 =	vadd.s32 v27, v2;
	v27 =	vsel vm0, $0x1, v3;
	vm0 =	vge.f32 v28, $-1.000000000e+01  }
0x25f: {  	v2 =	vadd.s32 v27, v2;
	v27 =	vsel vm0, $0x1, v3;
	vm0 =	vge.f32 v28, $2.000000000e+01  }
0x260: {  	v2 =	vadd.s32 v27, v2;
	v27 =	vsel vm0, $0x1, v3;
	vm0 =	vge.f32 v28, $4.000000000e+01  }
0x261: {  	v2 =	vadd.s32 v27, v2;
	v27 =	vsel vm0, $0x1, v3;
	vm0 =	vge.f32 v28, $6.000000000e+01  }
0x262: {  	v2 =	vadd.s32 v27, v2;
	v27 =	vsel vm0, $0x1, v3;
	vm0 =	vge.f32 v28, $1.000000000e+02  }
0x263: {  	v2 =	vadd.s32 v27, v2;
	v27 =	vsel vm0, $0x1, v3;
	vm0 =	vge.f32 v28, $8.000000000e+02  }
0x264: {  	v2 =	vadd.s32 v27, v2;
	v27 =	vsel vm0, $0x1, v3;
	vm0 =	vge.f32 v28, $1.000000000e+03  }
0x265: {  	vm1 =	vge.f32 v26, $-9.000000000e+02;
	v2 =	vadd.s32 v27, v2;
	v27 =	vsel vm0, $0x1, v3  }
0x266: {  	vm2 =	vge.f32 v24, $-9.000000000e+02;
	vm0 =	vge.f32 v26, $-4.000000000e+02;
	v2 =	vadd.s32 v27, v2  }
0x267: {  	vm3 =	vge.f32 v24, $-4.000000000e+02;
	vm4 =	vge.f32 v25, $-9.000000000e+02;
	v2 =	vshll.u32 v2, $0x7  }
0x268: {  	v27 =	vsel vm1, $0x2, v62;
	v28 =	vsel vm0, $0x1, v3;
	vm0 =	vge.f32 v25, $-4.000000000e+02;
	[tilespmem:v1+s20+$0x0] =	vst.idx.msk $0xffff, v2  }
0x269: {  	v29 =	vsel vm4, $0x2, v62;
	v1 =	vsel vm2, $0x2, v62;
	v2 =	vsel vm3, $0x1, v3  }
0x26a: {  	vm1 =	vge.f32 v26, $-1.000000000e+02;
	v30 =	vsel vm0, $0x1, v3;
	vm2 =	vge.f32 v24, $-1.000000000e+02  }
0x26b: {  	v27 =	vadd.s32 v28, v27;
	vm0 =	vge.f32 v25, $-1.000000000e+02;
	v1 =	vadd.s32 v2, v1  }
0x26c: {  	v29 =	vadd.s32 v30, v29;
	v2 =	vsel vm1, $0x1, v3;
	v28 =	vsel vm2, $0x1, v3  }
0x26d: {  	v30 =	vsel vm0, $0x1, v3;
	vm1 =	vge.f32 v26, $-5.000000000e+01;
	vm2 =	vge.f32 v24, $-5.000000000e+01  }
0x26e: {  	vm0 =	vge.f32 v25, $-5.000000000e+01;
	v2 =	vadd.s32 v2, v27;
	v1 =	vadd.s32 v28, v1  }
0x26f: {  	v29 =	vadd.s32 v30, v29;
	v27 =	vsel vm1, $0x1, v3;
	v28 =	vsel vm2, $0x1, v3  }
0x270: {  	v30 =	vsel vm0, $0x1, v3;
	vm1 =	vge.f32 v26, $-1.000000000e+01;
	vm2 =	vge.f32 v24, $-1.000000000e+01  }
0x271: {  	vm0 =	vge.f32 v25, $-1.000000000e+01;
	v2 =	vadd.s32 v27, v2;
	v1 =	vadd.s32 v28, v1  }
0x272: {  	v29 =	vadd.s32 v30, v29;
	v27 =	vsel vm1, $0x1, v3;
	v28 =	vsel vm2, $0x1, v3  }
0x273: {  	v30 =	vsel vm0, $0x1, v3;
	vm1 =	vge.f32 v26, $2.000000000e+01;
	vm2 =	vge.f32 v24, $2.000000000e+01  }
0x274: {  	vm0 =	vge.f32 v25, $2.000000000e+01;
	v2 =	vadd.s32 v27, v2;
	v1 =	vadd.s32 v28, v1  }
0x275: {  	v29 =	vadd.s32 v30, v29;
	v27 =	vsel vm1, $0x1, v3;
	v28 =	vsel vm2, $0x1, v3  }
0x276: {  	v30 =	vsel vm0, $0x1, v3;
	vm1 =	vge.f32 v26, $4.000000000e+01;
	vm2 =	vge.f32 v24, $4.000000000e+01  }
0x277: {  	vm0 =	vge.f32 v25, $4.000000000e+01;
	v2 =	vadd.s32 v27, v2;
	v1 =	vadd.s32 v28, v1  }
0x278: {  	v29 =	vadd.s32 v30, v29;
	v27 =	vsel vm1, $0x1, v3;
	v28 =	vsel vm2, $0x1, v3  }
0x279: {  	v30 =	vsel vm0, $0x1, v3;
	vm1 =	vge.f32 v26, $6.000000000e+01;
	vm2 =	vge.f32 v24, $6.000000000e+01  }
0x27a: {  	vm0 =	vge.f32 v25, $6.000000000e+01;
	v2 =	vadd.s32 v27, v2;
	v1 =	vadd.s32 v28, v1  }
0x27b: {  	v29 =	vadd.s32 v30, v29;
	v27 =	vsel vm1, $0x1, v3;
	v28 =	vsel vm2, $0x1, v3  }
0x27c: {  	v30 =	vsel vm0, $0x1, v3;
	vm1 =	vge.f32 v26, $1.000000000e+02;
	vm2 =	vge.f32 v24, $1.000000000e+02  }
0x27d: {  	vm0 =	vge.f32 v25, $1.000000000e+02;
	v2 =	vadd.s32 v27, v2;
	v1 =	vadd.s32 v28, v1  }
0x27e: {  	v29 =	vadd.s32 v30, v29;
	v27 =	vsel vm1, $0x1, v3;
	v28 =	vsel vm2, $0x1, v3  }
0x27f: {  	v30 =	vsel vm0, $0x1, v3;
	vm1 =	vge.f32 v26, $8.000000000e+02;
	vm2 =	vge.f32 v24, $8.000000000e+02  }
0x280: {  	vm0 =	vge.f32 v25, $8.000000000e+02;
	v2 =	vadd.s32 v27, v2;
	v1 =	vadd.s32 v28, v1  }
0x281: {  	v29 =	vadd.s32 v30, v29;
	v27 =	vsel vm1, $0x1, v3;
	v28 =	vsel vm2, $0x1, v3  }
0x282: {  	vm1 =	vge.f32 v26, $1.000000000e+03;
	vm2 =	vge.f32 v24, $1.000000000e+03;
	v24 =	vsel vm0, $0x1, v3  }
.Ltmp12:
0x283: {  	vm0 =	vge.f32 v25, $1.000000000e+03;
	v2 =	vadd.s32 v27, v2;
	v1 =	vadd.s32 v28, v1;
	(pc) =	sbr.rel @p0 .LBB2_14-.Ltmp12, $4  }
0x284: {  	v25 =	vsel vm1, $0x1, v3;
	v26 =	vsel vm2, $0x1, v3;
	v24 =	vadd.s32 v24, v29  }
0x285: {  	v2 =	vadd.s32 v25, v2;
	v1 =	vadd.s32 v26, v1;
	v26 =	vsel vm0, $0x1, v3  }
0x286: {  	s18 =	sadd.s32 $0x2, s9;
	s11 =	sadd.s32 $0x1, s9;
	s3 =	sadd.s32 $0x200, s3;
	v2 =	vshll.u32 v2, $0x7;
	v25 =	vshll.u32 v1, $0x7;
	v1 =	vadd.s32 v26, v24  }
0x287: {  	s9 =	sadd.s32 $0x4, s9;
	v27 =	vmov s18;
	v26 =	vmov s11;
	v28 =	vld [tilespmem:s3+$0x80];
	[tilespmem:v23+s20+$0x0] =	vst.idx.msk $0xffff, v2;
	v23 =	vshll.u32 v1, $0x7  }
0x288: {  	v22 =	vbroadcast v22, $0x0;
	v26 =	vand.u32 $0x7D, v26;
	v27 =	vand.u32 $0x7E, v27  }
0x289: {  	s28 =	sadd.s32 $0x3, s17;
	v26 =	vbroadcast v26, $0x0;
	v27 =	vbroadcast v27, $0x0  }
0x28a: {  	v24 =	vld [tilespmem:s3+$0xFFFFFF00];
	v58 =	vor.u32 s28, v4  }
0x28b: {  	v29 =	vld [tilespmem:s3+$0xFFFFFF80];
	v22 =	vor.u32 v4, v22;
	v26 =	vor.u32 v4, v26;
	v27 =	vor.u32 v4, v27  }
0x28c: {  	v30 =	vld [tilespmem:s3+$0x0];
	vm0 =	vge.f32 v28, $-9.000000000e+02;
	vm1 =	vge.f32 v28, $-4.000000000e+02;
	vm13 =	vge.f32 v28, $-1.000000000e+02  }
0x28d: {  	vm14 =	vge.f32 v28, $-5.000000000e+01;
	vm15 =	vge.f32 v28, $-1.000000000e+01;
	vm4 =	vge.f32 v28, $2.000000000e+01  }
0x28e: {  	vm5 =	vge.f32 v28, $4.000000000e+01;
	vm6 =	vge.f32 v28, $6.000000000e+01;
	vm7 =	vge.f32 v28, $1.000000000e+02  }
0x28f: {  	vm8 =	vge.f32 v28, $8.000000000e+02;
	vm9 =	vge.f32 v28, $1.000000000e+03;
	v1 =	vsel vm0, $0x2, v62  }
0x290: {  	v2 =	vsel vm1, $0x1, v3;
	vm10 =	vge.f32 v24, $-9.000000000e+02;
	vm11 =	vge.f32 v24, $-4.000000000e+02  }
0x291: {  	vm2 =	vge.f32 v29, $-9.000000000e+02;
	vm3 =	vge.f32 v29, $-4.000000000e+02;
	vm12 =	vge.f32 v30, $-4.000000000e+02  }
0x292: {  	v1 =	vadd.s32 v2, v1;
	v2 =	vsel vm13, $0x1, v3;
	v60 =	vsel vm11, $0x1, v3  }
0x293: {  	v31 =	vsel vm2, $0x2, v62;
	v32 =	vsel vm3, $0x1, v3;
	vm13 =	vge.f32 v24, $-1.000000000e+02  }
0x294: {  	v35 =	vsel vm12, $0x1, v3;
	vm11 =	vge.f32 v29, $2.000000000e+01;
	vm12 =	vge.f32 v30, $2.000000000e+01  }
0x295: {  	v1 =	vadd.s32 v2, v1;
	v2 =	vsel vm14, $0x1, v3;
	v61 =	vadd.s32 v32, v31  }
0x296: {  	vm14 =	vge.f32 v29, $-1.000000000e+02;
	v36 =	vsel vm13, $0x1, v3;
	v46 =	vsel vm11, $0x1, v3  }
0x297: {  	vm13 =	vge.f32 v24, $4.000000000e+01;
	v47 =	vsel vm12, $0x1, v3;
	vm11 =	vge.f32 v24, $1.000000000e+03  }
0x298: {  	vm12 =	vge.f32 v29, $8.000000000e+02;
	v1 =	vadd.s32 v2, v1;
	v2 =	vsel vm15, $0x1, v3  }
0x299: {  	vm15 =	vge.f32 v30, $-1.000000000e+02;
	v37 =	vsel vm14, $0x1, v3;
	vm14 =	vge.f32 v29, $4.000000000e+01  }
0x29a: {  	v48 =	vsel vm13, $0x1, v3;
	vm13 =	vge.f32 v29, $1.000000000e+03;
	v59 =	vsel vm12, $0x1, v3  }
0x29b: {  	v1 =	vadd.s32 v2, v1;
	v2 =	vsel vm4, $0x1, v3;
	vm4 =	vge.f32 v30, $-9.000000000e+02  }
0x29c: {  	v28 =	vadd.s32 v37, v61;
	v38 =	vsel vm15, $0x1, v3;
	vm15 =	vge.f32 v30, $4.000000000e+01  }
0x29d: {  	v49 =	vsel vm14, $0x1, v3;
	vm14 =	vge.f32 v30, $8.000000000e+02;
	v61 =	vsel vm11, $0x1, v3  }
0x29e: {  	[tilespmem:v20+s20+$0x0] =	vst.idx.msk $0xffff, v23;
	v20 =	vsel vm13, $0x1, v3;
	v1 =	vadd.s32 v2, v1;
	v2 =	vsel vm5, $0x1, v3  }
0x29f: {  	v33 =	vsel vm4, $0x2, v62;
	vm4 =	vge.f32 v24, $-5.000000000e+01;
	vm5 =	vge.f32 v29, $-5.000000000e+01  }
0x2a0: {  	v50 =	vsel vm15, $0x1, v3;
	vm15 =	vge.f32 v30, $1.000000000e+03;
	v1 =	vadd.s32 v2, v1  }
0x2a1: {  	v2 =	vsel vm6, $0x1, v3;
	v31 =	vadd.s32 v35, v33;
	vm6 =	vge.f32 v30, $-5.000000000e+01  }
0x2a2: {  	v39 =	vsel vm4, $0x1, v3;
	v40 =	vsel vm5, $0x1, v3;
	vm4 =	vge.f32 v24, $6.000000000e+01  }
0x2a3: {  	vm5 =	vge.f32 v29, $6.000000000e+01;
	v1 =	vadd.s32 v2, v1;
	v2 =	vsel vm7, $0x1, v3  }
0x2a4: {  	v31 =	vadd.s32 v38, v31;
	vm7 =	vge.f32 v24, $-1.000000000e+01;
	v28 =	vadd.s32 v40, v28  }
0x2a5: {  	v41 =	vsel vm6, $0x1, v3;
	vm6 =	vge.f32 v30, $6.000000000e+01;
	v51 =	vsel vm4, $0x1, v3  }
0x2a6: {  	v52 =	vsel vm5, $0x1, v3;
	v1 =	vadd.s32 v2, v1;
	v2 =	vsel vm8, $0x1, v3  }
0x2a7: {  	vm8 =	vge.f32 v29, $-1.000000000e+01;
	v31 =	vadd.s32 v41, v31;
	v42 =	vsel vm7, $0x1, v3  }
0x2a8: {  	vm7 =	vge.f32 v24, $1.000000000e+02;
	v53 =	vsel vm6, $0x1, v3;
	v1 =	vadd.s32 v2, v1  }
0x2a9: {  	v2 =	vsel vm9, $0x1, v3;
	vm9 =	vge.f32 v30, $-1.000000000e+01;
	v43 =	vsel vm8, $0x1, v3  }
0x2aa: {  	vm8 =	vge.f32 v29, $1.000000000e+02;
	v54 =	vsel vm7, $0x1, v3;
	v1 =	vadd.s32 v2, v1  }
0x2ab: {  	v2 =	vsel vm10, $0x2, v62;
	vm10 =	vge.f32 v24, $2.000000000e+01;
	v28 =	vadd.s32 v43, v28  }
0x2ac: {  	v44 =	vsel vm9, $0x1, v3;
	vm9 =	vge.f32 v30, $1.000000000e+02;
	v55 =	vsel vm8, $0x1, v3  }
0x2ad: {  	v2 =	vadd.s32 v60, v2;
	v31 =	vadd.s32 v44, v31;
	v45 =	vsel vm10, $0x1, v3  }
0x2ae: {  	v28 =	vadd.s32 v46, v28;
	v56 =	vsel vm9, $0x1, v3;
	v2 =	vadd.s32 v36, v2  }
0x2af: {  	vm10 =	vge.f32 v24, $8.000000000e+02;
	v1 =	vshll.u32 v1, $0x7;
	v2 =	vadd.s32 v39, v2  }
0x2b0: {  	[tilespmem:v21+s20+$0x0] =	vst.idx.msk $0xffff, v25;
	v60 =	vsel vm14, $0x1, v3;
	v31 =	vadd.s32 v47, v31;
	v2 =	vadd.s32 v42, v2  }
0x2b1: {  	v28 =	vadd.s32 v49, v28;
	v57 =	vsel vm10, $0x1, v3;
	[tilespmem:v58+s20+$0x0] =	vst.idx.msk $0xffff, v1;
	v2 =	vadd.s32 v45, v2  }
0x2b2: {  	v31 =	vadd.s32 v50, v31;
	v28 =	vadd.s32 v52, v28;
	v2 =	vadd.s32 v48, v2  }
0x2b3: {  	v31 =	vadd.s32 v53, v31;
	v28 =	vadd.s32 v55, v28;
	v2 =	vadd.s32 v51, v2  }
0x2b4: {  	v31 =	vadd.s32 v56, v31;
	v28 =	vadd.s32 v59, v28;
	v2 =	vadd.s32 v54, v2  }
0x2b5: {  	s18 =	sand.u32 $0x1, s16;
	v21 =	vadd.s32 v60, v31;
	v1 =	vadd.s32 v20, v28;
	v2 =	vadd.s32 v57, v2  }
0x2b6: {  	p0 =	seq.s32 s18, $0x1;
	v20 =	vsel vm15, $0x1, v3;
	v1 =	vshll.u32 v1, $0x7;
	v2 =	vadd.s32 v61, v2  }
.Ltmp13:
0x2b7: {  	v20 =	vadd.s32 v20, v21;
	[tilespmem:v26+s20+$0x0] =	vst.idx.msk $0xffff, v1;
	v2 =	vshll.u32 v2, $0x7;
	(pc) =	sbr.rel @p0 .LBB2_19-.Ltmp13, $4  }
0x2b8: {  	[tilespmem:v22+s20+$0x0] =	vst.idx.msk $0xffff, v2;
	v2 =	vshll.u32 v20, $0x7  }
0x2b9: {  	s29 =	sadd.s32 s7, s16;
	[tilespmem:v27+s20+$0x0] =	vst.idx.msk $0xffff, v2  }
0x2ba: {  	s3 =	sshll.u32 s29, $0x7;
	s9 =	rddreg [dreg:$0x7]  }
0x2bb: {  	s17 =	sadd.s32 s3, s9  }
0x2bc: {  	s3 =	simm.s32 $0x0  }
0x2bd: {  	s9 =	simm.s32 $0x0;
	s3 =	sand.u32 $0x1E00, s3  }
0x2be: {  	_ =	swait.ge [sflag:s13], $0x4000;
	s11 =	sand.u32 $0x4, s9;
	s3 =	sshrl.u32 s3, $0x2  }
0x2bf: {  	[sflag:s13] =	ssyncset.done $0x0;
	s22 =	sshll.u32 s11, $0x4;
	s3 =	sor.u32 $0x8000, s3  }
0x2c0: {  	[sflag:s13] =	ssyncadd.s32 $0xFFFFC000;
	s22 =	sor.u32 s22, s3  }
0x2c1: {  	s29 =	sor.u32 $0x2, s11;
	v21 =	vld [tilespmem:s22+$0x0]  }
0x2c2: {  	s24 =	sor.u32 $0x3, s11;
	s23 =	sshll.u32 s29, $0x4  }
0x2c3: {  	s30 =	sor.u32 $0x1, s11;
	s25 =	sshll.u32 s24, $0x4;
	s23 =	sor.u32 s23, s3  }
0x2c4: {  	s26 =	sshll.u32 s30, $0x4;
	s25 =	sor.u32 s25, s3;
	v27 =	vld [tilespmem:s23+$0x0]  }
0x2c5: {  	s3 =	sor.u32 s26, s3;
	v24 =	vld [tilespmem:s25+$0x0]  }
0x2c6: {  	v23 =	vld [tilespmem:s3+$0x0];
	v1 =	vadd.s32 v0, v21  }
0x2c7: {  	s11 =	sshll.u32 s11, $0x1  }
0x2c8: {  	v2 =	vmov s11  }
0x2c9: {  	s9 =	sand.u32 $0x78, s9;
	v2 =	vshll.u32 v2, $0xB;
	v25 =	vadd.s32 v0, v27  }
0x2ca: {  	v22 =	vor.u32 s9, v63;
	s11 =	sshll.u32 s29, $0x1;
	v2 =	vor.u32 v5, v2;
	v29 =	vadd.s32 v0, v24  }
0x2cb: {  	v20 =	vmov s11;
	s22 =	sshll.u32 s24, $0x1;
	v26 =	vor.u32 v2, v22;
	v31 =	vadd.s32 v0, v23;
	v1 =	vld.idx.msk [tilespmem:v1+s14+$0x0], $0xffff  }
0x2cc: {  	v20 =	vshll.u32 v20, $0xB;
	v30 =	vmov s22;
	v28 =	vadd.s32 v6, v21  }
0x2cd: {  	s23 =	sshll.u32 s30, $0x1;
	v32 =	vor.u32 v5, v20;
	v30 =	vshll.u32 v30, $0xB  }
0x2ce: {  	v20 =	vor.u32 s9, v2;
	v30 =	vor.u32 v5, v30;
	v2 =	vld.idx.msk [tilespmem:v25+s14+$0x0], $0xffff;
	v25 =	vmov s23  }
0x2cf: {  	v35 =	vor.u32 v30, v22;
	v36 =	vadd.s32 v6, v24;
	v29 =	vld.idx.msk [tilespmem:v29+s14+$0x0], $0xffff;
	v25 =	vshll.u32 v25, $0xB  }
0x2d0: {  	v31 =	vld.idx.msk [tilespmem:v31+s14+$0x0], $0xffff;
	v25 =	vor.u32 v5, v25;
	[tilespmem:v26+s5+$0x0] =	vst.idx.msk $0xffff, v1;
	v1 =	vor.u32 v32, v22  }
0x2d1: {  	v37 =	vor.u32 v25, v22;
	v26 =	vld.idx.msk [tilespmem:v28+s14+$0x0], $0xffff;
	v28 =	vadd.s32 v6, v27  }
0x2d2: {  	v33 =	vor.u32 v7, v20  }
0x2d3: {  	v34 =	vadd.s32 v8, v21  }
0x2d4: {  	s24 =	simm.s32 $0x100;
	v22 =	vor.u32 s9, v32;
	v32 =	vor.u32 s9, v30;
	[tilespmem:v35+s5+$0x0] =	vst.idx.msk $0xffff, v29  }
0x2d5: {  	s3 =	simm.s32 $0x4;
	s11 =	sand.u32 $0x1E00, s24;
	v30 =	vld.idx.msk [tilespmem:v36+s14+$0x0], $0xffff;
	v53 =	vor.u32 v7, v32;
	[tilespmem:v1+s5+$0x0] =	vst.idx.msk $0xffff, v2;
	v1 =	vadd.s32 v6, v23  }
0x2d6: {  	s22 =	sand.u32 $0x4, s3;
	s11 =	sshrl.u32 s11, $0x2;
	[tilespmem:v37+s5+$0x0] =	vst.idx.msk $0xffff, v31;
	v31 =	vadd.s32 v8, v24;
	v2 =	vld.idx.msk [tilespmem:v28+s14+$0x0], $0xffff;
	v28 =	vor.u32 v7, v22  }
0x2d7: {  	s25 =	sshll.u32 s22, $0x4;
	s11 =	sor.u32 $0x8000, s11;
	[tilespmem:v33+s5+$0x0] =	vst.idx.msk $0xffff, v26  }
0x2d8: {  	s26 =	sor.u32 $0x3, s22;
	v39 =	vadd.s32 v8, v27;
	v26 =	vor.u32 s9, v25;
	s9 =	sor.u32 s25, s11;
	v33 =	vld.idx.msk [tilespmem:v34+s14+$0x0], $0xffff  }
0x2d9: {  	v38 =	vor.u32 v9, v20;
	v41 =	vor.u32 v11, v20;
	s28 =	sshll.u32 s26, $0x4;
	v58 =	vadd.s32 v10, v27;
	s23 =	sor.u32 $0x2, s22;
	v25 =	vld [tilespmem:s9+$0x0]  }
0x2da: {  	s24 =	sor.u32 s28, s11;
	v47 =	vadd.s32 v10, v24;
	s28 =	sshll.u32 s23, $0x4;
	[tilespmem:v53+s5+$0x0] =	vst.idx.msk $0xffff, v30;
	v54 =	vor.u32 v7, v26;
	v1 =	vld.idx.msk [tilespmem:v1+s14+$0x0], $0xffff  }
0x2db: {  	v59 =	vadd.s32 v10, v23;
	s30 =	sshll.u32 s23, $0x1;
	s23 =	sor.u32 s28, s11;
	v42 =	vld.idx.msk [tilespmem:v31+s14+$0x0], $0xffff;
	[tilespmem:v28+s5+$0x0] =	vst.idx.msk $0xffff, v2;
	v2 =	vadd.s32 v8, v23  }
0x2dc: {  	v48 =	vadd.s32 v12, v21;
	v51 =	vadd.s32 v14, v21;
	v52 =	vadd.s32 v12, v24;
	v31 =	vld [tilespmem:s23+$0x0]  }
0x2dd: {  	v29 =	vadd.s32 v10, v21;
	v36 =	vadd.s32 v16, v24;
	v56 =	vor.u32 v9, v22;
	v55 =	vld.idx.msk [tilespmem:v39+s14+$0x0], $0xffff  }
0x2de: {  	s29 =	sshll.u32 s22, $0x1;
	s22 =	sor.u32 $0x1, s22;
	v49 =	vor.u32 v11, v22;
	v30 =	vmov s30;
	v34 =	vor.u32 v15, v26;
	v28 =	vld [tilespmem:s24+$0x0]  }
0x2df: {  	s30 =	sshll.u32 s22, $0x4;
	s9 =	sshll.u32 s26, $0x1;
	v37 =	vshll.u32 v30, $0xB;
	v43 =	vadd.s32 v0, v25;
	[tilespmem:v54+s5+$0x0] =	vst.idx.msk $0xffff, v1;
	v1 =	vor.u32 v9, v32  }
0x2e0: {  	v44 =	vor.u32 v9, v26;
	s11 =	sor.u32 s30, s11;
	v57 =	vmov s9;
	v37 =	vor.u32 v5, v37;
	v2 =	vld.idx.msk [tilespmem:v2+s14+$0x0], $0xffff  }
0x2e1: {  	[tilespmem:v38+s5+$0x0] =	vst.idx.msk $0xffff, v33;
	v39 =	vshll.u32 v57, $0xB;
	v33 =	vld [tilespmem:s11+$0x0];
	v53 =	vadd.s32 v6, v25;
	v50 =	vadd.s32 v0, v31  }
0x2e2: {  	v57 =	vor.u32 v13, v22;
	v40 =	vld.idx.msk [tilespmem:v29+s14+$0x0], $0xffff;
	v29 =	vmov s29;
	v45 =	vor.u32 v5, v39;
	[tilespmem:v56+s5+$0x0] =	vst.idx.msk $0xffff, v55  }
0x2e3: {  	v39 =	vadd.s32 v16, v21;
	v29 =	vshll.u32 v29, $0xB;
	v61 =	vadd.s32 v0, v28;
	v35 =	vld.idx.msk [tilespmem:v58+s14+$0x0], $0xffff  }
0x2e4: {  	s29 =	sand.u32 $0x78, s3;
	v46 =	vor.u32 v5, v29;
	[tilespmem:v1+s5+$0x0] =	vst.idx.msk $0xffff, v42;
	v42 =	vld.idx.msk [tilespmem:v43+s14+$0x0], $0xffff;
	v43 =	vadd.s32 v12, v27  }
0x2e5: {  	v29 =	vor.u32 s29, v45;
	[tilespmem:v44+s5+$0x0] =	vst.idx.msk $0xffff, v2;
	v2 =	vld.idx.msk [tilespmem:v47+s14+$0x0], $0xffff;
	v44 =	vor.u32 v11, v32;
	v47 =	vor.u32 s29, v63  }
0x2e6: {  	s22 =	sshll.u32 s22, $0x1;
	v54 =	vor.u32 v11, v26;
	v30 =	vor.u32 s29, v46;
	v50 =	vld.idx.msk [tilespmem:v50+s14+$0x0], $0xffff;
	v46 =	vor.u32 v46, v47  }
0x2e7: {  	v60 =	vmov s22;
	v56 =	vadd.s32 v14, v24;
	v55 =	vadd.s32 v0, v33;
	[tilespmem:v41+s5+$0x0] =	vst.idx.msk $0xffff, v40;
	v38 =	vld.idx.msk [tilespmem:v59+s14+$0x0], $0xffff  }
0x2e8: {  	v40 =	vshll.u32 v60, $0xB;
	v41 =	vld.idx.msk [tilespmem:v61+s14+$0x0], $0xffff;
	v61 =	vadd.s32 v12, v23;
	v60 =	vor.u32 v45, v47  }
0x2e9: {  	v58 =	vadd.s32 v14, v27;
	v48 =	vld.idx.msk [tilespmem:v48+s14+$0x0], $0xffff;
	[tilespmem:v49+s5+$0x0] =	vst.idx.msk $0xffff, v35;
	v49 =	vor.u32 v13, v20  }
0x2ea: {  	v1 =	vor.u32 v13, v32;
	v59 =	vadd.s32 v6, v28;
	v43 =	vld.idx.msk [tilespmem:v43+s14+$0x0], $0xffff;
	[tilespmem:v44+s5+$0x0] =	vst.idx.msk $0xffff, v2  }
0x2eb: {  	v45 =	vadd.s32 v8, v25;
	[tilespmem:v46+s5+$0x0] =	vst.idx.msk $0xffff, v42;
	v42 =	vor.u32 v37, v47;
	v44 =	vld.idx.msk [tilespmem:v52+s14+$0x0], $0xffff  }
0x2ec: {  	v2 =	vadd.s32 v14, v23;
	v52 =	vadd.s32 v6, v31;
	[tilespmem:v54+s5+$0x0] =	vst.idx.msk $0xffff, v38;
	v46 =	vld.idx.msk [tilespmem:v53+s14+$0x0], $0xffff  }
0x2ed: {  	v54 =	vor.u32 v13, v26;
	[tilespmem:v60+s5+$0x0] =	vst.idx.msk $0xffff, v41;
	v53 =	vor.u32 v7, v30;
	v60 =	vld.idx.msk [tilespmem:v61+s14+$0x0], $0xffff  }
0x2ee: {  	v38 =	vor.u32 s29, v37;
	v61 =	vld.idx.msk [tilespmem:v55+s14+$0x0], $0xffff;
	v55 =	vor.u32 v5, v40;
	[tilespmem:v49+s5+$0x0] =	vst.idx.msk $0xffff, v48  }
0x2ef: {  	v37 =	vadd.s32 v16, v28;
	v40 =	vor.u32 v55, v47;
	v47 =	vld.idx.msk [tilespmem:v51+s14+$0x0], $0xffff;
	[tilespmem:v57+s5+$0x0] =	vst.idx.msk $0xffff, v43  }
0x2f0: {  	v49 =	vor.u32 v15, v20;
	v57 =	vld.idx.msk [tilespmem:v58+s14+$0x0], $0xffff;
	v58 =	vor.u32 v15, v22;
	[tilespmem:v42+s5+$0x0] =	vst.idx.msk $0xffff, v50  }
0x2f1: {  	v35 =	vor.u32 s29, v55;
	v51 =	vld.idx.msk [tilespmem:v59+s14+$0x0], $0xffff;
	v43 =	vadd.s32 v16, v27;
	[tilespmem:v1+s5+$0x0] =	vst.idx.msk $0xffff, v44  }
0x2f2: {  	v55 =	vadd.s32 v6, v33;
	v50 =	vld.idx.msk [tilespmem:v52+s14+$0x0], $0xffff;
	[tilespmem:v53+s5+$0x0] =	vst.idx.msk $0xffff, v46;
	v53 =	vor.u32 v7, v38  }
0x2f3: {  	v48 =	vor.u32 v9, v30;
	v52 =	vor.u32 v7, v29;
	[tilespmem:v54+s5+$0x0] =	vst.idx.msk $0xffff, v60;
	v44 =	vld.idx.msk [tilespmem:v56+s14+$0x0], $0xffff  }
0x2f4: {  	v41 =	vor.u32 v15, v35;
	v54 =	vadd.s32 v8, v31;
	v45 =	vld.idx.msk [tilespmem:v45+s14+$0x0], $0xffff;
	[tilespmem:v40+s5+$0x0] =	vst.idx.msk $0xffff, v61  }
0x2f5: {  	s9 =	simm.s32 $0x200;
	v46 =	vor.u32 v15, v32;
	v42 =	vld.idx.msk [tilespmem:v2+s14+$0x0], $0xffff;
	v40 =	vor.u32 v19, v32;
	[tilespmem:v58+s5+$0x0] =	vst.idx.msk $0xffff, v57  }
.LBB2_17:
0x2f6: {  	s3 =	sadd.s32 $0x4, s3;
	s11 =	sand.u32 $0x1E00, s9;
	[tilespmem:v49+s5+$0x0] =	vst.idx.msk $0xffff, v47;
	v1 =	vadd.s32 v18, v21;
	v2 =	vld.idx.msk [tilespmem:v43+s14+$0x0], $0xffff;
	v43 =	vor.u32 v17, v32  }
0x2f7: {  	v32 =	vadd.s32 v10, v25;
	v49 =	vor.u32 v17, v22;
	s23 =	sand.u32 $0x4, s3;
	s22 =	sshrl.u32 s11, $0x2;
	s11 =	sand.u32 $0x78, s3;
	v47 =	vld.idx.msk [tilespmem:v55+s14+$0x0], $0xffff;
	[tilespmem:v53+s5+$0x0] =	vst.idx.msk $0xffff, v50  }
0x2f8: {  	v50 =	vadd.s32 v16, v23;
	s24 =	sor.u32 $0x8000, s22;
	s22 =	sshll.u32 s23, $0x4;
	s25 =	sor.u32 $0x1, s23;
	[tilespmem:v52+s5+$0x0] =	vst.idx.msk $0xffff, v51;
	v39 =	vld.idx.msk [tilespmem:v39+s14+$0x0], $0xffff;
	v51 =	vadd.s32 v18, v24  }
0x2f9: {  	v27 =	vadd.s32 v18, v27;
	s28 =	sor.u32 $0x2, s23;
	s26 =	sor.u32 s22, s24;
	s22 =	sshll.u32 s25, $0x4;
	[tilespmem:v48+s5+$0x0] =	vst.idx.msk $0xffff, v45;
	v45 =	vld.idx.msk [tilespmem:v54+s14+$0x0], $0xffff;
	v48 =	vor.u32 v17, v20  }
0x2fa: {  	v21 =	vmov v25;
	v53 =	vadd.s32 v18, v23;
	s30 =	sor.u32 $0x3, s23;
	v52 =	vor.u32 v17, v26;
	s29 =	sshll.u32 s28, $0x4;
	s22 =	sor.u32 s22, s24;
	[tilespmem:v46+s5+$0x0] =	vst.idx.msk $0xffff, v44;
	v25 =	vld [tilespmem:s26+$0x0]  }
0x2fb: {  	s26 =	sor.u32 s29, s24;
	s29 =	sshll.u32 s30, $0x4;
	s30 =	sshll.u32 s30, $0x1;
	v44 =	vor.u32 v9, v38;
	v46 =	vadd.s32 v8, v28;
	[tilespmem:v34+s5+$0x0] =	vst.idx.msk $0xffff, v42;
	v36 =	vld.idx.msk [tilespmem:v36+s14+$0x0], $0xffff  }
0x2fc: {  	v55 =	vadd.s32 v8, v33;
	s23 =	sshll.u32 s23, $0x1;
	s28 =	sshll.u32 s28, $0x1;
	v54 =	vor.u32 v7, v35;
	s24 =	sor.u32 s29, s24;
	v23 =	vmov s30;
	v42 =	vld.idx.msk [tilespmem:v32+s14+$0x0], $0xffff;
	[tilespmem:v49+s5+$0x0] =	vst.idx.msk $0xffff, v2  }
0x2fd: {  	p0 =	slt.u32 s3, $0x7C;
	v24 =	vmovc v28;
	v34 =	vmov s28;
	v2 =	vmov s23;
	s23 =	sshll.u32 s25, $0x1;
	v57 =	vshll.u32 v23, $0xB;
	v32 =	vmovc v29;
	v49 =	vld.idx.msk [tilespmem:v50+s14+$0x0], $0xffff  }
0x2fe: {  	v2 =	vshll.u32 v2, $0xB;
	v50 =	vshll.u32 v34, $0xB;
	v56 =	vor.u32 v5, v57;
	[tilespmem:v48+s5+$0x0] =	vst.idx.msk $0xffff, v39;
	v48 =	vld.idx.msk [tilespmem:v27+s14+$0x0], $0xffff  }
0x2ff: {  	v28 =	vmov s23;
	v2 =	vor.u32 v5, v2;
	v29 =	vor.u32 s11, v56;
	v27 =	vmovc v31;
	v23 =	vmovc v33;
	v1 =	vld.idx.msk [tilespmem:v1+s14+$0x0], $0xffff  }
0x300: {  	v58 =	vshll.u32 v28, $0xB;
	v33 =	vor.u32 v19, v22;
	v22 =	vmovc v38;
	v34 =	vmovc v41;
	v57 =	vor.u32 s11, v2;
	v28 =	vld [tilespmem:s24+$0x0]  }
0x301: {  	v38 =	vadd.s32 v10, v27;
	v41 =	vld.idx.msk [tilespmem:v46+s14+$0x0], $0xffff;
	v46 =	vor.u32 v19, v20;
	[tilespmem:v43+s5+$0x0] =	vst.idx.msk $0xffff, v36  }
0x302: {  	v39 =	vadd.s32 v16, v21;
	v36 =	vor.u32 v11, v30;
	v20 =	vmov v30;
	v31 =	vld [tilespmem:s26+$0x0];
	[tilespmem:v54+s5+$0x0] =	vst.idx.msk $0xffff, v47  }
0x303: {  	v43 =	vadd.s32 v0, v25;
	v54 =	vor.u32 v9, v32;
	v47 =	vld.idx.msk [tilespmem:v55+s14+$0x0], $0xffff;
	[tilespmem:v52+s5+$0x0] =	vst.idx.msk $0xffff, v49  }
0x304: {  	v49 =	vor.u32 v9, v35;
	[tilespmem:v44+s5+$0x0] =	vst.idx.msk $0xffff, v45;
	v44 =	vadd.s32 v10, v24;
	v45 =	vld.idx.msk [tilespmem:v51+s14+$0x0], $0xffff  }
0x305: {  	v51 =	vadd.s32 v10, v23;
	v52 =	vld.idx.msk [tilespmem:v53+s14+$0x0], $0xffff;
	v53 =	vor.u32 v19, v26;
	[tilespmem:v33+s5+$0x0] =	vst.idx.msk $0xffff, v48  }
0x306: {  	v55 =	vor.u32 v13, v32;
	v48 =	vadd.s32 v12, v21;
	v38 =	vld.idx.msk [tilespmem:v38+s14+$0x0], $0xffff;
	[tilespmem:v46+s5+$0x0] =	vst.idx.msk $0xffff, v1  }
0x307: {  	v30 =	vmov v57;
	v1 =	vadd.s32 v0, v28;
	v33 =	vld [tilespmem:s22+$0x0];
	[tilespmem:v36+s5+$0x0] =	vst.idx.msk $0xffff, v42;
	v36 =	vor.u32 v11, v22  }
0x308: {  	v46 =	vadd.s32 v12, v27;
	v42 =	vld.idx.msk [tilespmem:v43+s14+$0x0], $0xffff;
	v43 =	vadd.s32 v14, v21;
	[tilespmem:v54+s5+$0x0] =	vst.idx.msk $0xffff, v41  }
0x309: {  	v57 =	vadd.s32 v14, v24;
	[tilespmem:v49+s5+$0x0] =	vst.idx.msk $0xffff, v47;
	v41 =	vld.idx.msk [tilespmem:v44+s14+$0x0], $0xffff;
	v44 =	vor.u32 v11, v32  }
0x30a: {  	v26 =	vmov v35;
	v47 =	vor.u32 s11, v63;
	v49 =	vadd.s32 v0, v31;
	v51 =	vld.idx.msk [tilespmem:v51+s14+$0x0], $0xffff;
	[tilespmem:v40+s5+$0x0] =	vst.idx.msk $0xffff, v45  }
0x30b: {  	v35 =	vadd.s32 v12, v24;
	v2 =	vor.u32 v2, v47;
	v40 =	vld.idx.msk [tilespmem:v48+s14+$0x0], $0xffff;
	[tilespmem:v53+s5+$0x0] =	vst.idx.msk $0xffff, v52  }
0x30c: {  	v45 =	vadd.s32 v6, v25;
	v48 =	vor.u32 v11, v26;
	v1 =	vld.idx.msk [tilespmem:v1+s14+$0x0], $0xffff;
	[tilespmem:v36+s5+$0x0] =	vst.idx.msk $0xffff, v38  }
0x30d: {  	v54 =	vadd.s32 v12, v23;
	v52 =	vor.u32 v56, v47;
	v53 =	vor.u32 v13, v20;
	v46 =	vld.idx.msk [tilespmem:v46+s14+$0x0], $0xffff  }
0x30e: {  	v59 =	vadd.s32 v14, v23;
	v60 =	vor.u32 v13, v22;
	v56 =	vadd.s32 v0, v33;
	v36 =	vmovc v37  }
0x30f: {  	v38 =	vor.u32 v5, v50;
	v37 =	vld.idx.msk [tilespmem:v49+s14+$0x0], $0xffff;
	v49 =	vadd.s32 v14, v27;
	[tilespmem:v44+s5+$0x0] =	vst.idx.msk $0xffff, v41  }
0x310: {  	[tilespmem:v2+s5+$0x0] =	vst.idx.msk $0xffff, v42;
	v2 =	vor.u32 v38, v47;
	v38 =	vor.u32 s11, v38;
	v42 =	vld.idx.msk [tilespmem:v35+s14+$0x0], $0xffff  }
0x311: {  	v44 =	vld.idx.msk [tilespmem:v45+s14+$0x0], $0xffff;
	v45 =	vadd.s32 v6, v31;
	[tilespmem:v48+s5+$0x0] =	vst.idx.msk $0xffff, v51;
	v48 =	vor.u32 v13, v26  }
0x312: {  	v51 =	vor.u32 v7, v30;
	[tilespmem:v52+s5+$0x0] =	vst.idx.msk $0xffff, v1;
	v1 =	vadd.s32 v6, v28;
	v54 =	vld.idx.msk [tilespmem:v54+s14+$0x0], $0xffff  }
0x313: {  	v35 =	vor.u32 v5, v58;
	v52 =	vadd.s32 v8, v25;
	v56 =	vld.idx.msk [tilespmem:v56+s14+$0x0], $0xffff;
	[tilespmem:v60+s5+$0x0] =	vst.idx.msk $0xffff, v46  }
0x314: {  	v46 =	vor.u32 v35, v47;
	v35 =	vor.u32 s11, v35;
	[tilespmem:v53+s5+$0x0] =	vst.idx.msk $0xffff, v40;
	v40 =	vld.idx.msk [tilespmem:v49+s14+$0x0], $0xffff  }
0x315: {  	v41 =	vor.u32 v15, v35;
	[tilespmem:v2+s5+$0x0] =	vst.idx.msk $0xffff, v37;
	v47 =	vld.idx.msk [tilespmem:v43+s14+$0x0], $0xffff;
	v2 =	vor.u32 v15, v22  }
.Ltmp14:
0x316: {  	v49 =	vor.u32 v15, v20;
	v43 =	vadd.s32 v16, v27;
	v50 =	vld.idx.msk [tilespmem:v45+s14+$0x0], $0xffff;
	[tilespmem:v55+s5+$0x0] =	vst.idx.msk $0xffff, v42;
	(pc) =	sbr.rel @p0 .LBB2_17-.Ltmp14, $4  }
0x317: {  	v53 =	vor.u32 v7, v38;
	v55 =	vadd.s32 v6, v33;
	[tilespmem:v51+s5+$0x0] =	vst.idx.msk $0xffff, v44;
	v51 =	vld.idx.msk [tilespmem:v1+s14+$0x0], $0xffff  }
0x318: {  	v37 =	vadd.s32 v16, v28;
	v45 =	vld.idx.msk [tilespmem:v52+s14+$0x0], $0xffff;
	v52 =	vor.u32 v7, v29;
	[tilespmem:v48+s5+$0x0] =	vst.idx.msk $0xffff, v54  }
0x319: {  	v48 =	vor.u32 v9, v30;
	v54 =	vadd.s32 v8, v31;
	[tilespmem:v46+s5+$0x0] =	vst.idx.msk $0xffff, v56;
	v44 =	vld.idx.msk [tilespmem:v57+s14+$0x0], $0xffff  }
0x31a: {  	s9 =	sadd.s32 $0x100, s9;
	v46 =	vor.u32 v15, v32;
	v42 =	vld.idx.msk [tilespmem:v59+s14+$0x0], $0xffff;
	[tilespmem:v2+s5+$0x0] =	vst.idx.msk $0xffff, v40;
	v40 =	vor.u32 v19, v32  }
0x31b: {  	_ =	sdelay $0x3  }
0x31c: {  	v1 =	vld.idx.msk [tilespmem:v55+s14+$0x0], $0xffff;
	v2 =	vadd.s32 v8, v28;
	v61 =	vor.u32 v7, v35  }
0x31d: {  	v56 =	vadd.s32 v8, v33  }
0x31e: {  	[tilespmem:v53+s5+$0x0] =	vst.idx.msk $0xffff, v50  }
0x31f: {  	v53 =	vor.u32 v9, v38;
	v50 =	vld.idx.msk [tilespmem:v54+s14+$0x0], $0xffff  }
0x320: {  	[tilespmem:v52+s5+$0x0] =	vst.idx.msk $0xffff, v51;
	v51 =	vadd.s32 v10, v31  }
0x321: {  	v52 =	vadd.s32 v10, v25;
	v2 =	vld.idx.msk [tilespmem:v2+s14+$0x0], $0xffff;
	[tilespmem:v61+s5+$0x0] =	vst.idx.msk $0xffff, v1;
	v1 =	vor.u32 v9, v29  }
0x322: {  	v55 =	vor.u32 v9, v35;
	v60 =	vadd.s32 v10, v28;
	v54 =	vld.idx.msk [tilespmem:v56+s14+$0x0], $0xffff  }
0x323: {  	[tilespmem:v49+s5+$0x0] =	vst.idx.msk $0xffff, v47;
	v61 =	vadd.s32 v10, v33  }
0x324: {  	[tilespmem:v53+s5+$0x0] =	vst.idx.msk $0xffff, v50  }
0x325: {  	[tilespmem:v48+s5+$0x0] =	vst.idx.msk $0xffff, v45;
	v48 =	vor.u32 v11, v38;
	v45 =	vld.idx.msk [tilespmem:v51+s14+$0x0], $0xffff  }
0x326: {  	v49 =	vld.idx.msk [tilespmem:v52+s14+$0x0], $0xffff;
	v50 =	vor.u32 v11, v30;
	[tilespmem:v1+s5+$0x0] =	vst.idx.msk $0xffff, v2;
	v1 =	vadd.s32 v12, v31  }
0x327: {  	v58 =	vor.u32 v11, v29;
	v2 =	vadd.s32 v12, v25;
	[tilespmem:v55+s5+$0x0] =	vst.idx.msk $0xffff, v54;
	v57 =	vld.idx.msk [tilespmem:v60+s14+$0x0], $0xffff  }
0x328: {  	v59 =	vor.u32 v11, v35;
	[tilespmem:v46+s5+$0x0] =	vst.idx.msk $0xffff, v44;
	v46 =	vadd.s32 v12, v28;
	v44 =	vld.idx.msk [tilespmem:v61+s14+$0x0], $0xffff  }
0x329: {  	v43 =	vld.idx.msk [tilespmem:v43+s14+$0x0], $0xffff;
	[tilespmem:v34+s5+$0x0] =	vst.idx.msk $0xffff, v42;
	v34 =	vadd.s32 v12, v33;
	v60 =	vor.u32 v17, v22  }
0x32a: {  	v39 =	vld.idx.msk [tilespmem:v39+s14+$0x0], $0xffff;
	v61 =	vor.u32 v17, v20;
	[tilespmem:v48+s5+$0x0] =	vst.idx.msk $0xffff, v45  }
0x32b: {  	[tilespmem:v50+s5+$0x0] =	vst.idx.msk $0xffff, v49;
	v45 =	vadd.s32 v16, v23;
	v48 =	vor.u32 v13, v38;
	v1 =	vld.idx.msk [tilespmem:v1+s14+$0x0], $0xffff  }
0x32c: {  	v56 =	vadd.s32 v14, v31;
	v49 =	vor.u32 v13, v30;
	v2 =	vld.idx.msk [tilespmem:v2+s14+$0x0], $0xffff;
	[tilespmem:v58+s5+$0x0] =	vst.idx.msk $0xffff, v57  }
0x32d: {  	v57 =	vor.u32 v13, v29;
	v58 =	vadd.s32 v14, v25;
	v46 =	vld.idx.msk [tilespmem:v46+s14+$0x0], $0xffff;
	[tilespmem:v59+s5+$0x0] =	vst.idx.msk $0xffff, v44  }
0x32e: {  	[tilespmem:v60+s5+$0x0] =	vst.idx.msk $0xffff, v43;
	v60 =	vor.u32 v13, v35;
	v59 =	vadd.s32 v14, v28;
	v34 =	vld.idx.msk [tilespmem:v34+s14+$0x0], $0xffff  }
0x32f: {  	v32 =	vor.u32 v17, v32;
	v36 =	vld.idx.msk [tilespmem:v36+s14+$0x0], $0xffff;
	[tilespmem:v61+s5+$0x0] =	vst.idx.msk $0xffff, v39;
	v61 =	vadd.s32 v14, v33  }
0x330: {  	v24 =	vadd.s32 v18, v24;
	v42 =	vor.u32 v17, v26;
	v45 =	vld.idx.msk [tilespmem:v45+s14+$0x0], $0xffff;
	[tilespmem:v48+s5+$0x0] =	vst.idx.msk $0xffff, v1  }
0x331: {  	v53 =	vor.u32 v15, v38;
	v1 =	vadd.s32 v18, v21;
	[tilespmem:v49+s5+$0x0] =	vst.idx.msk $0xffff, v2;
	v2 =	vld.idx.msk [tilespmem:v56+s14+$0x0], $0xffff  }
0x332: {  	v55 =	vor.u32 v15, v30;
	v54 =	vld.idx.msk [tilespmem:v58+s14+$0x0], $0xffff;
	v56 =	vadd.s32 v16, v31;
	[tilespmem:v57+s5+$0x0] =	vst.idx.msk $0xffff, v46  }
0x333: {  	v57 =	vadd.s32 v16, v25;
	[tilespmem:v60+s5+$0x0] =	vst.idx.msk $0xffff, v34;
	v58 =	vld.idx.msk [tilespmem:v59+s14+$0x0], $0xffff;
	v59 =	vor.u32 v15, v29  }
0x334: {  	[tilespmem:v32+s5+$0x0] =	vst.idx.msk $0xffff, v36;
	v60 =	vld.idx.msk [tilespmem:v61+s14+$0x0], $0xffff  }
0x335: {  	v24 =	vld.idx.msk [tilespmem:v24+s14+$0x0], $0xffff;
	[tilespmem:v42+s5+$0x0] =	vst.idx.msk $0xffff, v45;
	v45 =	vadd.s32 v16, v33  }
0x336: {  	v27 =	vadd.s32 v18, v27;
	v20 =	vor.u32 v19, v20;
	v1 =	vld.idx.msk [tilespmem:v1+s14+$0x0], $0xffff;
	[tilespmem:v53+s5+$0x0] =	vst.idx.msk $0xffff, v2  }
0x337: {  	v48 =	vor.u32 v17, v38;
	v2 =	vadd.s32 v18, v23;
	[tilespmem:v55+s5+$0x0] =	vst.idx.msk $0xffff, v54;
	v21 =	vld.idx.msk [tilespmem:v56+s14+$0x0], $0xffff  }
0x338: {  	v51 =	vadd.s32 v18, v31;
	v50 =	vor.u32 v17, v30;
	v49 =	vld.idx.msk [tilespmem:v57+s14+$0x0], $0xffff;
	[tilespmem:v59+s5+$0x0] =	vst.idx.msk $0xffff, v58  }
0x339: {  	v52 =	vadd.s32 v18, v25;
	v53 =	vor.u32 v17, v29;
	[tilespmem:v41+s5+$0x0] =	vst.idx.msk $0xffff, v60;
	v54 =	vld.idx.msk [tilespmem:v37+s14+$0x0], $0xffff  }
0x33a: {  	[tilespmem:v40+s5+$0x0] =	vst.idx.msk $0xffff, v24;
	v55 =	vadd.s32 v18, v28;
	v56 =	vor.u32 v17, v35;
	v57 =	vld.idx.msk [tilespmem:v45+s14+$0x0], $0xffff  }
0x33b: {  	v27 =	vld.idx.msk [tilespmem:v27+s14+$0x0], $0xffff;
	v61 =	vor.u32 v19, v22;
	[tilespmem:v20+s5+$0x0] =	vst.idx.msk $0xffff, v1;
	v1 =	vadd.s32 v18, v33  }
0x33c: {  	v20 =	vor.u32 v19, v26;
	v2 =	vld.idx.msk [tilespmem:v2+s14+$0x0], $0xffff;
	[tilespmem:v48+s5+$0x0] =	vst.idx.msk $0xffff, v21  }
0x33d: {  	v58 =	vor.u32 v19, v38;
	[tilespmem:v50+s5+$0x0] =	vst.idx.msk $0xffff, v49;
	v21 =	vld.idx.msk [tilespmem:v51+s14+$0x0], $0xffff  }
0x33e: {  	v59 =	vor.u32 v19, v30;
	v25 =	vld.idx.msk [tilespmem:v52+s14+$0x0], $0xffff;
	[tilespmem:v53+s5+$0x0] =	vst.idx.msk $0xffff, v54  }
0x33f: {  	v60 =	vor.u32 v19, v29;
	[tilespmem:v56+s5+$0x0] =	vst.idx.msk $0xffff, v57;
	v22 =	vld.idx.msk [tilespmem:v55+s14+$0x0], $0xffff  }
0x340: {  	[tilespmem:v61+s5+$0x0] =	vst.idx.msk $0xffff, v27;
	v61 =	vor.u32 v19, v35;
	v1 =	vld.idx.msk [tilespmem:v1+s14+$0x0], $0xffff  }
0x341: {  	[tilespmem:v20+s5+$0x0] =	vst.idx.msk $0xffff, v2  }
0x342: {  	[tilespmem:v58+s5+$0x0] =	vst.idx.msk $0xffff, v21  }
0x343: {  	[tilespmem:v59+s5+$0x0] =	vst.idx.msk $0xffff, v25  }
0x344: {  	[tilespmem:v60+s5+$0x0] =	vst.idx.msk $0xffff, v22  }
0x345: {  	[tilespmem:v61+s5+$0x0] =	vst.idx.msk $0xffff, v1  }
0x346: {  	[hbm4b:s17+s4] =	stream.linear.scatter [tilespmem:s5], [sflag:$0x1], $0x400, $0x38;
	[tilespmem:$0x18E80] =	vst v63  }
0x347: {  	s3 =	sadd.s32 $0x8000, s17;
	s9 =	simm.s32 $0x9000  }
0x348: {  	[hbm4b:s3+s4] =	stream.linear.scatter [tilespmem:s9], [sflag:$0x1], $0x400, $0x38;
	[tilespmem:$0x18E80] =	vst v63  }
0x349: {  	s25 =	sadd.s32 $0x10000, s17;
	s26 =	simm.s32 $0x9800  }
0x34a: {  	[hbm4b:s25+s4] =	stream.linear.scatter [tilespmem:s26], [sflag:$0x1], $0x400, $0x38;
	[tilespmem:$0x18E80] =	vst v63  }
0x34b: {  	s28 =	sadd.s32 $0x18000, s17;
	s29 =	simm.s32 $0xA000  }
0x34c: {  	[hbm4b:s28+s4] =	stream.linear.scatter [tilespmem:s29], [sflag:$0x1], $0x400, $0x38;
	[tilespmem:$0x18E80] =	vst v63  }
0x34d: {  	s11 =	sadd.s32 $0x20000, s17;
	s22 =	simm.s32 $0xA800  }
0x34e: {  	[hbm4b:s11+s4] =	stream.linear.scatter [tilespmem:s22], [sflag:$0x1], $0x400, $0x38;
	[tilespmem:$0x18E80] =	vst v63  }
0x34f: {  	s23 =	sadd.s32 $0x28000, s17;
	s24 =	simm.s32 $0xB000  }
0x350: {  	[hbm4b:s23+s4] =	stream.linear.scatter [tilespmem:s24], [sflag:$0x1], $0x400, $0x38;
	[tilespmem:$0x18E80] =	vst v63  }
0x351: {  	s25 =	sadd.s32 $0x30000, s17;
	s26 =	simm.s32 $0xB800  }
0x352: {  	[hbm4b:s25+s4] =	stream.linear.scatter [tilespmem:s26], [sflag:$0x1], $0x400, $0x38;
	[tilespmem:$0x18E80] =	vst v63  }
0x353: {  	s28 =	sadd.s32 $0x38000, s17;
	s29 =	simm.s32 $0xC000  }
0x354: {  	[hbm4b:s28+s4] =	stream.linear.scatter [tilespmem:s29], [sflag:$0x1], $0x400, $0x38;
	[tilespmem:$0x18E80] =	vst v63  }
0x355: {  	s11 =	sadd.s32 $0x40000, s17;
	s22 =	simm.s32 $0xC800  }
0x356: {  	[hbm4b:s11+s4] =	stream.linear.scatter [tilespmem:s22], [sflag:$0x1], $0x400, $0x38;
	[tilespmem:$0x18E80] =	vst v63  }
0x357: {  	s23 =	sadd.s32 $0x48000, s17;
	s24 =	simm.s32 $0xD000  }
0x358: {  	[hbm4b:s23+s4] =	stream.linear.scatter [tilespmem:s24], [sflag:$0x1], $0x400, $0x38;
	[tilespmem:$0x18E80] =	vst v63  }
0x359: {  	s25 =	sadd.s32 $0x50000, s17;
	s26 =	simm.s32 $0xD800  }
0x35a: {  	[hbm4b:s25+s4] =	stream.linear.scatter [tilespmem:s26], [sflag:$0x1], $0x400, $0x38;
	[tilespmem:$0x18E80] =	vst v63  }
0x35b: {  	s28 =	sadd.s32 $0x58000, s17;
	s29 =	simm.s32 $0xE000  }
0x35c: {  	[hbm4b:s28+s4] =	stream.linear.scatter [tilespmem:s29], [sflag:$0x1], $0x400, $0x38;
	[tilespmem:$0x18E80] =	vst v63  }
0x35d: {  	s11 =	sadd.s32 $0x60000, s17;
	s22 =	simm.s32 $0xE800  }
0x35e: {  	[hbm4b:s11+s4] =	stream.linear.scatter [tilespmem:s22], [sflag:$0x1], $0x400, $0x38;
	[tilespmem:$0x18E80] =	vst v63  }
0x35f: {  	p0 =	seq.s32 s18, $0x0;
	s23 =	sadd.s32 $0x68000, s17;
	s24 =	simm.s32 $0xF000  }
0x360: {  	[hbm4b:s23+s4] =	stream.linear.scatter [tilespmem:s24], [sflag:$0x1], $0x400, $0x38;
	[tilespmem:$0x18E80] =	vst v63  }
.Ltmp15:
0x361: {  	_ = 	snop;
	(pc) =	sbr.rel @p0 .LBB2_22-.Ltmp15, $4  }
0x362: {  	s25 =	sadd.s32 $0x70000, s17;
	s26 =	simm.s32 $0xF800  }
0x363: {  	[hbm4b:s25+s4] =	stream.linear.scatter [tilespmem:s26], [sflag:$0x1], $0x400, $0x38;
	[tilespmem:$0x18E80] =	vst v63  }
0x364: {  	s30 =	simm.s32 $0x11000;
	s28 =	sadd.s32 $0x78000, s17;
	s29 =	simm.s32 $0x10000  }
0x365: {  	[hbm4b:s28+s4] =	stream.linear.scatter [tilespmem:s29], [sflag:$0x1], $0x400, $0x38;
	[tilespmem:$0x18E80] =	vst v63  }
.LBB2_19:
0x366: {  	s3 =	simm.s32 $0x0  }
0x367: {  	s9 =	simm.s32 $0x0;
	s3 =	sand.u32 $0x1E00, s3  }
0x368: {  	_ =	swait.ge [sflag:s10], $0x4000;
	s11 =	sand.u32 $0x4, s9;
	s3 =	sshrl.u32 s3, $0x2  }
0x369: {  	[sflag:s10] =	ssyncset.done $0x0;
	s18 =	sshll.u32 s11, $0x4;
	s3 =	sor.u32 $0x8000, s3  }
0x36a: {  	[sflag:s10] =	ssyncadd.s32 $0xFFFFC000;
	s18 =	sor.u32 s18, s3  }
0x36b: {  	s28 =	sor.u32 $0x2, s11;
	v21 =	vld [tilespmem:s18+$0x0]  }
0x36c: {  	s23 =	sor.u32 $0x3, s11;
	s22 =	sshll.u32 s28, $0x4  }
0x36d: {  	s29 =	sor.u32 $0x1, s11;
	s24 =	sshll.u32 s23, $0x4;
	s22 =	sor.u32 s22, s3  }
0x36e: {  	s25 =	sshll.u32 s29, $0x4;
	s24 =	sor.u32 s24, s3;
	v27 =	vld [tilespmem:s22+$0x0]  }
0x36f: {  	s3 =	sor.u32 s25, s3;
	v24 =	vld [tilespmem:s24+$0x0]  }
0x370: {  	v23 =	vld [tilespmem:s3+$0x0];
	v1 =	vadd.s32 v0, v21  }
0x371: {  	s11 =	sshll.u32 s11, $0x1  }
0x372: {  	v2 =	vmov s11  }
0x373: {  	s9 =	sand.u32 $0x78, s9;
	v2 =	vshll.u32 v2, $0xB;
	v25 =	vadd.s32 v0, v27  }
0x374: {  	v22 =	vor.u32 s9, v63;
	s11 =	sshll.u32 s28, $0x1;
	v2 =	vor.u32 v5, v2;
	v29 =	vadd.s32 v0, v24  }
0x375: {  	v20 =	vmov s11;
	s18 =	sshll.u32 s23, $0x1;
	v26 =	vor.u32 v2, v22;
	v31 =	vadd.s32 v0, v23;
	v1 =	vld.idx.msk [tilespmem:v1+s14+$0x0], $0xffff  }
0x376: {  	v20 =	vshll.u32 v20, $0xB;
	v30 =	vmov s18;
	v28 =	vadd.s32 v6, v21  }
0x377: {  	s22 =	sshll.u32 s29, $0x1;
	v32 =	vor.u32 v5, v20;
	v30 =	vshll.u32 v30, $0xB  }
0x378: {  	v20 =	vor.u32 s9, v2;
	v30 =	vor.u32 v5, v30;
	v2 =	vld.idx.msk [tilespmem:v25+s14+$0x0], $0xffff;
	v25 =	vmov s22  }
0x379: {  	v35 =	vor.u32 v30, v22;
	v36 =	vadd.s32 v6, v24;
	v29 =	vld.idx.msk [tilespmem:v29+s14+$0x0], $0xffff;
	v25 =	vshll.u32 v25, $0xB  }
0x37a: {  	v31 =	vld.idx.msk [tilespmem:v31+s14+$0x0], $0xffff;
	v25 =	vor.u32 v5, v25;
	[tilespmem:v26+s21+$0x0] =	vst.idx.msk $0xffff, v1;
	v1 =	vor.u32 v32, v22  }
0x37b: {  	v37 =	vor.u32 v25, v22;
	v26 =	vld.idx.msk [tilespmem:v28+s14+$0x0], $0xffff;
	v28 =	vadd.s32 v6, v27  }
0x37c: {  	v33 =	vor.u32 v7, v20  }
0x37d: {  	v34 =	vadd.s32 v8, v21  }
0x37e: {  	s23 =	simm.s32 $0x100;
	v22 =	vor.u32 s9, v32;
	v32 =	vor.u32 s9, v30;
	[tilespmem:v35+s21+$0x0] =	vst.idx.msk $0xffff, v29  }
0x37f: {  	s3 =	simm.s32 $0x4;
	s11 =	sand.u32 $0x1E00, s23;
	v30 =	vld.idx.msk [tilespmem:v36+s14+$0x0], $0xffff;
	v53 =	vor.u32 v7, v32;
	[tilespmem:v1+s21+$0x0] =	vst.idx.msk $0xffff, v2;
	v1 =	vadd.s32 v6, v23  }
0x380: {  	s18 =	sand.u32 $0x4, s3;
	s11 =	sshrl.u32 s11, $0x2;
	[tilespmem:v37+s21+$0x0] =	vst.idx.msk $0xffff, v31;
	v31 =	vadd.s32 v8, v24;
	v2 =	vld.idx.msk [tilespmem:v28+s14+$0x0], $0xffff;
	v28 =	vor.u32 v7, v22  }
0x381: {  	s24 =	sshll.u32 s18, $0x4;
	s11 =	sor.u32 $0x8000, s11;
	[tilespmem:v33+s21+$0x0] =	vst.idx.msk $0xffff, v26  }
0x382: {  	s25 =	sor.u32 $0x3, s18;
	v39 =	vadd.s32 v8, v27;
	v26 =	vor.u32 s9, v25;
	s9 =	sor.u32 s24, s11;
	v33 =	vld.idx.msk [tilespmem:v34+s14+$0x0], $0xffff  }
0x383: {  	v38 =	vor.u32 v9, v20;
	v41 =	vor.u32 v11, v20;
	s26 =	sshll.u32 s25, $0x4;
	v58 =	vadd.s32 v10, v27;
	s22 =	sor.u32 $0x2, s18;
	v25 =	vld [tilespmem:s9+$0x0]  }
0x384: {  	s23 =	sor.u32 s26, s11;
	v47 =	vadd.s32 v10, v24;
	s26 =	sshll.u32 s22, $0x4;
	[tilespmem:v53+s21+$0x0] =	vst.idx.msk $0xffff, v30;
	v54 =	vor.u32 v7, v26;
	v1 =	vld.idx.msk [tilespmem:v1+s14+$0x0], $0xffff  }
0x385: {  	v59 =	vadd.s32 v10, v23;
	s29 =	sshll.u32 s22, $0x1;
	s22 =	sor.u32 s26, s11;
	v42 =	vld.idx.msk [tilespmem:v31+s14+$0x0], $0xffff;
	[tilespmem:v28+s21+$0x0] =	vst.idx.msk $0xffff, v2;
	v2 =	vadd.s32 v8, v23  }
0x386: {  	v48 =	vadd.s32 v12, v21;
	v51 =	vadd.s32 v14, v21;
	v52 =	vadd.s32 v12, v24;
	v31 =	vld [tilespmem:s22+$0x0]  }
0x387: {  	v29 =	vadd.s32 v10, v21;
	v36 =	vadd.s32 v16, v24;
	v56 =	vor.u32 v9, v22;
	v55 =	vld.idx.msk [tilespmem:v39+s14+$0x0], $0xffff  }
0x388: {  	s28 =	sshll.u32 s18, $0x1;
	s18 =	sor.u32 $0x1, s18;
	v49 =	vor.u32 v11, v22;
	v30 =	vmov s29;
	v34 =	vor.u32 v15, v26;
	v28 =	vld [tilespmem:s23+$0x0]  }
0x389: {  	s29 =	sshll.u32 s18, $0x4;
	s9 =	sshll.u32 s25, $0x1;
	v37 =	vshll.u32 v30, $0xB;
	v43 =	vadd.s32 v0, v25;
	[tilespmem:v54+s21+$0x0] =	vst.idx.msk $0xffff, v1;
	v1 =	vor.u32 v9, v32  }
0x38a: {  	v44 =	vor.u32 v9, v26;
	s11 =	sor.u32 s29, s11;
	v57 =	vmov s9;
	v37 =	vor.u32 v5, v37;
	v2 =	vld.idx.msk [tilespmem:v2+s14+$0x0], $0xffff  }
0x38b: {  	[tilespmem:v38+s21+$0x0] =	vst.idx.msk $0xffff, v33;
	v39 =	vshll.u32 v57, $0xB;
	v33 =	vld [tilespmem:s11+$0x0];
	v53 =	vadd.s32 v6, v25;
	v50 =	vadd.s32 v0, v31  }
0x38c: {  	v57 =	vor.u32 v13, v22;
	v40 =	vld.idx.msk [tilespmem:v29+s14+$0x0], $0xffff;
	v29 =	vmov s28;
	v45 =	vor.u32 v5, v39;
	[tilespmem:v56+s21+$0x0] =	vst.idx.msk $0xffff, v55  }
0x38d: {  	v39 =	vadd.s32 v16, v21;
	v29 =	vshll.u32 v29, $0xB;
	v61 =	vadd.s32 v0, v28;
	v35 =	vld.idx.msk [tilespmem:v58+s14+$0x0], $0xffff  }
0x38e: {  	s28 =	sand.u32 $0x78, s3;
	v46 =	vor.u32 v5, v29;
	[tilespmem:v1+s21+$0x0] =	vst.idx.msk $0xffff, v42;
	v42 =	vld.idx.msk [tilespmem:v43+s14+$0x0], $0xffff;
	v43 =	vadd.s32 v12, v27  }
0x38f: {  	v29 =	vor.u32 s28, v45;
	[tilespmem:v44+s21+$0x0] =	vst.idx.msk $0xffff, v2;
	v2 =	vld.idx.msk [tilespmem:v47+s14+$0x0], $0xffff;
	v44 =	vor.u32 v11, v32;
	v47 =	vor.u32 s28, v63  }
0x390: {  	s18 =	sshll.u32 s18, $0x1;
	v54 =	vor.u32 v11, v26;
	v30 =	vor.u32 s28, v46;
	v50 =	vld.idx.msk [tilespmem:v50+s14+$0x0], $0xffff;
	v46 =	vor.u32 v46, v47  }
0x391: {  	v60 =	vmov s18;
	v56 =	vadd.s32 v14, v24;
	v55 =	vadd.s32 v0, v33;
	[tilespmem:v41+s21+$0x0] =	vst.idx.msk $0xffff, v40;
	v38 =	vld.idx.msk [tilespmem:v59+s14+$0x0], $0xffff  }
0x392: {  	v40 =	vshll.u32 v60, $0xB;
	v41 =	vld.idx.msk [tilespmem:v61+s14+$0x0], $0xffff;
	v61 =	vadd.s32 v12, v23;
	v60 =	vor.u32 v45, v47  }
0x393: {  	v58 =	vadd.s32 v14, v27;
	v48 =	vld.idx.msk [tilespmem:v48+s14+$0x0], $0xffff;
	[tilespmem:v49+s21+$0x0] =	vst.idx.msk $0xffff, v35;
	v49 =	vor.u32 v13, v20  }
0x394: {  	v1 =	vor.u32 v13, v32;
	v59 =	vadd.s32 v6, v28;
	v43 =	vld.idx.msk [tilespmem:v43+s14+$0x0], $0xffff;
	[tilespmem:v44+s21+$0x0] =	vst.idx.msk $0xffff, v2  }
0x395: {  	v45 =	vadd.s32 v8, v25;
	[tilespmem:v46+s21+$0x0] =	vst.idx.msk $0xffff, v42;
	v42 =	vor.u32 v37, v47;
	v44 =	vld.idx.msk [tilespmem:v52+s14+$0x0], $0xffff  }
0x396: {  	v2 =	vadd.s32 v14, v23;
	v52 =	vadd.s32 v6, v31;
	[tilespmem:v54+s21+$0x0] =	vst.idx.msk $0xffff, v38;
	v46 =	vld.idx.msk [tilespmem:v53+s14+$0x0], $0xffff  }
0x397: {  	v54 =	vor.u32 v13, v26;
	[tilespmem:v60+s21+$0x0] =	vst.idx.msk $0xffff, v41;
	v53 =	vor.u32 v7, v30;
	v60 =	vld.idx.msk [tilespmem:v61+s14+$0x0], $0xffff  }
0x398: {  	v38 =	vor.u32 s28, v37;
	v61 =	vld.idx.msk [tilespmem:v55+s14+$0x0], $0xffff;
	v55 =	vor.u32 v5, v40;
	[tilespmem:v49+s21+$0x0] =	vst.idx.msk $0xffff, v48  }
0x399: {  	v37 =	vadd.s32 v16, v28;
	v40 =	vor.u32 v55, v47;
	v47 =	vld.idx.msk [tilespmem:v51+s14+$0x0], $0xffff;
	[tilespmem:v57+s21+$0x0] =	vst.idx.msk $0xffff, v43  }
0x39a: {  	v49 =	vor.u32 v15, v20;
	v57 =	vld.idx.msk [tilespmem:v58+s14+$0x0], $0xffff;
	v58 =	vor.u32 v15, v22;
	[tilespmem:v42+s21+$0x0] =	vst.idx.msk $0xffff, v50  }
0x39b: {  	v35 =	vor.u32 s28, v55;
	v51 =	vld.idx.msk [tilespmem:v59+s14+$0x0], $0xffff;
	v43 =	vadd.s32 v16, v27;
	[tilespmem:v1+s21+$0x0] =	vst.idx.msk $0xffff, v44  }
0x39c: {  	v55 =	vadd.s32 v6, v33;
	v50 =	vld.idx.msk [tilespmem:v52+s14+$0x0], $0xffff;
	[tilespmem:v53+s21+$0x0] =	vst.idx.msk $0xffff, v46;
	v53 =	vor.u32 v7, v38  }
0x39d: {  	v48 =	vor.u32 v9, v30;
	v52 =	vor.u32 v7, v29;
	[tilespmem:v54+s21+$0x0] =	vst.idx.msk $0xffff, v60;
	v44 =	vld.idx.msk [tilespmem:v56+s14+$0x0], $0xffff  }
0x39e: {  	v41 =	vor.u32 v15, v35;
	v54 =	vadd.s32 v8, v31;
	v45 =	vld.idx.msk [tilespmem:v45+s14+$0x0], $0xffff;
	[tilespmem:v40+s21+$0x0] =	vst.idx.msk $0xffff, v61  }
0x39f: {  	s9 =	simm.s32 $0x200;
	v46 =	vor.u32 v15, v32;
	v42 =	vld.idx.msk [tilespmem:v2+s14+$0x0], $0xffff;
	v40 =	vor.u32 v19, v32;
	[tilespmem:v58+s21+$0x0] =	vst.idx.msk $0xffff, v57  }
.LBB2_20:
0x3a0: {  	s3 =	sadd.s32 $0x4, s3;
	s11 =	sand.u32 $0x1E00, s9;
	[tilespmem:v49+s21+$0x0] =	vst.idx.msk $0xffff, v47;
	v1 =	vadd.s32 v18, v21;
	v2 =	vld.idx.msk [tilespmem:v43+s14+$0x0], $0xffff;
	v43 =	vor.u32 v17, v32  }
0x3a1: {  	v32 =	vadd.s32 v10, v25;
	v49 =	vor.u32 v17, v22;
	s22 =	sand.u32 $0x4, s3;
	s18 =	sshrl.u32 s11, $0x2;
	s11 =	sand.u32 $0x78, s3;
	v47 =	vld.idx.msk [tilespmem:v55+s14+$0x0], $0xffff;
	[tilespmem:v53+s21+$0x0] =	vst.idx.msk $0xffff, v50  }
0x3a2: {  	v50 =	vadd.s32 v16, v23;
	s23 =	sor.u32 $0x8000, s18;
	s18 =	sshll.u32 s22, $0x4;
	s24 =	sor.u32 $0x1, s22;
	[tilespmem:v52+s21+$0x0] =	vst.idx.msk $0xffff, v51;
	v39 =	vld.idx.msk [tilespmem:v39+s14+$0x0], $0xffff;
	v51 =	vadd.s32 v18, v24  }
0x3a3: {  	v27 =	vadd.s32 v18, v27;
	s26 =	sor.u32 $0x2, s22;
	s25 =	sor.u32 s18, s23;
	s18 =	sshll.u32 s24, $0x4;
	[tilespmem:v48+s21+$0x0] =	vst.idx.msk $0xffff, v45;
	v45 =	vld.idx.msk [tilespmem:v54+s14+$0x0], $0xffff;
	v48 =	vor.u32 v17, v20  }
0x3a4: {  	v21 =	vmov v25;
	v53 =	vadd.s32 v18, v23;
	s29 =	sor.u32 $0x3, s22;
	v52 =	vor.u32 v17, v26;
	s28 =	sshll.u32 s26, $0x4;
	s18 =	sor.u32 s18, s23;
	[tilespmem:v46+s21+$0x0] =	vst.idx.msk $0xffff, v44;
	v25 =	vld [tilespmem:s25+$0x0]  }
0x3a5: {  	s25 =	sor.u32 s28, s23;
	s28 =	sshll.u32 s29, $0x4;
	s29 =	sshll.u32 s29, $0x1;
	v44 =	vor.u32 v9, v38;
	v46 =	vadd.s32 v8, v28;
	[tilespmem:v34+s21+$0x0] =	vst.idx.msk $0xffff, v42;
	v36 =	vld.idx.msk [tilespmem:v36+s14+$0x0], $0xffff  }
0x3a6: {  	v55 =	vadd.s32 v8, v33;
	s22 =	sshll.u32 s22, $0x1;
	s26 =	sshll.u32 s26, $0x1;
	v54 =	vor.u32 v7, v35;
	s23 =	sor.u32 s28, s23;
	v23 =	vmov s29;
	v42 =	vld.idx.msk [tilespmem:v32+s14+$0x0], $0xffff;
	[tilespmem:v49+s21+$0x0] =	vst.idx.msk $0xffff, v2  }
0x3a7: {  	p0 =	slt.u32 s3, $0x7C;
	v24 =	vmovc v28;
	v34 =	vmov s26;
	v2 =	vmov s22;
	s22 =	sshll.u32 s24, $0x1;
	v57 =	vshll.u32 v23, $0xB;
	v32 =	vmovc v29;
	v49 =	vld.idx.msk [tilespmem:v50+s14+$0x0], $0xffff  }
0x3a8: {  	v2 =	vshll.u32 v2, $0xB;
	v50 =	vshll.u32 v34, $0xB;
	v56 =	vor.u32 v5, v57;
	[tilespmem:v48+s21+$0x0] =	vst.idx.msk $0xffff, v39;
	v48 =	vld.idx.msk [tilespmem:v27+s14+$0x0], $0xffff  }
0x3a9: {  	v28 =	vmov s22;
	v2 =	vor.u32 v5, v2;
	v29 =	vor.u32 s11, v56;
	v27 =	vmovc v31;
	v23 =	vmovc v33;
	v1 =	vld.idx.msk [tilespmem:v1+s14+$0x0], $0xffff  }
0x3aa: {  	v58 =	vshll.u32 v28, $0xB;
	v33 =	vor.u32 v19, v22;
	v22 =	vmovc v38;
	v34 =	vmovc v41;
	v57 =	vor.u32 s11, v2;
	v28 =	vld [tilespmem:s23+$0x0]  }
0x3ab: {  	v38 =	vadd.s32 v10, v27;
	v41 =	vld.idx.msk [tilespmem:v46+s14+$0x0], $0xffff;
	v46 =	vor.u32 v19, v20;
	[tilespmem:v43+s21+$0x0] =	vst.idx.msk $0xffff, v36  }
0x3ac: {  	v39 =	vadd.s32 v16, v21;
	v36 =	vor.u32 v11, v30;
	v20 =	vmov v30;
	v31 =	vld [tilespmem:s25+$0x0];
	[tilespmem:v54+s21+$0x0] =	vst.idx.msk $0xffff, v47  }
0x3ad: {  	v43 =	vadd.s32 v0, v25;
	v54 =	vor.u32 v9, v32;
	v47 =	vld.idx.msk [tilespmem:v55+s14+$0x0], $0xffff;
	[tilespmem:v52+s21+$0x0] =	vst.idx.msk $0xffff, v49  }
0x3ae: {  	v49 =	vor.u32 v9, v35;
	[tilespmem:v44+s21+$0x0] =	vst.idx.msk $0xffff, v45;
	v44 =	vadd.s32 v10, v24;
	v45 =	vld.idx.msk [tilespmem:v51+s14+$0x0], $0xffff  }
0x3af: {  	v51 =	vadd.s32 v10, v23;
	v52 =	vld.idx.msk [tilespmem:v53+s14+$0x0], $0xffff;
	v53 =	vor.u32 v19, v26;
	[tilespmem:v33+s21+$0x0] =	vst.idx.msk $0xffff, v48  }
0x3b0: {  	v55 =	vor.u32 v13, v32;
	v48 =	vadd.s32 v12, v21;
	v38 =	vld.idx.msk [tilespmem:v38+s14+$0x0], $0xffff;
	[tilespmem:v46+s21+$0x0] =	vst.idx.msk $0xffff, v1  }
0x3b1: {  	v30 =	vmov v57;
	v1 =	vadd.s32 v0, v28;
	v33 =	vld [tilespmem:s18+$0x0];
	[tilespmem:v36+s21+$0x0] =	vst.idx.msk $0xffff, v42;
	v36 =	vor.u32 v11, v22  }
0x3b2: {  	v46 =	vadd.s32 v12, v27;
	v42 =	vld.idx.msk [tilespmem:v43+s14+$0x0], $0xffff;
	v43 =	vadd.s32 v14, v21;
	[tilespmem:v54+s21+$0x0] =	vst.idx.msk $0xffff, v41  }
0x3b3: {  	v57 =	vadd.s32 v14, v24;
	[tilespmem:v49+s21+$0x0] =	vst.idx.msk $0xffff, v47;
	v41 =	vld.idx.msk [tilespmem:v44+s14+$0x0], $0xffff;
	v44 =	vor.u32 v11, v32  }
0x3b4: {  	v26 =	vmov v35;
	v47 =	vor.u32 s11, v63;
	v49 =	vadd.s32 v0, v31;
	v51 =	vld.idx.msk [tilespmem:v51+s14+$0x0], $0xffff;
	[tilespmem:v40+s21+$0x0] =	vst.idx.msk $0xffff, v45  }
0x3b5: {  	v35 =	vadd.s32 v12, v24;
	v2 =	vor.u32 v2, v47;
	v40 =	vld.idx.msk [tilespmem:v48+s14+$0x0], $0xffff;
	[tilespmem:v53+s21+$0x0] =	vst.idx.msk $0xffff, v52  }
0x3b6: {  	v45 =	vadd.s32 v6, v25;
	v48 =	vor.u32 v11, v26;
	v1 =	vld.idx.msk [tilespmem:v1+s14+$0x0], $0xffff;
	[tilespmem:v36+s21+$0x0] =	vst.idx.msk $0xffff, v38  }
0x3b7: {  	v54 =	vadd.s32 v12, v23;
	v52 =	vor.u32 v56, v47;
	v53 =	vor.u32 v13, v20;
	v46 =	vld.idx.msk [tilespmem:v46+s14+$0x0], $0xffff  }
0x3b8: {  	v59 =	vadd.s32 v14, v23;
	v60 =	vor.u32 v13, v22;
	v56 =	vadd.s32 v0, v33;
	v36 =	vmovc v37  }
0x3b9: {  	v38 =	vor.u32 v5, v50;
	v37 =	vld.idx.msk [tilespmem:v49+s14+$0x0], $0xffff;
	v49 =	vadd.s32 v14, v27;
	[tilespmem:v44+s21+$0x0] =	vst.idx.msk $0xffff, v41  }
0x3ba: {  	[tilespmem:v2+s21+$0x0] =	vst.idx.msk $0xffff, v42;
	v2 =	vor.u32 v38, v47;
	v38 =	vor.u32 s11, v38;
	v42 =	vld.idx.msk [tilespmem:v35+s14+$0x0], $0xffff  }
0x3bb: {  	v44 =	vld.idx.msk [tilespmem:v45+s14+$0x0], $0xffff;
	v45 =	vadd.s32 v6, v31;
	[tilespmem:v48+s21+$0x0] =	vst.idx.msk $0xffff, v51;
	v48 =	vor.u32 v13, v26  }
0x3bc: {  	v51 =	vor.u32 v7, v30;
	[tilespmem:v52+s21+$0x0] =	vst.idx.msk $0xffff, v1;
	v1 =	vadd.s32 v6, v28;
	v54 =	vld.idx.msk [tilespmem:v54+s14+$0x0], $0xffff  }
0x3bd: {  	v35 =	vor.u32 v5, v58;
	v52 =	vadd.s32 v8, v25;
	v56 =	vld.idx.msk [tilespmem:v56+s14+$0x0], $0xffff;
	[tilespmem:v60+s21+$0x0] =	vst.idx.msk $0xffff, v46  }
0x3be: {  	v46 =	vor.u32 v35, v47;
	v35 =	vor.u32 s11, v35;
	[tilespmem:v53+s21+$0x0] =	vst.idx.msk $0xffff, v40;
	v40 =	vld.idx.msk [tilespmem:v49+s14+$0x0], $0xffff  }
0x3bf: {  	v41 =	vor.u32 v15, v35;
	[tilespmem:v2+s21+$0x0] =	vst.idx.msk $0xffff, v37;
	v47 =	vld.idx.msk [tilespmem:v43+s14+$0x0], $0xffff;
	v2 =	vor.u32 v15, v22  }
.Ltmp16:
0x3c0: {  	v49 =	vor.u32 v15, v20;
	v43 =	vadd.s32 v16, v27;
	v50 =	vld.idx.msk [tilespmem:v45+s14+$0x0], $0xffff;
	[tilespmem:v55+s21+$0x0] =	vst.idx.msk $0xffff, v42;
	(pc) =	sbr.rel @p0 .LBB2_20-.Ltmp16, $4  }
0x3c1: {  	v53 =	vor.u32 v7, v38;
	v55 =	vadd.s32 v6, v33;
	[tilespmem:v51+s21+$0x0] =	vst.idx.msk $0xffff, v44;
	v51 =	vld.idx.msk [tilespmem:v1+s14+$0x0], $0xffff  }
0x3c2: {  	v37 =	vadd.s32 v16, v28;
	v45 =	vld.idx.msk [tilespmem:v52+s14+$0x0], $0xffff;
	v52 =	vor.u32 v7, v29;
	[tilespmem:v48+s21+$0x0] =	vst.idx.msk $0xffff, v54  }
0x3c3: {  	v48 =	vor.u32 v9, v30;
	v54 =	vadd.s32 v8, v31;
	[tilespmem:v46+s21+$0x0] =	vst.idx.msk $0xffff, v56;
	v44 =	vld.idx.msk [tilespmem:v57+s14+$0x0], $0xffff  }
0x3c4: {  	s9 =	sadd.s32 $0x100, s9;
	v46 =	vor.u32 v15, v32;
	v42 =	vld.idx.msk [tilespmem:v59+s14+$0x0], $0xffff;
	[tilespmem:v2+s21+$0x0] =	vst.idx.msk $0xffff, v40;
	v40 =	vor.u32 v19, v32  }
0x3c5: {  	_ =	sdelay $0x3  }
0x3c6: {  	v1 =	vld.idx.msk [tilespmem:v55+s14+$0x0], $0xffff;
	v2 =	vadd.s32 v8, v28;
	v61 =	vor.u32 v7, v35  }
0x3c7: {  	v56 =	vadd.s32 v8, v33  }
0x3c8: {  	[tilespmem:v53+s21+$0x0] =	vst.idx.msk $0xffff, v50  }
0x3c9: {  	v53 =	vor.u32 v9, v38;
	v50 =	vld.idx.msk [tilespmem:v54+s14+$0x0], $0xffff  }
0x3ca: {  	[tilespmem:v52+s21+$0x0] =	vst.idx.msk $0xffff, v51;
	v51 =	vadd.s32 v10, v31  }
0x3cb: {  	v52 =	vadd.s32 v10, v25;
	v2 =	vld.idx.msk [tilespmem:v2+s14+$0x0], $0xffff;
	[tilespmem:v61+s21+$0x0] =	vst.idx.msk $0xffff, v1;
	v1 =	vor.u32 v9, v29  }
0x3cc: {  	v55 =	vor.u32 v9, v35;
	v60 =	vadd.s32 v10, v28;
	v54 =	vld.idx.msk [tilespmem:v56+s14+$0x0], $0xffff  }
0x3cd: {  	[tilespmem:v49+s21+$0x0] =	vst.idx.msk $0xffff, v47;
	v61 =	vadd.s32 v10, v33  }
0x3ce: {  	[tilespmem:v53+s21+$0x0] =	vst.idx.msk $0xffff, v50  }
0x3cf: {  	[tilespmem:v48+s21+$0x0] =	vst.idx.msk $0xffff, v45;
	v48 =	vor.u32 v11, v38;
	v45 =	vld.idx.msk [tilespmem:v51+s14+$0x0], $0xffff  }
0x3d0: {  	v49 =	vld.idx.msk [tilespmem:v52+s14+$0x0], $0xffff;
	v50 =	vor.u32 v11, v30;
	[tilespmem:v1+s21+$0x0] =	vst.idx.msk $0xffff, v2;
	v1 =	vadd.s32 v12, v31  }
0x3d1: {  	v58 =	vor.u32 v11, v29;
	v2 =	vadd.s32 v12, v25;
	[tilespmem:v55+s21+$0x0] =	vst.idx.msk $0xffff, v54;
	v57 =	vld.idx.msk [tilespmem:v60+s14+$0x0], $0xffff  }
0x3d2: {  	v59 =	vor.u32 v11, v35;
	[tilespmem:v46+s21+$0x0] =	vst.idx.msk $0xffff, v44;
	v46 =	vadd.s32 v12, v28;
	v44 =	vld.idx.msk [tilespmem:v61+s14+$0x0], $0xffff  }
0x3d3: {  	v43 =	vld.idx.msk [tilespmem:v43+s14+$0x0], $0xffff;
	[tilespmem:v34+s21+$0x0] =	vst.idx.msk $0xffff, v42;
	v34 =	vadd.s32 v12, v33;
	v60 =	vor.u32 v17, v22  }
0x3d4: {  	v39 =	vld.idx.msk [tilespmem:v39+s14+$0x0], $0xffff;
	v61 =	vor.u32 v17, v20;
	[tilespmem:v48+s21+$0x0] =	vst.idx.msk $0xffff, v45  }
0x3d5: {  	[tilespmem:v50+s21+$0x0] =	vst.idx.msk $0xffff, v49;
	v45 =	vadd.s32 v16, v23;
	v48 =	vor.u32 v13, v38;
	v1 =	vld.idx.msk [tilespmem:v1+s14+$0x0], $0xffff  }
0x3d6: {  	v56 =	vadd.s32 v14, v31;
	v49 =	vor.u32 v13, v30;
	v2 =	vld.idx.msk [tilespmem:v2+s14+$0x0], $0xffff;
	[tilespmem:v58+s21+$0x0] =	vst.idx.msk $0xffff, v57  }
0x3d7: {  	v57 =	vor.u32 v13, v29;
	v58 =	vadd.s32 v14, v25;
	v46 =	vld.idx.msk [tilespmem:v46+s14+$0x0], $0xffff;
	[tilespmem:v59+s21+$0x0] =	vst.idx.msk $0xffff, v44  }
0x3d8: {  	[tilespmem:v60+s21+$0x0] =	vst.idx.msk $0xffff, v43;
	v60 =	vor.u32 v13, v35;
	v59 =	vadd.s32 v14, v28;
	v34 =	vld.idx.msk [tilespmem:v34+s14+$0x0], $0xffff  }
0x3d9: {  	v32 =	vor.u32 v17, v32;
	v36 =	vld.idx.msk [tilespmem:v36+s14+$0x0], $0xffff;
	[tilespmem:v61+s21+$0x0] =	vst.idx.msk $0xffff, v39;
	v61 =	vadd.s32 v14, v33  }
0x3da: {  	v24 =	vadd.s32 v18, v24;
	v42 =	vor.u32 v17, v26;
	v45 =	vld.idx.msk [tilespmem:v45+s14+$0x0], $0xffff;
	[tilespmem:v48+s21+$0x0] =	vst.idx.msk $0xffff, v1  }
0x3db: {  	v53 =	vor.u32 v15, v38;
	v1 =	vadd.s32 v18, v21;
	[tilespmem:v49+s21+$0x0] =	vst.idx.msk $0xffff, v2;
	v2 =	vld.idx.msk [tilespmem:v56+s14+$0x0], $0xffff  }
0x3dc: {  	v55 =	vor.u32 v15, v30;
	v54 =	vld.idx.msk [tilespmem:v58+s14+$0x0], $0xffff;
	v56 =	vadd.s32 v16, v31;
	[tilespmem:v57+s21+$0x0] =	vst.idx.msk $0xffff, v46  }
0x3dd: {  	v57 =	vadd.s32 v16, v25;
	[tilespmem:v60+s21+$0x0] =	vst.idx.msk $0xffff, v34;
	v58 =	vld.idx.msk [tilespmem:v59+s14+$0x0], $0xffff;
	v59 =	vor.u32 v15, v29  }
0x3de: {  	[tilespmem:v32+s21+$0x0] =	vst.idx.msk $0xffff, v36;
	v60 =	vld.idx.msk [tilespmem:v61+s14+$0x0], $0xffff  }
0x3df: {  	v24 =	vld.idx.msk [tilespmem:v24+s14+$0x0], $0xffff;
	[tilespmem:v42+s21+$0x0] =	vst.idx.msk $0xffff, v45;
	v45 =	vadd.s32 v16, v33  }
0x3e0: {  	v27 =	vadd.s32 v18, v27;
	v20 =	vor.u32 v19, v20;
	v1 =	vld.idx.msk [tilespmem:v1+s14+$0x0], $0xffff;
	[tilespmem:v53+s21+$0x0] =	vst.idx.msk $0xffff, v2  }
0x3e1: {  	v48 =	vor.u32 v17, v38;
	v2 =	vadd.s32 v18, v23;
	[tilespmem:v55+s21+$0x0] =	vst.idx.msk $0xffff, v54;
	v21 =	vld.idx.msk [tilespmem:v56+s14+$0x0], $0xffff  }
0x3e2: {  	v51 =	vadd.s32 v18, v31;
	v50 =	vor.u32 v17, v30;
	v49 =	vld.idx.msk [tilespmem:v57+s14+$0x0], $0xffff;
	[tilespmem:v59+s21+$0x0] =	vst.idx.msk $0xffff, v58  }
0x3e3: {  	v52 =	vadd.s32 v18, v25;
	v53 =	vor.u32 v17, v29;
	[tilespmem:v41+s21+$0x0] =	vst.idx.msk $0xffff, v60;
	v54 =	vld.idx.msk [tilespmem:v37+s14+$0x0], $0xffff  }
0x3e4: {  	[tilespmem:v40+s21+$0x0] =	vst.idx.msk $0xffff, v24;
	v55 =	vadd.s32 v18, v28;
	v56 =	vor.u32 v17, v35;
	v57 =	vld.idx.msk [tilespmem:v45+s14+$0x0], $0xffff  }
0x3e5: {  	v27 =	vld.idx.msk [tilespmem:v27+s14+$0x0], $0xffff;
	v61 =	vor.u32 v19, v22;
	[tilespmem:v20+s21+$0x0] =	vst.idx.msk $0xffff, v1;
	v1 =	vadd.s32 v18, v33  }
0x3e6: {  	v20 =	vor.u32 v19, v26;
	v2 =	vld.idx.msk [tilespmem:v2+s14+$0x0], $0xffff;
	[tilespmem:v48+s21+$0x0] =	vst.idx.msk $0xffff, v21  }
0x3e7: {  	v58 =	vor.u32 v19, v38;
	[tilespmem:v50+s21+$0x0] =	vst.idx.msk $0xffff, v49;
	v21 =	vld.idx.msk [tilespmem:v51+s14+$0x0], $0xffff  }
0x3e8: {  	v59 =	vor.u32 v19, v30;
	v25 =	vld.idx.msk [tilespmem:v52+s14+$0x0], $0xffff;
	[tilespmem:v53+s21+$0x0] =	vst.idx.msk $0xffff, v54  }
0x3e9: {  	v60 =	vor.u32 v19, v29;
	[tilespmem:v56+s21+$0x0] =	vst.idx.msk $0xffff, v57;
	v22 =	vld.idx.msk [tilespmem:v55+s14+$0x0], $0xffff  }
0x3ea: {  	[tilespmem:v61+s21+$0x0] =	vst.idx.msk $0xffff, v27;
	v61 =	vor.u32 v19, v35;
	v1 =	vld.idx.msk [tilespmem:v1+s14+$0x0], $0xffff  }
0x3eb: {  	[tilespmem:v20+s21+$0x0] =	vst.idx.msk $0xffff, v2  }
0x3ec: {  	[tilespmem:v58+s21+$0x0] =	vst.idx.msk $0xffff, v21  }
0x3ed: {  	[tilespmem:v59+s21+$0x0] =	vst.idx.msk $0xffff, v25  }
0x3ee: {  	[tilespmem:v60+s21+$0x0] =	vst.idx.msk $0xffff, v22  }
0x3ef: {  	[tilespmem:v61+s21+$0x0] =	vst.idx.msk $0xffff, v1  }
0x3f0: {  	[hbm4b:s17+s4] =	stream.linear.scatter [tilespmem:s21], [sflag:$0x2], $0x400, $0x38;
	[tilespmem:$0x18E80] =	vst v63  }
0x3f1: {  	s3 =	sadd.s32 $0x8000, s17  }
0x3f2: {  	[hbm4b:s3+s4] =	stream.linear.scatter [tilespmem:s30], [sflag:$0x2], $0x400, $0x38;
	[tilespmem:$0x18E80] =	vst v63  }
0x3f3: {  	s29 =	sadd.s32 $0x10000, s17;
	s9 =	simm.s32 $0x11800  }
0x3f4: {  	[hbm4b:s29+s4] =	stream.linear.scatter [tilespmem:s9], [sflag:$0x2], $0x400, $0x38;
	[tilespmem:$0x18E80] =	vst v63  }
0x3f5: {  	s11 =	simm.s32 $0x12000;
	s9 =	sadd.s32 $0x18000, s17  }
0x3f6: {  	[hbm4b:s9+s4] =	stream.linear.scatter [tilespmem:s11], [sflag:$0x2], $0x400, $0x38;
	[tilespmem:$0x18E80] =	vst v63  }
0x3f7: {  	s18 =	sadd.s32 $0x20000, s17;
	s22 =	simm.s32 $0x12800  }
0x3f8: {  	[hbm4b:s18+s4] =	stream.linear.scatter [tilespmem:s22], [sflag:$0x2], $0x400, $0x38;
	[tilespmem:$0x18E80] =	vst v63  }
0x3f9: {  	s23 =	sadd.s32 $0x28000, s17;
	s24 =	simm.s32 $0x13000  }
0x3fa: {  	[hbm4b:s23+s4] =	stream.linear.scatter [tilespmem:s24], [sflag:$0x2], $0x400, $0x38;
	[tilespmem:$0x18E80] =	vst v63  }
0x3fb: {  	s25 =	sadd.s32 $0x30000, s17;
	s26 =	simm.s32 $0x13800  }
0x3fc: {  	[hbm4b:s25+s4] =	stream.linear.scatter [tilespmem:s26], [sflag:$0x2], $0x400, $0x38;
	[tilespmem:$0x18E80] =	vst v63  }
0x3fd: {  	s28 =	sadd.s32 $0x38000, s17;
	s29 =	simm.s32 $0x14000  }
0x3fe: {  	[hbm4b:s28+s4] =	stream.linear.scatter [tilespmem:s29], [sflag:$0x2], $0x400, $0x38;
	[tilespmem:$0x18E80] =	vst v63  }
0x3ff: {  	s11 =	sadd.s32 $0x40000, s17;
	s18 =	simm.s32 $0x14800  }
0x400: {  	[hbm4b:s11+s4] =	stream.linear.scatter [tilespmem:s18], [sflag:$0x2], $0x400, $0x38;
	[tilespmem:$0x18E80] =	vst v63  }
0x401: {  	s22 =	sadd.s32 $0x48000, s17  }
0x402: {  	[hbm4b:s22+s4] =	stream.linear.scatter [tilespmem:s31], [sflag:$0x2], $0x400, $0x38;
	[tilespmem:$0x18E80] =	vst v63  }
0x403: {  	s23 =	sadd.s32 $0x50000, s17  }
0x404: {  	[hbm4b:s23+s4] =	stream.linear.scatter [tilespmem:s1], [sflag:$0x2], $0x400, $0x38;
	[tilespmem:$0x18E80] =	vst v63  }
0x405: {  	s24 =	sadd.s32 $0x58000, s17  }
0x406: {  	[hbm4b:s24+s4] =	stream.linear.scatter [tilespmem:s0], [sflag:$0x2], $0x400, $0x38;
	[tilespmem:$0x18E80] =	vst v63  }
0x407: {  	s25 =	sadd.s32 $0x60000, s17  }
0x408: {  	[hbm4b:s25+s4] =	stream.linear.scatter [tilespmem:s2], [sflag:$0x2], $0x400, $0x38;
	[tilespmem:$0x18E80] =	vst v63  }
0x409: {  	s26 =	sadd.s32 $0x68000, s17  }
0x40a: {  	[hbm4b:s26+s4] =	stream.linear.scatter [tilespmem:s19], [sflag:$0x2], $0x400, $0x38;
	[tilespmem:$0x18E80] =	vst v63  }
.Ltmp17:
0x40b: {  	_ = 	snop;
	(pc) =	sbr.rel .LBB2_22-.Ltmp17, $4  }
0x40c: {  	s28 =	sadd.s32 $0x70000, s17  }
0x40d: {  	[hbm4b:s28+s4] =	stream.linear.scatter [tilespmem:s6], [sflag:$0x2], $0x400, $0x38;
	[tilespmem:$0x18E80] =	vst v63  }
0x40e: {  	s29 =	sadd.s32 $0x78000, s17  }
0x40f: {  	[hbm4b:s29+s4] =	stream.linear.scatter [tilespmem:s8], [sflag:$0x2], $0x400, $0x38;
	[tilespmem:$0x18E80] =	vst v63  }
.LBB2_23:
0x410: {  	s3 =	simm.s32 $0x3  }
.Ltmp18:
0x411: {  	_ =	swait.ge [sflag:s3], $0x4000;
	(pc) =	sbr.rel .LBB2_24-.Ltmp18, $4  }
0x412: {  	s9 =	simm.s32 $0x80;
	s11 =	simm.s32 $0x1000;
	[sflag:s3] =	ssyncset.done $0x0  }
0x413: {  	s12 =	simm.s32 $0x4000;
	s29 =	rddreg [dreg:$0x8];
	[sflag:s3] =	ssyncadd.s32 $0xFFFFC000  }
0x414: {  	[tilespmem:s12], [sflag:$0x3] =	stream.strided.gather [hbm4b:s29+s9], $0x4000, s11, s9, $0x38;
	[tilespmem:$0x18E80] =	vst v63  }
0x415: {  	s15 =	simm.s32 $0x100;
	s16 =	simm.s32 $0x0;
	s12 =	simm.s32 $0x0  }
.LBB2_33:
0x416: {  	s16 =	sadd.s32 $0x1, s16  }
0x417: {  	p0 =	sne.s32 s16, $0x8  }
.Ltmp19:
0x418: {  	_ = 	snop;
	(pc) =	sbr.rel @!p0 .LBB2_34-.Ltmp19, $2  }
0x419: {  	_ =	sdelay $0x2  }
0x41a: {  	s15 =	sadd.s32 $0x10, s15  }
.LBB2_24:
0x41b: {  	s3 =	simm.s32 $0x1  }
0x41c: {  	v1 =	vmov s12;
	s9 =	simm.s32 $0x2;
	v25 =	vld [tilespmem:s15+$0x80];
	v2 =	vmov s3  }
0x41d: {  	v1 =	vand.u32 $0x7C, v1;
	v20 =	vmov s9;
	v2 =	vand.u32 $0x7D, v2  }
0x41e: {  	s17 =	simm.s32 $0x4;
	s28 =	simm.s32 $0x3;
	v1 =	vbroadcast v1, $0x0;
	v20 =	vand.u32 $0x7E, v20;
	v2 =	vbroadcast v2, $0x0  }
0x41f: {  	v26 =	vld [tilespmem:s15+$0xFFFFFF00];
	v21 =	vmov s17;
	v24 =	vor.u32 s28, v4;
	v20 =	vbroadcast v20, $0x0  }
0x420: {  	v27 =	vld [tilespmem:s15+$0xFFFFFF80];
	v22 =	vand.u32 $0x7C, v21;
	v23 =	vor.u32 v4, v1;
	v21 =	vor.u32 v4, v2  }
0x421: {  	v28 =	vld [tilespmem:s15+$0x0];
	v20 =	vor.u32 v4, v20;
	vm0 =	vge.f32 v25, $-9.000000000e+02;
	vm1 =	vge.f32 v25, $-4.000000000e+02  }
0x422: {  	vm13 =	vge.f32 v25, $-1.000000000e+02;
	vm14 =	vge.f32 v25, $-5.000000000e+01;
	vm15 =	vge.f32 v25, $-1.000000000e+01  }
0x423: {  	vm4 =	vge.f32 v25, $2.000000000e+01;
	vm5 =	vge.f32 v25, $4.000000000e+01;
	vm6 =	vge.f32 v25, $6.000000000e+01  }
0x424: {  	vm7 =	vge.f32 v25, $1.000000000e+02;
	vm8 =	vge.f32 v25, $8.000000000e+02;
	vm9 =	vge.f32 v25, $1.000000000e+03  }
0x425: {  	vm10 =	vge.f32 v26, $-9.000000000e+02;
	vm11 =	vge.f32 v26, $-4.000000000e+02;
	vm2 =	vge.f32 v27, $-9.000000000e+02  }
0x426: {  	vm3 =	vge.f32 v27, $-4.000000000e+02;
	vm12 =	vge.f32 v28, $-4.000000000e+02;
	v1 =	vsel vm0, $0x2, v62  }
0x427: {  	v2 =	vsel vm1, $0x1, v3;
	v25 =	vsel vm11, $0x1, v3;
	v29 =	vsel vm2, $0x2, v62  }
0x428: {  	v30 =	vsel vm3, $0x1, v3;
	vm11 =	vge.f32 v27, $2.000000000e+01;
	v1 =	vadd.s32 v2, v1  }
0x429: {  	v2 =	vsel vm13, $0x1, v3;
	vm13 =	vge.f32 v26, $-1.000000000e+02;
	v29 =	vadd.s32 v30, v29  }
0x42a: {  	v30 =	vsel vm12, $0x1, v3;
	v1 =	vadd.s32 v2, v1;
	v2 =	vsel vm14, $0x1, v3  }
0x42b: {  	vm12 =	vge.f32 v28, $2.000000000e+01;
	v1 =	vadd.s32 v2, v1;
	v2 =	vsel vm15, $0x1, v3  }
0x42c: {  	vm14 =	vge.f32 v27, $-1.000000000e+02;
	v1 =	vadd.s32 v2, v1;
	v2 =	vsel vm4, $0x1, v3  }
0x42d: {  	vm15 =	vge.f32 v28, $-1.000000000e+02;
	v1 =	vadd.s32 v2, v1;
	v2 =	vsel vm5, $0x1, v3  }
0x42e: {  	vm4 =	vge.f32 v28, $-9.000000000e+02;
	v1 =	vadd.s32 v2, v1;
	v2 =	vsel vm6, $0x1, v3  }
0x42f: {  	vm5 =	vge.f32 v27, $-5.000000000e+01;
	v1 =	vadd.s32 v2, v1;
	v2 =	vsel vm7, $0x1, v3  }
0x430: {  	vm6 =	vge.f32 v28, $-5.000000000e+01;
	v1 =	vadd.s32 v2, v1;
	v2 =	vsel vm8, $0x1, v3  }
0x431: {  	vm7 =	vge.f32 v26, $-1.000000000e+01;
	v1 =	vadd.s32 v2, v1;
	v2 =	vsel vm9, $0x1, v3  }
0x432: {  	vm8 =	vge.f32 v27, $-1.000000000e+01;
	v1 =	vadd.s32 v2, v1;
	v2 =	vsel vm10, $0x2, v62  }
0x433: {  	vm9 =	vge.f32 v28, $-1.000000000e+01;
	v2 =	vadd.s32 v25, v2;
	v25 =	vsel vm4, $0x2, v62  }
0x434: {  	vm10 =	vge.f32 v26, $2.000000000e+01;
	v25 =	vadd.s32 v30, v25;
	v30 =	vsel vm13, $0x1, v3  }
0x435: {  	vm4 =	vge.f32 v26, $-5.000000000e+01;
	v2 =	vadd.s32 v30, v2;
	v30 =	vsel vm14, $0x1, v3  }
0x436: {  	v1 =	vshll.u32 v1, $0x7;
	v29 =	vadd.s32 v30, v29;
	v30 =	vsel vm15, $0x1, v3  }
0x437: {  	vm13 =	vge.f32 v26, $4.000000000e+01;
	v25 =	vadd.s32 v30, v25;
	v30 =	vsel vm4, $0x1, v3  }
0x438: {  	vm14 =	vge.f32 v27, $4.000000000e+01;
	v2 =	vadd.s32 v30, v2;
	v30 =	vsel vm5, $0x1, v3  }
0x439: {  	vm15 =	vge.f32 v28, $4.000000000e+01;
	v29 =	vadd.s32 v30, v29;
	v30 =	vsel vm6, $0x1, v3  }
0x43a: {  	vm4 =	vge.f32 v26, $6.000000000e+01;
	v25 =	vadd.s32 v30, v25;
	v30 =	vsel vm7, $0x1, v3  }
0x43b: {  	vm5 =	vge.f32 v27, $6.000000000e+01;
	v2 =	vadd.s32 v30, v2;
	v30 =	vsel vm8, $0x1, v3  }
0x43c: {  	vm6 =	vge.f32 v28, $6.000000000e+01;
	v29 =	vadd.s32 v30, v29;
	v30 =	vsel vm9, $0x1, v3  }
0x43d: {  	vm7 =	vge.f32 v26, $1.000000000e+02;
	v25 =	vadd.s32 v30, v25;
	v30 =	vsel vm10, $0x1, v3  }
0x43e: {  	vm8 =	vge.f32 v27, $1.000000000e+02;
	v2 =	vadd.s32 v30, v2;
	v30 =	vsel vm11, $0x1, v3  }
0x43f: {  	vm9 =	vge.f32 v28, $1.000000000e+02;
	v29 =	vadd.s32 v30, v29;
	v30 =	vsel vm12, $0x1, v3  }
0x440: {  	vm10 =	vge.f32 v26, $8.000000000e+02;
	v25 =	vadd.s32 v30, v25;
	v30 =	vsel vm13, $0x1, v3  }
0x441: {  	vm11 =	vge.f32 v27, $8.000000000e+02;
	v2 =	vadd.s32 v30, v2;
	v30 =	vsel vm14, $0x1, v3  }
0x442: {  	vm12 =	vge.f32 v28, $8.000000000e+02;
	v29 =	vadd.s32 v30, v29;
	v30 =	vsel vm15, $0x1, v3  }
0x443: {  	vm13 =	vge.f32 v26, $1.000000000e+03;
	v25 =	vadd.s32 v30, v25;
	v30 =	vsel vm4, $0x1, v3  }
0x444: {  	v26 =	vsel vm11, $0x1, v3;
	v2 =	vadd.s32 v30, v2;
	v30 =	vsel vm5, $0x1, v3  }
0x445: {  	vm14 =	vge.f32 v27, $1.000000000e+03;
	v29 =	vadd.s32 v30, v29;
	v30 =	vsel vm6, $0x1, v3  }
0x446: {  	v27 =	vsel vm12, $0x1, v3;
	v25 =	vadd.s32 v30, v25;
	v30 =	vsel vm7, $0x1, v3  }
0x447: {  	vm15 =	vge.f32 v28, $1.000000000e+03;
	v2 =	vadd.s32 v30, v2;
	v30 =	vsel vm8, $0x1, v3  }
0x448: {  	v28 =	vsel vm13, $0x1, v3;
	v29 =	vadd.s32 v30, v29;
	v30 =	vsel vm9, $0x1, v3  }
0x449: {  	v25 =	vadd.s32 v30, v25;
	v30 =	vsel vm10, $0x1, v3;
	v26 =	vadd.s32 v26, v29  }
0x44a: {  	v29 =	vsel vm14, $0x1, v3;
	v2 =	vadd.s32 v30, v2;
	v27 =	vadd.s32 v27, v25  }
0x44b: {  	v25 =	vadd.s32 v29, v26;
	v26 =	vsel vm15, $0x1, v3;
	v2 =	vadd.s32 v28, v2  }
0x44c: {  	s29 =	simm.s32 $0x5;
	s11 =	simm.s32 $0x6;
	s3 =	sadd.s32 $0x200, s15;
	[tilespmem:v24+s20+$0x0] =	vst.idx.msk $0xffff, v1;
	v25 =	vshll.u32 v25, $0x7;
	v1 =	vshll.u32 v2, $0x7;
	v2 =	vadd.s32 v26, v27  }
0x44d: {  	s9 =	simm.s32 $0x8;
	v28 =	vld [tilespmem:s3+$0x80];
	v26 =	vmov s29;
	v27 =	vmov s11;
	[tilespmem:v23+s20+$0x0] =	vst.idx.msk $0xffff, v1;
	v23 =	vshll.u32 v2, $0x7  }
.LBB2_25:
0x44e: {  	p0 =	slt.u32 s9, $0x7C;
	v1 =	vbroadcast v22, $0x0;
	v24 =	vld [tilespmem:s3+$0xFFFFFF80];
	v2 =	vand.u32 $0x7D, v26;
	v22 =	vand.u32 $0x7E, v27;
	[tilespmem:v21+s20+$0x0] =	vst.idx.msk $0xffff, v25  }
0x44f: {  	v21 =	vmov s9;
	v2 =	vbroadcast v2, $0x0;
	v25 =	vld [tilespmem:s3+$0x0];
	v27 =	vbroadcast v22, $0x0;
	[tilespmem:v20+s20+$0x0] =	vst.idx.msk $0xffff, v23  }
0x450: {  	v22 =	vand.u32 $0x7C, v21;
	v26 =	vld [tilespmem:s3+$0xFFFFFF00]  }
0x451: {  	s11 =	sadd.s32 $0x3, s17;
	s17 =	smov.u32 s9;
	v23 =	vor.u32 v4, v1;
	v21 =	vor.u32 v4, v2;
	v20 =	vor.u32 v4, v27  }
0x452: {  	v1 =	vor.u32 s11, v4;
	vm0 =	vge.f32 v28, $-9.000000000e+02;
	vm1 =	vge.f32 v28, $-4.000000000e+02  }
0x453: {  	v2 =	vsel vm0, $0x2, v62;
	v27 =	vsel vm1, $0x1, v3;
	vm0 =	vge.f32 v28, $-1.000000000e+02  }
0x454: {  	v2 =	vadd.s32 v27, v2;
	v27 =	vsel vm0, $0x1, v3;
	vm0 =	vge.f32 v28, $-5.000000000e+01  }
0x455: {  	v2 =	vadd.s32 v27, v2;
	v27 =	vsel vm0, $0x1, v3;
	vm0 =	vge.f32 v28, $-1.000000000e+01  }
0x456: {  	v2 =	vadd.s32 v27, v2;
	v27 =	vsel vm0, $0x1, v3;
	vm0 =	vge.f32 v28, $2.000000000e+01  }
0x457: {  	v2 =	vadd.s32 v27, v2;
	v27 =	vsel vm0, $0x1, v3;
	vm0 =	vge.f32 v28, $4.000000000e+01  }
0x458: {  	v2 =	vadd.s32 v27, v2;
	v27 =	vsel vm0, $0x1, v3;
	vm0 =	vge.f32 v28, $6.000000000e+01  }
0x459: {  	v2 =	vadd.s32 v27, v2;
	v27 =	vsel vm0, $0x1, v3;
	vm0 =	vge.f32 v28, $1.000000000e+02  }
0x45a: {  	v2 =	vadd.s32 v27, v2;
	v27 =	vsel vm0, $0x1, v3;
	vm0 =	vge.f32 v28, $8.000000000e+02  }
0x45b: {  	v2 =	vadd.s32 v27, v2;
	v27 =	vsel vm0, $0x1, v3;
	vm0 =	vge.f32 v28, $1.000000000e+03  }
0x45c: {  	vm1 =	vge.f32 v26, $-9.000000000e+02;
	v2 =	vadd.s32 v27, v2;
	v27 =	vsel vm0, $0x1, v3  }
0x45d: {  	vm2 =	vge.f32 v24, $-9.000000000e+02;
	vm0 =	vge.f32 v26, $-4.000000000e+02;
	v2 =	vadd.s32 v27, v2  }
0x45e: {  	vm3 =	vge.f32 v24, $-4.000000000e+02;
	vm4 =	vge.f32 v25, $-9.000000000e+02;
	v2 =	vshll.u32 v2, $0x7  }
0x45f: {  	v27 =	vsel vm1, $0x2, v62;
	v28 =	vsel vm0, $0x1, v3;
	vm0 =	vge.f32 v25, $-4.000000000e+02;
	[tilespmem:v1+s20+$0x0] =	vst.idx.msk $0xffff, v2  }
0x460: {  	v29 =	vsel vm4, $0x2, v62;
	v1 =	vsel vm2, $0x2, v62;
	v2 =	vsel vm3, $0x1, v3  }
0x461: {  	vm1 =	vge.f32 v26, $-1.000000000e+02;
	v30 =	vsel vm0, $0x1, v3;
	vm2 =	vge.f32 v24, $-1.000000000e+02  }
0x462: {  	v27 =	vadd.s32 v28, v27;
	vm0 =	vge.f32 v25, $-1.000000000e+02;
	v1 =	vadd.s32 v2, v1  }
0x463: {  	v29 =	vadd.s32 v30, v29;
	v2 =	vsel vm1, $0x1, v3;
	v28 =	vsel vm2, $0x1, v3  }
0x464: {  	v30 =	vsel vm0, $0x1, v3;
	vm1 =	vge.f32 v26, $-5.000000000e+01;
	vm2 =	vge.f32 v24, $-5.000000000e+01  }
0x465: {  	vm0 =	vge.f32 v25, $-5.000000000e+01;
	v2 =	vadd.s32 v2, v27;
	v1 =	vadd.s32 v28, v1  }
0x466: {  	v29 =	vadd.s32 v30, v29;
	v27 =	vsel vm1, $0x1, v3;
	v28 =	vsel vm2, $0x1, v3  }
0x467: {  	v30 =	vsel vm0, $0x1, v3;
	vm1 =	vge.f32 v26, $-1.000000000e+01;
	vm2 =	vge.f32 v24, $-1.000000000e+01  }
0x468: {  	vm0 =	vge.f32 v25, $-1.000000000e+01;
	v2 =	vadd.s32 v27, v2;
	v1 =	vadd.s32 v28, v1  }
0x469: {  	v29 =	vadd.s32 v30, v29;
	v27 =	vsel vm1, $0x1, v3;
	v28 =	vsel vm2, $0x1, v3  }
0x46a: {  	v30 =	vsel vm0, $0x1, v3;
	vm1 =	vge.f32 v26, $2.000000000e+01;
	vm2 =	vge.f32 v24, $2.000000000e+01  }
0x46b: {  	vm0 =	vge.f32 v25, $2.000000000e+01;
	v2 =	vadd.s32 v27, v2;
	v1 =	vadd.s32 v28, v1  }
0x46c: {  	v29 =	vadd.s32 v30, v29;
	v27 =	vsel vm1, $0x1, v3;
	v28 =	vsel vm2, $0x1, v3  }
0x46d: {  	v30 =	vsel vm0, $0x1, v3;
	vm1 =	vge.f32 v26, $4.000000000e+01;
	vm2 =	vge.f32 v24, $4.000000000e+01  }
0x46e: {  	vm0 =	vge.f32 v25, $4.000000000e+01;
	v2 =	vadd.s32 v27, v2;
	v1 =	vadd.s32 v28, v1  }
0x46f: {  	v29 =	vadd.s32 v30, v29;
	v27 =	vsel vm1, $0x1, v3;
	v28 =	vsel vm2, $0x1, v3  }
0x470: {  	v30 =	vsel vm0, $0x1, v3;
	vm1 =	vge.f32 v26, $6.000000000e+01;
	vm2 =	vge.f32 v24, $6.000000000e+01  }
0x471: {  	vm0 =	vge.f32 v25, $6.000000000e+01;
	v2 =	vadd.s32 v27, v2;
	v1 =	vadd.s32 v28, v1  }
0x472: {  	v29 =	vadd.s32 v30, v29;
	v27 =	vsel vm1, $0x1, v3;
	v28 =	vsel vm2, $0x1, v3  }
0x473: {  	v30 =	vsel vm0, $0x1, v3;
	vm1 =	vge.f32 v26, $1.000000000e+02;
	vm2 =	vge.f32 v24, $1.000000000e+02  }
0x474: {  	vm0 =	vge.f32 v25, $1.000000000e+02;
	v2 =	vadd.s32 v27, v2;
	v1 =	vadd.s32 v28, v1  }
0x475: {  	v29 =	vadd.s32 v30, v29;
	v27 =	vsel vm1, $0x1, v3;
	v28 =	vsel vm2, $0x1, v3  }
0x476: {  	v30 =	vsel vm0, $0x1, v3;
	vm1 =	vge.f32 v26, $8.000000000e+02;
	vm2 =	vge.f32 v24, $8.000000000e+02  }
0x477: {  	vm0 =	vge.f32 v25, $8.000000000e+02;
	v2 =	vadd.s32 v27, v2;
	v1 =	vadd.s32 v28, v1  }
0x478: {  	v29 =	vadd.s32 v30, v29;
	v27 =	vsel vm1, $0x1, v3;
	v28 =	vsel vm2, $0x1, v3  }
0x479: {  	vm1 =	vge.f32 v26, $1.000000000e+03;
	vm2 =	vge.f32 v24, $1.000000000e+03;
	v24 =	vsel vm0, $0x1, v3  }
.Ltmp20:
0x47a: {  	vm0 =	vge.f32 v25, $1.000000000e+03;
	v2 =	vadd.s32 v27, v2;
	v1 =	vadd.s32 v28, v1;
	(pc) =	sbr.rel @p0 .LBB2_25-.Ltmp20, $4  }
0x47b: {  	v25 =	vsel vm1, $0x1, v3;
	v26 =	vsel vm2, $0x1, v3;
	v24 =	vadd.s32 v24, v29  }
0x47c: {  	v2 =	vadd.s32 v25, v2;
	v1 =	vadd.s32 v26, v1;
	v26 =	vsel vm0, $0x1, v3  }
0x47d: {  	s18 =	sadd.s32 $0x2, s9;
	s11 =	sadd.s32 $0x1, s9;
	s3 =	sadd.s32 $0x200, s3;
	v2 =	vshll.u32 v2, $0x7;
	v25 =	vshll.u32 v1, $0x7;
	v1 =	vadd.s32 v26, v24  }
0x47e: {  	s9 =	sadd.s32 $0x4, s9;
	v27 =	vmov s18;
	v26 =	vmov s11;
	v28 =	vld [tilespmem:s3+$0x80];
	[tilespmem:v23+s20+$0x0] =	vst.idx.msk $0xffff, v2;
	v23 =	vshll.u32 v1, $0x7  }
0x47f: {  	v22 =	vbroadcast v22, $0x0;
	v26 =	vand.u32 $0x7D, v26;
	v27 =	vand.u32 $0x7E, v27  }
0x480: {  	s28 =	sadd.s32 $0x3, s17;
	v26 =	vbroadcast v26, $0x0;
	v27 =	vbroadcast v27, $0x0  }
0x481: {  	v24 =	vld [tilespmem:s3+$0xFFFFFF00];
	v58 =	vor.u32 s28, v4  }
0x482: {  	v29 =	vld [tilespmem:s3+$0xFFFFFF80];
	v22 =	vor.u32 v4, v22;
	v26 =	vor.u32 v4, v26;
	v27 =	vor.u32 v4, v27  }
0x483: {  	v30 =	vld [tilespmem:s3+$0x0];
	vm0 =	vge.f32 v28, $-9.000000000e+02;
	vm1 =	vge.f32 v28, $-4.000000000e+02;
	vm13 =	vge.f32 v28, $-1.000000000e+02  }
0x484: {  	vm14 =	vge.f32 v28, $-5.000000000e+01;
	vm15 =	vge.f32 v28, $-1.000000000e+01;
	vm4 =	vge.f32 v28, $2.000000000e+01  }
0x485: {  	vm5 =	vge.f32 v28, $4.000000000e+01;
	vm6 =	vge.f32 v28, $6.000000000e+01;
	vm7 =	vge.f32 v28, $1.000000000e+02  }
0x486: {  	vm8 =	vge.f32 v28, $8.000000000e+02;
	vm9 =	vge.f32 v28, $1.000000000e+03;
	v1 =	vsel vm0, $0x2, v62  }
0x487: {  	v2 =	vsel vm1, $0x1, v3;
	vm10 =	vge.f32 v24, $-9.000000000e+02;
	vm11 =	vge.f32 v24, $-4.000000000e+02  }
0x488: {  	vm2 =	vge.f32 v29, $-9.000000000e+02;
	vm3 =	vge.f32 v29, $-4.000000000e+02;
	vm12 =	vge.f32 v30, $-4.000000000e+02  }
0x489: {  	v1 =	vadd.s32 v2, v1;
	v2 =	vsel vm13, $0x1, v3;
	v60 =	vsel vm11, $0x1, v3  }
0x48a: {  	v31 =	vsel vm2, $0x2, v62;
	v32 =	vsel vm3, $0x1, v3;
	vm13 =	vge.f32 v24, $-1.000000000e+02  }
0x48b: {  	v35 =	vsel vm12, $0x1, v3;
	vm11 =	vge.f32 v29, $2.000000000e+01;
	vm12 =	vge.f32 v30, $2.000000000e+01  }
0x48c: {  	v1 =	vadd.s32 v2, v1;
	v2 =	vsel vm14, $0x1, v3;
	v61 =	vadd.s32 v32, v31  }
0x48d: {  	vm14 =	vge.f32 v29, $-1.000000000e+02;
	v36 =	vsel vm13, $0x1, v3;
	v46 =	vsel vm11, $0x1, v3  }
0x48e: {  	vm13 =	vge.f32 v24, $4.000000000e+01;
	v47 =	vsel vm12, $0x1, v3;
	vm11 =	vge.f32 v24, $1.000000000e+03  }
0x48f: {  	vm12 =	vge.f32 v29, $8.000000000e+02;
	v1 =	vadd.s32 v2, v1;
	v2 =	vsel vm15, $0x1, v3  }
0x490: {  	vm15 =	vge.f32 v30, $-1.000000000e+02;
	v37 =	vsel vm14, $0x1, v3;
	vm14 =	vge.f32 v29, $4.000000000e+01  }
0x491: {  	v48 =	vsel vm13, $0x1, v3;
	vm13 =	vge.f32 v29, $1.000000000e+03;
	v59 =	vsel vm12, $0x1, v3  }
0x492: {  	v1 =	vadd.s32 v2, v1;
	v2 =	vsel vm4, $0x1, v3;
	vm4 =	vge.f32 v30, $-9.000000000e+02  }
0x493: {  	v28 =	vadd.s32 v37, v61;
	v38 =	vsel vm15, $0x1, v3;
	vm15 =	vge.f32 v30, $4.000000000e+01  }
0x494: {  	v49 =	vsel vm14, $0x1, v3;
	vm14 =	vge.f32 v30, $8.000000000e+02;
	v61 =	vsel vm11, $0x1, v3  }
0x495: {  	[tilespmem:v20+s20+$0x0] =	vst.idx.msk $0xffff, v23;
	v20 =	vsel vm13, $0x1, v3;
	v1 =	vadd.s32 v2, v1;
	v2 =	vsel vm5, $0x1, v3  }
0x496: {  	v33 =	vsel vm4, $0x2, v62;
	vm4 =	vge.f32 v24, $-5.000000000e+01;
	vm5 =	vge.f32 v29, $-5.000000000e+01  }
0x497: {  	v50 =	vsel vm15, $0x1, v3;
	vm15 =	vge.f32 v30, $1.000000000e+03;
	v1 =	vadd.s32 v2, v1  }
0x498: {  	v2 =	vsel vm6, $0x1, v3;
	v31 =	vadd.s32 v35, v33;
	vm6 =	vge.f32 v30, $-5.000000000e+01  }
0x499: {  	v39 =	vsel vm4, $0x1, v3;
	v40 =	vsel vm5, $0x1, v3;
	vm4 =	vge.f32 v24, $6.000000000e+01  }
0x49a: {  	vm5 =	vge.f32 v29, $6.000000000e+01;
	v1 =	vadd.s32 v2, v1;
	v2 =	vsel vm7, $0x1, v3  }
0x49b: {  	v31 =	vadd.s32 v38, v31;
	vm7 =	vge.f32 v24, $-1.000000000e+01;
	v28 =	vadd.s32 v40, v28  }
0x49c: {  	v41 =	vsel vm6, $0x1, v3;
	vm6 =	vge.f32 v30, $6.000000000e+01;
	v51 =	vsel vm4, $0x1, v3  }
0x49d: {  	v52 =	vsel vm5, $0x1, v3;
	v1 =	vadd.s32 v2, v1;
	v2 =	vsel vm8, $0x1, v3  }
0x49e: {  	vm8 =	vge.f32 v29, $-1.000000000e+01;
	v31 =	vadd.s32 v41, v31;
	v42 =	vsel vm7, $0x1, v3  }
0x49f: {  	vm7 =	vge.f32 v24, $1.000000000e+02;
	v53 =	vsel vm6, $0x1, v3;
	v1 =	vadd.s32 v2, v1  }
0x4a0: {  	v2 =	vsel vm9, $0x1, v3;
	vm9 =	vge.f32 v30, $-1.000000000e+01;
	v43 =	vsel vm8, $0x1, v3  }
0x4a1: {  	vm8 =	vge.f32 v29, $1.000000000e+02;
	v54 =	vsel vm7, $0x1, v3;
	v1 =	vadd.s32 v2, v1  }
0x4a2: {  	v2 =	vsel vm10, $0x2, v62;
	vm10 =	vge.f32 v24, $2.000000000e+01;
	v28 =	vadd.s32 v43, v28  }
0x4a3: {  	v44 =	vsel vm9, $0x1, v3;
	vm9 =	vge.f32 v30, $1.000000000e+02;
	v55 =	vsel vm8, $0x1, v3  }
0x4a4: {  	v2 =	vadd.s32 v60, v2;
	v31 =	vadd.s32 v44, v31;
	v45 =	vsel vm10, $0x1, v3  }
0x4a5: {  	v28 =	vadd.s32 v46, v28;
	v56 =	vsel vm9, $0x1, v3;
	v2 =	vadd.s32 v36, v2  }
0x4a6: {  	vm10 =	vge.f32 v24, $8.000000000e+02;
	v1 =	vshll.u32 v1, $0x7;
	v2 =	vadd.s32 v39, v2  }
0x4a7: {  	[tilespmem:v21+s20+$0x0] =	vst.idx.msk $0xffff, v25;
	v60 =	vsel vm14, $0x1, v3;
	v31 =	vadd.s32 v47, v31;
	v2 =	vadd.s32 v42, v2  }
0x4a8: {  	v28 =	vadd.s32 v49, v28;
	v57 =	vsel vm10, $0x1, v3;
	[tilespmem:v58+s20+$0x0] =	vst.idx.msk $0xffff, v1;
	v2 =	vadd.s32 v45, v2  }
0x4a9: {  	v31 =	vadd.s32 v50, v31;
	v28 =	vadd.s32 v52, v28;
	v2 =	vadd.s32 v48, v2  }
0x4aa: {  	v31 =	vadd.s32 v53, v31;
	v28 =	vadd.s32 v55, v28;
	v2 =	vadd.s32 v51, v2  }
0x4ab: {  	v31 =	vadd.s32 v56, v31;
	v28 =	vadd.s32 v59, v28;
	v2 =	vadd.s32 v54, v2  }
0x4ac: {  	s18 =	sand.u32 $0x1, s16;
	v21 =	vadd.s32 v60, v31;
	v1 =	vadd.s32 v20, v28;
	v2 =	vadd.s32 v57, v2  }
0x4ad: {  	p0 =	seq.s32 s18, $0x1;
	v20 =	vsel vm15, $0x1, v3;
	v1 =	vshll.u32 v1, $0x7;
	v2 =	vadd.s32 v61, v2  }
.Ltmp21:
0x4ae: {  	v20 =	vadd.s32 v20, v21;
	[tilespmem:v26+s20+$0x0] =	vst.idx.msk $0xffff, v1;
	v2 =	vshll.u32 v2, $0x7;
	(pc) =	sbr.rel @p0 .LBB2_30-.Ltmp21, $4  }
0x4af: {  	[tilespmem:v22+s20+$0x0] =	vst.idx.msk $0xffff, v2;
	v2 =	vshll.u32 v20, $0x7  }
0x4b0: {  	s29 =	sadd.s32 s7, s16;
	[tilespmem:v27+s20+$0x0] =	vst.idx.msk $0xffff, v2  }
0x4b1: {  	s3 =	sshll.u32 s29, $0x7;
	s9 =	rddreg [dreg:$0x9]  }
0x4b2: {  	s17 =	sadd.s32 s3, s9  }
0x4b3: {  	s3 =	simm.s32 $0x0  }
0x4b4: {  	s9 =	simm.s32 $0x0;
	s3 =	sand.u32 $0x1E00, s3  }
0x4b5: {  	_ =	swait.ge [sflag:s13], $0x4000;
	s11 =	sand.u32 $0x4, s9;
	s3 =	sshrl.u32 s3, $0x2  }
0x4b6: {  	[sflag:s13] =	ssyncset.done $0x0;
	s22 =	sshll.u32 s11, $0x4;
	s3 =	sor.u32 $0x8000, s3  }
0x4b7: {  	[sflag:s13] =	ssyncadd.s32 $0xFFFFC000;
	s22 =	sor.u32 s22, s3  }
0x4b8: {  	s29 =	sor.u32 $0x2, s11;
	v21 =	vld [tilespmem:s22+$0x0]  }
0x4b9: {  	s24 =	sor.u32 $0x3, s11;
	s23 =	sshll.u32 s29, $0x4  }
0x4ba: {  	s30 =	sor.u32 $0x1, s11;
	s25 =	sshll.u32 s24, $0x4;
	s23 =	sor.u32 s23, s3  }
0x4bb: {  	s26 =	sshll.u32 s30, $0x4;
	s25 =	sor.u32 s25, s3;
	v27 =	vld [tilespmem:s23+$0x0]  }
0x4bc: {  	s3 =	sor.u32 s26, s3;
	v24 =	vld [tilespmem:s25+$0x0]  }
0x4bd: {  	v23 =	vld [tilespmem:s3+$0x0];
	v1 =	vadd.s32 v0, v21  }
0x4be: {  	s11 =	sshll.u32 s11, $0x1  }
0x4bf: {  	v2 =	vmov s11  }
0x4c0: {  	s9 =	sand.u32 $0x78, s9;
	v2 =	vshll.u32 v2, $0xB;
	v25 =	vadd.s32 v0, v27  }
0x4c1: {  	v22 =	vor.u32 s9, v63;
	s11 =	sshll.u32 s29, $0x1;
	v2 =	vor.u32 v5, v2;
	v29 =	vadd.s32 v0, v24  }
0x4c2: {  	v20 =	vmov s11;
	s22 =	sshll.u32 s24, $0x1;
	v26 =	vor.u32 v2, v22;
	v31 =	vadd.s32 v0, v23;
	v1 =	vld.idx.msk [tilespmem:v1+s14+$0x0], $0xffff  }
0x4c3: {  	v20 =	vshll.u32 v20, $0xB;
	v30 =	vmov s22;
	v28 =	vadd.s32 v6, v21  }
0x4c4: {  	s23 =	sshll.u32 s30, $0x1;
	v32 =	vor.u32 v5, v20;
	v30 =	vshll.u32 v30, $0xB  }
0x4c5: {  	v20 =	vor.u32 s9, v2;
	v30 =	vor.u32 v5, v30;
	v2 =	vld.idx.msk [tilespmem:v25+s14+$0x0], $0xffff;
	v25 =	vmov s23  }
0x4c6: {  	v35 =	vor.u32 v30, v22;
	v36 =	vadd.s32 v6, v24;
	v29 =	vld.idx.msk [tilespmem:v29+s14+$0x0], $0xffff;
	v25 =	vshll.u32 v25, $0xB  }
0x4c7: {  	v31 =	vld.idx.msk [tilespmem:v31+s14+$0x0], $0xffff;
	v25 =	vor.u32 v5, v25;
	[tilespmem:v26+s5+$0x0] =	vst.idx.msk $0xffff, v1;
	v1 =	vor.u32 v32, v22  }
0x4c8: {  	v37 =	vor.u32 v25, v22;
	v26 =	vld.idx.msk [tilespmem:v28+s14+$0x0], $0xffff;
	v28 =	vadd.s32 v6, v27  }
0x4c9: {  	v33 =	vor.u32 v7, v20  }
0x4ca: {  	v34 =	vadd.s32 v8, v21  }
0x4cb: {  	s24 =	simm.s32 $0x100;
	v22 =	vor.u32 s9, v32;
	v32 =	vor.u32 s9, v30;
	[tilespmem:v35+s5+$0x0] =	vst.idx.msk $0xffff, v29  }
0x4cc: {  	s3 =	simm.s32 $0x4;
	s11 =	sand.u32 $0x1E00, s24;
	v30 =	vld.idx.msk [tilespmem:v36+s14+$0x0], $0xffff;
	v53 =	vor.u32 v7, v32;
	[tilespmem:v1+s5+$0x0] =	vst.idx.msk $0xffff, v2;
	v1 =	vadd.s32 v6, v23  }
0x4cd: {  	s22 =	sand.u32 $0x4, s3;
	s11 =	sshrl.u32 s11, $0x2;
	[tilespmem:v37+s5+$0x0] =	vst.idx.msk $0xffff, v31;
	v31 =	vadd.s32 v8, v24;
	v2 =	vld.idx.msk [tilespmem:v28+s14+$0x0], $0xffff;
	v28 =	vor.u32 v7, v22  }
0x4ce: {  	s25 =	sshll.u32 s22, $0x4;
	s11 =	sor.u32 $0x8000, s11;
	[tilespmem:v33+s5+$0x0] =	vst.idx.msk $0xffff, v26  }
0x4cf: {  	s26 =	sor.u32 $0x3, s22;
	v39 =	vadd.s32 v8, v27;
	v26 =	vor.u32 s9, v25;
	s9 =	sor.u32 s25, s11;
	v33 =	vld.idx.msk [tilespmem:v34+s14+$0x0], $0xffff  }
0x4d0: {  	v38 =	vor.u32 v9, v20;
	v41 =	vor.u32 v11, v20;
	s28 =	sshll.u32 s26, $0x4;
	v58 =	vadd.s32 v10, v27;
	s23 =	sor.u32 $0x2, s22;
	v25 =	vld [tilespmem:s9+$0x0]  }
0x4d1: {  	s24 =	sor.u32 s28, s11;
	v47 =	vadd.s32 v10, v24;
	s28 =	sshll.u32 s23, $0x4;
	[tilespmem:v53+s5+$0x0] =	vst.idx.msk $0xffff, v30;
	v54 =	vor.u32 v7, v26;
	v1 =	vld.idx.msk [tilespmem:v1+s14+$0x0], $0xffff  }
0x4d2: {  	v59 =	vadd.s32 v10, v23;
	s30 =	sshll.u32 s23, $0x1;
	s23 =	sor.u32 s28, s11;
	v42 =	vld.idx.msk [tilespmem:v31+s14+$0x0], $0xffff;
	[tilespmem:v28+s5+$0x0] =	vst.idx.msk $0xffff, v2;
	v2 =	vadd.s32 v8, v23  }
0x4d3: {  	v48 =	vadd.s32 v12, v21;
	v51 =	vadd.s32 v14, v21;
	v52 =	vadd.s32 v12, v24;
	v31 =	vld [tilespmem:s23+$0x0]  }
0x4d4: {  	v29 =	vadd.s32 v10, v21;
	v36 =	vadd.s32 v16, v24;
	v56 =	vor.u32 v9, v22;
	v55 =	vld.idx.msk [tilespmem:v39+s14+$0x0], $0xffff  }
0x4d5: {  	s29 =	sshll.u32 s22, $0x1;
	s22 =	sor.u32 $0x1, s22;
	v49 =	vor.u32 v11, v22;
	v30 =	vmov s30;
	v34 =	vor.u32 v15, v26;
	v28 =	vld [tilespmem:s24+$0x0]  }
0x4d6: {  	s30 =	sshll.u32 s22, $0x4;
	s9 =	sshll.u32 s26, $0x1;
	v37 =	vshll.u32 v30, $0xB;
	v43 =	vadd.s32 v0, v25;
	[tilespmem:v54+s5+$0x0] =	vst.idx.msk $0xffff, v1;
	v1 =	vor.u32 v9, v32  }
0x4d7: {  	v44 =	vor.u32 v9, v26;
	s11 =	sor.u32 s30, s11;
	v57 =	vmov s9;
	v37 =	vor.u32 v5, v37;
	v2 =	vld.idx.msk [tilespmem:v2+s14+$0x0], $0xffff  }
0x4d8: {  	[tilespmem:v38+s5+$0x0] =	vst.idx.msk $0xffff, v33;
	v39 =	vshll.u32 v57, $0xB;
	v33 =	vld [tilespmem:s11+$0x0];
	v53 =	vadd.s32 v6, v25;
	v50 =	vadd.s32 v0, v31  }
0x4d9: {  	v57 =	vor.u32 v13, v22;
	v40 =	vld.idx.msk [tilespmem:v29+s14+$0x0], $0xffff;
	v29 =	vmov s29;
	v45 =	vor.u32 v5, v39;
	[tilespmem:v56+s5+$0x0] =	vst.idx.msk $0xffff, v55  }
0x4da: {  	v39 =	vadd.s32 v16, v21;
	v29 =	vshll.u32 v29, $0xB;
	v61 =	vadd.s32 v0, v28;
	v35 =	vld.idx.msk [tilespmem:v58+s14+$0x0], $0xffff  }
0x4db: {  	s29 =	sand.u32 $0x78, s3;
	v46 =	vor.u32 v5, v29;
	[tilespmem:v1+s5+$0x0] =	vst.idx.msk $0xffff, v42;
	v42 =	vld.idx.msk [tilespmem:v43+s14+$0x0], $0xffff;
	v43 =	vadd.s32 v12, v27  }
0x4dc: {  	v29 =	vor.u32 s29, v45;
	[tilespmem:v44+s5+$0x0] =	vst.idx.msk $0xffff, v2;
	v2 =	vld.idx.msk [tilespmem:v47+s14+$0x0], $0xffff;
	v44 =	vor.u32 v11, v32;
	v47 =	vor.u32 s29, v63  }
0x4dd: {  	s22 =	sshll.u32 s22, $0x1;
	v54 =	vor.u32 v11, v26;
	v30 =	vor.u32 s29, v46;
	v50 =	vld.idx.msk [tilespmem:v50+s14+$0x0], $0xffff;
	v46 =	vor.u32 v46, v47  }
0x4de: {  	v60 =	vmov s22;
	v56 =	vadd.s32 v14, v24;
	v55 =	vadd.s32 v0, v33;
	[tilespmem:v41+s5+$0x0] =	vst.idx.msk $0xffff, v40;
	v38 =	vld.idx.msk [tilespmem:v59+s14+$0x0], $0xffff  }
0x4df: {  	v40 =	vshll.u32 v60, $0xB;
	v41 =	vld.idx.msk [tilespmem:v61+s14+$0x0], $0xffff;
	v61 =	vadd.s32 v12, v23;
	v60 =	vor.u32 v45, v47  }
0x4e0: {  	v58 =	vadd.s32 v14, v27;
	v48 =	vld.idx.msk [tilespmem:v48+s14+$0x0], $0xffff;
	[tilespmem:v49+s5+$0x0] =	vst.idx.msk $0xffff, v35;
	v49 =	vor.u32 v13, v20  }
0x4e1: {  	v1 =	vor.u32 v13, v32;
	v59 =	vadd.s32 v6, v28;
	v43 =	vld.idx.msk [tilespmem:v43+s14+$0x0], $0xffff;
	[tilespmem:v44+s5+$0x0] =	vst.idx.msk $0xffff, v2  }
0x4e2: {  	v45 =	vadd.s32 v8, v25;
	[tilespmem:v46+s5+$0x0] =	vst.idx.msk $0xffff, v42;
	v42 =	vor.u32 v37, v47;
	v44 =	vld.idx.msk [tilespmem:v52+s14+$0x0], $0xffff  }
0x4e3: {  	v2 =	vadd.s32 v14, v23;
	v52 =	vadd.s32 v6, v31;
	[tilespmem:v54+s5+$0x0] =	vst.idx.msk $0xffff, v38;
	v46 =	vld.idx.msk [tilespmem:v53+s14+$0x0], $0xffff  }
0x4e4: {  	v54 =	vor.u32 v13, v26;
	[tilespmem:v60+s5+$0x0] =	vst.idx.msk $0xffff, v41;
	v53 =	vor.u32 v7, v30;
	v60 =	vld.idx.msk [tilespmem:v61+s14+$0x0], $0xffff  }
0x4e5: {  	v38 =	vor.u32 s29, v37;
	v61 =	vld.idx.msk [tilespmem:v55+s14+$0x0], $0xffff;
	v55 =	vor.u32 v5, v40;
	[tilespmem:v49+s5+$0x0] =	vst.idx.msk $0xffff, v48  }
0x4e6: {  	v37 =	vadd.s32 v16, v28;
	v40 =	vor.u32 v55, v47;
	v47 =	vld.idx.msk [tilespmem:v51+s14+$0x0], $0xffff;
	[tilespmem:v57+s5+$0x0] =	vst.idx.msk $0xffff, v43  }
0x4e7: {  	v49 =	vor.u32 v15, v20;
	v57 =	vld.idx.msk [tilespmem:v58+s14+$0x0], $0xffff;
	v58 =	vor.u32 v15, v22;
	[tilespmem:v42+s5+$0x0] =	vst.idx.msk $0xffff, v50  }
0x4e8: {  	v35 =	vor.u32 s29, v55;
	v51 =	vld.idx.msk [tilespmem:v59+s14+$0x0], $0xffff;
	v43 =	vadd.s32 v16, v27;
	[tilespmem:v1+s5+$0x0] =	vst.idx.msk $0xffff, v44  }
0x4e9: {  	v55 =	vadd.s32 v6, v33;
	v50 =	vld.idx.msk [tilespmem:v52+s14+$0x0], $0xffff;
	[tilespmem:v53+s5+$0x0] =	vst.idx.msk $0xffff, v46;
	v53 =	vor.u32 v7, v38  }
0x4ea: {  	v48 =	vor.u32 v9, v30;
	v52 =	vor.u32 v7, v29;
	[tilespmem:v54+s5+$0x0] =	vst.idx.msk $0xffff, v60;
	v44 =	vld.idx.msk [tilespmem:v56+s14+$0x0], $0xffff  }
0x4eb: {  	v41 =	vor.u32 v15, v35;
	v54 =	vadd.s32 v8, v31;
	v45 =	vld.idx.msk [tilespmem:v45+s14+$0x0], $0xffff;
	[tilespmem:v40+s5+$0x0] =	vst.idx.msk $0xffff, v61  }
0x4ec: {  	s9 =	simm.s32 $0x200;
	v46 =	vor.u32 v15, v32;
	v42 =	vld.idx.msk [tilespmem:v2+s14+$0x0], $0xffff;
	v40 =	vor.u32 v19, v32;
	[tilespmem:v58+s5+$0x0] =	vst.idx.msk $0xffff, v57  }
.LBB2_28:
0x4ed: {  	s3 =	sadd.s32 $0x4, s3;
	s11 =	sand.u32 $0x1E00, s9;
	[tilespmem:v49+s5+$0x0] =	vst.idx.msk $0xffff, v47;
	v1 =	vadd.s32 v18, v21;
	v2 =	vld.idx.msk [tilespmem:v43+s14+$0x0], $0xffff;
	v43 =	vor.u32 v17, v32  }
0x4ee: {  	v32 =	vadd.s32 v10, v25;
	v49 =	vor.u32 v17, v22;
	s23 =	sand.u32 $0x4, s3;
	s22 =	sshrl.u32 s11, $0x2;
	s11 =	sand.u32 $0x78, s3;
	v47 =	vld.idx.msk [tilespmem:v55+s14+$0x0], $0xffff;
	[tilespmem:v53+s5+$0x0] =	vst.idx.msk $0xffff, v50  }
0x4ef: {  	v50 =	vadd.s32 v16, v23;
	s24 =	sor.u32 $0x8000, s22;
	s22 =	sshll.u32 s23, $0x4;
	s25 =	sor.u32 $0x1, s23;
	[tilespmem:v52+s5+$0x0] =	vst.idx.msk $0xffff, v51;
	v39 =	vld.idx.msk [tilespmem:v39+s14+$0x0], $0xffff;
	v51 =	vadd.s32 v18, v24  }
0x4f0: {  	v27 =	vadd.s32 v18, v27;
	s28 =	sor.u32 $0x2, s23;
	s26 =	sor.u32 s22, s24;
	s22 =	sshll.u32 s25, $0x4;
	[tilespmem:v48+s5+$0x0] =	vst.idx.msk $0xffff, v45;
	v45 =	vld.idx.msk [tilespmem:v54+s14+$0x0], $0xffff;
	v48 =	vor.u32 v17, v20  }
0x4f1: {  	v21 =	vmov v25;
	v53 =	vadd.s32 v18, v23;
	s30 =	sor.u32 $0x3, s23;
	v52 =	vor.u32 v17, v26;
	s29 =	sshll.u32 s28, $0x4;
	s22 =	sor.u32 s22, s24;
	[tilespmem:v46+s5+$0x0] =	vst.idx.msk $0xffff, v44;
	v25 =	vld [tilespmem:s26+$0x0]  }
0x4f2: {  	s26 =	sor.u32 s29, s24;
	s29 =	sshll.u32 s30, $0x4;
	s30 =	sshll.u32 s30, $0x1;
	v44 =	vor.u32 v9, v38;
	v46 =	vadd.s32 v8, v28;
	[tilespmem:v34+s5+$0x0] =	vst.idx.msk $0xffff, v42;
	v36 =	vld.idx.msk [tilespmem:v36+s14+$0x0], $0xffff  }
0x4f3: {  	v55 =	vadd.s32 v8, v33;
	s23 =	sshll.u32 s23, $0x1;
	s28 =	sshll.u32 s28, $0x1;
	v54 =	vor.u32 v7, v35;
	s24 =	sor.u32 s29, s24;
	v23 =	vmov s30;
	v42 =	vld.idx.msk [tilespmem:v32+s14+$0x0], $0xffff;
	[tilespmem:v49+s5+$0x0] =	vst.idx.msk $0xffff, v2  }
0x4f4: {  	p0 =	slt.u32 s3, $0x7C;
	v24 =	vmovc v28;
	v34 =	vmov s28;
	v2 =	vmov s23;
	s23 =	sshll.u32 s25, $0x1;
	v57 =	vshll.u32 v23, $0xB;
	v32 =	vmovc v29;
	v49 =	vld.idx.msk [tilespmem:v50+s14+$0x0], $0xffff  }
0x4f5: {  	v2 =	vshll.u32 v2, $0xB;
	v50 =	vshll.u32 v34, $0xB;
	v56 =	vor.u32 v5, v57;
	[tilespmem:v48+s5+$0x0] =	vst.idx.msk $0xffff, v39;
	v48 =	vld.idx.msk [tilespmem:v27+s14+$0x0], $0xffff  }
0x4f6: {  	v28 =	vmov s23;
	v2 =	vor.u32 v5, v2;
	v29 =	vor.u32 s11, v56;
	v27 =	vmovc v31;
	v23 =	vmovc v33;
	v1 =	vld.idx.msk [tilespmem:v1+s14+$0x0], $0xffff  }
0x4f7: {  	v58 =	vshll.u32 v28, $0xB;
	v33 =	vor.u32 v19, v22;
	v22 =	vmovc v38;
	v34 =	vmovc v41;
	v57 =	vor.u32 s11, v2;
	v28 =	vld [tilespmem:s24+$0x0]  }
0x4f8: {  	v38 =	vadd.s32 v10, v27;
	v41 =	vld.idx.msk [tilespmem:v46+s14+$0x0], $0xffff;
	v46 =	vor.u32 v19, v20;
	[tilespmem:v43+s5+$0x0] =	vst.idx.msk $0xffff, v36  }
0x4f9: {  	v39 =	vadd.s32 v16, v21;
	v36 =	vor.u32 v11, v30;
	v20 =	vmov v30;
	v31 =	vld [tilespmem:s26+$0x0];
	[tilespmem:v54+s5+$0x0] =	vst.idx.msk $0xffff, v47  }
0x4fa: {  	v43 =	vadd.s32 v0, v25;
	v54 =	vor.u32 v9, v32;
	v47 =	vld.idx.msk [tilespmem:v55+s14+$0x0], $0xffff;
	[tilespmem:v52+s5+$0x0] =	vst.idx.msk $0xffff, v49  }
0x4fb: {  	v49 =	vor.u32 v9, v35;
	[tilespmem:v44+s5+$0x0] =	vst.idx.msk $0xffff, v45;
	v44 =	vadd.s32 v10, v24;
	v45 =	vld.idx.msk [tilespmem:v51+s14+$0x0], $0xffff  }
0x4fc: {  	v51 =	vadd.s32 v10, v23;
	v52 =	vld.idx.msk [tilespmem:v53+s14+$0x0], $0xffff;
	v53 =	vor.u32 v19, v26;
	[tilespmem:v33+s5+$0x0] =	vst.idx.msk $0xffff, v48  }
0x4fd: {  	v55 =	vor.u32 v13, v32;
	v48 =	vadd.s32 v12, v21;
	v38 =	vld.idx.msk [tilespmem:v38+s14+$0x0], $0xffff;
	[tilespmem:v46+s5+$0x0] =	vst.idx.msk $0xffff, v1  }
0x4fe: {  	v30 =	vmov v57;
	v1 =	vadd.s32 v0, v28;
	v33 =	vld [tilespmem:s22+$0x0];
	[tilespmem:v36+s5+$0x0] =	vst.idx.msk $0xffff, v42;
	v36 =	vor.u32 v11, v22  }
0x4ff: {  	v46 =	vadd.s32 v12, v27;
	v42 =	vld.idx.msk [tilespmem:v43+s14+$0x0], $0xffff;
	v43 =	vadd.s32 v14, v21;
	[tilespmem:v54+s5+$0x0] =	vst.idx.msk $0xffff, v41  }
0x500: {  	v57 =	vadd.s32 v14, v24;
	[tilespmem:v49+s5+$0x0] =	vst.idx.msk $0xffff, v47;
	v41 =	vld.idx.msk [tilespmem:v44+s14+$0x0], $0xffff;
	v44 =	vor.u32 v11, v32  }
0x501: {  	v26 =	vmov v35;
	v47 =	vor.u32 s11, v63;
	v49 =	vadd.s32 v0, v31;
	v51 =	vld.idx.msk [tilespmem:v51+s14+$0x0], $0xffff;
	[tilespmem:v40+s5+$0x0] =	vst.idx.msk $0xffff, v45  }
0x502: {  	v35 =	vadd.s32 v12, v24;
	v2 =	vor.u32 v2, v47;
	v40 =	vld.idx.msk [tilespmem:v48+s14+$0x0], $0xffff;
	[tilespmem:v53+s5+$0x0] =	vst.idx.msk $0xffff, v52  }
0x503: {  	v45 =	vadd.s32 v6, v25;
	v48 =	vor.u32 v11, v26;
	v1 =	vld.idx.msk [tilespmem:v1+s14+$0x0], $0xffff;
	[tilespmem:v36+s5+$0x0] =	vst.idx.msk $0xffff, v38  }
0x504: {  	v54 =	vadd.s32 v12, v23;
	v52 =	vor.u32 v56, v47;
	v53 =	vor.u32 v13, v20;
	v46 =	vld.idx.msk [tilespmem:v46+s14+$0x0], $0xffff  }
0x505: {  	v59 =	vadd.s32 v14, v23;
	v60 =	vor.u32 v13, v22;
	v56 =	vadd.s32 v0, v33;
	v36 =	vmovc v37  }
0x506: {  	v38 =	vor.u32 v5, v50;
	v37 =	vld.idx.msk [tilespmem:v49+s14+$0x0], $0xffff;
	v49 =	vadd.s32 v14, v27;
	[tilespmem:v44+s5+$0x0] =	vst.idx.msk $0xffff, v41  }
0x507: {  	[tilespmem:v2+s5+$0x0] =	vst.idx.msk $0xffff, v42;
	v2 =	vor.u32 v38, v47;
	v38 =	vor.u32 s11, v38;
	v42 =	vld.idx.msk [tilespmem:v35+s14+$0x0], $0xffff  }
0x508: {  	v44 =	vld.idx.msk [tilespmem:v45+s14+$0x0], $0xffff;
	v45 =	vadd.s32 v6, v31;
	[tilespmem:v48+s5+$0x0] =	vst.idx.msk $0xffff, v51;
	v48 =	vor.u32 v13, v26  }
0x509: {  	v51 =	vor.u32 v7, v30;
	[tilespmem:v52+s5+$0x0] =	vst.idx.msk $0xffff, v1;
	v1 =	vadd.s32 v6, v28;
	v54 =	vld.idx.msk [tilespmem:v54+s14+$0x0], $0xffff  }
0x50a: {  	v35 =	vor.u32 v5, v58;
	v52 =	vadd.s32 v8, v25;
	v56 =	vld.idx.msk [tilespmem:v56+s14+$0x0], $0xffff;
	[tilespmem:v60+s5+$0x0] =	vst.idx.msk $0xffff, v46  }
0x50b: {  	v46 =	vor.u32 v35, v47;
	v35 =	vor.u32 s11, v35;
	[tilespmem:v53+s5+$0x0] =	vst.idx.msk $0xffff, v40;
	v40 =	vld.idx.msk [tilespmem:v49+s14+$0x0], $0xffff  }
0x50c: {  	v41 =	vor.u32 v15, v35;
	[tilespmem:v2+s5+$0x0] =	vst.idx.msk $0xffff, v37;
	v47 =	vld.idx.msk [tilespmem:v43+s14+$0x0], $0xffff;
	v2 =	vor.u32 v15, v22  }
.Ltmp22:
0x50d: {  	v49 =	vor.u32 v15, v20;
	v43 =	vadd.s32 v16, v27;
	v50 =	vld.idx.msk [tilespmem:v45+s14+$0x0], $0xffff;
	[tilespmem:v55+s5+$0x0] =	vst.idx.msk $0xffff, v42;
	(pc) =	sbr.rel @p0 .LBB2_28-.Ltmp22, $4  }
0x50e: {  	v53 =	vor.u32 v7, v38;
	v55 =	vadd.s32 v6, v33;
	[tilespmem:v51+s5+$0x0] =	vst.idx.msk $0xffff, v44;
	v51 =	vld.idx.msk [tilespmem:v1+s14+$0x0], $0xffff  }
0x50f: {  	v37 =	vadd.s32 v16, v28;
	v45 =	vld.idx.msk [tilespmem:v52+s14+$0x0], $0xffff;
	v52 =	vor.u32 v7, v29;
	[tilespmem:v48+s5+$0x0] =	vst.idx.msk $0xffff, v54  }
0x510: {  	v48 =	vor.u32 v9, v30;
	v54 =	vadd.s32 v8, v31;
	[tilespmem:v46+s5+$0x0] =	vst.idx.msk $0xffff, v56;
	v44 =	vld.idx.msk [tilespmem:v57+s14+$0x0], $0xffff  }
0x511: {  	s9 =	sadd.s32 $0x100, s9;
	v46 =	vor.u32 v15, v32;
	v42 =	vld.idx.msk [tilespmem:v59+s14+$0x0], $0xffff;
	[tilespmem:v2+s5+$0x0] =	vst.idx.msk $0xffff, v40;
	v40 =	vor.u32 v19, v32  }
0x512: {  	_ =	sdelay $0x3  }
0x513: {  	v1 =	vld.idx.msk [tilespmem:v55+s14+$0x0], $0xffff;
	v2 =	vadd.s32 v8, v28;
	v61 =	vor.u32 v7, v35  }
0x514: {  	v56 =	vadd.s32 v8, v33  }
0x515: {  	[tilespmem:v53+s5+$0x0] =	vst.idx.msk $0xffff, v50  }
0x516: {  	v53 =	vor.u32 v9, v38;
	v50 =	vld.idx.msk [tilespmem:v54+s14+$0x0], $0xffff  }
0x517: {  	[tilespmem:v52+s5+$0x0] =	vst.idx.msk $0xffff, v51;
	v51 =	vadd.s32 v10, v31  }
0x518: {  	v52 =	vadd.s32 v10, v25;
	v2 =	vld.idx.msk [tilespmem:v2+s14+$0x0], $0xffff;
	[tilespmem:v61+s5+$0x0] =	vst.idx.msk $0xffff, v1;
	v1 =	vor.u32 v9, v29  }
0x519: {  	v55 =	vor.u32 v9, v35;
	v60 =	vadd.s32 v10, v28;
	v54 =	vld.idx.msk [tilespmem:v56+s14+$0x0], $0xffff  }
0x51a: {  	[tilespmem:v49+s5+$0x0] =	vst.idx.msk $0xffff, v47;
	v61 =	vadd.s32 v10, v33  }
0x51b: {  	[tilespmem:v53+s5+$0x0] =	vst.idx.msk $0xffff, v50  }
0x51c: {  	[tilespmem:v48+s5+$0x0] =	vst.idx.msk $0xffff, v45;
	v48 =	vor.u32 v11, v38;
	v45 =	vld.idx.msk [tilespmem:v51+s14+$0x0], $0xffff  }
0x51d: {  	v49 =	vld.idx.msk [tilespmem:v52+s14+$0x0], $0xffff;
	v50 =	vor.u32 v11, v30;
	[tilespmem:v1+s5+$0x0] =	vst.idx.msk $0xffff, v2;
	v1 =	vadd.s32 v12, v31  }
0x51e: {  	v58 =	vor.u32 v11, v29;
	v2 =	vadd.s32 v12, v25;
	[tilespmem:v55+s5+$0x0] =	vst.idx.msk $0xffff, v54;
	v57 =	vld.idx.msk [tilespmem:v60+s14+$0x0], $0xffff  }
0x51f: {  	v59 =	vor.u32 v11, v35;
	[tilespmem:v46+s5+$0x0] =	vst.idx.msk $0xffff, v44;
	v46 =	vadd.s32 v12, v28;
	v44 =	vld.idx.msk [tilespmem:v61+s14+$0x0], $0xffff  }
0x520: {  	v43 =	vld.idx.msk [tilespmem:v43+s14+$0x0], $0xffff;
	[tilespmem:v34+s5+$0x0] =	vst.idx.msk $0xffff, v42;
	v34 =	vadd.s32 v12, v33;
	v60 =	vor.u32 v17, v22  }
0x521: {  	v39 =	vld.idx.msk [tilespmem:v39+s14+$0x0], $0xffff;
	v61 =	vor.u32 v17, v20;
	[tilespmem:v48+s5+$0x0] =	vst.idx.msk $0xffff, v45  }
0x522: {  	[tilespmem:v50+s5+$0x0] =	vst.idx.msk $0xffff, v49;
	v45 =	vadd.s32 v16, v23;
	v48 =	vor.u32 v13, v38;
	v1 =	vld.idx.msk [tilespmem:v1+s14+$0x0], $0xffff  }
0x523: {  	v56 =	vadd.s32 v14, v31;
	v49 =	vor.u32 v13, v30;
	v2 =	vld.idx.msk [tilespmem:v2+s14+$0x0], $0xffff;
	[tilespmem:v58+s5+$0x0] =	vst.idx.msk $0xffff, v57  }
0x524: {  	v57 =	vor.u32 v13, v29;
	v58 =	vadd.s32 v14, v25;
	v46 =	vld.idx.msk [tilespmem:v46+s14+$0x0], $0xffff;
	[tilespmem:v59+s5+$0x0] =	vst.idx.msk $0xffff, v44  }
0x525: {  	[tilespmem:v60+s5+$0x0] =	vst.idx.msk $0xffff, v43;
	v60 =	vor.u32 v13, v35;
	v59 =	vadd.s32 v14, v28;
	v34 =	vld.idx.msk [tilespmem:v34+s14+$0x0], $0xffff  }
0x526: {  	v32 =	vor.u32 v17, v32;
	v36 =	vld.idx.msk [tilespmem:v36+s14+$0x0], $0xffff;
	[tilespmem:v61+s5+$0x0] =	vst.idx.msk $0xffff, v39;
	v61 =	vadd.s32 v14, v33  }
0x527: {  	v24 =	vadd.s32 v18, v24;
	v42 =	vor.u32 v17, v26;
	v45 =	vld.idx.msk [tilespmem:v45+s14+$0x0], $0xffff;
	[tilespmem:v48+s5+$0x0] =	vst.idx.msk $0xffff, v1  }
0x528: {  	v53 =	vor.u32 v15, v38;
	v1 =	vadd.s32 v18, v21;
	[tilespmem:v49+s5+$0x0] =	vst.idx.msk $0xffff, v2;
	v2 =	vld.idx.msk [tilespmem:v56+s14+$0x0], $0xffff  }
0x529: {  	v55 =	vor.u32 v15, v30;
	v54 =	vld.idx.msk [tilespmem:v58+s14+$0x0], $0xffff;
	v56 =	vadd.s32 v16, v31;
	[tilespmem:v57+s5+$0x0] =	vst.idx.msk $0xffff, v46  }
0x52a: {  	v57 =	vadd.s32 v16, v25;
	[tilespmem:v60+s5+$0x0] =	vst.idx.msk $0xffff, v34;
	v58 =	vld.idx.msk [tilespmem:v59+s14+$0x0], $0xffff;
	v59 =	vor.u32 v15, v29  }
0x52b: {  	[tilespmem:v32+s5+$0x0] =	vst.idx.msk $0xffff, v36;
	v60 =	vld.idx.msk [tilespmem:v61+s14+$0x0], $0xffff  }
0x52c: {  	v24 =	vld.idx.msk [tilespmem:v24+s14+$0x0], $0xffff;
	[tilespmem:v42+s5+$0x0] =	vst.idx.msk $0xffff, v45;
	v45 =	vadd.s32 v16, v33  }
0x52d: {  	v27 =	vadd.s32 v18, v27;
	v20 =	vor.u32 v19, v20;
	v1 =	vld.idx.msk [tilespmem:v1+s14+$0x0], $0xffff;
	[tilespmem:v53+s5+$0x0] =	vst.idx.msk $0xffff, v2  }
0x52e: {  	v48 =	vor.u32 v17, v38;
	v2 =	vadd.s32 v18, v23;
	[tilespmem:v55+s5+$0x0] =	vst.idx.msk $0xffff, v54;
	v21 =	vld.idx.msk [tilespmem:v56+s14+$0x0], $0xffff  }
0x52f: {  	v51 =	vadd.s32 v18, v31;
	v50 =	vor.u32 v17, v30;
	v49 =	vld.idx.msk [tilespmem:v57+s14+$0x0], $0xffff;
	[tilespmem:v59+s5+$0x0] =	vst.idx.msk $0xffff, v58  }
0x530: {  	v52 =	vadd.s32 v18, v25;
	v53 =	vor.u32 v17, v29;
	[tilespmem:v41+s5+$0x0] =	vst.idx.msk $0xffff, v60;
	v54 =	vld.idx.msk [tilespmem:v37+s14+$0x0], $0xffff  }
0x531: {  	[tilespmem:v40+s5+$0x0] =	vst.idx.msk $0xffff, v24;
	v55 =	vadd.s32 v18, v28;
	v56 =	vor.u32 v17, v35;
	v57 =	vld.idx.msk [tilespmem:v45+s14+$0x0], $0xffff  }
0x532: {  	v27 =	vld.idx.msk [tilespmem:v27+s14+$0x0], $0xffff;
	v61 =	vor.u32 v19, v22;
	[tilespmem:v20+s5+$0x0] =	vst.idx.msk $0xffff, v1;
	v1 =	vadd.s32 v18, v33  }
0x533: {  	v20 =	vor.u32 v19, v26;
	v2 =	vld.idx.msk [tilespmem:v2+s14+$0x0], $0xffff;
	[tilespmem:v48+s5+$0x0] =	vst.idx.msk $0xffff, v21  }
0x534: {  	v58 =	vor.u32 v19, v38;
	[tilespmem:v50+s5+$0x0] =	vst.idx.msk $0xffff, v49;
	v21 =	vld.idx.msk [tilespmem:v51+s14+$0x0], $0xffff  }
0x535: {  	v59 =	vor.u32 v19, v30;
	v25 =	vld.idx.msk [tilespmem:v52+s14+$0x0], $0xffff;
	[tilespmem:v53+s5+$0x0] =	vst.idx.msk $0xffff, v54  }
0x536: {  	v60 =	vor.u32 v19, v29;
	[tilespmem:v56+s5+$0x0] =	vst.idx.msk $0xffff, v57;
	v22 =	vld.idx.msk [tilespmem:v55+s14+$0x0], $0xffff  }
0x537: {  	[tilespmem:v61+s5+$0x0] =	vst.idx.msk $0xffff, v27;
	v61 =	vor.u32 v19, v35;
	v1 =	vld.idx.msk [tilespmem:v1+s14+$0x0], $0xffff  }
0x538: {  	[tilespmem:v20+s5+$0x0] =	vst.idx.msk $0xffff, v2  }
0x539: {  	[tilespmem:v58+s5+$0x0] =	vst.idx.msk $0xffff, v21  }
0x53a: {  	[tilespmem:v59+s5+$0x0] =	vst.idx.msk $0xffff, v25  }
0x53b: {  	[tilespmem:v60+s5+$0x0] =	vst.idx.msk $0xffff, v22  }
0x53c: {  	[tilespmem:v61+s5+$0x0] =	vst.idx.msk $0xffff, v1  }
0x53d: {  	[hbm4b:s17+s4] =	stream.linear.scatter [tilespmem:s5], [sflag:$0x1], $0x400, $0x38;
	[tilespmem:$0x18E80] =	vst v63  }
0x53e: {  	s3 =	sadd.s32 $0x8000, s17;
	s9 =	simm.s32 $0x9000  }
0x53f: {  	[hbm4b:s3+s4] =	stream.linear.scatter [tilespmem:s9], [sflag:$0x1], $0x400, $0x38;
	[tilespmem:$0x18E80] =	vst v63  }
0x540: {  	s25 =	sadd.s32 $0x10000, s17;
	s26 =	simm.s32 $0x9800  }
0x541: {  	[hbm4b:s25+s4] =	stream.linear.scatter [tilespmem:s26], [sflag:$0x1], $0x400, $0x38;
	[tilespmem:$0x18E80] =	vst v63  }
0x542: {  	s28 =	sadd.s32 $0x18000, s17;
	s29 =	simm.s32 $0xA000  }
0x543: {  	[hbm4b:s28+s4] =	stream.linear.scatter [tilespmem:s29], [sflag:$0x1], $0x400, $0x38;
	[tilespmem:$0x18E80] =	vst v63  }
0x544: {  	s11 =	sadd.s32 $0x20000, s17;
	s22 =	simm.s32 $0xA800  }
0x545: {  	[hbm4b:s11+s4] =	stream.linear.scatter [tilespmem:s22], [sflag:$0x1], $0x400, $0x38;
	[tilespmem:$0x18E80] =	vst v63  }
0x546: {  	s23 =	sadd.s32 $0x28000, s17;
	s24 =	simm.s32 $0xB000  }
0x547: {  	[hbm4b:s23+s4] =	stream.linear.scatter [tilespmem:s24], [sflag:$0x1], $0x400, $0x38;
	[tilespmem:$0x18E80] =	vst v63  }
0x548: {  	s25 =	sadd.s32 $0x30000, s17;
	s26 =	simm.s32 $0xB800  }
0x549: {  	[hbm4b:s25+s4] =	stream.linear.scatter [tilespmem:s26], [sflag:$0x1], $0x400, $0x38;
	[tilespmem:$0x18E80] =	vst v63  }
0x54a: {  	s28 =	sadd.s32 $0x38000, s17;
	s29 =	simm.s32 $0xC000  }
0x54b: {  	[hbm4b:s28+s4] =	stream.linear.scatter [tilespmem:s29], [sflag:$0x1], $0x400, $0x38;
	[tilespmem:$0x18E80] =	vst v63  }
0x54c: {  	s11 =	sadd.s32 $0x40000, s17;
	s22 =	simm.s32 $0xC800  }
0x54d: {  	[hbm4b:s11+s4] =	stream.linear.scatter [tilespmem:s22], [sflag:$0x1], $0x400, $0x38;
	[tilespmem:$0x18E80] =	vst v63  }
0x54e: {  	s23 =	sadd.s32 $0x48000, s17;
	s24 =	simm.s32 $0xD000  }
0x54f: {  	[hbm4b:s23+s4] =	stream.linear.scatter [tilespmem:s24], [sflag:$0x1], $0x400, $0x38;
	[tilespmem:$0x18E80] =	vst v63  }
0x550: {  	s25 =	sadd.s32 $0x50000, s17;
	s26 =	simm.s32 $0xD800  }
0x551: {  	[hbm4b:s25+s4] =	stream.linear.scatter [tilespmem:s26], [sflag:$0x1], $0x400, $0x38;
	[tilespmem:$0x18E80] =	vst v63  }
0x552: {  	s28 =	sadd.s32 $0x58000, s17;
	s29 =	simm.s32 $0xE000  }
0x553: {  	[hbm4b:s28+s4] =	stream.linear.scatter [tilespmem:s29], [sflag:$0x1], $0x400, $0x38;
	[tilespmem:$0x18E80] =	vst v63  }
0x554: {  	s11 =	sadd.s32 $0x60000, s17;
	s22 =	simm.s32 $0xE800  }
0x555: {  	[hbm4b:s11+s4] =	stream.linear.scatter [tilespmem:s22], [sflag:$0x1], $0x400, $0x38;
	[tilespmem:$0x18E80] =	vst v63  }
0x556: {  	p0 =	seq.s32 s18, $0x0;
	s23 =	sadd.s32 $0x68000, s17;
	s24 =	simm.s32 $0xF000  }
0x557: {  	[hbm4b:s23+s4] =	stream.linear.scatter [tilespmem:s24], [sflag:$0x1], $0x400, $0x38;
	[tilespmem:$0x18E80] =	vst v63  }
.Ltmp23:
0x558: {  	_ = 	snop;
	(pc) =	sbr.rel @p0 .LBB2_33-.Ltmp23, $4  }
0x559: {  	s25 =	sadd.s32 $0x70000, s17;
	s26 =	simm.s32 $0xF800  }
0x55a: {  	[hbm4b:s25+s4] =	stream.linear.scatter [tilespmem:s26], [sflag:$0x1], $0x400, $0x38;
	[tilespmem:$0x18E80] =	vst v63  }
0x55b: {  	s30 =	simm.s32 $0x11000;
	s28 =	sadd.s32 $0x78000, s17;
	s29 =	simm.s32 $0x10000  }
0x55c: {  	[hbm4b:s28+s4] =	stream.linear.scatter [tilespmem:s29], [sflag:$0x1], $0x400, $0x38;
	[tilespmem:$0x18E80] =	vst v63  }
.LBB2_30:
0x55d: {  	s3 =	simm.s32 $0x0  }
0x55e: {  	s9 =	simm.s32 $0x0;
	s3 =	sand.u32 $0x1E00, s3  }
0x55f: {  	_ =	swait.ge [sflag:s10], $0x4000;
	s11 =	sand.u32 $0x4, s9;
	s3 =	sshrl.u32 s3, $0x2  }
0x560: {  	[sflag:s10] =	ssyncset.done $0x0;
	s18 =	sshll.u32 s11, $0x4;
	s3 =	sor.u32 $0x8000, s3  }
0x561: {  	[sflag:s10] =	ssyncadd.s32 $0xFFFFC000;
	s18 =	sor.u32 s18, s3  }
0x562: {  	s28 =	sor.u32 $0x2, s11;
	v21 =	vld [tilespmem:s18+$0x0]  }
0x563: {  	s23 =	sor.u32 $0x3, s11;
	s22 =	sshll.u32 s28, $0x4  }
0x564: {  	s29 =	sor.u32 $0x1, s11;
	s24 =	sshll.u32 s23, $0x4;
	s22 =	sor.u32 s22, s3  }
0x565: {  	s25 =	sshll.u32 s29, $0x4;
	s24 =	sor.u32 s24, s3;
	v27 =	vld [tilespmem:s22+$0x0]  }
0x566: {  	s3 =	sor.u32 s25, s3;
	v24 =	vld [tilespmem:s24+$0x0]  }
0x567: {  	v23 =	vld [tilespmem:s3+$0x0];
	v1 =	vadd.s32 v0, v21  }
0x568: {  	s11 =	sshll.u32 s11, $0x1  }
0x569: {  	v2 =	vmov s11  }
0x56a: {  	s9 =	sand.u32 $0x78, s9;
	v2 =	vshll.u32 v2, $0xB;
	v25 =	vadd.s32 v0, v27  }
0x56b: {  	v22 =	vor.u32 s9, v63;
	s11 =	sshll.u32 s28, $0x1;
	v2 =	vor.u32 v5, v2;
	v29 =	vadd.s32 v0, v24  }
0x56c: {  	v20 =	vmov s11;
	s18 =	sshll.u32 s23, $0x1;
	v26 =	vor.u32 v2, v22;
	v31 =	vadd.s32 v0, v23;
	v1 =	vld.idx.msk [tilespmem:v1+s14+$0x0], $0xffff  }
0x56d: {  	v20 =	vshll.u32 v20, $0xB;
	v30 =	vmov s18;
	v28 =	vadd.s32 v6, v21  }
0x56e: {  	s22 =	sshll.u32 s29, $0x1;
	v32 =	vor.u32 v5, v20;
	v30 =	vshll.u32 v30, $0xB  }
0x56f: {  	v20 =	vor.u32 s9, v2;
	v30 =	vor.u32 v5, v30;
	v2 =	vld.idx.msk [tilespmem:v25+s14+$0x0], $0xffff;
	v25 =	vmov s22  }
0x570: {  	v35 =	vor.u32 v30, v22;
	v36 =	vadd.s32 v6, v24;
	v29 =	vld.idx.msk [tilespmem:v29+s14+$0x0], $0xffff;
	v25 =	vshll.u32 v25, $0xB  }
0x571: {  	v31 =	vld.idx.msk [tilespmem:v31+s14+$0x0], $0xffff;
	v25 =	vor.u32 v5, v25;
	[tilespmem:v26+s21+$0x0] =	vst.idx.msk $0xffff, v1;
	v1 =	vor.u32 v32, v22  }
0x572: {  	v37 =	vor.u32 v25, v22;
	v26 =	vld.idx.msk [tilespmem:v28+s14+$0x0], $0xffff;
	v28 =	vadd.s32 v6, v27  }
0x573: {  	v33 =	vor.u32 v7, v20  }
0x574: {  	v34 =	vadd.s32 v8, v21  }
0x575: {  	s23 =	simm.s32 $0x100;
	v22 =	vor.u32 s9, v32;
	v32 =	vor.u32 s9, v30;
	[tilespmem:v35+s21+$0x0] =	vst.idx.msk $0xffff, v29  }
0x576: {  	s3 =	simm.s32 $0x4;
	s11 =	sand.u32 $0x1E00, s23;
	v30 =	vld.idx.msk [tilespmem:v36+s14+$0x0], $0xffff;
	v53 =	vor.u32 v7, v32;
	[tilespmem:v1+s21+$0x0] =	vst.idx.msk $0xffff, v2;
	v1 =	vadd.s32 v6, v23  }
0x577: {  	s18 =	sand.u32 $0x4, s3;
	s11 =	sshrl.u32 s11, $0x2;
	[tilespmem:v37+s21+$0x0] =	vst.idx.msk $0xffff, v31;
	v31 =	vadd.s32 v8, v24;
	v2 =	vld.idx.msk [tilespmem:v28+s14+$0x0], $0xffff;
	v28 =	vor.u32 v7, v22  }
0x578: {  	s24 =	sshll.u32 s18, $0x4;
	s11 =	sor.u32 $0x8000, s11;
	[tilespmem:v33+s21+$0x0] =	vst.idx.msk $0xffff, v26  }
0x579: {  	s25 =	sor.u32 $0x3, s18;
	v39 =	vadd.s32 v8, v27;
	v26 =	vor.u32 s9, v25;
	s9 =	sor.u32 s24, s11;
	v33 =	vld.idx.msk [tilespmem:v34+s14+$0x0], $0xffff  }
0x57a: {  	v38 =	vor.u32 v9, v20;
	v41 =	vor.u32 v11, v20;
	s26 =	sshll.u32 s25, $0x4;
	v58 =	vadd.s32 v10, v27;
	s22 =	sor.u32 $0x2, s18;
	v25 =	vld [tilespmem:s9+$0x0]  }
0x57b: {  	s23 =	sor.u32 s26, s11;
	v47 =	vadd.s32 v10, v24;
	s26 =	sshll.u32 s22, $0x4;
	[tilespmem:v53+s21+$0x0] =	vst.idx.msk $0xffff, v30;
	v54 =	vor.u32 v7, v26;
	v1 =	vld.idx.msk [tilespmem:v1+s14+$0x0], $0xffff  }
0x57c: {  	v59 =	vadd.s32 v10, v23;
	s29 =	sshll.u32 s22, $0x1;
	s22 =	sor.u32 s26, s11;
	v42 =	vld.idx.msk [tilespmem:v31+s14+$0x0], $0xffff;
	[tilespmem:v28+s21+$0x0] =	vst.idx.msk $0xffff, v2;
	v2 =	vadd.s32 v8, v23  }
0x57d: {  	v48 =	vadd.s32 v12, v21;
	v51 =	vadd.s32 v14, v21;
	v52 =	vadd.s32 v12, v24;
	v31 =	vld [tilespmem:s22+$0x0]  }
0x57e: {  	v29 =	vadd.s32 v10, v21;
	v36 =	vadd.s32 v16, v24;
	v56 =	vor.u32 v9, v22;
	v55 =	vld.idx.msk [tilespmem:v39+s14+$0x0], $0xffff  }
0x57f: {  	s28 =	sshll.u32 s18, $0x1;
	s18 =	sor.u32 $0x1, s18;
	v49 =	vor.u32 v11, v22;
	v30 =	vmov s29;
	v34 =	vor.u32 v15, v26;
	v28 =	vld [tilespmem:s23+$0x0]  }
0x580: {  	s29 =	sshll.u32 s18, $0x4;
	s9 =	sshll.u32 s25, $0x1;
	v37 =	vshll.u32 v30, $0xB;
	v43 =	vadd.s32 v0, v25;
	[tilespmem:v54+s21+$0x0] =	vst.idx.msk $0xffff, v1;
	v1 =	vor.u32 v9, v32  }
0x581: {  	v44 =	vor.u32 v9, v26;
	s11 =	sor.u32 s29, s11;
	v57 =	vmov s9;
	v37 =	vor.u32 v5, v37;
	v2 =	vld.idx.msk [tilespmem:v2+s14+$0x0], $0xffff  }
0x582: {  	[tilespmem:v38+s21+$0x0] =	vst.idx.msk $0xffff, v33;
	v39 =	vshll.u32 v57, $0xB;
	v33 =	vld [tilespmem:s11+$0x0];
	v53 =	vadd.s32 v6, v25;
	v50 =	vadd.s32 v0, v31  }
0x583: {  	v57 =	vor.u32 v13, v22;
	v40 =	vld.idx.msk [tilespmem:v29+s14+$0x0], $0xffff;
	v29 =	vmov s28;
	v45 =	vor.u32 v5, v39;
	[tilespmem:v56+s21+$0x0] =	vst.idx.msk $0xffff, v55  }
0x584: {  	v39 =	vadd.s32 v16, v21;
	v29 =	vshll.u32 v29, $0xB;
	v61 =	vadd.s32 v0, v28;
	v35 =	vld.idx.msk [tilespmem:v58+s14+$0x0], $0xffff  }
0x585: {  	s28 =	sand.u32 $0x78, s3;
	v46 =	vor.u32 v5, v29;
	[tilespmem:v1+s21+$0x0] =	vst.idx.msk $0xffff, v42;
	v42 =	vld.idx.msk [tilespmem:v43+s14+$0x0], $0xffff;
	v43 =	vadd.s32 v12, v27  }
0x586: {  	v29 =	vor.u32 s28, v45;
	[tilespmem:v44+s21+$0x0] =	vst.idx.msk $0xffff, v2;
	v2 =	vld.idx.msk [tilespmem:v47+s14+$0x0], $0xffff;
	v44 =	vor.u32 v11, v32;
	v47 =	vor.u32 s28, v63  }
0x587: {  	s18 =	sshll.u32 s18, $0x1;
	v54 =	vor.u32 v11, v26;
	v30 =	vor.u32 s28, v46;
	v50 =	vld.idx.msk [tilespmem:v50+s14+$0x0], $0xffff;
	v46 =	vor.u32 v46, v47  }
0x588: {  	v60 =	vmov s18;
	v56 =	vadd.s32 v14, v24;
	v55 =	vadd.s32 v0, v33;
	[tilespmem:v41+s21+$0x0] =	vst.idx.msk $0xffff, v40;
	v38 =	vld.idx.msk [tilespmem:v59+s14+$0x0], $0xffff  }
0x589: {  	v40 =	vshll.u32 v60, $0xB;
	v41 =	vld.idx.msk [tilespmem:v61+s14+$0x0], $0xffff;
	v61 =	vadd.s32 v12, v23;
	v60 =	vor.u32 v45, v47  }
0x58a: {  	v58 =	vadd.s32 v14, v27;
	v48 =	vld.idx.msk [tilespmem:v48+s14+$0x0], $0xffff;
	[tilespmem:v49+s21+$0x0] =	vst.idx.msk $0xffff, v35;
	v49 =	vor.u32 v13, v20  }
0x58b: {  	v1 =	vor.u32 v13, v32;
	v59 =	vadd.s32 v6, v28;
	v43 =	vld.idx.msk [tilespmem:v43+s14+$0x0], $0xffff;
	[tilespmem:v44+s21+$0x0] =	vst.idx.msk $0xffff, v2  }
0x58c: {  	v45 =	vadd.s32 v8, v25;
	[tilespmem:v46+s21+$0x0] =	vst.idx.msk $0xffff, v42;
	v42 =	vor.u32 v37, v47;
	v44 =	vld.idx.msk [tilespmem:v52+s14+$0x0], $0xffff  }
0x58d: {  	v2 =	vadd.s32 v14, v23;
	v52 =	vadd.s32 v6, v31;
	[tilespmem:v54+s21+$0x0] =	vst.idx.msk $0xffff, v38;
	v46 =	vld.idx.msk [tilespmem:v53+s14+$0x0], $0xffff  }
0x58e: {  	v54 =	vor.u32 v13, v26;
	[tilespmem:v60+s21+$0x0] =	vst.idx.msk $0xffff, v41;
	v53 =	vor.u32 v7, v30;
	v60 =	vld.idx.msk [tilespmem:v61+s14+$0x0], $0xffff  }
0x58f: {  	v38 =	vor.u32 s28, v37;
	v61 =	vld.idx.msk [tilespmem:v55+s14+$0x0], $0xffff;
	v55 =	vor.u32 v5, v40;
	[tilespmem:v49+s21+$0x0] =	vst.idx.msk $0xffff, v48  }
0x590: {  	v37 =	vadd.s32 v16, v28;
	v40 =	vor.u32 v55, v47;
	v47 =	vld.idx.msk [tilespmem:v51+s14+$0x0], $0xffff;
	[tilespmem:v57+s21+$0x0] =	vst.idx.msk $0xffff, v43  }
0x591: {  	v49 =	vor.u32 v15, v20;
	v57 =	vld.idx.msk [tilespmem:v58+s14+$0x0], $0xffff;
	v58 =	vor.u32 v15, v22;
	[tilespmem:v42+s21+$0x0] =	vst.idx.msk $0xffff, v50  }
0x592: {  	v35 =	vor.u32 s28, v55;
	v51 =	vld.idx.msk [tilespmem:v59+s14+$0x0], $0xffff;
	v43 =	vadd.s32 v16, v27;
	[tilespmem:v1+s21+$0x0] =	vst.idx.msk $0xffff, v44  }
0x593: {  	v55 =	vadd.s32 v6, v33;
	v50 =	vld.idx.msk [tilespmem:v52+s14+$0x0], $0xffff;
	[tilespmem:v53+s21+$0x0] =	vst.idx.msk $0xffff, v46;
	v53 =	vor.u32 v7, v38  }
0x594: {  	v48 =	vor.u32 v9, v30;
	v52 =	vor.u32 v7, v29;
	[tilespmem:v54+s21+$0x0] =	vst.idx.msk $0xffff, v60;
	v44 =	vld.idx.msk [tilespmem:v56+s14+$0x0], $0xffff  }
0x595: {  	v41 =	vor.u32 v15, v35;
	v54 =	vadd.s32 v8, v31;
	v45 =	vld.idx.msk [tilespmem:v45+s14+$0x0], $0xffff;
	[tilespmem:v40+s21+$0x0] =	vst.idx.msk $0xffff, v61  }
0x596: {  	s9 =	simm.s32 $0x200;
	v46 =	vor.u32 v15, v32;
	v42 =	vld.idx.msk [tilespmem:v2+s14+$0x0], $0xffff;
	v40 =	vor.u32 v19, v32;
	[tilespmem:v58+s21+$0x0] =	vst.idx.msk $0xffff, v57  }
.LBB2_31:
0x597: {  	s3 =	sadd.s32 $0x4, s3;
	s11 =	sand.u32 $0x1E00, s9;
	[tilespmem:v49+s21+$0x0] =	vst.idx.msk $0xffff, v47;
	v1 =	vadd.s32 v18, v21;
	v2 =	vld.idx.msk [tilespmem:v43+s14+$0x0], $0xffff;
	v43 =	vor.u32 v17, v32  }
0x598: {  	v32 =	vadd.s32 v10, v25;
	v49 =	vor.u32 v17, v22;
	s22 =	sand.u32 $0x4, s3;
	s18 =	sshrl.u32 s11, $0x2;
	s11 =	sand.u32 $0x78, s3;
	v47 =	vld.idx.msk [tilespmem:v55+s14+$0x0], $0xffff;
	[tilespmem:v53+s21+$0x0] =	vst.idx.msk $0xffff, v50  }
0x599: {  	v50 =	vadd.s32 v16, v23;
	s23 =	sor.u32 $0x8000, s18;
	s18 =	sshll.u32 s22, $0x4;
	s24 =	sor.u32 $0x1, s22;
	[tilespmem:v52+s21+$0x0] =	vst.idx.msk $0xffff, v51;
	v39 =	vld.idx.msk [tilespmem:v39+s14+$0x0], $0xffff;
	v51 =	vadd.s32 v18, v24  }
0x59a: {  	v27 =	vadd.s32 v18, v27;
	s26 =	sor.u32 $0x2, s22;
	s25 =	sor.u32 s18, s23;
	s18 =	sshll.u32 s24, $0x4;
	[tilespmem:v48+s21+$0x0] =	vst.idx.msk $0xffff, v45;
	v45 =	vld.idx.msk [tilespmem:v54+s14+$0x0], $0xffff;
	v48 =	vor.u32 v17, v20  }
0x59b: {  	v21 =	vmov v25;
	v53 =	vadd.s32 v18, v23;
	s29 =	sor.u32 $0x3, s22;
	v52 =	vor.u32 v17, v26;
	s28 =	sshll.u32 s26, $0x4;
	s18 =	sor.u32 s18, s23;
	[tilespmem:v46+s21+$0x0] =	vst.idx.msk $0xffff, v44;
	v25 =	vld [tilespmem:s25+$0x0]  }
0x59c: {  	s25 =	sor.u32 s28, s23;
	s28 =	sshll.u32 s29, $0x4;
	s29 =	sshll.u32 s29, $0x1;
	v44 =	vor.u32 v9, v38;
	v46 =	vadd.s32 v8, v28;
	[tilespmem:v34+s21+$0x0] =	vst.idx.msk $0xffff, v42;
	v36 =	vld.idx.msk [tilespmem:v36+s14+$0x0], $0xffff  }
0x59d: {  	v55 =	vadd.s32 v8, v33;
	s22 =	sshll.u32 s22, $0x1;
	s26 =	sshll.u32 s26, $0x1;
	v54 =	vor.u32 v7, v35;
	s23 =	sor.u32 s28, s23;
	v23 =	vmov s29;
	v42 =	vld.idx.msk [tilespmem:v32+s14+$0x0], $0xffff;
	[tilespmem:v49+s21+$0x0] =	vst.idx.msk $0xffff, v2  }
0x59e: {  	p0 =	slt.u32 s3, $0x7C;
	v24 =	vmovc v28;
	v34 =	vmov s26;
	v2 =	vmov s22;
	s22 =	sshll.u32 s24, $0x1;
	v57 =	vshll.u32 v23, $0xB;
	v32 =	vmovc v29;
	v49 =	vld.idx.msk [tilespmem:v50+s14+$0x0], $0xffff  }
0x59f: {  	v2 =	vshll.u32 v2, $0xB;
	v50 =	vshll.u32 v34, $0xB;
	v56 =	vor.u32 v5, v57;
	[tilespmem:v48+s21+$0x0] =	vst.idx.msk $0xffff, v39;
	v48 =	vld.idx.msk [tilespmem:v27+s14+$0x0], $0xffff  }
0x5a0: {  	v28 =	vmov s22;
	v2 =	vor.u32 v5, v2;
	v29 =	vor.u32 s11, v56;
	v27 =	vmovc v31;
	v23 =	vmovc v33;
	v1 =	vld.idx.msk [tilespmem:v1+s14+$0x0], $0xffff  }
0x5a1: {  	v58 =	vshll.u32 v28, $0xB;
	v33 =	vor.u32 v19, v22;
	v22 =	vmovc v38;
	v34 =	vmovc v41;
	v57 =	vor.u32 s11, v2;
	v28 =	vld [tilespmem:s23+$0x0]  }
0x5a2: {  	v38 =	vadd.s32 v10, v27;
	v41 =	vld.idx.msk [tilespmem:v46+s14+$0x0], $0xffff;
	v46 =	vor.u32 v19, v20;
	[tilespmem:v43+s21+$0x0] =	vst.idx.msk $0xffff, v36  }
0x5a3: {  	v39 =	vadd.s32 v16, v21;
	v36 =	vor.u32 v11, v30;
	v20 =	vmov v30;
	v31 =	vld [tilespmem:s25+$0x0];
	[tilespmem:v54+s21+$0x0] =	vst.idx.msk $0xffff, v47  }
0x5a4: {  	v43 =	vadd.s32 v0, v25;
	v54 =	vor.u32 v9, v32;
	v47 =	vld.idx.msk [tilespmem:v55+s14+$0x0], $0xffff;
	[tilespmem:v52+s21+$0x0] =	vst.idx.msk $0xffff, v49  }
0x5a5: {  	v49 =	vor.u32 v9, v35;
	[tilespmem:v44+s21+$0x0] =	vst.idx.msk $0xffff, v45;
	v44 =	vadd.s32 v10, v24;
	v45 =	vld.idx.msk [tilespmem:v51+s14+$0x0], $0xffff  }
0x5a6: {  	v51 =	vadd.s32 v10, v23;
	v52 =	vld.idx.msk [tilespmem:v53+s14+$0x0], $0xffff;
	v53 =	vor.u32 v19, v26;
	[tilespmem:v33+s21+$0x0] =	vst.idx.msk $0xffff, v48  }
0x5a7: {  	v55 =	vor.u32 v13, v32;
	v48 =	vadd.s32 v12, v21;
	v38 =	vld.idx.msk [tilespmem:v38+s14+$0x0], $0xffff;
	[tilespmem:v46+s21+$0x0] =	vst.idx.msk $0xffff, v1  }
0x5a8: {  	v30 =	vmov v57;
	v1 =	vadd.s32 v0, v28;
	v33 =	vld [tilespmem:s18+$0x0];
	[tilespmem:v36+s21+$0x0] =	vst.idx.msk $0xffff, v42;
	v36 =	vor.u32 v11, v22  }
0x5a9: {  	v46 =	vadd.s32 v12, v27;
	v42 =	vld.idx.msk [tilespmem:v43+s14+$0x0], $0xffff;
	v43 =	vadd.s32 v14, v21;
	[tilespmem:v54+s21+$0x0] =	vst.idx.msk $0xffff, v41  }
0x5aa: {  	v57 =	vadd.s32 v14, v24;
	[tilespmem:v49+s21+$0x0] =	vst.idx.msk $0xffff, v47;
	v41 =	vld.idx.msk [tilespmem:v44+s14+$0x0], $0xffff;
	v44 =	vor.u32 v11, v32  }
0x5ab: {  	v26 =	vmov v35;
	v47 =	vor.u32 s11, v63;
	v49 =	vadd.s32 v0, v31;
	v51 =	vld.idx.msk [tilespmem:v51+s14+$0x0], $0xffff;
	[tilespmem:v40+s21+$0x0] =	vst.idx.msk $0xffff, v45  }
0x5ac: {  	v35 =	vadd.s32 v12, v24;
	v2 =	vor.u32 v2, v47;
	v40 =	vld.idx.msk [tilespmem:v48+s14+$0x0], $0xffff;
	[tilespmem:v53+s21+$0x0] =	vst.idx.msk $0xffff, v52  }
0x5ad: {  	v45 =	vadd.s32 v6, v25;
	v48 =	vor.u32 v11, v26;
	v1 =	vld.idx.msk [tilespmem:v1+s14+$0x0], $0xffff;
	[tilespmem:v36+s21+$0x0] =	vst.idx.msk $0xffff, v38  }
0x5ae: {  	v54 =	vadd.s32 v12, v23;
	v52 =	vor.u32 v56, v47;
	v53 =	vor.u32 v13, v20;
	v46 =	vld.idx.msk [tilespmem:v46+s14+$0x0], $0xffff  }
0x5af: {  	v59 =	vadd.s32 v14, v23;
	v60 =	vor.u32 v13, v22;
	v56 =	vadd.s32 v0, v33;
	v36 =	vmovc v37  }
0x5b0: {  	v38 =	vor.u32 v5, v50;
	v37 =	vld.idx.msk [tilespmem:v49+s14+$0x0], $0xffff;
	v49 =	vadd.s32 v14, v27;
	[tilespmem:v44+s21+$0x0] =	vst.idx.msk $0xffff, v41  }
0x5b1: {  	[tilespmem:v2+s21+$0x0] =	vst.idx.msk $0xffff, v42;
	v2 =	vor.u32 v38, v47;
	v38 =	vor.u32 s11, v38;
	v42 =	vld.idx.msk [tilespmem:v35+s14+$0x0], $0xffff  }
0x5b2: {  	v44 =	vld.idx.msk [tilespmem:v45+s14+$0x0], $0xffff;
	v45 =	vadd.s32 v6, v31;
	[tilespmem:v48+s21+$0x0] =	vst.idx.msk $0xffff, v51;
	v48 =	vor.u32 v13, v26  }
0x5b3: {  	v51 =	vor.u32 v7, v30;
	[tilespmem:v52+s21+$0x0] =	vst.idx.msk $0xffff, v1;
	v1 =	vadd.s32 v6, v28;
	v54 =	vld.idx.msk [tilespmem:v54+s14+$0x0], $0xffff  }
0x5b4: {  	v35 =	vor.u32 v5, v58;
	v52 =	vadd.s32 v8, v25;
	v56 =	vld.idx.msk [tilespmem:v56+s14+$0x0], $0xffff;
	[tilespmem:v60+s21+$0x0] =	vst.idx.msk $0xffff, v46  }
0x5b5: {  	v46 =	vor.u32 v35, v47;
	v35 =	vor.u32 s11, v35;
	[tilespmem:v53+s21+$0x0] =	vst.idx.msk $0xffff, v40;
	v40 =	vld.idx.msk [tilespmem:v49+s14+$0x0], $0xffff  }
0x5b6: {  	v41 =	vor.u32 v15, v35;
	[tilespmem:v2+s21+$0x0] =	vst.idx.msk $0xffff, v37;
	v47 =	vld.idx.msk [tilespmem:v43+s14+$0x0], $0xffff;
	v2 =	vor.u32 v15, v22  }
.Ltmp24:
0x5b7: {  	v49 =	vor.u32 v15, v20;
	v43 =	vadd.s32 v16, v27;
	v50 =	vld.idx.msk [tilespmem:v45+s14+$0x0], $0xffff;
	[tilespmem:v55+s21+$0x0] =	vst.idx.msk $0xffff, v42;
	(pc) =	sbr.rel @p0 .LBB2_31-.Ltmp24, $4  }
0x5b8: {  	v53 =	vor.u32 v7, v38;
	v55 =	vadd.s32 v6, v33;
	[tilespmem:v51+s21+$0x0] =	vst.idx.msk $0xffff, v44;
	v51 =	vld.idx.msk [tilespmem:v1+s14+$0x0], $0xffff  }
0x5b9: {  	v37 =	vadd.s32 v16, v28;
	v45 =	vld.idx.msk [tilespmem:v52+s14+$0x0], $0xffff;
	v52 =	vor.u32 v7, v29;
	[tilespmem:v48+s21+$0x0] =	vst.idx.msk $0xffff, v54  }
0x5ba: {  	v48 =	vor.u32 v9, v30;
	v54 =	vadd.s32 v8, v31;
	[tilespmem:v46+s21+$0x0] =	vst.idx.msk $0xffff, v56;
	v44 =	vld.idx.msk [tilespmem:v57+s14+$0x0], $0xffff  }
0x5bb: {  	s9 =	sadd.s32 $0x100, s9;
	v46 =	vor.u32 v15, v32;
	v42 =	vld.idx.msk [tilespmem:v59+s14+$0x0], $0xffff;
	[tilespmem:v2+s21+$0x0] =	vst.idx.msk $0xffff, v40;
	v40 =	vor.u32 v19, v32  }
0x5bc: {  	_ =	sdelay $0x3  }
0x5bd: {  	v1 =	vld.idx.msk [tilespmem:v55+s14+$0x0], $0xffff;
	v2 =	vadd.s32 v8, v28;
	v61 =	vor.u32 v7, v35  }
0x5be: {  	v56 =	vadd.s32 v8, v33  }
0x5bf: {  	[tilespmem:v53+s21+$0x0] =	vst.idx.msk $0xffff, v50  }
0x5c0: {  	v53 =	vor.u32 v9, v38;
	v50 =	vld.idx.msk [tilespmem:v54+s14+$0x0], $0xffff  }
0x5c1: {  	[tilespmem:v52+s21+$0x0] =	vst.idx.msk $0xffff, v51;
	v51 =	vadd.s32 v10, v31  }
0x5c2: {  	v52 =	vadd.s32 v10, v25;
	v2 =	vld.idx.msk [tilespmem:v2+s14+$0x0], $0xffff;
	[tilespmem:v61+s21+$0x0] =	vst.idx.msk $0xffff, v1;
	v1 =	vor.u32 v9, v29  }
0x5c3: {  	v55 =	vor.u32 v9, v35;
	v60 =	vadd.s32 v10, v28;
	v54 =	vld.idx.msk [tilespmem:v56+s14+$0x0], $0xffff  }
0x5c4: {  	[tilespmem:v49+s21+$0x0] =	vst.idx.msk $0xffff, v47;
	v61 =	vadd.s32 v10, v33  }
0x5c5: {  	[tilespmem:v53+s21+$0x0] =	vst.idx.msk $0xffff, v50  }
0x5c6: {  	[tilespmem:v48+s21+$0x0] =	vst.idx.msk $0xffff, v45;
	v48 =	vor.u32 v11, v38;
	v45 =	vld.idx.msk [tilespmem:v51+s14+$0x0], $0xffff  }
0x5c7: {  	v49 =	vld.idx.msk [tilespmem:v52+s14+$0x0], $0xffff;
	v50 =	vor.u32 v11, v30;
	[tilespmem:v1+s21+$0x0] =	vst.idx.msk $0xffff, v2;
	v1 =	vadd.s32 v12, v31  }
0x5c8: {  	v58 =	vor.u32 v11, v29;
	v2 =	vadd.s32 v12, v25;
	[tilespmem:v55+s21+$0x0] =	vst.idx.msk $0xffff, v54;
	v57 =	vld.idx.msk [tilespmem:v60+s14+$0x0], $0xffff  }
0x5c9: {  	v59 =	vor.u32 v11, v35;
	[tilespmem:v46+s21+$0x0] =	vst.idx.msk $0xffff, v44;
	v46 =	vadd.s32 v12, v28;
	v44 =	vld.idx.msk [tilespmem:v61+s14+$0x0], $0xffff  }
0x5ca: {  	v43 =	vld.idx.msk [tilespmem:v43+s14+$0x0], $0xffff;
	[tilespmem:v34+s21+$0x0] =	vst.idx.msk $0xffff, v42;
	v34 =	vadd.s32 v12, v33;
	v60 =	vor.u32 v17, v22  }
0x5cb: {  	v39 =	vld.idx.msk [tilespmem:v39+s14+$0x0], $0xffff;
	v61 =	vor.u32 v17, v20;
	[tilespmem:v48+s21+$0x0] =	vst.idx.msk $0xffff, v45  }
0x5cc: {  	[tilespmem:v50+s21+$0x0] =	vst.idx.msk $0xffff, v49;
	v45 =	vadd.s32 v16, v23;
	v48 =	vor.u32 v13, v38;
	v1 =	vld.idx.msk [tilespmem:v1+s14+$0x0], $0xffff  }
0x5cd: {  	v56 =	vadd.s32 v14, v31;
	v49 =	vor.u32 v13, v30;
	v2 =	vld.idx.msk [tilespmem:v2+s14+$0x0], $0xffff;
	[tilespmem:v58+s21+$0x0] =	vst.idx.msk $0xffff, v57  }
0x5ce: {  	v57 =	vor.u32 v13, v29;
	v58 =	vadd.s32 v14, v25;
	v46 =	vld.idx.msk [tilespmem:v46+s14+$0x0], $0xffff;
	[tilespmem:v59+s21+$0x0] =	vst.idx.msk $0xffff, v44  }
0x5cf: {  	[tilespmem:v60+s21+$0x0] =	vst.idx.msk $0xffff, v43;
	v60 =	vor.u32 v13, v35;
	v59 =	vadd.s32 v14, v28;
	v34 =	vld.idx.msk [tilespmem:v34+s14+$0x0], $0xffff  }
0x5d0: {  	v32 =	vor.u32 v17, v32;
	v36 =	vld.idx.msk [tilespmem:v36+s14+$0x0], $0xffff;
	[tilespmem:v61+s21+$0x0] =	vst.idx.msk $0xffff, v39;
	v61 =	vadd.s32 v14, v33  }
0x5d1: {  	v24 =	vadd.s32 v18, v24;
	v42 =	vor.u32 v17, v26;
	v45 =	vld.idx.msk [tilespmem:v45+s14+$0x0], $0xffff;
	[tilespmem:v48+s21+$0x0] =	vst.idx.msk $0xffff, v1  }
0x5d2: {  	v53 =	vor.u32 v15, v38;
	v1 =	vadd.s32 v18, v21;
	[tilespmem:v49+s21+$0x0] =	vst.idx.msk $0xffff, v2;
	v2 =	vld.idx.msk [tilespmem:v56+s14+$0x0], $0xffff  }
0x5d3: {  	v55 =	vor.u32 v15, v30;
	v54 =	vld.idx.msk [tilespmem:v58+s14+$0x0], $0xffff;
	v56 =	vadd.s32 v16, v31;
	[tilespmem:v57+s21+$0x0] =	vst.idx.msk $0xffff, v46  }
0x5d4: {  	v57 =	vadd.s32 v16, v25;
	[tilespmem:v60+s21+$0x0] =	vst.idx.msk $0xffff, v34;
	v58 =	vld.idx.msk [tilespmem:v59+s14+$0x0], $0xffff;
	v59 =	vor.u32 v15, v29  }
0x5d5: {  	[tilespmem:v32+s21+$0x0] =	vst.idx.msk $0xffff, v36;
	v60 =	vld.idx.msk [tilespmem:v61+s14+$0x0], $0xffff  }
0x5d6: {  	v24 =	vld.idx.msk [tilespmem:v24+s14+$0x0], $0xffff;
	[tilespmem:v42+s21+$0x0] =	vst.idx.msk $0xffff, v45;
	v45 =	vadd.s32 v16, v33  }
0x5d7: {  	v27 =	vadd.s32 v18, v27;
	v20 =	vor.u32 v19, v20;
	v1 =	vld.idx.msk [tilespmem:v1+s14+$0x0], $0xffff;
	[tilespmem:v53+s21+$0x0] =	vst.idx.msk $0xffff, v2  }
0x5d8: {  	v48 =	vor.u32 v17, v38;
	v2 =	vadd.s32 v18, v23;
	[tilespmem:v55+s21+$0x0] =	vst.idx.msk $0xffff, v54;
	v21 =	vld.idx.msk [tilespmem:v56+s14+$0x0], $0xffff  }
0x5d9: {  	v51 =	vadd.s32 v18, v31;
	v50 =	vor.u32 v17, v30;
	v49 =	vld.idx.msk [tilespmem:v57+s14+$0x0], $0xffff;
	[tilespmem:v59+s21+$0x0] =	vst.idx.msk $0xffff, v58  }
0x5da: {  	v52 =	vadd.s32 v18, v25;
	v53 =	vor.u32 v17, v29;
	[tilespmem:v41+s21+$0x0] =	vst.idx.msk $0xffff, v60;
	v54 =	vld.idx.msk [tilespmem:v37+s14+$0x0], $0xffff  }
0x5db: {  	[tilespmem:v40+s21+$0x0] =	vst.idx.msk $0xffff, v24;
	v55 =	vadd.s32 v18, v28;
	v56 =	vor.u32 v17, v35;
	v57 =	vld.idx.msk [tilespmem:v45+s14+$0x0], $0xffff  }
0x5dc: {  	v27 =	vld.idx.msk [tilespmem:v27+s14+$0x0], $0xffff;
	v61 =	vor.u32 v19, v22;
	[tilespmem:v20+s21+$0x0] =	vst.idx.msk $0xffff, v1;
	v1 =	vadd.s32 v18, v33  }
0x5dd: {  	v20 =	vor.u32 v19, v26;
	v2 =	vld.idx.msk [tilespmem:v2+s14+$0x0], $0xffff;
	[tilespmem:v48+s21+$0x0] =	vst.idx.msk $0xffff, v21  }
0x5de: {  	v58 =	vor.u32 v19, v38;
	[tilespmem:v50+s21+$0x0] =	vst.idx.msk $0xffff, v49;
	v21 =	vld.idx.msk [tilespmem:v51+s14+$0x0], $0xffff  }
0x5df: {  	v59 =	vor.u32 v19, v30;
	v25 =	vld.idx.msk [tilespmem:v52+s14+$0x0], $0xffff;
	[tilespmem:v53+s21+$0x0] =	vst.idx.msk $0xffff, v54  }
0x5e0: {  	v60 =	vor.u32 v19, v29;
	[tilespmem:v56+s21+$0x0] =	vst.idx.msk $0xffff, v57;
	v22 =	vld.idx.msk [tilespmem:v55+s14+$0x0], $0xffff  }
0x5e1: {  	[tilespmem:v61+s21+$0x0] =	vst.idx.msk $0xffff, v27;
	v61 =	vor.u32 v19, v35;
	v1 =	vld.idx.msk [tilespmem:v1+s14+$0x0], $0xffff  }
0x5e2: {  	[tilespmem:v20+s21+$0x0] =	vst.idx.msk $0xffff, v2  }
0x5e3: {  	[tilespmem:v58+s21+$0x0] =	vst.idx.msk $0xffff, v21  }
0x5e4: {  	[tilespmem:v59+s21+$0x0] =	vst.idx.msk $0xffff, v25  }
0x5e5: {  	[tilespmem:v60+s21+$0x0] =	vst.idx.msk $0xffff, v22  }
0x5e6: {  	[tilespmem:v61+s21+$0x0] =	vst.idx.msk $0xffff, v1  }
0x5e7: {  	[hbm4b:s17+s4] =	stream.linear.scatter [tilespmem:s21], [sflag:$0x2], $0x400, $0x38;
	[tilespmem:$0x18E80] =	vst v63  }
0x5e8: {  	s3 =	sadd.s32 $0x8000, s17  }
0x5e9: {  	[hbm4b:s3+s4] =	stream.linear.scatter [tilespmem:s30], [sflag:$0x2], $0x400, $0x38;
	[tilespmem:$0x18E80] =	vst v63  }
0x5ea: {  	s29 =	sadd.s32 $0x10000, s17;
	s9 =	simm.s32 $0x11800  }
0x5eb: {  	[hbm4b:s29+s4] =	stream.linear.scatter [tilespmem:s9], [sflag:$0x2], $0x400, $0x38;
	[tilespmem:$0x18E80] =	vst v63  }
0x5ec: {  	s11 =	simm.s32 $0x12000;
	s9 =	sadd.s32 $0x18000, s17  }
0x5ed: {  	[hbm4b:s9+s4] =	stream.linear.scatter [tilespmem:s11], [sflag:$0x2], $0x400, $0x38;
	[tilespmem:$0x18E80] =	vst v63  }
0x5ee: {  	s18 =	sadd.s32 $0x20000, s17;
	s22 =	simm.s32 $0x12800  }
0x5ef: {  	[hbm4b:s18+s4] =	stream.linear.scatter [tilespmem:s22], [sflag:$0x2], $0x400, $0x38;
	[tilespmem:$0x18E80] =	vst v63  }
0x5f0: {  	s23 =	sadd.s32 $0x28000, s17;
	s24 =	simm.s32 $0x13000  }
0x5f1: {  	[hbm4b:s23+s4] =	stream.linear.scatter [tilespmem:s24], [sflag:$0x2], $0x400, $0x38;
	[tilespmem:$0x18E80] =	vst v63  }
0x5f2: {  	s25 =	sadd.s32 $0x30000, s17;
	s26 =	simm.s32 $0x13800  }
0x5f3: {  	[hbm4b:s25+s4] =	stream.linear.scatter [tilespmem:s26], [sflag:$0x2], $0x400, $0x38;
	[tilespmem:$0x18E80] =	vst v63  }
0x5f4: {  	s28 =	sadd.s32 $0x38000, s17;
	s29 =	simm.s32 $0x14000  }
0x5f5: {  	[hbm4b:s28+s4] =	stream.linear.scatter [tilespmem:s29], [sflag:$0x2], $0x400, $0x38;
	[tilespmem:$0x18E80] =	vst v63  }
0x5f6: {  	s11 =	sadd.s32 $0x40000, s17;
	s18 =	simm.s32 $0x14800  }
0x5f7: {  	[hbm4b:s11+s4] =	stream.linear.scatter [tilespmem:s18], [sflag:$0x2], $0x400, $0x38;
	[tilespmem:$0x18E80] =	vst v63  }
0x5f8: {  	s22 =	sadd.s32 $0x48000, s17  }
0x5f9: {  	[hbm4b:s22+s4] =	stream.linear.scatter [tilespmem:s31], [sflag:$0x2], $0x400, $0x38;
	[tilespmem:$0x18E80] =	vst v63  }
0x5fa: {  	s23 =	sadd.s32 $0x50000, s17  }
0x5fb: {  	[hbm4b:s23+s4] =	stream.linear.scatter [tilespmem:s1], [sflag:$0x2], $0x400, $0x38;
	[tilespmem:$0x18E80] =	vst v63  }
0x5fc: {  	s24 =	sadd.s32 $0x58000, s17  }
0x5fd: {  	[hbm4b:s24+s4] =	stream.linear.scatter [tilespmem:s0], [sflag:$0x2], $0x400, $0x38;
	[tilespmem:$0x18E80] =	vst v63  }
0x5fe: {  	s25 =	sadd.s32 $0x60000, s17  }
0x5ff: {  	[hbm4b:s25+s4] =	stream.linear.scatter [tilespmem:s2], [sflag:$0x2], $0x400, $0x38;
	[tilespmem:$0x18E80] =	vst v63  }
0x600: {  	s26 =	sadd.s32 $0x68000, s17  }
0x601: {  	[hbm4b:s26+s4] =	stream.linear.scatter [tilespmem:s19], [sflag:$0x2], $0x400, $0x38;
	[tilespmem:$0x18E80] =	vst v63  }
.Ltmp25:
0x602: {  	_ = 	snop;
	(pc) =	sbr.rel .LBB2_33-.Ltmp25, $4  }
0x603: {  	s28 =	sadd.s32 $0x70000, s17  }
0x604: {  	[hbm4b:s28+s4] =	stream.linear.scatter [tilespmem:s6], [sflag:$0x2], $0x400, $0x38;
	[tilespmem:$0x18E80] =	vst v63  }
0x605: {  	s29 =	sadd.s32 $0x78000, s17  }
0x606: {  	[hbm4b:s29+s4] =	stream.linear.scatter [tilespmem:s8], [sflag:$0x2], $0x400, $0x38;
	[tilespmem:$0x18E80] =	vst v63  }
.LBB2_34:
.Ltmp26:
0x607: {  	(pc) =	sbr.rel .LBB2_35-.Ltmp26, $4  }
0x608: {  	s3 =	simm.s32 $0x3  }
0x609: {  	_ =	swait.ge [sflag:s3], $0x4000  }
0x60a: {  	s12 =	simm.s32 $0x0;
	[sflag:s3] =	ssyncset.done $0x0  }
0x60b: {  	s15 =	simm.s32 $0x4100;
	s16 =	simm.s32 $0x0;
	[sflag:s3] =	ssyncadd.s32 $0xFFFFC000  }
.LBB2_44:
0x60c: {  	s16 =	sadd.s32 $0x1, s16  }
0x60d: {  	p0 =	sne.s32 s16, $0x8  }
.Ltmp27:
0x60e: {  	_ = 	snop;
	(pc) =	sbr.rel @!p0 .LBB2_45-.Ltmp27, $2  }
0x60f: {  	_ =	sdelay $0x2  }
0x610: {  	s15 =	sadd.s32 $0x10, s15  }
.LBB2_35:
0x611: {  	s3 =	simm.s32 $0x1  }
0x612: {  	v1 =	vmov s12;
	s9 =	simm.s32 $0x2;
	v25 =	vld [tilespmem:s15+$0x80];
	v2 =	vmov s3  }
0x613: {  	v1 =	vand.u32 $0x7C, v1;
	v20 =	vmov s9;
	v2 =	vand.u32 $0x7D, v2  }
0x614: {  	s17 =	simm.s32 $0x4;
	s28 =	simm.s32 $0x3;
	v1 =	vbroadcast v1, $0x0;
	v20 =	vand.u32 $0x7E, v20;
	v2 =	vbroadcast v2, $0x0  }
0x615: {  	v26 =	vld [tilespmem:s15+$0xFFFFFF00];
	v21 =	vmov s17;
	v24 =	vor.u32 s28, v4;
	v20 =	vbroadcast v20, $0x0  }
0x616: {  	v27 =	vld [tilespmem:s15+$0xFFFFFF80];
	v22 =	vand.u32 $0x7C, v21;
	v23 =	vor.u32 v4, v1;
	v21 =	vor.u32 v4, v2  }
0x617: {  	v28 =	vld [tilespmem:s15+$0x0];
	v20 =	vor.u32 v4, v20;
	vm0 =	vge.f32 v25, $-9.000000000e+02;
	vm1 =	vge.f32 v25, $-4.000000000e+02  }
0x618: {  	vm13 =	vge.f32 v25, $-1.000000000e+02;
	vm14 =	vge.f32 v25, $-5.000000000e+01;
	vm15 =	vge.f32 v25, $-1.000000000e+01  }
0x619: {  	vm4 =	vge.f32 v25, $2.000000000e+01;
	vm5 =	vge.f32 v25, $4.000000000e+01;
	vm6 =	vge.f32 v25, $6.000000000e+01  }
0x61a: {  	vm7 =	vge.f32 v25, $1.000000000e+02;
	vm8 =	vge.f32 v25, $8.000000000e+02;
	vm9 =	vge.f32 v25, $1.000000000e+03  }
0x61b: {  	vm10 =	vge.f32 v26, $-9.000000000e+02;
	vm11 =	vge.f32 v26, $-4.000000000e+02;
	vm2 =	vge.f32 v27, $-9.000000000e+02  }
0x61c: {  	vm3 =	vge.f32 v27, $-4.000000000e+02;
	vm12 =	vge.f32 v28, $-4.000000000e+02;
	v1 =	vsel vm0, $0x2, v62  }
0x61d: {  	v2 =	vsel vm1, $0x1, v3;
	v25 =	vsel vm11, $0x1, v3;
	v29 =	vsel vm2, $0x2, v62  }
0x61e: {  	v30 =	vsel vm3, $0x1, v3;
	vm11 =	vge.f32 v27, $2.000000000e+01;
	v1 =	vadd.s32 v2, v1  }
0x61f: {  	v2 =	vsel vm13, $0x1, v3;
	vm13 =	vge.f32 v26, $-1.000000000e+02;
	v29 =	vadd.s32 v30, v29  }
0x620: {  	v30 =	vsel vm12, $0x1, v3;
	v1 =	vadd.s32 v2, v1;
	v2 =	vsel vm14, $0x1, v3  }
0x621: {  	vm12 =	vge.f32 v28, $2.000000000e+01;
	v1 =	vadd.s32 v2, v1;
	v2 =	vsel vm15, $0x1, v3  }
0x622: {  	vm14 =	vge.f32 v27, $-1.000000000e+02;
	v1 =	vadd.s32 v2, v1;
	v2 =	vsel vm4, $0x1, v3  }
0x623: {  	vm15 =	vge.f32 v28, $-1.000000000e+02;
	v1 =	vadd.s32 v2, v1;
	v2 =	vsel vm5, $0x1, v3  }
0x624: {  	vm4 =	vge.f32 v28, $-9.000000000e+02;
	v1 =	vadd.s32 v2, v1;
	v2 =	vsel vm6, $0x1, v3  }
0x625: {  	vm5 =	vge.f32 v27, $-5.000000000e+01;
	v1 =	vadd.s32 v2, v1;
	v2 =	vsel vm7, $0x1, v3  }
0x626: {  	vm6 =	vge.f32 v28, $-5.000000000e+01;
	v1 =	vadd.s32 v2, v1;
	v2 =	vsel vm8, $0x1, v3  }
0x627: {  	vm7 =	vge.f32 v26, $-1.000000000e+01;
	v1 =	vadd.s32 v2, v1;
	v2 =	vsel vm9, $0x1, v3  }
0x628: {  	vm8 =	vge.f32 v27, $-1.000000000e+01;
	v1 =	vadd.s32 v2, v1;
	v2 =	vsel vm10, $0x2, v62  }
0x629: {  	vm9 =	vge.f32 v28, $-1.000000000e+01;
	v2 =	vadd.s32 v25, v2;
	v25 =	vsel vm4, $0x2, v62  }
0x62a: {  	vm10 =	vge.f32 v26, $2.000000000e+01;
	v25 =	vadd.s32 v30, v25;
	v30 =	vsel vm13, $0x1, v3  }
0x62b: {  	vm4 =	vge.f32 v26, $-5.000000000e+01;
	v2 =	vadd.s32 v30, v2;
	v30 =	vsel vm14, $0x1, v3  }
0x62c: {  	v1 =	vshll.u32 v1, $0x7;
	v29 =	vadd.s32 v30, v29;
	v30 =	vsel vm15, $0x1, v3  }
0x62d: {  	vm13 =	vge.f32 v26, $4.000000000e+01;
	v25 =	vadd.s32 v30, v25;
	v30 =	vsel vm4, $0x1, v3  }
0x62e: {  	vm14 =	vge.f32 v27, $4.000000000e+01;
	v2 =	vadd.s32 v30, v2;
	v30 =	vsel vm5, $0x1, v3  }
0x62f: {  	vm15 =	vge.f32 v28, $4.000000000e+01;
	v29 =	vadd.s32 v30, v29;
	v30 =	vsel vm6, $0x1, v3  }
0x630: {  	vm4 =	vge.f32 v26, $6.000000000e+01;
	v25 =	vadd.s32 v30, v25;
	v30 =	vsel vm7, $0x1, v3  }
0x631: {  	vm5 =	vge.f32 v27, $6.000000000e+01;
	v2 =	vadd.s32 v30, v2;
	v30 =	vsel vm8, $0x1, v3  }
0x632: {  	vm6 =	vge.f32 v28, $6.000000000e+01;
	v29 =	vadd.s32 v30, v29;
	v30 =	vsel vm9, $0x1, v3  }
0x633: {  	vm7 =	vge.f32 v26, $1.000000000e+02;
	v25 =	vadd.s32 v30, v25;
	v30 =	vsel vm10, $0x1, v3  }
0x634: {  	vm8 =	vge.f32 v27, $1.000000000e+02;
	v2 =	vadd.s32 v30, v2;
	v30 =	vsel vm11, $0x1, v3  }
0x635: {  	vm9 =	vge.f32 v28, $1.000000000e+02;
	v29 =	vadd.s32 v30, v29;
	v30 =	vsel vm12, $0x1, v3  }
0x636: {  	vm10 =	vge.f32 v26, $8.000000000e+02;
	v25 =	vadd.s32 v30, v25;
	v30 =	vsel vm13, $0x1, v3  }
0x637: {  	vm11 =	vge.f32 v27, $8.000000000e+02;
	v2 =	vadd.s32 v30, v2;
	v30 =	vsel vm14, $0x1, v3  }
0x638: {  	vm12 =	vge.f32 v28, $8.000000000e+02;
	v29 =	vadd.s32 v30, v29;
	v30 =	vsel vm15, $0x1, v3  }
0x639: {  	vm13 =	vge.f32 v26, $1.000000000e+03;
	v25 =	vadd.s32 v30, v25;
	v30 =	vsel vm4, $0x1, v3  }
0x63a: {  	v26 =	vsel vm11, $0x1, v3;
	v2 =	vadd.s32 v30, v2;
	v30 =	vsel vm5, $0x1, v3  }
0x63b: {  	vm14 =	vge.f32 v27, $1.000000000e+03;
	v29 =	vadd.s32 v30, v29;
	v30 =	vsel vm6, $0x1, v3  }
0x63c: {  	v27 =	vsel vm12, $0x1, v3;
	v25 =	vadd.s32 v30, v25;
	v30 =	vsel vm7, $0x1, v3  }
0x63d: {  	vm15 =	vge.f32 v28, $1.000000000e+03;
	v2 =	vadd.s32 v30, v2;
	v30 =	vsel vm8, $0x1, v3  }
0x63e: {  	v28 =	vsel vm13, $0x1, v3;
	v29 =	vadd.s32 v30, v29;
	v30 =	vsel vm9, $0x1, v3  }
0x63f: {  	v25 =	vadd.s32 v30, v25;
	v30 =	vsel vm10, $0x1, v3;
	v26 =	vadd.s32 v26, v29  }
0x640: {  	v29 =	vsel vm14, $0x1, v3;
	v2 =	vadd.s32 v30, v2;
	v27 =	vadd.s32 v27, v25  }
0x641: {  	v25 =	vadd.s32 v29, v26;
	v26 =	vsel vm15, $0x1, v3;
	v2 =	vadd.s32 v28, v2  }
0x642: {  	s29 =	simm.s32 $0x5;
	s11 =	simm.s32 $0x6;
	s3 =	sadd.s32 $0x200, s15;
	[tilespmem:v24+s20+$0x0] =	vst.idx.msk $0xffff, v1;
	v25 =	vshll.u32 v25, $0x7;
	v1 =	vshll.u32 v2, $0x7;
	v2 =	vadd.s32 v26, v27  }
0x643: {  	s9 =	simm.s32 $0x8;
	v28 =	vld [tilespmem:s3+$0x80];
	v26 =	vmov s29;
	v27 =	vmov s11;
	[tilespmem:v23+s20+$0x0] =	vst.idx.msk $0xffff, v1;
	v23 =	vshll.u32 v2, $0x7  }
.LBB2_36:
0x644: {  	p0 =	slt.u32 s9, $0x7C;
	v1 =	vbroadcast v22, $0x0;
	v24 =	vld [tilespmem:s3+$0xFFFFFF80];
	v2 =	vand.u32 $0x7D, v26;
	v22 =	vand.u32 $0x7E, v27;
	[tilespmem:v21+s20+$0x0] =	vst.idx.msk $0xffff, v25  }
0x645: {  	v21 =	vmov s9;
	v2 =	vbroadcast v2, $0x0;
	v25 =	vld [tilespmem:s3+$0x0];
	v27 =	vbroadcast v22, $0x0;
	[tilespmem:v20+s20+$0x0] =	vst.idx.msk $0xffff, v23  }
0x646: {  	v22 =	vand.u32 $0x7C, v21;
	v26 =	vld [tilespmem:s3+$0xFFFFFF00]  }
0x647: {  	s11 =	sadd.s32 $0x3, s17;
	s17 =	smov.u32 s9;
	v23 =	vor.u32 v4, v1;
	v21 =	vor.u32 v4, v2;
	v20 =	vor.u32 v4, v27  }
0x648: {  	v1 =	vor.u32 s11, v4;
	vm0 =	vge.f32 v28, $-9.000000000e+02;
	vm1 =	vge.f32 v28, $-4.000000000e+02  }
0x649: {  	v2 =	vsel vm0, $0x2, v62;
	v27 =	vsel vm1, $0x1, v3;
	vm0 =	vge.f32 v28, $-1.000000000e+02  }
0x64a: {  	v2 =	vadd.s32 v27, v2;
	v27 =	vsel vm0, $0x1, v3;
	vm0 =	vge.f32 v28, $-5.000000000e+01  }
0x64b: {  	v2 =	vadd.s32 v27, v2;
	v27 =	vsel vm0, $0x1, v3;
	vm0 =	vge.f32 v28, $-1.000000000e+01  }
0x64c: {  	v2 =	vadd.s32 v27, v2;
	v27 =	vsel vm0, $0x1, v3;
	vm0 =	vge.f32 v28, $2.000000000e+01  }
0x64d: {  	v2 =	vadd.s32 v27, v2;
	v27 =	vsel vm0, $0x1, v3;
	vm0 =	vge.f32 v28, $4.000000000e+01  }
0x64e: {  	v2 =	vadd.s32 v27, v2;
	v27 =	vsel vm0, $0x1, v3;
	vm0 =	vge.f32 v28, $6.000000000e+01  }
0x64f: {  	v2 =	vadd.s32 v27, v2;
	v27 =	vsel vm0, $0x1, v3;
	vm0 =	vge.f32 v28, $1.000000000e+02  }
0x650: {  	v2 =	vadd.s32 v27, v2;
	v27 =	vsel vm0, $0x1, v3;
	vm0 =	vge.f32 v28, $8.000000000e+02  }
0x651: {  	v2 =	vadd.s32 v27, v2;
	v27 =	vsel vm0, $0x1, v3;
	vm0 =	vge.f32 v28, $1.000000000e+03  }
0x652: {  	vm1 =	vge.f32 v26, $-9.000000000e+02;
	v2 =	vadd.s32 v27, v2;
	v27 =	vsel vm0, $0x1, v3  }
0x653: {  	vm2 =	vge.f32 v24, $-9.000000000e+02;
	vm0 =	vge.f32 v26, $-4.000000000e+02;
	v2 =	vadd.s32 v27, v2  }
0x654: {  	vm3 =	vge.f32 v24, $-4.000000000e+02;
	vm4 =	vge.f32 v25, $-9.000000000e+02;
	v2 =	vshll.u32 v2, $0x7  }
0x655: {  	v27 =	vsel vm1, $0x2, v62;
	v28 =	vsel vm0, $0x1, v3;
	vm0 =	vge.f32 v25, $-4.000000000e+02;
	[tilespmem:v1+s20+$0x0] =	vst.idx.msk $0xffff, v2  }
0x656: {  	v29 =	vsel vm4, $0x2, v62;
	v1 =	vsel vm2, $0x2, v62;
	v2 =	vsel vm3, $0x1, v3  }
0x657: {  	vm1 =	vge.f32 v26, $-1.000000000e+02;
	v30 =	vsel vm0, $0x1, v3;
	vm2 =	vge.f32 v24, $-1.000000000e+02  }
0x658: {  	v27 =	vadd.s32 v28, v27;
	vm0 =	vge.f32 v25, $-1.000000000e+02;
	v1 =	vadd.s32 v2, v1  }
0x659: {  	v29 =	vadd.s32 v30, v29;
	v2 =	vsel vm1, $0x1, v3;
	v28 =	vsel vm2, $0x1, v3  }
0x65a: {  	v30 =	vsel vm0, $0x1, v3;
	vm1 =	vge.f32 v26, $-5.000000000e+01;
	vm2 =	vge.f32 v24, $-5.000000000e+01  }
0x65b: {  	vm0 =	vge.f32 v25, $-5.000000000e+01;
	v2 =	vadd.s32 v2, v27;
	v1 =	vadd.s32 v28, v1  }
0x65c: {  	v29 =	vadd.s32 v30, v29;
	v27 =	vsel vm1, $0x1, v3;
	v28 =	vsel vm2, $0x1, v3  }
0x65d: {  	v30 =	vsel vm0, $0x1, v3;
	vm1 =	vge.f32 v26, $-1.000000000e+01;
	vm2 =	vge.f32 v24, $-1.000000000e+01  }
0x65e: {  	vm0 =	vge.f32 v25, $-1.000000000e+01;
	v2 =	vadd.s32 v27, v2;
	v1 =	vadd.s32 v28, v1  }
0x65f: {  	v29 =	vadd.s32 v30, v29;
	v27 =	vsel vm1, $0x1, v3;
	v28 =	vsel vm2, $0x1, v3  }
0x660: {  	v30 =	vsel vm0, $0x1, v3;
	vm1 =	vge.f32 v26, $2.000000000e+01;
	vm2 =	vge.f32 v24, $2.000000000e+01  }
0x661: {  	vm0 =	vge.f32 v25, $2.000000000e+01;
	v2 =	vadd.s32 v27, v2;
	v1 =	vadd.s32 v28, v1  }
0x662: {  	v29 =	vadd.s32 v30, v29;
	v27 =	vsel vm1, $0x1, v3;
	v28 =	vsel vm2, $0x1, v3  }
0x663: {  	v30 =	vsel vm0, $0x1, v3;
	vm1 =	vge.f32 v26, $4.000000000e+01;
	vm2 =	vge.f32 v24, $4.000000000e+01  }
0x664: {  	vm0 =	vge.f32 v25, $4.000000000e+01;
	v2 =	vadd.s32 v27, v2;
	v1 =	vadd.s32 v28, v1  }
0x665: {  	v29 =	vadd.s32 v30, v29;
	v27 =	vsel vm1, $0x1, v3;
	v28 =	vsel vm2, $0x1, v3  }
0x666: {  	v30 =	vsel vm0, $0x1, v3;
	vm1 =	vge.f32 v26, $6.000000000e+01;
	vm2 =	vge.f32 v24, $6.000000000e+01  }
0x667: {  	vm0 =	vge.f32 v25, $6.000000000e+01;
	v2 =	vadd.s32 v27, v2;
	v1 =	vadd.s32 v28, v1  }
0x668: {  	v29 =	vadd.s32 v30, v29;
	v27 =	vsel vm1, $0x1, v3;
	v28 =	vsel vm2, $0x1, v3  }
0x669: {  	v30 =	vsel vm0, $0x1, v3;
	vm1 =	vge.f32 v26, $1.000000000e+02;
	vm2 =	vge.f32 v24, $1.000000000e+02  }
0x66a: {  	vm0 =	vge.f32 v25, $1.000000000e+02;
	v2 =	vadd.s32 v27, v2;
	v1 =	vadd.s32 v28, v1  }
0x66b: {  	v29 =	vadd.s32 v30, v29;
	v27 =	vsel vm1, $0x1, v3;
	v28 =	vsel vm2, $0x1, v3  }
0x66c: {  	v30 =	vsel vm0, $0x1, v3;
	vm1 =	vge.f32 v26, $8.000000000e+02;
	vm2 =	vge.f32 v24, $8.000000000e+02  }
0x66d: {  	vm0 =	vge.f32 v25, $8.000000000e+02;
	v2 =	vadd.s32 v27, v2;
	v1 =	vadd.s32 v28, v1  }
0x66e: {  	v29 =	vadd.s32 v30, v29;
	v27 =	vsel vm1, $0x1, v3;
	v28 =	vsel vm2, $0x1, v3  }
0x66f: {  	vm1 =	vge.f32 v26, $1.000000000e+03;
	vm2 =	vge.f32 v24, $1.000000000e+03;
	v24 =	vsel vm0, $0x1, v3  }
.Ltmp28:
0x670: {  	vm0 =	vge.f32 v25, $1.000000000e+03;
	v2 =	vadd.s32 v27, v2;
	v1 =	vadd.s32 v28, v1;
	(pc) =	sbr.rel @p0 .LBB2_36-.Ltmp28, $4  }
0x671: {  	v25 =	vsel vm1, $0x1, v3;
	v26 =	vsel vm2, $0x1, v3;
	v24 =	vadd.s32 v24, v29  }
0x672: {  	v2 =	vadd.s32 v25, v2;
	v1 =	vadd.s32 v26, v1;
	v26 =	vsel vm0, $0x1, v3  }
0x673: {  	s18 =	sadd.s32 $0x2, s9;
	s11 =	sadd.s32 $0x1, s9;
	s3 =	sadd.s32 $0x200, s3;
	v2 =	vshll.u32 v2, $0x7;
	v25 =	vshll.u32 v1, $0x7;
	v1 =	vadd.s32 v26, v24  }
0x674: {  	s9 =	sadd.s32 $0x4, s9;
	v27 =	vmov s18;
	v26 =	vmov s11;
	v28 =	vld [tilespmem:s3+$0x80];
	[tilespmem:v23+s20+$0x0] =	vst.idx.msk $0xffff, v2;
	v23 =	vshll.u32 v1, $0x7  }
0x675: {  	v22 =	vbroadcast v22, $0x0;
	v26 =	vand.u32 $0x7D, v26;
	v27 =	vand.u32 $0x7E, v27  }
0x676: {  	s28 =	sadd.s32 $0x3, s17;
	v26 =	vbroadcast v26, $0x0;
	v27 =	vbroadcast v27, $0x0  }
0x677: {  	v24 =	vld [tilespmem:s3+$0xFFFFFF00];
	v58 =	vor.u32 s28, v4  }
0x678: {  	v29 =	vld [tilespmem:s3+$0xFFFFFF80];
	v22 =	vor.u32 v4, v22;
	v26 =	vor.u32 v4, v26;
	v27 =	vor.u32 v4, v27  }
0x679: {  	v30 =	vld [tilespmem:s3+$0x0];
	vm0 =	vge.f32 v28, $-9.000000000e+02;
	vm1 =	vge.f32 v28, $-4.000000000e+02;
	vm13 =	vge.f32 v28, $-1.000000000e+02  }
0x67a: {  	vm14 =	vge.f32 v28, $-5.000000000e+01;
	vm15 =	vge.f32 v28, $-1.000000000e+01;
	vm4 =	vge.f32 v28, $2.000000000e+01  }
0x67b: {  	vm5 =	vge.f32 v28, $4.000000000e+01;
	vm6 =	vge.f32 v28, $6.000000000e+01;
	vm7 =	vge.f32 v28, $1.000000000e+02  }
0x67c: {  	vm8 =	vge.f32 v28, $8.000000000e+02;
	vm9 =	vge.f32 v28, $1.000000000e+03;
	v1 =	vsel vm0, $0x2, v62  }
0x67d: {  	v2 =	vsel vm1, $0x1, v3;
	vm10 =	vge.f32 v24, $-9.000000000e+02;
	vm11 =	vge.f32 v24, $-4.000000000e+02  }
0x67e: {  	vm2 =	vge.f32 v29, $-9.000000000e+02;
	vm3 =	vge.f32 v29, $-4.000000000e+02;
	vm12 =	vge.f32 v30, $-4.000000000e+02  }
0x67f: {  	v1 =	vadd.s32 v2, v1;
	v2 =	vsel vm13, $0x1, v3;
	v60 =	vsel vm11, $0x1, v3  }
0x680: {  	v31 =	vsel vm2, $0x2, v62;
	v32 =	vsel vm3, $0x1, v3;
	vm13 =	vge.f32 v24, $-1.000000000e+02  }
0x681: {  	v35 =	vsel vm12, $0x1, v3;
	vm11 =	vge.f32 v29, $2.000000000e+01;
	vm12 =	vge.f32 v30, $2.000000000e+01  }
0x682: {  	v1 =	vadd.s32 v2, v1;
	v2 =	vsel vm14, $0x1, v3;
	v61 =	vadd.s32 v32, v31  }
0x683: {  	vm14 =	vge.f32 v29, $-1.000000000e+02;
	v36 =	vsel vm13, $0x1, v3;
	v46 =	vsel vm11, $0x1, v3  }
0x684: {  	vm13 =	vge.f32 v24, $4.000000000e+01;
	v47 =	vsel vm12, $0x1, v3;
	vm11 =	vge.f32 v24, $1.000000000e+03  }
0x685: {  	vm12 =	vge.f32 v29, $8.000000000e+02;
	v1 =	vadd.s32 v2, v1;
	v2 =	vsel vm15, $0x1, v3  }
0x686: {  	vm15 =	vge.f32 v30, $-1.000000000e+02;
	v37 =	vsel vm14, $0x1, v3;
	vm14 =	vge.f32 v29, $4.000000000e+01  }
0x687: {  	v48 =	vsel vm13, $0x1, v3;
	vm13 =	vge.f32 v29, $1.000000000e+03;
	v59 =	vsel vm12, $0x1, v3  }
0x688: {  	v1 =	vadd.s32 v2, v1;
	v2 =	vsel vm4, $0x1, v3;
	vm4 =	vge.f32 v30, $-9.000000000e+02  }
0x689: {  	v28 =	vadd.s32 v37, v61;
	v38 =	vsel vm15, $0x1, v3;
	vm15 =	vge.f32 v30, $4.000000000e+01  }
0x68a: {  	v49 =	vsel vm14, $0x1, v3;
	vm14 =	vge.f32 v30, $8.000000000e+02;
	v61 =	vsel vm11, $0x1, v3  }
0x68b: {  	[tilespmem:v20+s20+$0x0] =	vst.idx.msk $0xffff, v23;
	v20 =	vsel vm13, $0x1, v3;
	v1 =	vadd.s32 v2, v1;
	v2 =	vsel vm5, $0x1, v3  }
0x68c: {  	v33 =	vsel vm4, $0x2, v62;
	vm4 =	vge.f32 v24, $-5.000000000e+01;
	vm5 =	vge.f32 v29, $-5.000000000e+01  }
0x68d: {  	v50 =	vsel vm15, $0x1, v3;
	vm15 =	vge.f32 v30, $1.000000000e+03;
	v1 =	vadd.s32 v2, v1  }
0x68e: {  	v2 =	vsel vm6, $0x1, v3;
	v31 =	vadd.s32 v35, v33;
	vm6 =	vge.f32 v30, $-5.000000000e+01  }
0x68f: {  	v39 =	vsel vm4, $0x1, v3;
	v40 =	vsel vm5, $0x1, v3;
	vm4 =	vge.f32 v24, $6.000000000e+01  }
0x690: {  	vm5 =	vge.f32 v29, $6.000000000e+01;
	v1 =	vadd.s32 v2, v1;
	v2 =	vsel vm7, $0x1, v3  }
0x691: {  	v31 =	vadd.s32 v38, v31;
	vm7 =	vge.f32 v24, $-1.000000000e+01;
	v28 =	vadd.s32 v40, v28  }
0x692: {  	v41 =	vsel vm6, $0x1, v3;
	vm6 =	vge.f32 v30, $6.000000000e+01;
	v51 =	vsel vm4, $0x1, v3  }
0x693: {  	v52 =	vsel vm5, $0x1, v3;
	v1 =	vadd.s32 v2, v1;
	v2 =	vsel vm8, $0x1, v3  }
0x694: {  	vm8 =	vge.f32 v29, $-1.000000000e+01;
	v31 =	vadd.s32 v41, v31;
	v42 =	vsel vm7, $0x1, v3  }
0x695: {  	vm7 =	vge.f32 v24, $1.000000000e+02;
	v53 =	vsel vm6, $0x1, v3;
	v1 =	vadd.s32 v2, v1  }
0x696: {  	v2 =	vsel vm9, $0x1, v3;
	vm9 =	vge.f32 v30, $-1.000000000e+01;
	v43 =	vsel vm8, $0x1, v3  }
0x697: {  	vm8 =	vge.f32 v29, $1.000000000e+02;
	v54 =	vsel vm7, $0x1, v3;
	v1 =	vadd.s32 v2, v1  }
0x698: {  	v2 =	vsel vm10, $0x2, v62;
	vm10 =	vge.f32 v24, $2.000000000e+01;
	v28 =	vadd.s32 v43, v28  }
0x699: {  	v44 =	vsel vm9, $0x1, v3;
	vm9 =	vge.f32 v30, $1.000000000e+02;
	v55 =	vsel vm8, $0x1, v3  }
0x69a: {  	v2 =	vadd.s32 v60, v2;
	v31 =	vadd.s32 v44, v31;
	v45 =	vsel vm10, $0x1, v3  }
0x69b: {  	v28 =	vadd.s32 v46, v28;
	v56 =	vsel vm9, $0x1, v3;
	v2 =	vadd.s32 v36, v2  }
0x69c: {  	vm10 =	vge.f32 v24, $8.000000000e+02;
	v1 =	vshll.u32 v1, $0x7;
	v2 =	vadd.s32 v39, v2  }
0x69d: {  	[tilespmem:v21+s20+$0x0] =	vst.idx.msk $0xffff, v25;
	v60 =	vsel vm14, $0x1, v3;
	v31 =	vadd.s32 v47, v31;
	v2 =	vadd.s32 v42, v2  }
0x69e: {  	v28 =	vadd.s32 v49, v28;
	v57 =	vsel vm10, $0x1, v3;
	[tilespmem:v58+s20+$0x0] =	vst.idx.msk $0xffff, v1;
	v2 =	vadd.s32 v45, v2  }
0x69f: {  	v31 =	vadd.s32 v50, v31;
	v28 =	vadd.s32 v52, v28;
	v2 =	vadd.s32 v48, v2  }
0x6a0: {  	v31 =	vadd.s32 v53, v31;
	v28 =	vadd.s32 v55, v28;
	v2 =	vadd.s32 v51, v2  }
0x6a1: {  	v31 =	vadd.s32 v56, v31;
	v28 =	vadd.s32 v59, v28;
	v2 =	vadd.s32 v54, v2  }
0x6a2: {  	s18 =	sand.u32 $0x1, s16;
	v21 =	vadd.s32 v60, v31;
	v1 =	vadd.s32 v20, v28;
	v2 =	vadd.s32 v57, v2  }
0x6a3: {  	p0 =	seq.s32 s18, $0x1;
	v20 =	vsel vm15, $0x1, v3;
	v1 =	vshll.u32 v1, $0x7;
	v2 =	vadd.s32 v61, v2  }
.Ltmp29:
0x6a4: {  	v20 =	vadd.s32 v20, v21;
	[tilespmem:v26+s20+$0x0] =	vst.idx.msk $0xffff, v1;
	v2 =	vshll.u32 v2, $0x7;
	(pc) =	sbr.rel @p0 .LBB2_41-.Ltmp29, $4  }
0x6a5: {  	[tilespmem:v22+s20+$0x0] =	vst.idx.msk $0xffff, v2;
	v2 =	vshll.u32 v20, $0x7  }
0x6a6: {  	s29 =	sadd.s32 s7, s16;
	[tilespmem:v27+s20+$0x0] =	vst.idx.msk $0xffff, v2  }
0x6a7: {  	s3 =	sshll.u32 s29, $0x7;
	s9 =	rddreg [dreg:$0xa]  }
0x6a8: {  	s17 =	sadd.s32 s3, s9  }
0x6a9: {  	s3 =	simm.s32 $0x0  }
0x6aa: {  	s9 =	simm.s32 $0x0;
	s3 =	sand.u32 $0x1E00, s3  }
0x6ab: {  	_ =	swait.ge [sflag:s13], $0x4000;
	s11 =	sand.u32 $0x4, s9;
	s3 =	sshrl.u32 s3, $0x2  }
0x6ac: {  	[sflag:s13] =	ssyncset.done $0x0;
	s22 =	sshll.u32 s11, $0x4;
	s3 =	sor.u32 $0x8000, s3  }
0x6ad: {  	[sflag:s13] =	ssyncadd.s32 $0xFFFFC000;
	s22 =	sor.u32 s22, s3  }
0x6ae: {  	s29 =	sor.u32 $0x2, s11;
	v21 =	vld [tilespmem:s22+$0x0]  }
0x6af: {  	s24 =	sor.u32 $0x3, s11;
	s23 =	sshll.u32 s29, $0x4  }
0x6b0: {  	s30 =	sor.u32 $0x1, s11;
	s25 =	sshll.u32 s24, $0x4;
	s23 =	sor.u32 s23, s3  }
0x6b1: {  	s26 =	sshll.u32 s30, $0x4;
	s25 =	sor.u32 s25, s3;
	v27 =	vld [tilespmem:s23+$0x0]  }
0x6b2: {  	s3 =	sor.u32 s26, s3;
	v24 =	vld [tilespmem:s25+$0x0]  }
0x6b3: {  	v23 =	vld [tilespmem:s3+$0x0];
	v1 =	vadd.s32 v0, v21  }
0x6b4: {  	s11 =	sshll.u32 s11, $0x1  }
0x6b5: {  	v2 =	vmov s11  }
0x6b6: {  	s9 =	sand.u32 $0x78, s9;
	v2 =	vshll.u32 v2, $0xB;
	v25 =	vadd.s32 v0, v27  }
0x6b7: {  	v22 =	vor.u32 s9, v63;
	s11 =	sshll.u32 s29, $0x1;
	v2 =	vor.u32 v5, v2;
	v29 =	vadd.s32 v0, v24  }
0x6b8: {  	v20 =	vmov s11;
	s22 =	sshll.u32 s24, $0x1;
	v26 =	vor.u32 v2, v22;
	v31 =	vadd.s32 v0, v23;
	v1 =	vld.idx.msk [tilespmem:v1+s14+$0x0], $0xffff  }
0x6b9: {  	v20 =	vshll.u32 v20, $0xB;
	v30 =	vmov s22;
	v28 =	vadd.s32 v6, v21  }
0x6ba: {  	s23 =	sshll.u32 s30, $0x1;
	v32 =	vor.u32 v5, v20;
	v30 =	vshll.u32 v30, $0xB  }
0x6bb: {  	v20 =	vor.u32 s9, v2;
	v30 =	vor.u32 v5, v30;
	v2 =	vld.idx.msk [tilespmem:v25+s14+$0x0], $0xffff;
	v25 =	vmov s23  }
0x6bc: {  	v35 =	vor.u32 v30, v22;
	v36 =	vadd.s32 v6, v24;
	v29 =	vld.idx.msk [tilespmem:v29+s14+$0x0], $0xffff;
	v25 =	vshll.u32 v25, $0xB  }
0x6bd: {  	v31 =	vld.idx.msk [tilespmem:v31+s14+$0x0], $0xffff;
	v25 =	vor.u32 v5, v25;
	[tilespmem:v26+s5+$0x0] =	vst.idx.msk $0xffff, v1;
	v1 =	vor.u32 v32, v22  }
0x6be: {  	v37 =	vor.u32 v25, v22;
	v26 =	vld.idx.msk [tilespmem:v28+s14+$0x0], $0xffff;
	v28 =	vadd.s32 v6, v27  }
0x6bf: {  	v33 =	vor.u32 v7, v20  }
0x6c0: {  	v34 =	vadd.s32 v8, v21  }
0x6c1: {  	s24 =	simm.s32 $0x100;
	v22 =	vor.u32 s9, v32;
	v32 =	vor.u32 s9, v30;
	[tilespmem:v35+s5+$0x0] =	vst.idx.msk $0xffff, v29  }
0x6c2: {  	s3 =	simm.s32 $0x4;
	s11 =	sand.u32 $0x1E00, s24;
	v30 =	vld.idx.msk [tilespmem:v36+s14+$0x0], $0xffff;
	v53 =	vor.u32 v7, v32;
	[tilespmem:v1+s5+$0x0] =	vst.idx.msk $0xffff, v2;
	v1 =	vadd.s32 v6, v23  }
0x6c3: {  	s22 =	sand.u32 $0x4, s3;
	s11 =	sshrl.u32 s11, $0x2;
	[tilespmem:v37+s5+$0x0] =	vst.idx.msk $0xffff, v31;
	v31 =	vadd.s32 v8, v24;
	v2 =	vld.idx.msk [tilespmem:v28+s14+$0x0], $0xffff;
	v28 =	vor.u32 v7, v22  }
0x6c4: {  	s25 =	sshll.u32 s22, $0x4;
	s11 =	sor.u32 $0x8000, s11;
	[tilespmem:v33+s5+$0x0] =	vst.idx.msk $0xffff, v26  }
0x6c5: {  	s26 =	sor.u32 $0x3, s22;
	v39 =	vadd.s32 v8, v27;
	v26 =	vor.u32 s9, v25;
	s9 =	sor.u32 s25, s11;
	v33 =	vld.idx.msk [tilespmem:v34+s14+$0x0], $0xffff  }
0x6c6: {  	v38 =	vor.u32 v9, v20;
	v41 =	vor.u32 v11, v20;
	s28 =	sshll.u32 s26, $0x4;
	v58 =	vadd.s32 v10, v27;
	s23 =	sor.u32 $0x2, s22;
	v25 =	vld [tilespmem:s9+$0x0]  }
0x6c7: {  	s24 =	sor.u32 s28, s11;
	v47 =	vadd.s32 v10, v24;
	s28 =	sshll.u32 s23, $0x4;
	[tilespmem:v53+s5+$0x0] =	vst.idx.msk $0xffff, v30;
	v54 =	vor.u32 v7, v26;
	v1 =	vld.idx.msk [tilespmem:v1+s14+$0x0], $0xffff  }
0x6c8: {  	v59 =	vadd.s32 v10, v23;
	s30 =	sshll.u32 s23, $0x1;
	s23 =	sor.u32 s28, s11;
	v42 =	vld.idx.msk [tilespmem:v31+s14+$0x0], $0xffff;
	[tilespmem:v28+s5+$0x0] =	vst.idx.msk $0xffff, v2;
	v2 =	vadd.s32 v8, v23  }
0x6c9: {  	v48 =	vadd.s32 v12, v21;
	v51 =	vadd.s32 v14, v21;
	v52 =	vadd.s32 v12, v24;
	v31 =	vld [tilespmem:s23+$0x0]  }
0x6ca: {  	v29 =	vadd.s32 v10, v21;
	v36 =	vadd.s32 v16, v24;
	v56 =	vor.u32 v9, v22;
	v55 =	vld.idx.msk [tilespmem:v39+s14+$0x0], $0xffff  }
0x6cb: {  	s29 =	sshll.u32 s22, $0x1;
	s22 =	sor.u32 $0x1, s22;
	v49 =	vor.u32 v11, v22;
	v30 =	vmov s30;
	v34 =	vor.u32 v15, v26;
	v28 =	vld [tilespmem:s24+$0x0]  }
0x6cc: {  	s30 =	sshll.u32 s22, $0x4;
	s9 =	sshll.u32 s26, $0x1;
	v37 =	vshll.u32 v30, $0xB;
	v43 =	vadd.s32 v0, v25;
	[tilespmem:v54+s5+$0x0] =	vst.idx.msk $0xffff, v1;
	v1 =	vor.u32 v9, v32  }
0x6cd: {  	v44 =	vor.u32 v9, v26;
	s11 =	sor.u32 s30, s11;
	v57 =	vmov s9;
	v37 =	vor.u32 v5, v37;
	v2 =	vld.idx.msk [tilespmem:v2+s14+$0x0], $0xffff  }
0x6ce: {  	[tilespmem:v38+s5+$0x0] =	vst.idx.msk $0xffff, v33;
	v39 =	vshll.u32 v57, $0xB;
	v33 =	vld [tilespmem:s11+$0x0];
	v53 =	vadd.s32 v6, v25;
	v50 =	vadd.s32 v0, v31  }
0x6cf: {  	v57 =	vor.u32 v13, v22;
	v40 =	vld.idx.msk [tilespmem:v29+s14+$0x0], $0xffff;
	v29 =	vmov s29;
	v45 =	vor.u32 v5, v39;
	[tilespmem:v56+s5+$0x0] =	vst.idx.msk $0xffff, v55  }
0x6d0: {  	v39 =	vadd.s32 v16, v21;
	v29 =	vshll.u32 v29, $0xB;
	v61 =	vadd.s32 v0, v28;
	v35 =	vld.idx.msk [tilespmem:v58+s14+$0x0], $0xffff  }
0x6d1: {  	s29 =	sand.u32 $0x78, s3;
	v46 =	vor.u32 v5, v29;
	[tilespmem:v1+s5+$0x0] =	vst.idx.msk $0xffff, v42;
	v42 =	vld.idx.msk [tilespmem:v43+s14+$0x0], $0xffff;
	v43 =	vadd.s32 v12, v27  }
0x6d2: {  	v29 =	vor.u32 s29, v45;
	[tilespmem:v44+s5+$0x0] =	vst.idx.msk $0xffff, v2;
	v2 =	vld.idx.msk [tilespmem:v47+s14+$0x0], $0xffff;
	v44 =	vor.u32 v11, v32;
	v47 =	vor.u32 s29, v63  }
0x6d3: {  	s22 =	sshll.u32 s22, $0x1;
	v54 =	vor.u32 v11, v26;
	v30 =	vor.u32 s29, v46;
	v50 =	vld.idx.msk [tilespmem:v50+s14+$0x0], $0xffff;
	v46 =	vor.u32 v46, v47  }
0x6d4: {  	v60 =	vmov s22;
	v56 =	vadd.s32 v14, v24;
	v55 =	vadd.s32 v0, v33;
	[tilespmem:v41+s5+$0x0] =	vst.idx.msk $0xffff, v40;
	v38 =	vld.idx.msk [tilespmem:v59+s14+$0x0], $0xffff  }
0x6d5: {  	v40 =	vshll.u32 v60, $0xB;
	v41 =	vld.idx.msk [tilespmem:v61+s14+$0x0], $0xffff;
	v61 =	vadd.s32 v12, v23;
	v60 =	vor.u32 v45, v47  }
0x6d6: {  	v58 =	vadd.s32 v14, v27;
	v48 =	vld.idx.msk [tilespmem:v48+s14+$0x0], $0xffff;
	[tilespmem:v49+s5+$0x0] =	vst.idx.msk $0xffff, v35;
	v49 =	vor.u32 v13, v20  }
0x6d7: {  	v1 =	vor.u32 v13, v32;
	v59 =	vadd.s32 v6, v28;
	v43 =	vld.idx.msk [tilespmem:v43+s14+$0x0], $0xffff;
	[tilespmem:v44+s5+$0x0] =	vst.idx.msk $0xffff, v2  }
0x6d8: {  	v45 =	vadd.s32 v8, v25;
	[tilespmem:v46+s5+$0x0] =	vst.idx.msk $0xffff, v42;
	v42 =	vor.u32 v37, v47;
	v44 =	vld.idx.msk [tilespmem:v52+s14+$0x0], $0xffff  }
0x6d9: {  	v2 =	vadd.s32 v14, v23;
	v52 =	vadd.s32 v6, v31;
	[tilespmem:v54+s5+$0x0] =	vst.idx.msk $0xffff, v38;
	v46 =	vld.idx.msk [tilespmem:v53+s14+$0x0], $0xffff  }
0x6da: {  	v54 =	vor.u32 v13, v26;
	[tilespmem:v60+s5+$0x0] =	vst.idx.msk $0xffff, v41;
	v53 =	vor.u32 v7, v30;
	v60 =	vld.idx.msk [tilespmem:v61+s14+$0x0], $0xffff  }
0x6db: {  	v38 =	vor.u32 s29, v37;
	v61 =	vld.idx.msk [tilespmem:v55+s14+$0x0], $0xffff;
	v55 =	vor.u32 v5, v40;
	[tilespmem:v49+s5+$0x0] =	vst.idx.msk $0xffff, v48  }
0x6dc: {  	v37 =	vadd.s32 v16, v28;
	v40 =	vor.u32 v55, v47;
	v47 =	vld.idx.msk [tilespmem:v51+s14+$0x0], $0xffff;
	[tilespmem:v57+s5+$0x0] =	vst.idx.msk $0xffff, v43  }
0x6dd: {  	v49 =	vor.u32 v15, v20;
	v57 =	vld.idx.msk [tilespmem:v58+s14+$0x0], $0xffff;
	v58 =	vor.u32 v15, v22;
	[tilespmem:v42+s5+$0x0] =	vst.idx.msk $0xffff, v50  }
0x6de: {  	v35 =	vor.u32 s29, v55;
	v51 =	vld.idx.msk [tilespmem:v59+s14+$0x0], $0xffff;
	v43 =	vadd.s32 v16, v27;
	[tilespmem:v1+s5+$0x0] =	vst.idx.msk $0xffff, v44  }
0x6df: {  	v55 =	vadd.s32 v6, v33;
	v50 =	vld.idx.msk [tilespmem:v52+s14+$0x0], $0xffff;
	[tilespmem:v53+s5+$0x0] =	vst.idx.msk $0xffff, v46;
	v53 =	vor.u32 v7, v38  }
0x6e0: {  	v48 =	vor.u32 v9, v30;
	v52 =	vor.u32 v7, v29;
	[tilespmem:v54+s5+$0x0] =	vst.idx.msk $0xffff, v60;
	v44 =	vld.idx.msk [tilespmem:v56+s14+$0x0], $0xffff  }
0x6e1: {  	v41 =	vor.u32 v15, v35;
	v54 =	vadd.s32 v8, v31;
	v45 =	vld.idx.msk [tilespmem:v45+s14+$0x0], $0xffff;
	[tilespmem:v40+s5+$0x0] =	vst.idx.msk $0xffff, v61  }
0x6e2: {  	s9 =	simm.s32 $0x200;
	v46 =	vor.u32 v15, v32;
	v42 =	vld.idx.msk [tilespmem:v2+s14+$0x0], $0xffff;
	v40 =	vor.u32 v19, v32;
	[tilespmem:v58+s5+$0x0] =	vst.idx.msk $0xffff, v57  }
.LBB2_39:
0x6e3: {  	s3 =	sadd.s32 $0x4, s3;
	s11 =	sand.u32 $0x1E00, s9;
	[tilespmem:v49+s5+$0x0] =	vst.idx.msk $0xffff, v47;
	v1 =	vadd.s32 v18, v21;
	v2 =	vld.idx.msk [tilespmem:v43+s14+$0x0], $0xffff;
	v43 =	vor.u32 v17, v32  }
0x6e4: {  	v32 =	vadd.s32 v10, v25;
	v49 =	vor.u32 v17, v22;
	s23 =	sand.u32 $0x4, s3;
	s22 =	sshrl.u32 s11, $0x2;
	s11 =	sand.u32 $0x78, s3;
	v47 =	vld.idx.msk [tilespmem:v55+s14+$0x0], $0xffff;
	[tilespmem:v53+s5+$0x0] =	vst.idx.msk $0xffff, v50  }
0x6e5: {  	v50 =	vadd.s32 v16, v23;
	s24 =	sor.u32 $0x8000, s22;
	s22 =	sshll.u32 s23, $0x4;
	s25 =	sor.u32 $0x1, s23;
	[tilespmem:v52+s5+$0x0] =	vst.idx.msk $0xffff, v51;
	v39 =	vld.idx.msk [tilespmem:v39+s14+$0x0], $0xffff;
	v51 =	vadd.s32 v18, v24  }
0x6e6: {  	v27 =	vadd.s32 v18, v27;
	s28 =	sor.u32 $0x2, s23;
	s26 =	sor.u32 s22, s24;
	s22 =	sshll.u32 s25, $0x4;
	[tilespmem:v48+s5+$0x0] =	vst.idx.msk $0xffff, v45;
	v45 =	vld.idx.msk [tilespmem:v54+s14+$0x0], $0xffff;
	v48 =	vor.u32 v17, v20  }
0x6e7: {  	v21 =	vmov v25;
	v53 =	vadd.s32 v18, v23;
	s30 =	sor.u32 $0x3, s23;
	v52 =	vor.u32 v17, v26;
	s29 =	sshll.u32 s28, $0x4;
	s22 =	sor.u32 s22, s24;
	[tilespmem:v46+s5+$0x0] =	vst.idx.msk $0xffff, v44;
	v25 =	vld [tilespmem:s26+$0x0]  }
0x6e8: {  	s26 =	sor.u32 s29, s24;
	s29 =	sshll.u32 s30, $0x4;
	s30 =	sshll.u32 s30, $0x1;
	v44 =	vor.u32 v9, v38;
	v46 =	vadd.s32 v8, v28;
	[tilespmem:v34+s5+$0x0] =	vst.idx.msk $0xffff, v42;
	v36 =	vld.idx.msk [tilespmem:v36+s14+$0x0], $0xffff  }
0x6e9: {  	v55 =	vadd.s32 v8, v33;
	s23 =	sshll.u32 s23, $0x1;
	s28 =	sshll.u32 s28, $0x1;
	v54 =	vor.u32 v7, v35;
	s24 =	sor.u32 s29, s24;
	v23 =	vmov s30;
	v42 =	vld.idx.msk [tilespmem:v32+s14+$0x0], $0xffff;
	[tilespmem:v49+s5+$0x0] =	vst.idx.msk $0xffff, v2  }
0x6ea: {  	p0 =	slt.u32 s3, $0x7C;
	v24 =	vmovc v28;
	v34 =	vmov s28;
	v2 =	vmov s23;
	s23 =	sshll.u32 s25, $0x1;
	v57 =	vshll.u32 v23, $0xB;
	v32 =	vmovc v29;
	v49 =	vld.idx.msk [tilespmem:v50+s14+$0x0], $0xffff  }
0x6eb: {  	v2 =	vshll.u32 v2, $0xB;
	v50 =	vshll.u32 v34, $0xB;
	v56 =	vor.u32 v5, v57;
	[tilespmem:v48+s5+$0x0] =	vst.idx.msk $0xffff, v39;
	v48 =	vld.idx.msk [tilespmem:v27+s14+$0x0], $0xffff  }
0x6ec: {  	v28 =	vmov s23;
	v2 =	vor.u32 v5, v2;
	v29 =	vor.u32 s11, v56;
	v27 =	vmovc v31;
	v23 =	vmovc v33;
	v1 =	vld.idx.msk [tilespmem:v1+s14+$0x0], $0xffff  }
0x6ed: {  	v58 =	vshll.u32 v28, $0xB;
	v33 =	vor.u32 v19, v22;
	v22 =	vmovc v38;
	v34 =	vmovc v41;
	v57 =	vor.u32 s11, v2;
	v28 =	vld [tilespmem:s24+$0x0]  }
0x6ee: {  	v38 =	vadd.s32 v10, v27;
	v41 =	vld.idx.msk [tilespmem:v46+s14+$0x0], $0xffff;
	v46 =	vor.u32 v19, v20;
	[tilespmem:v43+s5+$0x0] =	vst.idx.msk $0xffff, v36  }
0x6ef: {  	v39 =	vadd.s32 v16, v21;
	v36 =	vor.u32 v11, v30;
	v20 =	vmov v30;
	v31 =	vld [tilespmem:s26+$0x0];
	[tilespmem:v54+s5+$0x0] =	vst.idx.msk $0xffff, v47  }
0x6f0: {  	v43 =	vadd.s32 v0, v25;
	v54 =	vor.u32 v9, v32;
	v47 =	vld.idx.msk [tilespmem:v55+s14+$0x0], $0xffff;
	[tilespmem:v52+s5+$0x0] =	vst.idx.msk $0xffff, v49  }
0x6f1: {  	v49 =	vor.u32 v9, v35;
	[tilespmem:v44+s5+$0x0] =	vst.idx.msk $0xffff, v45;
	v44 =	vadd.s32 v10, v24;
	v45 =	vld.idx.msk [tilespmem:v51+s14+$0x0], $0xffff  }
0x6f2: {  	v51 =	vadd.s32 v10, v23;
	v52 =	vld.idx.msk [tilespmem:v53+s14+$0x0], $0xffff;
	v53 =	vor.u32 v19, v26;
	[tilespmem:v33+s5+$0x0] =	vst.idx.msk $0xffff, v48  }
0x6f3: {  	v55 =	vor.u32 v13, v32;
	v48 =	vadd.s32 v12, v21;
	v38 =	vld.idx.msk [tilespmem:v38+s14+$0x0], $0xffff;
	[tilespmem:v46+s5+$0x0] =	vst.idx.msk $0xffff, v1  }
0x6f4: {  	v30 =	vmov v57;
	v1 =	vadd.s32 v0, v28;
	v33 =	vld [tilespmem:s22+$0x0];
	[tilespmem:v36+s5+$0x0] =	vst.idx.msk $0xffff, v42;
	v36 =	vor.u32 v11, v22  }
0x6f5: {  	v46 =	vadd.s32 v12, v27;
	v42 =	vld.idx.msk [tilespmem:v43+s14+$0x0], $0xffff;
	v43 =	vadd.s32 v14, v21;
	[tilespmem:v54+s5+$0x0] =	vst.idx.msk $0xffff, v41  }
0x6f6: {  	v57 =	vadd.s32 v14, v24;
	[tilespmem:v49+s5+$0x0] =	vst.idx.msk $0xffff, v47;
	v41 =	vld.idx.msk [tilespmem:v44+s14+$0x0], $0xffff;
	v44 =	vor.u32 v11, v32  }
0x6f7: {  	v26 =	vmov v35;
	v47 =	vor.u32 s11, v63;
	v49 =	vadd.s32 v0, v31;
	v51 =	vld.idx.msk [tilespmem:v51+s14+$0x0], $0xffff;
	[tilespmem:v40+s5+$0x0] =	vst.idx.msk $0xffff, v45  }
0x6f8: {  	v35 =	vadd.s32 v12, v24;
	v2 =	vor.u32 v2, v47;
	v40 =	vld.idx.msk [tilespmem:v48+s14+$0x0], $0xffff;
	[tilespmem:v53+s5+$0x0] =	vst.idx.msk $0xffff, v52  }
0x6f9: {  	v45 =	vadd.s32 v6, v25;
	v48 =	vor.u32 v11, v26;
	v1 =	vld.idx.msk [tilespmem:v1+s14+$0x0], $0xffff;
	[tilespmem:v36+s5+$0x0] =	vst.idx.msk $0xffff, v38  }
0x6fa: {  	v54 =	vadd.s32 v12, v23;
	v52 =	vor.u32 v56, v47;
	v53 =	vor.u32 v13, v20;
	v46 =	vld.idx.msk [tilespmem:v46+s14+$0x0], $0xffff  }
0x6fb: {  	v59 =	vadd.s32 v14, v23;
	v60 =	vor.u32 v13, v22;
	v56 =	vadd.s32 v0, v33;
	v36 =	vmovc v37  }
0x6fc: {  	v38 =	vor.u32 v5, v50;
	v37 =	vld.idx.msk [tilespmem:v49+s14+$0x0], $0xffff;
	v49 =	vadd.s32 v14, v27;
	[tilespmem:v44+s5+$0x0] =	vst.idx.msk $0xffff, v41  }
0x6fd: {  	[tilespmem:v2+s5+$0x0] =	vst.idx.msk $0xffff, v42;
	v2 =	vor.u32 v38, v47;
	v38 =	vor.u32 s11, v38;
	v42 =	vld.idx.msk [tilespmem:v35+s14+$0x0], $0xffff  }
0x6fe: {  	v44 =	vld.idx.msk [tilespmem:v45+s14+$0x0], $0xffff;
	v45 =	vadd.s32 v6, v31;
	[tilespmem:v48+s5+$0x0] =	vst.idx.msk $0xffff, v51;
	v48 =	vor.u32 v13, v26  }
0x6ff: {  	v51 =	vor.u32 v7, v30;
	[tilespmem:v52+s5+$0x0] =	vst.idx.msk $0xffff, v1;
	v1 =	vadd.s32 v6, v28;
	v54 =	vld.idx.msk [tilespmem:v54+s14+$0x0], $0xffff  }
0x700: {  	v35 =	vor.u32 v5, v58;
	v52 =	vadd.s32 v8, v25;
	v56 =	vld.idx.msk [tilespmem:v56+s14+$0x0], $0xffff;
	[tilespmem:v60+s5+$0x0] =	vst.idx.msk $0xffff, v46  }
0x701: {  	v46 =	vor.u32 v35, v47;
	v35 =	vor.u32 s11, v35;
	[tilespmem:v53+s5+$0x0] =	vst.idx.msk $0xffff, v40;
	v40 =	vld.idx.msk [tilespmem:v49+s14+$0x0], $0xffff  }
0x702: {  	v41 =	vor.u32 v15, v35;
	[tilespmem:v2+s5+$0x0] =	vst.idx.msk $0xffff, v37;
	v47 =	vld.idx.msk [tilespmem:v43+s14+$0x0], $0xffff;
	v2 =	vor.u32 v15, v22  }
.Ltmp30:
0x703: {  	v49 =	vor.u32 v15, v20;
	v43 =	vadd.s32 v16, v27;
	v50 =	vld.idx.msk [tilespmem:v45+s14+$0x0], $0xffff;
	[tilespmem:v55+s5+$0x0] =	vst.idx.msk $0xffff, v42;
	(pc) =	sbr.rel @p0 .LBB2_39-.Ltmp30, $4  }
0x704: {  	v53 =	vor.u32 v7, v38;
	v55 =	vadd.s32 v6, v33;
	[tilespmem:v51+s5+$0x0] =	vst.idx.msk $0xffff, v44;
	v51 =	vld.idx.msk [tilespmem:v1+s14+$0x0], $0xffff  }
0x705: {  	v37 =	vadd.s32 v16, v28;
	v45 =	vld.idx.msk [tilespmem:v52+s14+$0x0], $0xffff;
	v52 =	vor.u32 v7, v29;
	[tilespmem:v48+s5+$0x0] =	vst.idx.msk $0xffff, v54  }
0x706: {  	v48 =	vor.u32 v9, v30;
	v54 =	vadd.s32 v8, v31;
	[tilespmem:v46+s5+$0x0] =	vst.idx.msk $0xffff, v56;
	v44 =	vld.idx.msk [tilespmem:v57+s14+$0x0], $0xffff  }
0x707: {  	s9 =	sadd.s32 $0x100, s9;
	v46 =	vor.u32 v15, v32;
	v42 =	vld.idx.msk [tilespmem:v59+s14+$0x0], $0xffff;
	[tilespmem:v2+s5+$0x0] =	vst.idx.msk $0xffff, v40;
	v40 =	vor.u32 v19, v32  }
0x708: {  	_ =	sdelay $0x3  }
0x709: {  	v1 =	vld.idx.msk [tilespmem:v55+s14+$0x0], $0xffff;
	v2 =	vadd.s32 v8, v28;
	v61 =	vor.u32 v7, v35  }
0x70a: {  	v56 =	vadd.s32 v8, v33  }
0x70b: {  	[tilespmem:v53+s5+$0x0] =	vst.idx.msk $0xffff, v50  }
0x70c: {  	v53 =	vor.u32 v9, v38;
	v50 =	vld.idx.msk [tilespmem:v54+s14+$0x0], $0xffff  }
0x70d: {  	[tilespmem:v52+s5+$0x0] =	vst.idx.msk $0xffff, v51;
	v51 =	vadd.s32 v10, v31  }
0x70e: {  	v52 =	vadd.s32 v10, v25;
	v2 =	vld.idx.msk [tilespmem:v2+s14+$0x0], $0xffff;
	[tilespmem:v61+s5+$0x0] =	vst.idx.msk $0xffff, v1;
	v1 =	vor.u32 v9, v29  }
0x70f: {  	v55 =	vor.u32 v9, v35;
	v60 =	vadd.s32 v10, v28;
	v54 =	vld.idx.msk [tilespmem:v56+s14+$0x0], $0xffff  }
0x710: {  	[tilespmem:v49+s5+$0x0] =	vst.idx.msk $0xffff, v47;
	v61 =	vadd.s32 v10, v33  }
0x711: {  	[tilespmem:v53+s5+$0x0] =	vst.idx.msk $0xffff, v50  }
0x712: {  	[tilespmem:v48+s5+$0x0] =	vst.idx.msk $0xffff, v45;
	v48 =	vor.u32 v11, v38;
	v45 =	vld.idx.msk [tilespmem:v51+s14+$0x0], $0xffff  }
0x713: {  	v49 =	vld.idx.msk [tilespmem:v52+s14+$0x0], $0xffff;
	v50 =	vor.u32 v11, v30;
	[tilespmem:v1+s5+$0x0] =	vst.idx.msk $0xffff, v2;
	v1 =	vadd.s32 v12, v31  }
0x714: {  	v58 =	vor.u32 v11, v29;
	v2 =	vadd.s32 v12, v25;
	[tilespmem:v55+s5+$0x0] =	vst.idx.msk $0xffff, v54;
	v57 =	vld.idx.msk [tilespmem:v60+s14+$0x0], $0xffff  }
0x715: {  	v59 =	vor.u32 v11, v35;
	[tilespmem:v46+s5+$0x0] =	vst.idx.msk $0xffff, v44;
	v46 =	vadd.s32 v12, v28;
	v44 =	vld.idx.msk [tilespmem:v61+s14+$0x0], $0xffff  }
0x716: {  	v43 =	vld.idx.msk [tilespmem:v43+s14+$0x0], $0xffff;
	[tilespmem:v34+s5+$0x0] =	vst.idx.msk $0xffff, v42;
	v34 =	vadd.s32 v12, v33;
	v60 =	vor.u32 v17, v22  }
0x717: {  	v39 =	vld.idx.msk [tilespmem:v39+s14+$0x0], $0xffff;
	v61 =	vor.u32 v17, v20;
	[tilespmem:v48+s5+$0x0] =	vst.idx.msk $0xffff, v45  }
0x718: {  	[tilespmem:v50+s5+$0x0] =	vst.idx.msk $0xffff, v49;
	v45 =	vadd.s32 v16, v23;
	v48 =	vor.u32 v13, v38;
	v1 =	vld.idx.msk [tilespmem:v1+s14+$0x0], $0xffff  }
0x719: {  	v56 =	vadd.s32 v14, v31;
	v49 =	vor.u32 v13, v30;
	v2 =	vld.idx.msk [tilespmem:v2+s14+$0x0], $0xffff;
	[tilespmem:v58+s5+$0x0] =	vst.idx.msk $0xffff, v57  }
0x71a: {  	v57 =	vor.u32 v13, v29;
	v58 =	vadd.s32 v14, v25;
	v46 =	vld.idx.msk [tilespmem:v46+s14+$0x0], $0xffff;
	[tilespmem:v59+s5+$0x0] =	vst.idx.msk $0xffff, v44  }
0x71b: {  	[tilespmem:v60+s5+$0x0] =	vst.idx.msk $0xffff, v43;
	v60 =	vor.u32 v13, v35;
	v59 =	vadd.s32 v14, v28;
	v34 =	vld.idx.msk [tilespmem:v34+s14+$0x0], $0xffff  }
0x71c: {  	v32 =	vor.u32 v17, v32;
	v36 =	vld.idx.msk [tilespmem:v36+s14+$0x0], $0xffff;
	[tilespmem:v61+s5+$0x0] =	vst.idx.msk $0xffff, v39;
	v61 =	vadd.s32 v14, v33  }
0x71d: {  	v24 =	vadd.s32 v18, v24;
	v42 =	vor.u32 v17, v26;
	v45 =	vld.idx.msk [tilespmem:v45+s14+$0x0], $0xffff;
	[tilespmem:v48+s5+$0x0] =	vst.idx.msk $0xffff, v1  }
0x71e: {  	v53 =	vor.u32 v15, v38;
	v1 =	vadd.s32 v18, v21;
	[tilespmem:v49+s5+$0x0] =	vst.idx.msk $0xffff, v2;
	v2 =	vld.idx.msk [tilespmem:v56+s14+$0x0], $0xffff  }
0x71f: {  	v55 =	vor.u32 v15, v30;
	v54 =	vld.idx.msk [tilespmem:v58+s14+$0x0], $0xffff;
	v56 =	vadd.s32 v16, v31;
	[tilespmem:v57+s5+$0x0] =	vst.idx.msk $0xffff, v46  }
0x720: {  	v57 =	vadd.s32 v16, v25;
	[tilespmem:v60+s5+$0x0] =	vst.idx.msk $0xffff, v34;
	v58 =	vld.idx.msk [tilespmem:v59+s14+$0x0], $0xffff;
	v59 =	vor.u32 v15, v29  }
0x721: {  	[tilespmem:v32+s5+$0x0] =	vst.idx.msk $0xffff, v36;
	v60 =	vld.idx.msk [tilespmem:v61+s14+$0x0], $0xffff  }
0x722: {  	v24 =	vld.idx.msk [tilespmem:v24+s14+$0x0], $0xffff;
	[tilespmem:v42+s5+$0x0] =	vst.idx.msk $0xffff, v45;
	v45 =	vadd.s32 v16, v33  }
0x723: {  	v27 =	vadd.s32 v18, v27;
	v20 =	vor.u32 v19, v20;
	v1 =	vld.idx.msk [tilespmem:v1+s14+$0x0], $0xffff;
	[tilespmem:v53+s5+$0x0] =	vst.idx.msk $0xffff, v2  }
0x724: {  	v48 =	vor.u32 v17, v38;
	v2 =	vadd.s32 v18, v23;
	[tilespmem:v55+s5+$0x0] =	vst.idx.msk $0xffff, v54;
	v21 =	vld.idx.msk [tilespmem:v56+s14+$0x0], $0xffff  }
0x725: {  	v51 =	vadd.s32 v18, v31;
	v50 =	vor.u32 v17, v30;
	v49 =	vld.idx.msk [tilespmem:v57+s14+$0x0], $0xffff;
	[tilespmem:v59+s5+$0x0] =	vst.idx.msk $0xffff, v58  }
0x726: {  	v52 =	vadd.s32 v18, v25;
	v53 =	vor.u32 v17, v29;
	[tilespmem:v41+s5+$0x0] =	vst.idx.msk $0xffff, v60;
	v54 =	vld.idx.msk [tilespmem:v37+s14+$0x0], $0xffff  }
0x727: {  	[tilespmem:v40+s5+$0x0] =	vst.idx.msk $0xffff, v24;
	v55 =	vadd.s32 v18, v28;
	v56 =	vor.u32 v17, v35;
	v57 =	vld.idx.msk [tilespmem:v45+s14+$0x0], $0xffff  }
0x728: {  	v27 =	vld.idx.msk [tilespmem:v27+s14+$0x0], $0xffff;
	v61 =	vor.u32 v19, v22;
	[tilespmem:v20+s5+$0x0] =	vst.idx.msk $0xffff, v1;
	v1 =	vadd.s32 v18, v33  }
0x729: {  	v20 =	vor.u32 v19, v26;
	v2 =	vld.idx.msk [tilespmem:v2+s14+$0x0], $0xffff;
	[tilespmem:v48+s5+$0x0] =	vst.idx.msk $0xffff, v21  }
0x72a: {  	v58 =	vor.u32 v19, v38;
	[tilespmem:v50+s5+$0x0] =	vst.idx.msk $0xffff, v49;
	v21 =	vld.idx.msk [tilespmem:v51+s14+$0x0], $0xffff  }
0x72b: {  	v59 =	vor.u32 v19, v30;
	v25 =	vld.idx.msk [tilespmem:v52+s14+$0x0], $0xffff;
	[tilespmem:v53+s5+$0x0] =	vst.idx.msk $0xffff, v54  }
0x72c: {  	v60 =	vor.u32 v19, v29;
	[tilespmem:v56+s5+$0x0] =	vst.idx.msk $0xffff, v57;
	v22 =	vld.idx.msk [tilespmem:v55+s14+$0x0], $0xffff  }
0x72d: {  	[tilespmem:v61+s5+$0x0] =	vst.idx.msk $0xffff, v27;
	v61 =	vor.u32 v19, v35;
	v1 =	vld.idx.msk [tilespmem:v1+s14+$0x0], $0xffff  }
0x72e: {  	[tilespmem:v20+s5+$0x0] =	vst.idx.msk $0xffff, v2  }
0x72f: {  	[tilespmem:v58+s5+$0x0] =	vst.idx.msk $0xffff, v21  }
0x730: {  	[tilespmem:v59+s5+$0x0] =	vst.idx.msk $0xffff, v25  }
0x731: {  	[tilespmem:v60+s5+$0x0] =	vst.idx.msk $0xffff, v22  }
0x732: {  	[tilespmem:v61+s5+$0x0] =	vst.idx.msk $0xffff, v1  }
0x733: {  	[hbm4b:s17+s4] =	stream.linear.scatter [tilespmem:s5], [sflag:$0x1], $0x400, $0x38;
	[tilespmem:$0x18E80] =	vst v63  }
0x734: {  	s3 =	sadd.s32 $0x8000, s17;
	s9 =	simm.s32 $0x9000  }
0x735: {  	[hbm4b:s3+s4] =	stream.linear.scatter [tilespmem:s9], [sflag:$0x1], $0x400, $0x38;
	[tilespmem:$0x18E80] =	vst v63  }
0x736: {  	s25 =	sadd.s32 $0x10000, s17;
	s26 =	simm.s32 $0x9800  }
0x737: {  	[hbm4b:s25+s4] =	stream.linear.scatter [tilespmem:s26], [sflag:$0x1], $0x400, $0x38;
	[tilespmem:$0x18E80] =	vst v63  }
0x738: {  	s28 =	sadd.s32 $0x18000, s17;
	s29 =	simm.s32 $0xA000  }
0x739: {  	[hbm4b:s28+s4] =	stream.linear.scatter [tilespmem:s29], [sflag:$0x1], $0x400, $0x38;
	[tilespmem:$0x18E80] =	vst v63  }
0x73a: {  	s11 =	sadd.s32 $0x20000, s17;
	s22 =	simm.s32 $0xA800  }
0x73b: {  	[hbm4b:s11+s4] =	stream.linear.scatter [tilespmem:s22], [sflag:$0x1], $0x400, $0x38;
	[tilespmem:$0x18E80] =	vst v63  }
0x73c: {  	s23 =	sadd.s32 $0x28000, s17;
	s24 =	simm.s32 $0xB000  }
0x73d: {  	[hbm4b:s23+s4] =	stream.linear.scatter [tilespmem:s24], [sflag:$0x1], $0x400, $0x38;
	[tilespmem:$0x18E80] =	vst v63  }
0x73e: {  	s25 =	sadd.s32 $0x30000, s17;
	s26 =	simm.s32 $0xB800  }
0x73f: {  	[hbm4b:s25+s4] =	stream.linear.scatter [tilespmem:s26], [sflag:$0x1], $0x400, $0x38;
	[tilespmem:$0x18E80] =	vst v63  }
0x740: {  	s28 =	sadd.s32 $0x38000, s17;
	s29 =	simm.s32 $0xC000  }
0x741: {  	[hbm4b:s28+s4] =	stream.linear.scatter [tilespmem:s29], [sflag:$0x1], $0x400, $0x38;
	[tilespmem:$0x18E80] =	vst v63  }
0x742: {  	s11 =	sadd.s32 $0x40000, s17;
	s22 =	simm.s32 $0xC800  }
0x743: {  	[hbm4b:s11+s4] =	stream.linear.scatter [tilespmem:s22], [sflag:$0x1], $0x400, $0x38;
	[tilespmem:$0x18E80] =	vst v63  }
0x744: {  	s23 =	sadd.s32 $0x48000, s17;
	s24 =	simm.s32 $0xD000  }
0x745: {  	[hbm4b:s23+s4] =	stream.linear.scatter [tilespmem:s24], [sflag:$0x1], $0x400, $0x38;
	[tilespmem:$0x18E80] =	vst v63  }
0x746: {  	s25 =	sadd.s32 $0x50000, s17;
	s26 =	simm.s32 $0xD800  }
0x747: {  	[hbm4b:s25+s4] =	stream.linear.scatter [tilespmem:s26], [sflag:$0x1], $0x400, $0x38;
	[tilespmem:$0x18E80] =	vst v63  }
0x748: {  	s28 =	sadd.s32 $0x58000, s17;
	s29 =	simm.s32 $0xE000  }
0x749: {  	[hbm4b:s28+s4] =	stream.linear.scatter [tilespmem:s29], [sflag:$0x1], $0x400, $0x38;
	[tilespmem:$0x18E80] =	vst v63  }
0x74a: {  	s11 =	sadd.s32 $0x60000, s17;
	s22 =	simm.s32 $0xE800  }
0x74b: {  	[hbm4b:s11+s4] =	stream.linear.scatter [tilespmem:s22], [sflag:$0x1], $0x400, $0x38;
	[tilespmem:$0x18E80] =	vst v63  }
0x74c: {  	p0 =	seq.s32 s18, $0x0;
	s23 =	sadd.s32 $0x68000, s17;
	s24 =	simm.s32 $0xF000  }
0x74d: {  	[hbm4b:s23+s4] =	stream.linear.scatter [tilespmem:s24], [sflag:$0x1], $0x400, $0x38;
	[tilespmem:$0x18E80] =	vst v63  }
.Ltmp31:
0x74e: {  	_ = 	snop;
	(pc) =	sbr.rel @p0 .LBB2_44-.Ltmp31, $4  }
0x74f: {  	s25 =	sadd.s32 $0x70000, s17;
	s26 =	simm.s32 $0xF800  }
0x750: {  	[hbm4b:s25+s4] =	stream.linear.scatter [tilespmem:s26], [sflag:$0x1], $0x400, $0x38;
	[tilespmem:$0x18E80] =	vst v63  }
0x751: {  	s30 =	simm.s32 $0x11000;
	s28 =	sadd.s32 $0x78000, s17;
	s29 =	simm.s32 $0x10000  }
0x752: {  	[hbm4b:s28+s4] =	stream.linear.scatter [tilespmem:s29], [sflag:$0x1], $0x400, $0x38;
	[tilespmem:$0x18E80] =	vst v63  }
.LBB2_41:
0x753: {  	s3 =	simm.s32 $0x0  }
0x754: {  	s9 =	simm.s32 $0x0;
	s3 =	sand.u32 $0x1E00, s3  }
0x755: {  	_ =	swait.ge [sflag:s10], $0x4000;
	s11 =	sand.u32 $0x4, s9;
	s3 =	sshrl.u32 s3, $0x2  }
0x756: {  	[sflag:s10] =	ssyncset.done $0x0;
	s18 =	sshll.u32 s11, $0x4;
	s3 =	sor.u32 $0x8000, s3  }
0x757: {  	[sflag:s10] =	ssyncadd.s32 $0xFFFFC000;
	s18 =	sor.u32 s18, s3  }
0x758: {  	s28 =	sor.u32 $0x2, s11;
	v21 =	vld [tilespmem:s18+$0x0]  }
0x759: {  	s23 =	sor.u32 $0x3, s11;
	s22 =	sshll.u32 s28, $0x4  }
0x75a: {  	s29 =	sor.u32 $0x1, s11;
	s24 =	sshll.u32 s23, $0x4;
	s22 =	sor.u32 s22, s3  }
0x75b: {  	s25 =	sshll.u32 s29, $0x4;
	s24 =	sor.u32 s24, s3;
	v27 =	vld [tilespmem:s22+$0x0]  }
0x75c: {  	s3 =	sor.u32 s25, s3;
	v24 =	vld [tilespmem:s24+$0x0]  }
0x75d: {  	v23 =	vld [tilespmem:s3+$0x0];
	v1 =	vadd.s32 v0, v21  }
0x75e: {  	s11 =	sshll.u32 s11, $0x1  }
0x75f: {  	v2 =	vmov s11  }
0x760: {  	s9 =	sand.u32 $0x78, s9;
	v2 =	vshll.u32 v2, $0xB;
	v25 =	vadd.s32 v0, v27  }
0x761: {  	v22 =	vor.u32 s9, v63;
	s11 =	sshll.u32 s28, $0x1;
	v2 =	vor.u32 v5, v2;
	v29 =	vadd.s32 v0, v24  }
0x762: {  	v20 =	vmov s11;
	s18 =	sshll.u32 s23, $0x1;
	v26 =	vor.u32 v2, v22;
	v31 =	vadd.s32 v0, v23;
	v1 =	vld.idx.msk [tilespmem:v1+s14+$0x0], $0xffff  }
0x763: {  	v20 =	vshll.u32 v20, $0xB;
	v30 =	vmov s18;
	v28 =	vadd.s32 v6, v21  }
0x764: {  	s22 =	sshll.u32 s29, $0x1;
	v32 =	vor.u32 v5, v20;
	v30 =	vshll.u32 v30, $0xB  }
0x765: {  	v20 =	vor.u32 s9, v2;
	v30 =	vor.u32 v5, v30;
	v2 =	vld.idx.msk [tilespmem:v25+s14+$0x0], $0xffff;
	v25 =	vmov s22  }
0x766: {  	v35 =	vor.u32 v30, v22;
	v36 =	vadd.s32 v6, v24;
	v29 =	vld.idx.msk [tilespmem:v29+s14+$0x0], $0xffff;
	v25 =	vshll.u32 v25, $0xB  }
0x767: {  	v31 =	vld.idx.msk [tilespmem:v31+s14+$0x0], $0xffff;
	v25 =	vor.u32 v5, v25;
	[tilespmem:v26+s21+$0x0] =	vst.idx.msk $0xffff, v1;
	v1 =	vor.u32 v32, v22  }
0x768: {  	v37 =	vor.u32 v25, v22;
	v26 =	vld.idx.msk [tilespmem:v28+s14+$0x0], $0xffff;
	v28 =	vadd.s32 v6, v27  }
0x769: {  	v33 =	vor.u32 v7, v20  }
0x76a: {  	v34 =	vadd.s32 v8, v21  }
0x76b: {  	s23 =	simm.s32 $0x100;
	v22 =	vor.u32 s9, v32;
	v32 =	vor.u32 s9, v30;
	[tilespmem:v35+s21+$0x0] =	vst.idx.msk $0xffff, v29  }
0x76c: {  	s3 =	simm.s32 $0x4;
	s11 =	sand.u32 $0x1E00, s23;
	v30 =	vld.idx.msk [tilespmem:v36+s14+$0x0], $0xffff;
	v53 =	vor.u32 v7, v32;
	[tilespmem:v1+s21+$0x0] =	vst.idx.msk $0xffff, v2;
	v1 =	vadd.s32 v6, v23  }
0x76d: {  	s18 =	sand.u32 $0x4, s3;
	s11 =	sshrl.u32 s11, $0x2;
	[tilespmem:v37+s21+$0x0] =	vst.idx.msk $0xffff, v31;
	v31 =	vadd.s32 v8, v24;
	v2 =	vld.idx.msk [tilespmem:v28+s14+$0x0], $0xffff;
	v28 =	vor.u32 v7, v22  }
0x76e: {  	s24 =	sshll.u32 s18, $0x4;
	s11 =	sor.u32 $0x8000, s11;
	[tilespmem:v33+s21+$0x0] =	vst.idx.msk $0xffff, v26  }
0x76f: {  	s25 =	sor.u32 $0x3, s18;
	v39 =	vadd.s32 v8, v27;
	v26 =	vor.u32 s9, v25;
	s9 =	sor.u32 s24, s11;
	v33 =	vld.idx.msk [tilespmem:v34+s14+$0x0], $0xffff  }
0x770: {  	v38 =	vor.u32 v9, v20;
	v41 =	vor.u32 v11, v20;
	s26 =	sshll.u32 s25, $0x4;
	v58 =	vadd.s32 v10, v27;
	s22 =	sor.u32 $0x2, s18;
	v25 =	vld [tilespmem:s9+$0x0]  }
0x771: {  	s23 =	sor.u32 s26, s11;
	v47 =	vadd.s32 v10, v24;
	s26 =	sshll.u32 s22, $0x4;
	[tilespmem:v53+s21+$0x0] =	vst.idx.msk $0xffff, v30;
	v54 =	vor.u32 v7, v26;
	v1 =	vld.idx.msk [tilespmem:v1+s14+$0x0], $0xffff  }
0x772: {  	v59 =	vadd.s32 v10, v23;
	s29 =	sshll.u32 s22, $0x1;
	s22 =	sor.u32 s26, s11;
	v42 =	vld.idx.msk [tilespmem:v31+s14+$0x0], $0xffff;
	[tilespmem:v28+s21+$0x0] =	vst.idx.msk $0xffff, v2;
	v2 =	vadd.s32 v8, v23  }
0x773: {  	v48 =	vadd.s32 v12, v21;
	v51 =	vadd.s32 v14, v21;
	v52 =	vadd.s32 v12, v24;
	v31 =	vld [tilespmem:s22+$0x0]  }
0x774: {  	v29 =	vadd.s32 v10, v21;
	v36 =	vadd.s32 v16, v24;
	v56 =	vor.u32 v9, v22;
	v55 =	vld.idx.msk [tilespmem:v39+s14+$0x0], $0xffff  }
0x775: {  	s28 =	sshll.u32 s18, $0x1;
	s18 =	sor.u32 $0x1, s18;
	v49 =	vor.u32 v11, v22;
	v30 =	vmov s29;
	v34 =	vor.u32 v15, v26;
	v28 =	vld [tilespmem:s23+$0x0]  }
0x776: {  	s29 =	sshll.u32 s18, $0x4;
	s9 =	sshll.u32 s25, $0x1;
	v37 =	vshll.u32 v30, $0xB;
	v43 =	vadd.s32 v0, v25;
	[tilespmem:v54+s21+$0x0] =	vst.idx.msk $0xffff, v1;
	v1 =	vor.u32 v9, v32  }
0x777: {  	v44 =	vor.u32 v9, v26;
	s11 =	sor.u32 s29, s11;
	v57 =	vmov s9;
	v37 =	vor.u32 v5, v37;
	v2 =	vld.idx.msk [tilespmem:v2+s14+$0x0], $0xffff  }
0x778: {  	[tilespmem:v38+s21+$0x0] =	vst.idx.msk $0xffff, v33;
	v39 =	vshll.u32 v57, $0xB;
	v33 =	vld [tilespmem:s11+$0x0];
	v53 =	vadd.s32 v6, v25;
	v50 =	vadd.s32 v0, v31  }
0x779: {  	v57 =	vor.u32 v13, v22;
	v40 =	vld.idx.msk [tilespmem:v29+s14+$0x0], $0xffff;
	v29 =	vmov s28;
	v45 =	vor.u32 v5, v39;
	[tilespmem:v56+s21+$0x0] =	vst.idx.msk $0xffff, v55  }
0x77a: {  	v39 =	vadd.s32 v16, v21;
	v29 =	vshll.u32 v29, $0xB;
	v61 =	vadd.s32 v0, v28;
	v35 =	vld.idx.msk [tilespmem:v58+s14+$0x0], $0xffff  }
0x77b: {  	s28 =	sand.u32 $0x78, s3;
	v46 =	vor.u32 v5, v29;
	[tilespmem:v1+s21+$0x0] =	vst.idx.msk $0xffff, v42;
	v42 =	vld.idx.msk [tilespmem:v43+s14+$0x0], $0xffff;
	v43 =	vadd.s32 v12, v27  }
0x77c: {  	v29 =	vor.u32 s28, v45;
	[tilespmem:v44+s21+$0x0] =	vst.idx.msk $0xffff, v2;
	v2 =	vld.idx.msk [tilespmem:v47+s14+$0x0], $0xffff;
	v44 =	vor.u32 v11, v32;
	v47 =	vor.u32 s28, v63  }
0x77d: {  	s18 =	sshll.u32 s18, $0x1;
	v54 =	vor.u32 v11, v26;
	v30 =	vor.u32 s28, v46;
	v50 =	vld.idx.msk [tilespmem:v50+s14+$0x0], $0xffff;
	v46 =	vor.u32 v46, v47  }
0x77e: {  	v60 =	vmov s18;
	v56 =	vadd.s32 v14, v24;
	v55 =	vadd.s32 v0, v33;
	[tilespmem:v41+s21+$0x0] =	vst.idx.msk $0xffff, v40;
	v38 =	vld.idx.msk [tilespmem:v59+s14+$0x0], $0xffff  }
0x77f: {  	v40 =	vshll.u32 v60, $0xB;
	v41 =	vld.idx.msk [tilespmem:v61+s14+$0x0], $0xffff;
	v61 =	vadd.s32 v12, v23;
	v60 =	vor.u32 v45, v47  }
0x780: {  	v58 =	vadd.s32 v14, v27;
	v48 =	vld.idx.msk [tilespmem:v48+s14+$0x0], $0xffff;
	[tilespmem:v49+s21+$0x0] =	vst.idx.msk $0xffff, v35;
	v49 =	vor.u32 v13, v20  }
0x781: {  	v1 =	vor.u32 v13, v32;
	v59 =	vadd.s32 v6, v28;
	v43 =	vld.idx.msk [tilespmem:v43+s14+$0x0], $0xffff;
	[tilespmem:v44+s21+$0x0] =	vst.idx.msk $0xffff, v2  }
0x782: {  	v45 =	vadd.s32 v8, v25;
	[tilespmem:v46+s21+$0x0] =	vst.idx.msk $0xffff, v42;
	v42 =	vor.u32 v37, v47;
	v44 =	vld.idx.msk [tilespmem:v52+s14+$0x0], $0xffff  }
0x783: {  	v2 =	vadd.s32 v14, v23;
	v52 =	vadd.s32 v6, v31;
	[tilespmem:v54+s21+$0x0] =	vst.idx.msk $0xffff, v38;
	v46 =	vld.idx.msk [tilespmem:v53+s14+$0x0], $0xffff  }
0x784: {  	v54 =	vor.u32 v13, v26;
	[tilespmem:v60+s21+$0x0] =	vst.idx.msk $0xffff, v41;
	v53 =	vor.u32 v7, v30;
	v60 =	vld.idx.msk [tilespmem:v61+s14+$0x0], $0xffff  }
0x785: {  	v38 =	vor.u32 s28, v37;
	v61 =	vld.idx.msk [tilespmem:v55+s14+$0x0], $0xffff;
	v55 =	vor.u32 v5, v40;
	[tilespmem:v49+s21+$0x0] =	vst.idx.msk $0xffff, v48  }
0x786: {  	v37 =	vadd.s32 v16, v28;
	v40 =	vor.u32 v55, v47;
	v47 =	vld.idx.msk [tilespmem:v51+s14+$0x0], $0xffff;
	[tilespmem:v57+s21+$0x0] =	vst.idx.msk $0xffff, v43  }
0x787: {  	v49 =	vor.u32 v15, v20;
	v57 =	vld.idx.msk [tilespmem:v58+s14+$0x0], $0xffff;
	v58 =	vor.u32 v15, v22;
	[tilespmem:v42+s21+$0x0] =	vst.idx.msk $0xffff, v50  }
0x788: {  	v35 =	vor.u32 s28, v55;
	v51 =	vld.idx.msk [tilespmem:v59+s14+$0x0], $0xffff;
	v43 =	vadd.s32 v16, v27;
	[tilespmem:v1+s21+$0x0] =	vst.idx.msk $0xffff, v44  }
0x789: {  	v55 =	vadd.s32 v6, v33;
	v50 =	vld.idx.msk [tilespmem:v52+s14+$0x0], $0xffff;
	[tilespmem:v53+s21+$0x0] =	vst.idx.msk $0xffff, v46;
	v53 =	vor.u32 v7, v38  }
0x78a: {  	v48 =	vor.u32 v9, v30;
	v52 =	vor.u32 v7, v29;
	[tilespmem:v54+s21+$0x0] =	vst.idx.msk $0xffff, v60;
	v44 =	vld.idx.msk [tilespmem:v56+s14+$0x0], $0xffff  }
0x78b: {  	v41 =	vor.u32 v15, v35;
	v54 =	vadd.s32 v8, v31;
	v45 =	vld.idx.msk [tilespmem:v45+s14+$0x0], $0xffff;
	[tilespmem:v40+s21+$0x0] =	vst.idx.msk $0xffff, v61  }
0x78c: {  	s9 =	simm.s32 $0x200;
	v46 =	vor.u32 v15, v32;
	v42 =	vld.idx.msk [tilespmem:v2+s14+$0x0], $0xffff;
	v40 =	vor.u32 v19, v32;
	[tilespmem:v58+s21+$0x0] =	vst.idx.msk $0xffff, v57  }
.LBB2_42:
0x78d: {  	s3 =	sadd.s32 $0x4, s3;
	s11 =	sand.u32 $0x1E00, s9;
	[tilespmem:v49+s21+$0x0] =	vst.idx.msk $0xffff, v47;
	v1 =	vadd.s32 v18, v21;
	v2 =	vld.idx.msk [tilespmem:v43+s14+$0x0], $0xffff;
	v43 =	vor.u32 v17, v32  }
0x78e: {  	v32 =	vadd.s32 v10, v25;
	v49 =	vor.u32 v17, v22;
	s22 =	sand.u32 $0x4, s3;
	s18 =	sshrl.u32 s11, $0x2;
	s11 =	sand.u32 $0x78, s3;
	v47 =	vld.idx.msk [tilespmem:v55+s14+$0x0], $0xffff;
	[tilespmem:v53+s21+$0x0] =	vst.idx.msk $0xffff, v50  }
0x78f: {  	v50 =	vadd.s32 v16, v23;
	s23 =	sor.u32 $0x8000, s18;
	s18 =	sshll.u32 s22, $0x4;
	s24 =	sor.u32 $0x1, s22;
	[tilespmem:v52+s21+$0x0] =	vst.idx.msk $0xffff, v51;
	v39 =	vld.idx.msk [tilespmem:v39+s14+$0x0], $0xffff;
	v51 =	vadd.s32 v18, v24  }
0x790: {  	v27 =	vadd.s32 v18, v27;
	s26 =	sor.u32 $0x2, s22;
	s25 =	sor.u32 s18, s23;
	s18 =	sshll.u32 s24, $0x4;
	[tilespmem:v48+s21+$0x0] =	vst.idx.msk $0xffff, v45;
	v45 =	vld.idx.msk [tilespmem:v54+s14+$0x0], $0xffff;
	v48 =	vor.u32 v17, v20  }
0x791: {  	v21 =	vmov v25;
	v53 =	vadd.s32 v18, v23;
	s29 =	sor.u32 $0x3, s22;
	v52 =	vor.u32 v17, v26;
	s28 =	sshll.u32 s26, $0x4;
	s18 =	sor.u32 s18, s23;
	[tilespmem:v46+s21+$0x0] =	vst.idx.msk $0xffff, v44;
	v25 =	vld [tilespmem:s25+$0x0]  }
0x792: {  	s25 =	sor.u32 s28, s23;
	s28 =	sshll.u32 s29, $0x4;
	s29 =	sshll.u32 s29, $0x1;
	v44 =	vor.u32 v9, v38;
	v46 =	vadd.s32 v8, v28;
	[tilespmem:v34+s21+$0x0] =	vst.idx.msk $0xffff, v42;
	v36 =	vld.idx.msk [tilespmem:v36+s14+$0x0], $0xffff  }
0x793: {  	v55 =	vadd.s32 v8, v33;
	s22 =	sshll.u32 s22, $0x1;
	s26 =	sshll.u32 s26, $0x1;
	v54 =	vor.u32 v7, v35;
	s23 =	sor.u32 s28, s23;
	v23 =	vmov s29;
	v42 =	vld.idx.msk [tilespmem:v32+s14+$0x0], $0xffff;
	[tilespmem:v49+s21+$0x0] =	vst.idx.msk $0xffff, v2  }
0x794: {  	p0 =	slt.u32 s3, $0x7C;
	v24 =	vmovc v28;
	v34 =	vmov s26;
	v2 =	vmov s22;
	s22 =	sshll.u32 s24, $0x1;
	v57 =	vshll.u32 v23, $0xB;
	v32 =	vmovc v29;
	v49 =	vld.idx.msk [tilespmem:v50+s14+$0x0], $0xffff  }
0x795: {  	v2 =	vshll.u32 v2, $0xB;
	v50 =	vshll.u32 v34, $0xB;
	v56 =	vor.u32 v5, v57;
	[tilespmem:v48+s21+$0x0] =	vst.idx.msk $0xffff, v39;
	v48 =	vld.idx.msk [tilespmem:v27+s14+$0x0], $0xffff  }
0x796: {  	v28 =	vmov s22;
	v2 =	vor.u32 v5, v2;
	v29 =	vor.u32 s11, v56;
	v27 =	vmovc v31;
	v23 =	vmovc v33;
	v1 =	vld.idx.msk [tilespmem:v1+s14+$0x0], $0xffff  }
0x797: {  	v58 =	vshll.u32 v28, $0xB;
	v33 =	vor.u32 v19, v22;
	v22 =	vmovc v38;
	v34 =	vmovc v41;
	v57 =	vor.u32 s11, v2;
	v28 =	vld [tilespmem:s23+$0x0]  }
0x798: {  	v38 =	vadd.s32 v10, v27;
	v41 =	vld.idx.msk [tilespmem:v46+s14+$0x0], $0xffff;
	v46 =	vor.u32 v19, v20;
	[tilespmem:v43+s21+$0x0] =	vst.idx.msk $0xffff, v36  }
0x799: {  	v39 =	vadd.s32 v16, v21;
	v36 =	vor.u32 v11, v30;
	v20 =	vmov v30;
	v31 =	vld [tilespmem:s25+$0x0];
	[tilespmem:v54+s21+$0x0] =	vst.idx.msk $0xffff, v47  }
0x79a: {  	v43 =	vadd.s32 v0, v25;
	v54 =	vor.u32 v9, v32;
	v47 =	vld.idx.msk [tilespmem:v55+s14+$0x0], $0xffff;
	[tilespmem:v52+s21+$0x0] =	vst.idx.msk $0xffff, v49  }
0x79b: {  	v49 =	vor.u32 v9, v35;
	[tilespmem:v44+s21+$0x0] =	vst.idx.msk $0xffff, v45;
	v44 =	vadd.s32 v10, v24;
	v45 =	vld.idx.msk [tilespmem:v51+s14+$0x0], $0xffff  }
0x79c: {  	v51 =	vadd.s32 v10, v23;
	v52 =	vld.idx.msk [tilespmem:v53+s14+$0x0], $0xffff;
	v53 =	vor.u32 v19, v26;
	[tilespmem:v33+s21+$0x0] =	vst.idx.msk $0xffff, v48  }
0x79d: {  	v55 =	vor.u32 v13, v32;
	v48 =	vadd.s32 v12, v21;
	v38 =	vld.idx.msk [tilespmem:v38+s14+$0x0], $0xffff;
	[tilespmem:v46+s21+$0x0] =	vst.idx.msk $0xffff, v1  }
0x79e: {  	v30 =	vmov v57;
	v1 =	vadd.s32 v0, v28;
	v33 =	vld [tilespmem:s18+$0x0];
	[tilespmem:v36+s21+$0x0] =	vst.idx.msk $0xffff, v42;
	v36 =	vor.u32 v11, v22  }
0x79f: {  	v46 =	vadd.s32 v12, v27;
	v42 =	vld.idx.msk [tilespmem:v43+s14+$0x0], $0xffff;
	v43 =	vadd.s32 v14, v21;
	[tilespmem:v54+s21+$0x0] =	vst.idx.msk $0xffff, v41  }
0x7a0: {  	v57 =	vadd.s32 v14, v24;
	[tilespmem:v49+s21+$0x0] =	vst.idx.msk $0xffff, v47;
	v41 =	vld.idx.msk [tilespmem:v44+s14+$0x0], $0xffff;
	v44 =	vor.u32 v11, v32  }
0x7a1: {  	v26 =	vmov v35;
	v47 =	vor.u32 s11, v63;
	v49 =	vadd.s32 v0, v31;
	v51 =	vld.idx.msk [tilespmem:v51+s14+$0x0], $0xffff;
	[tilespmem:v40+s21+$0x0] =	vst.idx.msk $0xffff, v45  }
0x7a2: {  	v35 =	vadd.s32 v12, v24;
	v2 =	vor.u32 v2, v47;
	v40 =	vld.idx.msk [tilespmem:v48+s14+$0x0], $0xffff;
	[tilespmem:v53+s21+$0x0] =	vst.idx.msk $0xffff, v52  }
0x7a3: {  	v45 =	vadd.s32 v6, v25;
	v48 =	vor.u32 v11, v26;
	v1 =	vld.idx.msk [tilespmem:v1+s14+$0x0], $0xffff;
	[tilespmem:v36+s21+$0x0] =	vst.idx.msk $0xffff, v38  }
0x7a4: {  	v54 =	vadd.s32 v12, v23;
	v52 =	vor.u32 v56, v47;
	v53 =	vor.u32 v13, v20;
	v46 =	vld.idx.msk [tilespmem:v46+s14+$0x0], $0xffff  }
0x7a5: {  	v59 =	vadd.s32 v14, v23;
	v60 =	vor.u32 v13, v22;
	v56 =	vadd.s32 v0, v33;
	v36 =	vmovc v37  }
0x7a6: {  	v38 =	vor.u32 v5, v50;
	v37 =	vld.idx.msk [tilespmem:v49+s14+$0x0], $0xffff;
	v49 =	vadd.s32 v14, v27;
	[tilespmem:v44+s21+$0x0] =	vst.idx.msk $0xffff, v41  }
0x7a7: {  	[tilespmem:v2+s21+$0x0] =	vst.idx.msk $0xffff, v42;
	v2 =	vor.u32 v38, v47;
	v38 =	vor.u32 s11, v38;
	v42 =	vld.idx.msk [tilespmem:v35+s14+$0x0], $0xffff  }
0x7a8: {  	v44 =	vld.idx.msk [tilespmem:v45+s14+$0x0], $0xffff;
	v45 =	vadd.s32 v6, v31;
	[tilespmem:v48+s21+$0x0] =	vst.idx.msk $0xffff, v51;
	v48 =	vor.u32 v13, v26  }
0x7a9: {  	v51 =	vor.u32 v7, v30;
	[tilespmem:v52+s21+$0x0] =	vst.idx.msk $0xffff, v1;
	v1 =	vadd.s32 v6, v28;
	v54 =	vld.idx.msk [tilespmem:v54+s14+$0x0], $0xffff  }
0x7aa: {  	v35 =	vor.u32 v5, v58;
	v52 =	vadd.s32 v8, v25;
	v56 =	vld.idx.msk [tilespmem:v56+s14+$0x0], $0xffff;
	[tilespmem:v60+s21+$0x0] =	vst.idx.msk $0xffff, v46  }
0x7ab: {  	v46 =	vor.u32 v35, v47;
	v35 =	vor.u32 s11, v35;
	[tilespmem:v53+s21+$0x0] =	vst.idx.msk $0xffff, v40;
	v40 =	vld.idx.msk [tilespmem:v49+s14+$0x0], $0xffff  }
0x7ac: {  	v41 =	vor.u32 v15, v35;
	[tilespmem:v2+s21+$0x0] =	vst.idx.msk $0xffff, v37;
	v47 =	vld.idx.msk [tilespmem:v43+s14+$0x0], $0xffff;
	v2 =	vor.u32 v15, v22  }
.Ltmp32:
0x7ad: {  	v49 =	vor.u32 v15, v20;
	v43 =	vadd.s32 v16, v27;
	v50 =	vld.idx.msk [tilespmem:v45+s14+$0x0], $0xffff;
	[tilespmem:v55+s21+$0x0] =	vst.idx.msk $0xffff, v42;
	(pc) =	sbr.rel @p0 .LBB2_42-.Ltmp32, $4  }
0x7ae: {  	v53 =	vor.u32 v7, v38;
	v55 =	vadd.s32 v6, v33;
	[tilespmem:v51+s21+$0x0] =	vst.idx.msk $0xffff, v44;
	v51 =	vld.idx.msk [tilespmem:v1+s14+$0x0], $0xffff  }
0x7af: {  	v37 =	vadd.s32 v16, v28;
	v45 =	vld.idx.msk [tilespmem:v52+s14+$0x0], $0xffff;
	v52 =	vor.u32 v7, v29;
	[tilespmem:v48+s21+$0x0] =	vst.idx.msk $0xffff, v54  }
0x7b0: {  	v48 =	vor.u32 v9, v30;
	v54 =	vadd.s32 v8, v31;
	[tilespmem:v46+s21+$0x0] =	vst.idx.msk $0xffff, v56;
	v44 =	vld.idx.msk [tilespmem:v57+s14+$0x0], $0xffff  }
0x7b1: {  	s9 =	sadd.s32 $0x100, s9;
	v46 =	vor.u32 v15, v32;
	v42 =	vld.idx.msk [tilespmem:v59+s14+$0x0], $0xffff;
	[tilespmem:v2+s21+$0x0] =	vst.idx.msk $0xffff, v40;
	v40 =	vor.u32 v19, v32  }
0x7b2: {  	_ =	sdelay $0x3  }
0x7b3: {  	v1 =	vld.idx.msk [tilespmem:v55+s14+$0x0], $0xffff;
	v2 =	vadd.s32 v8, v28;
	v61 =	vor.u32 v7, v35  }
0x7b4: {  	v56 =	vadd.s32 v8, v33  }
0x7b5: {  	[tilespmem:v53+s21+$0x0] =	vst.idx.msk $0xffff, v50  }
0x7b6: {  	v53 =	vor.u32 v9, v38;
	v50 =	vld.idx.msk [tilespmem:v54+s14+$0x0], $0xffff  }
0x7b7: {  	[tilespmem:v52+s21+$0x0] =	vst.idx.msk $0xffff, v51;
	v51 =	vadd.s32 v10, v31  }
0x7b8: {  	v52 =	vadd.s32 v10, v25;
	v2 =	vld.idx.msk [tilespmem:v2+s14+$0x0], $0xffff;
	[tilespmem:v61+s21+$0x0] =	vst.idx.msk $0xffff, v1;
	v1 =	vor.u32 v9, v29  }
0x7b9: {  	v55 =	vor.u32 v9, v35;
	v60 =	vadd.s32 v10, v28;
	v54 =	vld.idx.msk [tilespmem:v56+s14+$0x0], $0xffff  }
0x7ba: {  	[tilespmem:v49+s21+$0x0] =	vst.idx.msk $0xffff, v47;
	v61 =	vadd.s32 v10, v33  }
0x7bb: {  	[tilespmem:v53+s21+$0x0] =	vst.idx.msk $0xffff, v50  }
0x7bc: {  	[tilespmem:v48+s21+$0x0] =	vst.idx.msk $0xffff, v45;
	v48 =	vor.u32 v11, v38;
	v45 =	vld.idx.msk [tilespmem:v51+s14+$0x0], $0xffff  }
0x7bd: {  	v49 =	vld.idx.msk [tilespmem:v52+s14+$0x0], $0xffff;
	v50 =	vor.u32 v11, v30;
	[tilespmem:v1+s21+$0x0] =	vst.idx.msk $0xffff, v2;
	v1 =	vadd.s32 v12, v31  }
0x7be: {  	v58 =	vor.u32 v11, v29;
	v2 =	vadd.s32 v12, v25;
	[tilespmem:v55+s21+$0x0] =	vst.idx.msk $0xffff, v54;
	v57 =	vld.idx.msk [tilespmem:v60+s14+$0x0], $0xffff  }
0x7bf: {  	v59 =	vor.u32 v11, v35;
	[tilespmem:v46+s21+$0x0] =	vst.idx.msk $0xffff, v44;
	v46 =	vadd.s32 v12, v28;
	v44 =	vld.idx.msk [tilespmem:v61+s14+$0x0], $0xffff  }
0x7c0: {  	v43 =	vld.idx.msk [tilespmem:v43+s14+$0x0], $0xffff;
	[tilespmem:v34+s21+$0x0] =	vst.idx.msk $0xffff, v42;
	v34 =	vadd.s32 v12, v33;
	v60 =	vor.u32 v17, v22  }
0x7c1: {  	v39 =	vld.idx.msk [tilespmem:v39+s14+$0x0], $0xffff;
	v61 =	vor.u32 v17, v20;
	[tilespmem:v48+s21+$0x0] =	vst.idx.msk $0xffff, v45  }
0x7c2: {  	[tilespmem:v50+s21+$0x0] =	vst.idx.msk $0xffff, v49;
	v45 =	vadd.s32 v16, v23;
	v48 =	vor.u32 v13, v38;
	v1 =	vld.idx.msk [tilespmem:v1+s14+$0x0], $0xffff  }
0x7c3: {  	v56 =	vadd.s32 v14, v31;
	v49 =	vor.u32 v13, v30;
	v2 =	vld.idx.msk [tilespmem:v2+s14+$0x0], $0xffff;
	[tilespmem:v58+s21+$0x0] =	vst.idx.msk $0xffff, v57  }
0x7c4: {  	v57 =	vor.u32 v13, v29;
	v58 =	vadd.s32 v14, v25;
	v46 =	vld.idx.msk [tilespmem:v46+s14+$0x0], $0xffff;
	[tilespmem:v59+s21+$0x0] =	vst.idx.msk $0xffff, v44  }
0x7c5: {  	[tilespmem:v60+s21+$0x0] =	vst.idx.msk $0xffff, v43;
	v60 =	vor.u32 v13, v35;
	v59 =	vadd.s32 v14, v28;
	v34 =	vld.idx.msk [tilespmem:v34+s14+$0x0], $0xffff  }
0x7c6: {  	v32 =	vor.u32 v17, v32;
	v36 =	vld.idx.msk [tilespmem:v36+s14+$0x0], $0xffff;
	[tilespmem:v61+s21+$0x0] =	vst.idx.msk $0xffff, v39;
	v61 =	vadd.s32 v14, v33  }
0x7c7: {  	v24 =	vadd.s32 v18, v24;
	v42 =	vor.u32 v17, v26;
	v45 =	vld.idx.msk [tilespmem:v45+s14+$0x0], $0xffff;
	[tilespmem:v48+s21+$0x0] =	vst.idx.msk $0xffff, v1  }
0x7c8: {  	v53 =	vor.u32 v15, v38;
	v1 =	vadd.s32 v18, v21;
	[tilespmem:v49+s21+$0x0] =	vst.idx.msk $0xffff, v2;
	v2 =	vld.idx.msk [tilespmem:v56+s14+$0x0], $0xffff  }
0x7c9: {  	v55 =	vor.u32 v15, v30;
	v54 =	vld.idx.msk [tilespmem:v58+s14+$0x0], $0xffff;
	v56 =	vadd.s32 v16, v31;
	[tilespmem:v57+s21+$0x0] =	vst.idx.msk $0xffff, v46  }
0x7ca: {  	v57 =	vadd.s32 v16, v25;
	[tilespmem:v60+s21+$0x0] =	vst.idx.msk $0xffff, v34;
	v58 =	vld.idx.msk [tilespmem:v59+s14+$0x0], $0xffff;
	v59 =	vor.u32 v15, v29  }
0x7cb: {  	[tilespmem:v32+s21+$0x0] =	vst.idx.msk $0xffff, v36;
	v60 =	vld.idx.msk [tilespmem:v61+s14+$0x0], $0xffff  }
0x7cc: {  	v24 =	vld.idx.msk [tilespmem:v24+s14+$0x0], $0xffff;
	[tilespmem:v42+s21+$0x0] =	vst.idx.msk $0xffff, v45;
	v45 =	vadd.s32 v16, v33  }
0x7cd: {  	v27 =	vadd.s32 v18, v27;
	v20 =	vor.u32 v19, v20;
	v1 =	vld.idx.msk [tilespmem:v1+s14+$0x0], $0xffff;
	[tilespmem:v53+s21+$0x0] =	vst.idx.msk $0xffff, v2  }
0x7ce: {  	v48 =	vor.u32 v17, v38;
	v2 =	vadd.s32 v18, v23;
	[tilespmem:v55+s21+$0x0] =	vst.idx.msk $0xffff, v54;
	v21 =	vld.idx.msk [tilespmem:v56+s14+$0x0], $0xffff  }
0x7cf: {  	v51 =	vadd.s32 v18, v31;
	v50 =	vor.u32 v17, v30;
	v49 =	vld.idx.msk [tilespmem:v57+s14+$0x0], $0xffff;
	[tilespmem:v59+s21+$0x0] =	vst.idx.msk $0xffff, v58  }
0x7d0: {  	v52 =	vadd.s32 v18, v25;
	v53 =	vor.u32 v17, v29;
	[tilespmem:v41+s21+$0x0] =	vst.idx.msk $0xffff, v60;
	v54 =	vld.idx.msk [tilespmem:v37+s14+$0x0], $0xffff  }
0x7d1: {  	[tilespmem:v40+s21+$0x0] =	vst.idx.msk $0xffff, v24;
	v55 =	vadd.s32 v18, v28;
	v56 =	vor.u32 v17, v35;
	v57 =	vld.idx.msk [tilespmem:v45+s14+$0x0], $0xffff  }
0x7d2: {  	v27 =	vld.idx.msk [tilespmem:v27+s14+$0x0], $0xffff;
	v61 =	vor.u32 v19, v22;
	[tilespmem:v20+s21+$0x0] =	vst.idx.msk $0xffff, v1;
	v1 =	vadd.s32 v18, v33  }
0x7d3: {  	v20 =	vor.u32 v19, v26;
	v2 =	vld.idx.msk [tilespmem:v2+s14+$0x0], $0xffff;
	[tilespmem:v48+s21+$0x0] =	vst.idx.msk $0xffff, v21  }
0x7d4: {  	v58 =	vor.u32 v19, v38;
	[tilespmem:v50+s21+$0x0] =	vst.idx.msk $0xffff, v49;
	v21 =	vld.idx.msk [tilespmem:v51+s14+$0x0], $0xffff  }
0x7d5: {  	v59 =	vor.u32 v19, v30;
	v25 =	vld.idx.msk [tilespmem:v52+s14+$0x0], $0xffff;
	[tilespmem:v53+s21+$0x0] =	vst.idx.msk $0xffff, v54  }
0x7d6: {  	v60 =	vor.u32 v19, v29;
	[tilespmem:v56+s21+$0x0] =	vst.idx.msk $0xffff, v57;
	v22 =	vld.idx.msk [tilespmem:v55+s14+$0x0], $0xffff  }
0x7d7: {  	[tilespmem:v61+s21+$0x0] =	vst.idx.msk $0xffff, v27;
	v61 =	vor.u32 v19, v35;
	v1 =	vld.idx.msk [tilespmem:v1+s14+$0x0], $0xffff  }
0x7d8: {  	[tilespmem:v20+s21+$0x0] =	vst.idx.msk $0xffff, v2  }
0x7d9: {  	[tilespmem:v58+s21+$0x0] =	vst.idx.msk $0xffff, v21  }
0x7da: {  	[tilespmem:v59+s21+$0x0] =	vst.idx.msk $0xffff, v25  }
0x7db: {  	[tilespmem:v60+s21+$0x0] =	vst.idx.msk $0xffff, v22  }
0x7dc: {  	[tilespmem:v61+s21+$0x0] =	vst.idx.msk $0xffff, v1  }
0x7dd: {  	[hbm4b:s17+s4] =	stream.linear.scatter [tilespmem:s21], [sflag:$0x2], $0x400, $0x38;
	[tilespmem:$0x18E80] =	vst v63  }
0x7de: {  	s3 =	sadd.s32 $0x8000, s17  }
0x7df: {  	[hbm4b:s3+s4] =	stream.linear.scatter [tilespmem:s30], [sflag:$0x2], $0x400, $0x38;
	[tilespmem:$0x18E80] =	vst v63  }
0x7e0: {  	s29 =	sadd.s32 $0x10000, s17;
	s9 =	simm.s32 $0x11800  }
0x7e1: {  	[hbm4b:s29+s4] =	stream.linear.scatter [tilespmem:s9], [sflag:$0x2], $0x400, $0x38;
	[tilespmem:$0x18E80] =	vst v63  }
0x7e2: {  	s11 =	simm.s32 $0x12000;
	s9 =	sadd.s32 $0x18000, s17  }
0x7e3: {  	[hbm4b:s9+s4] =	stream.linear.scatter [tilespmem:s11], [sflag:$0x2], $0x400, $0x38;
	[tilespmem:$0x18E80] =	vst v63  }
0x7e4: {  	s18 =	sadd.s32 $0x20000, s17;
	s22 =	simm.s32 $0x12800  }
0x7e5: {  	[hbm4b:s18+s4] =	stream.linear.scatter [tilespmem:s22], [sflag:$0x2], $0x400, $0x38;
	[tilespmem:$0x18E80] =	vst v63  }
0x7e6: {  	s23 =	sadd.s32 $0x28000, s17;
	s24 =	simm.s32 $0x13000  }
0x7e7: {  	[hbm4b:s23+s4] =	stream.linear.scatter [tilespmem:s24], [sflag:$0x2], $0x400, $0x38;
	[tilespmem:$0x18E80] =	vst v63  }
0x7e8: {  	s25 =	sadd.s32 $0x30000, s17;
	s26 =	simm.s32 $0x13800  }
0x7e9: {  	[hbm4b:s25+s4] =	stream.linear.scatter [tilespmem:s26], [sflag:$0x2], $0x400, $0x38;
	[tilespmem:$0x18E80] =	vst v63  }
0x7ea: {  	s28 =	sadd.s32 $0x38000, s17;
	s29 =	simm.s32 $0x14000  }
0x7eb: {  	[hbm4b:s28+s4] =	stream.linear.scatter [tilespmem:s29], [sflag:$0x2], $0x400, $0x38;
	[tilespmem:$0x18E80] =	vst v63  }
0x7ec: {  	s11 =	sadd.s32 $0x40000, s17;
	s18 =	simm.s32 $0x14800  }
0x7ed: {  	[hbm4b:s11+s4] =	stream.linear.scatter [tilespmem:s18], [sflag:$0x2], $0x400, $0x38;
	[tilespmem:$0x18E80] =	vst v63  }
0x7ee: {  	s22 =	sadd.s32 $0x48000, s17  }
0x7ef: {  	[hbm4b:s22+s4] =	stream.linear.scatter [tilespmem:s31], [sflag:$0x2], $0x400, $0x38;
	[tilespmem:$0x18E80] =	vst v63  }
0x7f0: {  	s23 =	sadd.s32 $0x50000, s17  }
0x7f1: {  	[hbm4b:s23+s4] =	stream.linear.scatter [tilespmem:s1], [sflag:$0x2], $0x400, $0x38;
	[tilespmem:$0x18E80] =	vst v63  }
0x7f2: {  	s24 =	sadd.s32 $0x58000, s17  }
0x7f3: {  	[hbm4b:s24+s4] =	stream.linear.scatter [tilespmem:s0], [sflag:$0x2], $0x400, $0x38;
	[tilespmem:$0x18E80] =	vst v63  }
0x7f4: {  	s25 =	sadd.s32 $0x60000, s17  }
0x7f5: {  	[hbm4b:s25+s4] =	stream.linear.scatter [tilespmem:s2], [sflag:$0x2], $0x400, $0x38;
	[tilespmem:$0x18E80] =	vst v63  }
0x7f6: {  	s26 =	sadd.s32 $0x68000, s17  }
0x7f7: {  	[hbm4b:s26+s4] =	stream.linear.scatter [tilespmem:s19], [sflag:$0x2], $0x400, $0x38;
	[tilespmem:$0x18E80] =	vst v63  }
.Ltmp33:
0x7f8: {  	_ = 	snop;
	(pc) =	sbr.rel .LBB2_44-.Ltmp33, $4  }
0x7f9: {  	s28 =	sadd.s32 $0x70000, s17  }
0x7fa: {  	[hbm4b:s28+s4] =	stream.linear.scatter [tilespmem:s6], [sflag:$0x2], $0x400, $0x38;
	[tilespmem:$0x18E80] =	vst v63  }
0x7fb: {  	s29 =	sadd.s32 $0x78000, s17  }
0x7fc: {  	[hbm4b:s29+s4] =	stream.linear.scatter [tilespmem:s8], [sflag:$0x2], $0x400, $0x38;
	[tilespmem:$0x18E80] =	vst v63  }
.LBB2_46:
0x7fd: {  	_ =	sfence.sel $0x180000  }
0x7fe: {  	[bflag:$0x0] =	sbarrier.arrive $0xFFFF  }
0x7ff: {  	_ =	strace $0x90000047  }
0x800: {  	s0 =	stileid.u32;
	[bflag:$0x2] =	sbarrier.arrive $0xFFFF  }
0x801: {  	p0 =	sne.s32 s0, $0x0;
	s0 =	rddreg [dreg:$0x3]  }
0x802: {  	s0 =	sadd.s32 @!p0 $0x100000, s0  }
0x803: {  	[sflag:s0] =	ssyncadd.tile.s32 @!p0 $0x1;
	_ =	shalt  }
.Lfunc_end2:
_tile_overlayer_lowered:
.L_overlay_start_2:
0x804: {  	(tag) =	ssettag $0x2  }
0x805: {  	s0 =	rddreg [dreg:$0x0];
	s2 =	stileid.u32  }
0x806: {  	s1 =	rddreg [dreg:$0x1];
	p0 =	sne.s32 s2, $0x0  }
0x807: {  	s3 =	rddreg [dreg:$0x2];
	[bflag:$0x3] =	sbarrier.arrive $0xFFFF;
	s2 =	simm.s32 @!p0 $0x1C04  }
0x808: {  	[timem:s3], [sflag:s2] =	dma.local @!p0 [hbm:s0], s1  }
0x809: {  	s0 =	simm.s32 @!p0 $0x4  }
0x80a: {  	_ =	swait.ge @!p0 [sflag:s0], s1  }
0x80b: {  	s1 =	ssub.s32 @!p0 $0x0, s1;
	[sflag:s0] =	ssyncset.done @!p0 $0x0  }
0x80c: {  	[sflag:s0] =	ssyncadd.s32 @!p0 s1  }
0x80d: {  	[bflag:$0x3] =	sbarrier.arrive $0xFFFF  }
0x80e: {  	_ =	shalt  }

</sc_bundles>
